<compile_context>
chip_gen: v7x
topology: tpu7x:2x2x1
jax: 0.10.2.dev20260603
libtpu: 0.0.44.dev20260713+nightly
codegen_flags: <defaults>
</compile_context>

<pallas_src>
import dataclasses
import functools

import jax
import jax.numpy as jnp
from jax import lax
from jax.experimental import pallas as pl
from jax.experimental.pallas import tpu as pltpu
from jax.experimental.pallas import tpu_sc as plsc

F32 = jnp.float32
I32 = jnp.int32

_N = 10000
_E = 320000
_D = 128
_NC = 2
_NS = 16
_NW = _NC * _NS
_EPW = _E // _NW
_CH = 80
_NCH = _EPW // _CH
_NG = _CH // 16

_B = 16000
_GRID = _E // _B
_B1 = 512
_GRID1 = _E // _B1

_EPS = 1e-5


def _sc_params():
    cp = pltpu.CompilerParams()
    if "needs_layout_passes" in pltpu.CompilerParams.__dataclass_fields__:
        cp = dataclasses.replace(cp, needs_layout_passes=False)
    return cp


def _invsqrt16(x):
    i = lax.bitcast_convert_type(x, I32)
    i = jnp.int32(0x5F3759DF) - lax.shift_right_logical(i, 1)
    y = lax.bitcast_convert_type(i, F32)
    for _ in range(3):
        y = y * (1.5 - 0.5 * x * y * y)
    return y


def _p0_body(h_ref, wa_ref, wb_ref, bm1_ref, td_ref, ts_ref):
    hh = h_ref[...]
    td_ref[...] = jnp.dot(hh, wa_ref[...], preferred_element_type=F32) + bm1_ref[...]
    ts_ref[...] = jnp.dot(hh, wb_ref[...], preferred_element_type=F32)


def _p0(h, wa, wb, bm1r):
    return pl.pallas_call(
        _p0_body,
        out_shape=[jax.ShapeDtypeStruct((_N, _D), F32),
                   jax.ShapeDtypeStruct((_N, _D), F32)],
    )(h, wa, wb, bm1r)


def _s1(td, ts, dst, src, px, py, pz, wd):
    mesh = plsc.VectorSubcoreMesh(core_axis_name="c", subcore_axis_name="s")

    @functools.partial(
        pl.kernel,
        out_type=jax.ShapeDtypeStruct((_E, _D), F32),
        mesh=mesh,
        compiler_params=_sc_params(),
        scratch_types=[
            pltpu.VMEM((_N,), F32),
            pltpu.VMEM((_N,), F32),
            pltpu.VMEM((_N,), F32),
            pltpu.VMEM((_D,), F32),
            pltpu.VMEM((_EPW,), I32),
            pltpu.VMEM((_EPW,), I32),
            pltpu.VMEM((_CH, _D), F32),
            pltpu.VMEM((_CH, _D), F32),
            pltpu.VMEM((_CH, _D), F32),
            pltpu.VMEM((_CH, _D), F32),
            pltpu.VMEM((_CH, _D), F32),
            pltpu.VMEM((_CH, _D), F32),
            pltpu.VMEM((_CH + 16,), F32),
            pltpu.SemaphoreType.DMA,
            pltpu.SemaphoreType.DMA,
            pltpu.SemaphoreType.DMA,
            pltpu.SemaphoreType.DMA,
        ],
    )
    def s1(td_hbm, ts_hbm, dst_hbm, src_hbm, px_hbm, py_hbm, pz_hbm, wd_hbm,
           zp_hbm, pxb, pyb, pzb, wdb, idxd, idxs,
           bufd0, bufd1, bufs0, bufs1, zbuf0, zbuf1, dbufv,
           gd0, gd1, gs0, gs1):
        wid = lax.axis_index("s") * _NC + lax.axis_index("c")
        base = wid * _EPW
        pltpu.sync_copy(px_hbm, pxb)
        pltpu.sync_copy(py_hbm, pyb)
        pltpu.sync_copy(pz_hbm, pzb)
        pltpu.sync_copy(wd_hbm, wdb)
        pltpu.sync_copy(dst_hbm.at[pl.ds(base, _EPW)], idxd)
        pltpu.sync_copy(src_hbm.at[pl.ds(base, _EPW)], idxs)

        bufd = (bufd0, bufd1)
        bufs = (bufs0, bufs1)
        zbuf = (zbuf0, zbuf1)
        gd = (gd0, gd1)
        gs = (gs0, gs1)
        wdv = [wdb[pl.ds(k * 16, 16)] for k in range(_D // 16)]

        def start(ci, p):
            o = ci * _CH
            pltpu.async_copy(td_hbm.at[idxd.at[pl.ds(o, _CH)]], bufd[p], gd[p])
            pltpu.async_copy(ts_hbm.at[idxs.at[pl.ds(o, _CH)]], bufs[p], gs[p])

        def wait(p):
            pltpu.make_async_copy(td_hbm.at[idxd.at[pl.ds(0, _CH)]],
                                  bufd[p], gd[p]).wait()
            pltpu.make_async_copy(ts_hbm.at[idxs.at[pl.ds(0, _CH)]],
                                  bufs[p], gs[p]).wait()

        def compute(ci, p):
            bd = bufd[p]
            bs = bufs[p]
            zb = zbuf[p]
            for g in range(_NG):
                sl16 = pl.ds(ci * _CH + g * 16, 16)
                id16 = idxd[sl16]
                is16 = idxs[sl16]
                dx = plsc.load_gather(pxb, [is16]) - plsc.load_gather(pxb, [id16])
                dy = plsc.load_gather(pyb, [is16]) - plsc.load_gather(pyb, [id16])
                dz = plsc.load_gather(pzb, [is16]) - plsc.load_gather(pzb, [id16])
                d2 = dx * dx + dy * dy + dz * dz + 1e-12
                dbufv[pl.ds(g * 16, 16)] = d2 * _invsqrt16(d2)

            @pl.loop(0, _CH)
            def _(e):
                d = dbufv[pl.ds(e, 16)][0]
                for k in range(_D // 16):
                    sl = pl.ds(k * 16, 16)
                    zb[e, sl] = bd[e, sl] + bs[e, sl] + d * wdv[k]

            pltpu.sync_copy(zb, zp_hbm.at[pl.ds(base + ci * _CH, _CH)])

        start(0, 0)

        @pl.loop(0, _NCH, step=2)
        def _(c):
            @pl.when(c + 1 < _NCH)
            def _():
                start(c + 1, 1)

            wait(0)
            compute(c, 0)

            @pl.when(c + 2 < _NCH)
            def _():
                start(c + 2, 0)

            @pl.when(c + 1 < _NCH)
            def _():
                wait(1)
                compute(c + 1, 1)

    return s1(td, ts, dst, src, px, py, pz, wd)


def _p2_body(zp_ref, st_ref):
    z1 = zp_ref[...]
    st = jnp.concatenate([jnp.sum(z1, axis=0, keepdims=True),
                          jnp.sum(z1 * z1, axis=0, keepdims=True)], axis=0)

    @pl.when(pl.program_id(0) == 0)
    def _():
        st_ref[...] = jnp.zeros_like(st_ref)

    st_ref[...] += st


def _p2(zp):
    return pl.pallas_call(
        _p2_body,
        grid=(_GRID,),
        in_specs=[pl.BlockSpec((_B, _D), lambda i: (i, 0))],
        out_specs=pl.BlockSpec((2, _D), lambda i: (0, 0)),
        out_shape=jax.ShapeDtypeStruct((2, _D), F32),
    )(zp)


def _bn_coef(st_ref, g_ref, b_ref):
    s = st_ref[0:1, :]
    sq = st_ref[1:2, :]
    m = s * (1.0 / _E)
    v = sq * (1.0 / _E) - m * m
    a = g_ref[...] * lax.rsqrt(v + _EPS)
    c = b_ref[...] - m * a
    return a, c


def _p3_body(zp_ref, st1_ref, g_ref, b_ref, w2_ref, b2_ref, z2_ref, st2_ref):
    a, c = _bn_coef(st1_ref, g_ref, b_ref)
    a1 = jnp.maximum(a * zp_ref[...] + c, 0.0)
    z2 = jnp.dot(a1.astype(jnp.bfloat16), w2_ref[...].astype(jnp.bfloat16),
                 preferred_element_type=F32) + b2_ref[...]
    z2_ref[...] = z2
    st = jnp.concatenate([jnp.sum(z2, axis=0, keepdims=True),
                          jnp.sum(z2 * z2, axis=0, keepdims=True)], axis=0)

    @pl.when(pl.program_id(0) == 0)
    def _():
        st2_ref[...] = jnp.zeros_like(st2_ref)

    st2_ref[...] += st


def _p3(zp, st1, gm1r, bbm1r, wm2, bm2r):
    return pl.pallas_call(
        _p3_body,
        grid=(_GRID,),
        in_specs=[pl.BlockSpec((_B, _D), lambda i: (i, 0)),
                  pl.BlockSpec((2, _D), lambda i: (0, 0)),
                  pl.BlockSpec((1, _D), lambda i: (0, 0)),
                  pl.BlockSpec((1, _D), lambda i: (0, 0)),
                  pl.BlockSpec((_D, _D), lambda i: (0, 0)),
                  pl.BlockSpec((1, _D), lambda i: (0, 0))],
        out_specs=[pl.BlockSpec((_B, _D), lambda i: (i, 0)),
                   pl.BlockSpec((2, _D), lambda i: (0, 0))],
        out_shape=[jax.ShapeDtypeStruct((_E, _D), F32),
                   jax.ShapeDtypeStruct((2, _D), F32)],
    )(zp, st1, gm1r, bbm1r, wm2, bm2r)


def _p4_body(z2_ref, st2_ref, g_ref, b_ref, wp1_ref, bp1_ref,
             msg_ref, st3_ref):
    a, c = _bn_coef(st2_ref, g_ref, b_ref)
    msg = jnp.maximum(a * z2_ref[...] + c, 0.0)
    msg_ref[...] = msg
    z3 = jnp.dot(msg.astype(jnp.bfloat16), wp1_ref[...].astype(jnp.bfloat16),
                 preferred_element_type=F32) + bp1_ref[...]
    st = jnp.concatenate([jnp.sum(z3, axis=0, keepdims=True),
                          jnp.sum(z3 * z3, axis=0, keepdims=True)], axis=0)

    @pl.when(pl.program_id(0) == 0)
    def _():
        st3_ref[...] = jnp.zeros_like(st3_ref)

    st3_ref[...] += st


def _p4(z2, st2, gm2r, bbm2r, wp1, bp1r):
    return pl.pallas_call(
        _p4_body,
        grid=(_GRID,),
        in_specs=[pl.BlockSpec((_B, _D), lambda i: (i, 0)),
                  pl.BlockSpec((2, _D), lambda i: (0, 0)),
                  pl.BlockSpec((1, _D), lambda i: (0, 0)),
                  pl.BlockSpec((1, _D), lambda i: (0, 0)),
                  pl.BlockSpec((_D, _D), lambda i: (0, 0)),
                  pl.BlockSpec((1, _D), lambda i: (0, 0))],
        out_specs=[pl.BlockSpec((_B, _D), lambda i: (i, 0)),
                   pl.BlockSpec((2, _D), lambda i: (0, 0))],
        out_shape=[jax.ShapeDtypeStruct((_E, _D), F32),
                   jax.ShapeDtypeStruct((2, _D), F32)],
    )(z2, st2, gm2r, bbm2r, wp1, bp1r)


def _p5_body(msg_ref, st3_ref, g_ref, b_ref, wp1_ref, bp1_ref, wp2t_ref,
             bp2_ref, z4_ref, st4_ref):
    a, c = _bn_coef(st3_ref, g_ref, b_ref)
    msg = msg_ref[...]
    z3 = jnp.dot(msg.astype(jnp.bfloat16), wp1_ref[...].astype(jnp.bfloat16),
                 preferred_element_type=F32) + bp1_ref[...]
    a3 = jnp.maximum(a * z3 + c, 0.0)
    z4row = lax.dot_general(wp2t_ref[...], a3, (((1,), (1,)), ((), ())),
                            preferred_element_type=F32) + bp2_ref[0, 0]
    z4_ref[...] = z4row[None]
    st = jnp.concatenate([jnp.sum(z4row, axis=1, keepdims=True),
                          jnp.sum(z4row * z4row, axis=1, keepdims=True)], axis=0)

    @pl.when(pl.program_id(0) == 0)
    def _():
        st4_ref[...] = jnp.zeros_like(st4_ref)

    st4_ref[...] += st


def _p5(msg, st3, gp1r, bbp1r, wp1, bp1r, wp2t, bp2r):
    return pl.pallas_call(
        _p5_body,
        grid=(_GRID,),
        in_specs=[pl.BlockSpec((_B, _D), lambda i: (i, 0)),
                  pl.BlockSpec((2, _D), lambda i: (0, 0)),
                  pl.BlockSpec((1, _D), lambda i: (0, 0)),
                  pl.BlockSpec((1, _D), lambda i: (0, 0)),
                  pl.BlockSpec((_D, _D), lambda i: (0, 0)),
                  pl.BlockSpec((1, _D), lambda i: (0, 0)),
                  pl.BlockSpec((1, _D), lambda i: (0, 0)),
                  pl.BlockSpec((1, 1), lambda i: (0, 0))],
        out_specs=[pl.BlockSpec((1, 1, _B), lambda i: (i, 0, 0)),
                   pl.BlockSpec((2, 1), lambda i: (0, 0))],
        out_shape=[jax.ShapeDtypeStruct((_GRID, 1, _B), F32),
                   jax.ShapeDtypeStruct((2, 1), F32)],
    )(msg, st3, gp1r, bbp1r, wp1, bp1r, wp2t, bp2r)


def _p5c_body(z4_ref, st4_ref, g_ref, b_ref, s_ref):
    m = st4_ref[0, 0] * (1.0 / _E)
    v = st4_ref[1, 0] * (1.0 / _E) - m * m
    a = g_ref[0, 0] * lax.rsqrt(v + _EPS)
    c = b_ref[0, 0] - m * a
    s_ref[...] = jnp.maximum(a * z4_ref[...] + c, 0.0)


def _p5c(z4, st4, gp2r, bbp2r):
    return pl.pallas_call(
        _p5c_body,
        grid=(_GRID,),
        in_specs=[pl.BlockSpec((1, 1, _B), lambda i: (i, 0, 0)),
                  pl.BlockSpec((2, 1), lambda i: (0, 0)),
                  pl.BlockSpec((1, 1), lambda i: (0, 0)),
                  pl.BlockSpec((1, 1), lambda i: (0, 0))],
        out_specs=pl.BlockSpec((1, 1, _B), lambda i: (i, 0, 0)),
        out_shape=jax.ShapeDtypeStruct((_GRID, 1, _B), F32),
    )(z4, st4, gp2r, bbp2r)


_CHS = 40
_NCHS = _EPW // _CHS


def _s2(msg, dst, z128):
    mesh = plsc.VectorSubcoreMesh(core_axis_name="c", subcore_axis_name="s")
    rows = (_N // _NS) // 8 * 8

    @functools.partial(
        pl.kernel,
        out_type=jax.ShapeDtypeStruct((_NC * _N, _D), F32),
        mesh=mesh,
        compiler_params=_sc_params(),
        scratch_types=[
            pltpu.VMEM((_CHS,), I32),
            pltpu.VMEM((_CHS,), I32),
            pltpu.VMEM((_CHS, _D), F32),
            pltpu.VMEM((_CHS, _D), F32),
            pltpu.VMEM_SHARED((_N, _D), F32),
            pltpu.SemaphoreType.DMA,
            pltpu.SemaphoreType.DMA,
            pltpu.SemaphoreType.DMA,
            pltpu.SemaphoreType.DMA,
        ],
    )
    def s2(msg_hbm, dst_hbm, z128_hbm, hag_hbm,
           idxv0, idxv1, mbuf0, mbuf1, hacc, m0, m1, i0, i1):
        cid = lax.axis_index("c")
        sid = lax.axis_index("s")
        wid = sid * _NC + cid
        base = wid * _EPW

        @pl.when(sid == 0)
        def _():
            pltpu.sync_copy(z128_hbm, hacc)

        plsc.subcore_barrier()

        mbuf = (mbuf0, mbuf1)
        idxv = (idxv0, idxv1)
        ms = (m0, m1)
        isem = (i0, i1)

        def start(ci, p):
            o = base + ci * _CHS
            pltpu.async_copy(dst_hbm.at[pl.ds(o, _CHS)], idxv[p], isem[p])
            pltpu.async_copy(msg_hbm.at[pl.ds(o, _CHS)], mbuf[p], ms[p])

        def do(p):
            pltpu.make_async_copy(dst_hbm.at[pl.ds(0, _CHS)],
                                  idxv[p], isem[p]).wait()
            pltpu.make_async_copy(msg_hbm.at[pl.ds(0, _CHS)],
                                  mbuf[p], ms[p]).wait()
            pltpu.sync_copy(mbuf[p], hacc.at[idxv[p]], add=True)

        start(0, 0)

        @pl.loop(0, _NCHS, step=2)
        def _(c):
            @pl.when(c + 1 < _NCHS)
            def _():
                start(c + 1, 1)

            do(0)

            @pl.when(c + 2 < _NCHS)
            def _():
                start(c + 2, 0)

            @pl.when(c + 1 < _NCHS)
            def _():
                do(1)

        plsc.subcore_barrier()
        r0 = sid * rows
        pltpu.sync_copy(hacc.at[pl.ds(r0, rows)],
                        hag_hbm.at[pl.ds(cid * _N + r0, rows)])

        @pl.when(sid == 0)
        def _():
            t0 = _NS * rows
            tn = _N - _NS * rows
            pltpu.sync_copy(hacc.at[pl.ds(t0, tn)],
                            hag_hbm.at[pl.ds(cid * _N + t0, tn)])

    return s2(msg, dst, z128)


def _s2b(s, dst, src, px, py, pz, z128):
    mesh = plsc.VectorSubcoreMesh(core_axis_name="c", subcore_axis_name="s")
    rows = (_N // _NS) // 8 * 8

    @functools.partial(
        pl.kernel,
        out_type=jax.ShapeDtypeStruct((_NC * _N, _D), F32),
        mesh=mesh,
        compiler_params=_sc_params(),
        scratch_types=[
            pltpu.VMEM((_N,), F32),
            pltpu.VMEM((_N,), F32),
            pltpu.VMEM((_N,), F32),
            pltpu.VMEM((_CH,), I32),
            pltpu.VMEM((_CH,), I32),
            pltpu.VMEM((_CH,), I32),
            pltpu.VMEM((_CH,), I32),
            pltpu.VMEM((_CH,), F32),
            pltpu.VMEM((_CH,), F32),
            pltpu.VMEM((_CH, _D), F32),
            pltpu.VMEM_SHARED((_N, _D), F32),
            pltpu.SemaphoreType.DMA,
            pltpu.SemaphoreType.DMA,
            pltpu.SemaphoreType.DMA,
            pltpu.SemaphoreType.DMA,
            pltpu.SemaphoreType.DMA,
            pltpu.SemaphoreType.DMA,
        ],
    )
    def s2b(s_hbm, dst_hbm, src_hbm, px_hbm, py_hbm, pz_hbm, z128_hbm, dag_hbm,
            pxb, pyb, pzb, idxd0, idxd1, idxs0, idxs1, sbuf0, sbuf1, dsbuf,
            dacc, d0, d1, s0, s1, q0, q1):
        cid = lax.axis_index("c")
        sid = lax.axis_index("s")
        wid = sid * _NC + cid
        base = wid * _EPW
        pltpu.sync_copy(px_hbm, pxb)
        pltpu.sync_copy(py_hbm, pyb)
        pltpu.sync_copy(pz_hbm, pzb)

        lane = lax.iota(I32, 16)
        pat = jnp.where(lane == 3, 1.0, 0.0).astype(F32)
        zv = jnp.zeros((16,), F32)

        @pl.loop(0, _CH)
        def _(rr):
            dsbuf[rr, pl.ds(0, 16)] = pat
            for k in range(1, _D // 16):
                dsbuf[rr, pl.ds(k * 16, 16)] = zv

        @pl.when(sid == 0)
        def _():
            pltpu.sync_copy(z128_hbm, dacc)

        plsc.subcore_barrier()

        idxd = (idxd0, idxd1)
        idxs = (idxs0, idxs1)
        sbuf = (sbuf0, sbuf1)
        dsem = (d0, d1)
        ssem = (s0, s1)
        qsem = (q0, q1)

        def start(ci, p):
            o = base + ci * _CH
            pltpu.async_copy(dst_hbm.at[pl.ds(o, _CH)], idxd[p], dsem[p])
            pltpu.async_copy(src_hbm.at[pl.ds(o, _CH)], idxs[p], ssem[p])
            pltpu.async_copy(s_hbm.at[pl.ds(o, _CH)], sbuf[p], qsem[p])

        def do(p):
            pltpu.make_async_copy(dst_hbm.at[pl.ds(0, _CH)],
                                  idxd[p], dsem[p]).wait()
            pltpu.make_async_copy(src_hbm.at[pl.ds(0, _CH)],
                                  idxs[p], ssem[p]).wait()
            pltpu.make_async_copy(s_hbm.at[pl.ds(0, _CH)],
                                  sbuf[p], qsem[p]).wait()
            for g in range(_NG):
                sl = pl.ds(g * 16, 16)
                id16 = idxd[p][sl]
                is16 = idxs[p][sl]
                s16 = sbuf[p][sl]
                dxs = (plsc.load_gather(pxb, [is16])
                       - plsc.load_gather(pxb, [id16])) * s16
                dys = (plsc.load_gather(pyb, [is16])
                       - plsc.load_gather(pyb, [id16])) * s16
                dzs = (plsc.load_gather(pzb, [is16])
                       - plsc.load_gather(pzb, [id16])) * s16
                rows16 = lane + (g * 16)
                plsc.store_scatter(dsbuf, [rows16, jnp.full((16,), 0, I32)], dxs)
                plsc.store_scatter(dsbuf, [rows16, jnp.full((16,), 1, I32)], dys)
                plsc.store_scatter(dsbuf, [rows16, jnp.full((16,), 2, I32)], dzs)

            pltpu.sync_copy(dsbuf, dacc.at[idxd[p]], add=True)

        start(0, 0)

        @pl.loop(0, _NCH, step=2)
        def _(c):
            @pl.when(c + 1 < _NCH)
            def _():
                start(c + 1, 1)

            do(0)

            @pl.when(c + 2 < _NCH)
            def _():
                start(c + 2, 0)

            @pl.when(c + 1 < _NCH)
            def _():
                do(1)

        plsc.subcore_barrier()
        r0 = sid * rows
        pltpu.sync_copy(dacc.at[pl.ds(r0, rows)],
                        dag_hbm.at[pl.ds(cid * _N + r0, rows)])

        @pl.when(sid == 0)
        def _():
            t0 = _NS * rows
            tn = _N - _NS * rows
            pltpu.sync_copy(dacc.at[pl.ds(t0, tn)],
                            dag_hbm.at[pl.ds(cid * _N + t0, tn)])

    return s2b(s, dst, src, px, py, pz, z128)


def _p6a_body(h_ref, hag_ref, wua_ref, wub_ref, bu_ref, g_ref, b_ref, out_ref):
    hh = h_ref[...]
    hs = hag_ref[0:_N, :] + hag_ref[_N:2 * _N, :]
    zu = (jnp.dot(hh, wua_ref[...], preferred_element_type=F32)
          + jnp.dot(hs, wub_ref[...], preferred_element_type=F32)
          + bu_ref[...])
    m = jnp.mean(zu, axis=0, keepdims=True)
    v = jnp.mean(zu * zu, axis=0, keepdims=True) - m * m
    a = g_ref[...] * lax.rsqrt(v + _EPS)
    c = b_ref[...] - m * a
    out_ref[...] = hh + jnp.maximum(a * zu + c, 0.0)


def _p6a(h, hag, wua, wub, bu1r, gu1r, bbu1r):
    return pl.pallas_call(
        _p6a_body,
        out_shape=jax.ShapeDtypeStruct((_N, _D), F32),
    )(h, hag, wua, wub, bu1r, gu1r, bbu1r)


def _p6b_body(p16_ref, dag_ref, out_ref):
    dsum = dag_ref[0:_N, 0:16] + dag_ref[_N:2 * _N, 0:16]
    cnt = dsum[:, 3:4]
    inv = 1.0 / jnp.maximum(cnt, 1.0)
    lane = lax.broadcasted_iota(I32, (_N, 16), 1)
    xa = dsum * inv * jnp.where(lane < 3, 1.0, 0.0).astype(F32)
    out_ref[...] = p16_ref[...] + xa


def _p6b(pos16, dag):
    return pl.pallas_call(
        _p6b_body,
        out_shape=jax.ShapeDtypeStruct((_N, 16), F32),
    )(pos16, dag)


def kernel(h, pos, edge_index, h_init,
           Wm1, bm1, gm1, bbm1, Wm2, bm2, gm2, bbm2,
           Wu1, bu1, gu1, bbu1,
           Wp1, bp1, gp1, bbp1, Wp2, bp2, gp2, bbp2):
    src = edge_index[0]
    dst = edge_index[1]
    px = pos[:, 0]
    py = pos[:, 1]
    pz = pos[:, 2]
    pos16 = jnp.concatenate([pos, jnp.zeros((_N, 13), F32)], axis=1)

    wa = Wm1[:_D]
    wb = Wm1[_D:2 * _D]
    wd = Wm1[2 * _D]
    wp2t = Wp2.reshape(1, _D)
    r = lambda x: x.reshape(1, -1)
    r11 = lambda x: x.reshape(1, 1)

    td, ts = _p0(h, wa, wb, r(bm1))
    zp = _s1(td, ts, dst, src, px, py, pz, wd)
    st1 = _p2(zp)
    z2, st2 = _p3(zp, st1, r(gm1), r(bbm1), Wm2, r(bm2))
    msg, st3 = _p4(z2, st2, r(gm2), r(bbm2), Wp1, r(bp1))
    z4, st4 = _p5(msg, st3, r(gp1), r(bbp1), Wp1, r(bp1), wp2t, r11(bp2))
    s = _p5c(z4, st4, r11(gp2), r11(bbp2)).reshape(_E)

    z128 = jnp.zeros((_N, _D), F32)
    hag = _s2(msg, dst, z128)
    dag = _s2b(s, dst, src, px, py, pz, z128)

    out_h = _p6a(h, hag, Wu1[:_D], Wu1[_D:], r(bu1), r(gu1), r(bbu1))
    outp16 = _p6b(pos16, dag)
    return out_h, outp16[:, :3]

# --- scband reference (transcript-rebuilt; emitter-appended) ---
"""Pipeline reference for scband-spatial-nca-29566554865725 (READ-ONLY COPY).

The authoritative reference and input builder live on the scoring server;
editing this copy changes nothing except your own understanding.
"""

import jax, jax.numpy as jnp
import numpy as np


def _bn(x, g, b, eps=1e-5):
    m = jnp.mean(x, axis=0)
    v = jnp.var(x, axis=0)
    return (x - m) * jax.lax.rsqrt(v + eps) * g + b


def setup_inputs(seed: int = 0) -> dict:
    key = jax.random.key(seed)
    ks = jax.random.split(key, 16)
    N, E, D, H = 10000, 320000, 128, 128
    h = jax.random.normal(ks[0], (N, D), jnp.float32)
    pos = jax.random.uniform(ks[1], (N, 3), dtype=jnp.float32)
    edge_index = jax.random.randint(ks[2], (2, E), 0, N, dtype=jnp.int32)
    h_init = jax.random.normal(ks[3], (N, D), jnp.float32)

    def lin(k, i, o):
        return jax.random.normal(k, (i, o), jnp.float32) * (1.0 / np.sqrt(i))

    # mlp_msg: (2D+1) -> H -> D, 2 layers, batch_norm + relu after each (plain_last=False)
    Wm1 = lin(ks[4], 2 * D + 1, H); bm1 = jnp.zeros((H,), jnp.float32)
    gm1 = jnp.ones((H,), jnp.float32); bbm1 = jnp.zeros((H,), jnp.float32)
    Wm2 = lin(ks[5], H, D); bm2 = jnp.zeros((D,), jnp.float32)
    gm2 = jnp.ones((D,), jnp.float32); bbm2 = jnp.zeros((D,), jnp.float32)
    # mlp_upd: (2D) -> D, 1 layer, batch_norm + relu
    Wu1 = lin(ks[6], 2 * D, D); bu1 = jnp.zeros((D,), jnp.float32)
    gu1 = jnp.ones((D,), jnp.float32); bbu1 = jnp.zeros((D,), jnp.float32)
    # mlp_pos: D -> H -> 1, 2 layers, batch_norm + relu after each
    Wp1 = lin(ks[7], D, H); bp1 = jnp.zeros((H,), jnp.float32)
    gp1 = jnp.ones((H,), jnp.float32); bbp1 = jnp.zeros((H,), jnp.float32)
    Wp2 = lin(ks[8], H, 1); bp2 = jnp.zeros((1,), jnp.float32)
    gp2 = jnp.ones((1,), jnp.float32); bbp2 = jnp.zeros((1,), jnp.float32)
    return dict(h=h, pos=pos, edge_index=edge_index, h_init=h_init,
                Wm1=Wm1, bm1=bm1, gm1=gm1, bbm1=bbm1,
                Wm2=Wm2, bm2=bm2, gm2=gm2, bbm2=bbm2,
                Wu1=Wu1, bu1=bu1, gu1=gu1, bbu1=bbu1,
                Wp1=Wp1, bp1=bp1, gp1=gp1, bbp1=bbp1,
                Wp2=Wp2, bp2=bp2, gp2=gp2, bbp2=bbp2)


def reference(h, pos, edge_index, h_init,
              Wm1, bm1, gm1, bbm1, Wm2, bm2, gm2, bbm2,
              Wu1, bu1, gu1, bbu1,
              Wp1, bp1, gp1, bbp1, Wp2, bp2, gp2, bbp2):
    # SpatialNCA.forward with reinit=False: one MPNNLayer step + residual
    src = edge_index[0]
    dst = edge_index[1]
    N = h.shape[0]
    # message
    h_i = jnp.take(h, dst, axis=0)
    h_j = jnp.take(h, src, axis=0)
    x_i = jnp.take(pos, dst, axis=0)
    x_j = jnp.take(pos, src, axis=0)
    diff = x_j - x_i
    dist = jnp.sqrt(jnp.sum(diff * diff, axis=-1, keepdims=True) + 1e-12)
    msg = jnp.concatenate([h_i, h_j, dist], axis=-1)
    msg = jax.nn.relu(_bn(msg @ Wm1 + bm1, gm1, bbm1))
    msg = jax.nn.relu(_bn(msg @ Wm2 + bm2, gm2, bbm2))
    s = jax.nn.relu(_bn(msg @ Wp1 + bp1, gp1, bbp1))
    s = jax.nn.relu(_bn(s @ Wp2 + bp2, gp2, bbp2))
    diff_scaled = diff * s
    # aggregate: sum for node messages, mean for position messages
    h_aggr = jax.ops.segment_sum(msg, dst, num_segments=N)
    cnt = jax.ops.segment_sum(jnp.ones((dst.shape[0], 1), h.dtype), dst, num_segments=N)
    x_aggr = jax.ops.segment_sum(diff_scaled, dst, num_segments=N) / jnp.maximum(cnt, 1.0)
    # update
    hu = jnp.concatenate([h, h_aggr], axis=-1)
    h_update = jax.nn.relu(_bn(hu @ Wu1 + bu1, gu1, bbu1))
    return (h + h_update, pos + x_aggr)

if __name__ == "__main__":
    import jax
    _d = setup_inputs()
    print(jax.jit(kernel)(*tuple(_d.values())))

</pallas_src>

<mosaic_0001>
#map = affine_map<(d0, d1) -> (0, 0)>
#map1 = affine_map<(d0, d1) -> (0)>
module attributes {stable_mosaic.version = 14 : i64} {
  func.func @s2(%arg0: i32, %arg1: i32, %arg2: memref<320000x128xf32, #tpu.memory_space<hbm>>, %arg3: memref<320000xi32, #tpu.memory_space<hbm>>, %arg4: memref<10000x128xf32, #tpu.memory_space<hbm>>, %arg5: memref<20000x128xf32, #tpu.memory_space<hbm>>, %arg6: memref<40xi32, #tpu.memory_space<vmem>>, %arg7: memref<40xi32, #tpu.memory_space<vmem>>, %arg8: memref<40x128xf32, #tpu.memory_space<vmem>>, %arg9: memref<40x128xf32, #tpu.memory_space<vmem>>, %arg10: memref<10000x128xf32, #tpu.memory_space<vmem_shared>>, %arg11: memref<!tpu.dma_semaphore, #tpu.memory_space<semaphore_mem>>, %arg12: memref<!tpu.dma_semaphore, #tpu.memory_space<semaphore_mem>>, %arg13: memref<!tpu.dma_semaphore, #tpu.memory_space<semaphore_mem>>, %arg14: memref<!tpu.dma_semaphore, #tpu.memory_space<semaphore_mem>>) attributes {dimension_semantics = [#tpu.dimension_semantics<core_parallel>, #tpu.dimension_semantics<subcore_parallel>], iteration_bounds = array<i64: 2, 16>, scalar_prefetch = 0 : i64, scratch_operands = 9 : i64, tpu.core_type = #tpu.core_type<sc_vector_subcore>, window_params = [{transform_indices = #map}, {transform_indices = #map1}, {transform_indices = #map}, {transform_indices = #map}]} {
    %mul3A = arith.constant 2 : i32
    %mul3A_0 = arith.muli %arg1, %mul3A : i32
    %add3A = arith.addi %mul3A_0, %arg0 : i32
    %mul3A_1 = arith.constant 10000 : i32
    %mul3A_2 = arith.muli %add3A, %mul3A_1 : i32
    %eq3A = arith.constant 0 : i32
    %eq3A_3 = arith.cmpi eq, %arg1, %eq3A : i32
    %convert_element_type3A = arith.extui %eq3A_3 : i1 to i32
    %cond3A = arith.constant 0 : i32
    %cond3A_4 = arith.cmpi ne, %convert_element_type3A, %cond3A : i32
    scf.if %cond3A_4 {
      "tpu.region"() ({
        %run_scoped3A = tpu.sem_alloc : memref<!tpu.dma_semaphore, #tpu.memory_space<semaphore_mem>>
        tpu.enqueue_dma source(%arg4 : memref<10000x128xf32, #tpu.memory_space<hbm>>) target(%arg10 : memref<10000x128xf32, #tpu.memory_space<vmem_shared>>) target_semaphore(%run_scoped3A : memref<!tpu.dma_semaphore, #tpu.memory_space<semaphore_mem>>)
        tpu.wait_dma2 semaphore(%run_scoped3A : memref<!tpu.dma_semaphore, #tpu.memory_space<semaphore_mem>>) src(%arg4 : memref<10000x128xf32, #tpu.memory_space<hbm>>) dst(%arg10 : memref<10000x128xf32, #tpu.memory_space<vmem_shared>>)
        tpu.yield
      }) : () -> ()
    } else {
    }
    %barrier3A = arith.constant 0 : index
    tpu.barrier barrier_id(%barrier3A)
    %add3A_5 = arith.constant 0 : i32
    %add3A_6 = arith.addi %mul3A_2, %add3A_5 : i32
    %dma_start3A = tpu.memref_slice %arg3[%add3A_6] : memref<320000xi32, #tpu.memory_space<hbm>> -> memref<40xi32, #tpu.memory_space<hbm>>
    %dma_start3A_7 = tpu.memref_slice %arg3[%add3A_6] : memref<320000xi32, #tpu.memory_space<hbm>> -> memref<40xi32, #tpu.memory_space<hbm>>
    tpu.enqueue_dma source(%dma_start3A_7 : memref<40xi32, #tpu.memory_space<hbm>>) target(%arg6 : memref<40xi32, #tpu.memory_space<vmem>>) target_semaphore(%arg13 : memref<!tpu.dma_semaphore, #tpu.memory_space<semaphore_mem>>)
    %dma_start3A_8 = arith.constant 0 : i32
    %dma_start3A_9 = tpu.memref_slice %arg2[%add3A_6, %dma_start3A_8] : memref<320000x128xf32, #tpu.memory_space<hbm>> -> memref<40x128xf32, #tpu.memory_space<hbm>>
    %dma_start3A_10 = arith.constant 0 : i32
    %dma_start3A_11 = tpu.memref_slice %arg2[%add3A_6, %dma_start3A_10] : memref<320000x128xf32, #tpu.memory_space<hbm>> -> memref<40x128xf32, #tpu.memory_space<hbm>>
    tpu.enqueue_dma source(%dma_start3A_11 : memref<40x128xf32, #tpu.memory_space<hbm>>) target(%arg8 : memref<40x128xf32, #tpu.memory_space<vmem>>) target_semaphore(%arg11 : memref<!tpu.dma_semaphore, #tpu.memory_space<semaphore_mem>>)
    %scan3A = arith.constant 0 : i32
    %scan3A_12 = arith.constant 125 : i32
    %scan3A_13 = arith.addi %scan3A, %scan3A_12 : i32
    %scan3A_14 = arith.constant 1 : i32
    scf.for %scan3A_27 = %scan3A to %scan3A_13 step %scan3A_14  : i32 {
      %mul3A_28 = arith.constant 2 : i32
      %mul3A_29 = arith.muli %scan3A_27, %mul3A_28 : i32
      %add3A_30 = arith.constant 0 : i32
      %add3A_31 = arith.addi %add3A_30, %mul3A_29 : i32
      %add3A_32 = arith.constant 1 : i32
      %add3A_33 = arith.addi %add3A_31, %add3A_32 : i32
      %lt3A = arith.constant 250 : i32
      %lt3A_34 = arith.cmpi slt, %add3A_33, %lt3A : i32
      %convert_element_type3A_35 = arith.extui %lt3A_34 : i1 to i32
      %cond3A_36 = arith.constant 0 : i32
      %cond3A_37 = arith.cmpi ne, %convert_element_type3A_35, %cond3A_36 : i32
      scf.if %cond3A_37 {
        %add3A_61 = arith.constant 1 : i32
        %add3A_62 = arith.addi %add3A_31, %add3A_61 : i32
        %mul3A_63 = arith.constant 40 : i32
        %mul3A_64 = arith.muli %add3A_62, %mul3A_63 : i32
        %add3A_65 = arith.addi %mul3A_2, %mul3A_64 : i32
        %dma_start3A_66 = tpu.memref_slice %arg3[%add3A_65] : memref<320000xi32, #tpu.memory_space<hbm>> -> memref<40xi32, #tpu.memory_space<hbm>>
        %dma_start3A_67 = tpu.memref_slice %arg3[%add3A_65] : memref<320000xi32, #tpu.memory_space<hbm>> -> memref<40xi32, #tpu.memory_space<hbm>>
        tpu.enqueue_dma source(%dma_start3A_67 : memref<40xi32, #tpu.memory_space<hbm>>) target(%arg7 : memref<40xi32, #tpu.memory_space<vmem>>) target_semaphore(%arg14 : memref<!tpu.dma_semaphore, #tpu.memory_space<semaphore_mem>>)
        %dma_start3A_68 = arith.constant 0 : i32
        %dma_start3A_69 = tpu.memref_slice %arg2[%add3A_65, %dma_start3A_68] : memref<320000x128xf32, #tpu.memory_space<hbm>> -> memref<40x128xf32, #tpu.memory_space<hbm>>
        %dma_start3A_70 = arith.constant 0 : i32
        %dma_start3A_71 = tpu.memref_slice %arg2[%add3A_65, %dma_start3A_70] : memref<320000x128xf32, #tpu.memory_space<hbm>> -> memref<40x128xf32, #tpu.memory_space<hbm>>
        tpu.enqueue_dma source(%dma_start3A_71 : memref<40x128xf32, #tpu.memory_space<hbm>>) target(%arg9 : memref<40x128xf32, #tpu.memory_space<vmem>>) target_semaphore(%arg12 : memref<!tpu.dma_semaphore, #tpu.memory_space<semaphore_mem>>)
      } else {
      }
      %dma_wait3A = arith.constant 0 : i32
      %dma_wait3A_38 = tpu.memref_slice %arg3[%dma_wait3A] : memref<320000xi32, #tpu.memory_space<hbm>> -> memref<40xi32, #tpu.memory_space<hbm>>
      %dma_wait3A_39 = arith.constant 0 : i32
      %dma_wait3A_40 = tpu.memref_slice %arg3[%dma_wait3A_39] : memref<320000xi32, #tpu.memory_space<hbm>> -> memref<40xi32, #tpu.memory_space<hbm>>
      tpu.wait_dma2 semaphore(%arg13 : memref<!tpu.dma_semaphore, #tpu.memory_space<semaphore_mem>>) src(%dma_wait3A_40 : memref<40xi32, #tpu.memory_space<hbm>>) dst(%arg6 : memref<40xi32, #tpu.memory_space<vmem>>)
      %dma_wait3A_41 = arith.constant 0 : i32
      %dma_wait3A_42 = arith.constant 0 : i32
      %dma_wait3A_43 = tpu.memref_slice %arg2[%dma_wait3A_41, %dma_wait3A_42] : memref<320000x128xf32, #tpu.memory_space<hbm>> -> memref<40x128xf32, #tpu.memory_space<hbm>>
      %dma_wait3A_44 = arith.constant 0 : i32
      %dma_wait3A_45 = arith.constant 0 : i32
      %dma_wait3A_46 = tpu.memref_slice %arg2[%dma_wait3A_44, %dma_wait3A_45] : memref<320000x128xf32, #tpu.memory_space<hbm>> -> memref<40x128xf32, #tpu.memory_space<hbm>>
      tpu.wait_dma2 semaphore(%arg11 : memref<!tpu.dma_semaphore, #tpu.memory_space<semaphore_mem>>) src(%dma_wait3A_46 : memref<40x128xf32, #tpu.memory_space<hbm>>) dst(%arg8 : memref<40x128xf32, #tpu.memory_space<vmem>>)
      "tpu.region"() ({
        %run_scoped3A = tpu.sem_alloc : memref<!tpu.dma_semaphore, #tpu.memory_space<semaphore_mem>>
        %dma_start3A_61 = arith.constant 0 : i32
        %dma_start3A_62 = arith.constant 0 : i32
        %dma_start3A_63 = tpu.memref_slice %arg10[%dma_start3A_61, %dma_start3A_62] : memref<10000x128xf32, #tpu.memory_space<vmem_shared>> -> memref<10000x128xf32, #tpu.memory_space<vmem_shared>>
        tpu.enqueue_indirect_dma source(%arg8 : memref<40x128xf32, #tpu.memory_space<vmem>>) target(%dma_start3A_63 : memref<10000x128xf32, #tpu.memory_space<vmem_shared>>) offsets(%arg6 : memref<40xi32, #tpu.memory_space<vmem>>) semaphore(%run_scoped3A : memref<!tpu.dma_semaphore, #tpu.memory_space<semaphore_mem>>) {add = true}
        %dma_wait3A_64 = arith.constant 0 : i32
        %dma_wait3A_65 = arith.constant 0 : i32
        %dma_wait3A_66 = tpu.memref_slice %arg10[%dma_wait3A_64, %dma_wait3A_65] : memref<10000x128xf32, #tpu.memory_space<vmem_shared>> -> memref<10000x128xf32, #tpu.memory_space<vmem_shared>>
        tpu.wait_indirect_dma semaphore(%run_scoped3A : memref<!tpu.dma_semaphore, #tpu.memory_space<semaphore_mem>>) src(%arg8 : memref<40x128xf32, #tpu.memory_space<vmem>>) dst(%dma_wait3A_66 : memref<10000x128xf32, #tpu.memory_space<vmem_shared>>)
        tpu.yield
      }) : () -> ()
      %add3A_47 = arith.constant 2 : i32
      %add3A_48 = arith.addi %add3A_31, %add3A_47 : i32
      %lt3A_49 = arith.constant 250 : i32
      %lt3A_50 = arith.cmpi slt, %add3A_48, %lt3A_49 : i32
      %convert_element_type3A_51 = arith.extui %lt3A_50 : i1 to i32
      %cond3A_52 = arith.constant 0 : i32
      %cond3A_53 = arith.cmpi ne, %convert_element_type3A_51, %cond3A_52 : i32
      scf.if %cond3A_53 {
        %add3A_61 = arith.constant 2 : i32
        %add3A_62 = arith.addi %add3A_31, %add3A_61 : i32
        %mul3A_63 = arith.constant 40 : i32
        %mul3A_64 = arith.muli %add3A_62, %mul3A_63 : i32
        %add3A_65 = arith.addi %mul3A_2, %mul3A_64 : i32
        %dma_start3A_66 = tpu.memref_slice %arg3[%add3A_65] : memref<320000xi32, #tpu.memory_space<hbm>> -> memref<40xi32, #tpu.memory_space<hbm>>
        %dma_start3A_67 = tpu.memref_slice %arg3[%add3A_65] : memref<320000xi32, #tpu.memory_space<hbm>> -> memref<40xi32, #tpu.memory_space<hbm>>
        tpu.enqueue_dma source(%dma_start3A_67 : memref<40xi32, #tpu.memory_space<hbm>>) target(%arg6 : memref<40xi32, #tpu.memory_space<vmem>>) target_semaphore(%arg13 : memref<!tpu.dma_semaphore, #tpu.memory_space<semaphore_mem>>)
        %dma_start3A_68 = arith.constant 0 : i32
        %dma_start3A_69 = tpu.memref_slice %arg2[%add3A_65, %dma_start3A_68] : memref<320000x128xf32, #tpu.memory_space<hbm>> -> memref<40x128xf32, #tpu.memory_space<hbm>>
        %dma_start3A_70 = arith.constant 0 : i32
        %dma_start3A_71 = tpu.memref_slice %arg2[%add3A_65, %dma_start3A_70] : memref<320000x128xf32, #tpu.memory_space<hbm>> -> memref<40x128xf32, #tpu.memory_space<hbm>>
        tpu.enqueue_dma source(%dma_start3A_71 : memref<40x128xf32, #tpu.memory_space<hbm>>) target(%arg8 : memref<40x128xf32, #tpu.memory_space<vmem>>) target_semaphore(%arg11 : memref<!tpu.dma_semaphore, #tpu.memory_space<semaphore_mem>>)
      } else {
      }
      %add3A_54 = arith.constant 1 : i32
      %add3A_55 = arith.addi %add3A_31, %add3A_54 : i32
      %lt3A_56 = arith.constant 250 : i32
      %lt3A_57 = arith.cmpi slt, %add3A_55, %lt3A_56 : i32
      %convert_element_type3A_58 = arith.extui %lt3A_57 : i1 to i32
      %cond3A_59 = arith.constant 0 : i32
      %cond3A_60 = arith.cmpi ne, %convert_element_type3A_58, %cond3A_59 : i32
      scf.if %cond3A_60 {
        %dma_wait3A_61 = arith.constant 0 : i32
        %dma_wait3A_62 = tpu.memref_slice %arg3[%dma_wait3A_61] : memref<320000xi32, #tpu.memory_space<hbm>> -> memref<40xi32, #tpu.memory_space<hbm>>
        %dma_wait3A_63 = arith.constant 0 : i32
        %dma_wait3A_64 = tpu.memref_slice %arg3[%dma_wait3A_63] : memref<320000xi32, #tpu.memory_space<hbm>> -> memref<40xi32, #tpu.memory_space<hbm>>
        tpu.wait_dma2 semaphore(%arg14 : memref<!tpu.dma_semaphore, #tpu.memory_space<semaphore_mem>>) src(%dma_wait3A_64 : memref<40xi32, #tpu.memory_space<hbm>>) dst(%arg7 : memref<40xi32, #tpu.memory_space<vmem>>)
        %dma_wait3A_65 = arith.constant 0 : i32
        %dma_wait3A_66 = arith.constant 0 : i32
        %dma_wait3A_67 = tpu.memref_slice %arg2[%dma_wait3A_65, %dma_wait3A_66] : memref<320000x128xf32, #tpu.memory_space<hbm>> -> memref<40x128xf32, #tpu.memory_space<hbm>>
        %dma_wait3A_68 = arith.constant 0 : i32
        %dma_wait3A_69 = arith.constant 0 : i32
        %dma_wait3A_70 = tpu.memref_slice %arg2[%dma_wait3A_68, %dma_wait3A_69] : memref<320000x128xf32, #tpu.memory_space<hbm>> -> memref<40x128xf32, #tpu.memory_space<hbm>>
        tpu.wait_dma2 semaphore(%arg12 : memref<!tpu.dma_semaphore, #tpu.memory_space<semaphore_mem>>) src(%dma_wait3A_70 : memref<40x128xf32, #tpu.memory_space<hbm>>) dst(%arg9 : memref<40x128xf32, #tpu.memory_space<vmem>>)
        "tpu.region"() ({
          %run_scoped3A = tpu.sem_alloc : memref<!tpu.dma_semaphore, #tpu.memory_space<semaphore_mem>>
          %dma_start3A_71 = arith.constant 0 : i32
          %dma_start3A_72 = arith.constant 0 : i32
          %dma_start3A_73 = tpu.memref_slice %arg10[%dma_start3A_71, %dma_start3A_72] : memref<10000x128xf32, #tpu.memory_space<vmem_shared>> -> memref<10000x128xf32, #tpu.memory_space<vmem_shared>>
          tpu.enqueue_indirect_dma source(%arg9 : memref<40x128xf32, #tpu.memory_space<vmem>>) target(%dma_start3A_73 : memref<10000x128xf32, #tpu.memory_space<vmem_shared>>) offsets(%arg7 : memref<40xi32, #tpu.memory_space<vmem>>) semaphore(%run_scoped3A : memref<!tpu.dma_semaphore, #tpu.memory_space<semaphore_mem>>) {add = true}
          %dma_wait3A_74 = arith.constant 0 : i32
          %dma_wait3A_75 = arith.constant 0 : i32
          %dma_wait3A_76 = tpu.memref_slice %arg10[%dma_wait3A_74, %dma_wait3A_75] : memref<10000x128xf32, #tpu.memory_space<vmem_shared>> -> memref<10000x128xf32, #tpu.memory_space<vmem_shared>>
          tpu.wait_indirect_dma semaphore(%run_scoped3A : memref<!tpu.dma_semaphore, #tpu.memory_space<semaphore_mem>>) src(%arg9 : memref<40x128xf32, #tpu.memory_space<vmem>>) dst(%dma_wait3A_76 : memref<10000x128xf32, #tpu.memory_space<vmem_shared>>)
          tpu.yield
        }) : () -> ()
      } else {
      }
    }
    %scan3A_15 = arith.constant 125 : i32
    %barrier3A_16 = arith.constant 0 : index
    tpu.barrier barrier_id(%barrier3A_16)
    %mul3A_17 = arith.constant 624 : i32
    %mul3A_18 = arith.muli %arg1, %mul3A_17 : i32
    %mul3A_19 = arith.constant 10000 : i32
    %mul3A_20 = arith.muli %arg0, %mul3A_19 : i32
    %add3A_21 = arith.addi %mul3A_20, %mul3A_18 : i32
    "tpu.region"() ({
      %run_scoped3A = tpu.sem_alloc : memref<!tpu.dma_semaphore, #tpu.memory_space<semaphore_mem>>
      %dma_start3A_27 = arith.constant 0 : i32
      %dma_start3A_28 = tpu.memref_slice %arg5[%add3A_21, %dma_start3A_27] : memref<20000x128xf32, #tpu.memory_space<hbm>> -> memref<624x128xf32, #tpu.memory_space<hbm>>
      %dma_start3A_29 = arith.constant 0 : i32
      %dma_start3A_30 = tpu.memref_slice %arg10[%mul3A_18, %dma_start3A_29] : memref<10000x128xf32, #tpu.memory_space<vmem_shared>> -> memref<624x128xf32, #tpu.memory_space<vmem_shared>>
      tpu.enqueue_dma source(%dma_start3A_30 : memref<624x128xf32, #tpu.memory_space<vmem_shared>>) target(%dma_start3A_28 : memref<624x128xf32, #tpu.memory_space<hbm>>) target_semaphore(%run_scoped3A : memref<!tpu.dma_semaphore, #tpu.memory_space<semaphore_mem>>)
      %dma_wait3A = arith.constant 0 : i32
      %dma_wait3A_31 = tpu.memref_slice %arg5[%add3A_21, %dma_wait3A] : memref<20000x128xf32, #tpu.memory_space<hbm>> -> memref<624x128xf32, #tpu.memory_space<hbm>>
      %dma_wait3A_32 = arith.constant 0 : i32
      %dma_wait3A_33 = tpu.memref_slice %arg10[%mul3A_18, %dma_wait3A_32] : memref<10000x128xf32, #tpu.memory_space<vmem_shared>> -> memref<624x128xf32, #tpu.memory_space<vmem_shared>>
      tpu.wait_dma2 semaphore(%run_scoped3A : memref<!tpu.dma_semaphore, #tpu.memory_space<semaphore_mem>>) src(%dma_wait3A_33 : memref<624x128xf32, #tpu.memory_space<vmem_shared>>) dst(%dma_wait3A_31 : memref<624x128xf32, #tpu.memory_space<hbm>>)
      tpu.yield
    }) : () -> ()
    %eq3A_22 = arith.constant 0 : i32
    %eq3A_23 = arith.cmpi eq, %arg1, %eq3A_22 : i32
    %convert_element_type3A_24 = arith.extui %eq3A_23 : i1 to i32
    %cond3A_25 = arith.constant 0 : i32
    %cond3A_26 = arith.cmpi ne, %convert_element_type3A_24, %cond3A_25 : i32
    scf.if %cond3A_26 {
      %mul3A_27 = arith.constant 10000 : i32
      %mul3A_28 = arith.muli %arg0, %mul3A_27 : i32
      %add3A_29 = arith.constant 9984 : i32
      %add3A_30 = arith.addi %mul3A_28, %add3A_29 : i32
      "tpu.region"() ({
        %run_scoped3A = tpu.sem_alloc : memref<!tpu.dma_semaphore, #tpu.memory_space<semaphore_mem>>
        %dma_start3A_31 = arith.constant 0 : i32
        %dma_start3A_32 = tpu.memref_slice %arg5[%add3A_30, %dma_start3A_31] : memref<20000x128xf32, #tpu.memory_space<hbm>> -> memref<16x128xf32, #tpu.memory_space<hbm>>
        %dma_start3A_33 = arith.constant 9984 : i32
        %dma_start3A_34 = arith.constant 0 : i32
        %dma_start3A_35 = tpu.memref_slice %arg10[%dma_start3A_33, %dma_start3A_34] : memref<10000x128xf32, #tpu.memory_space<vmem_shared>> -> memref<16x128xf32, #tpu.memory_space<vmem_shared>>
        tpu.enqueue_dma source(%dma_start3A_35 : memref<16x128xf32, #tpu.memory_space<vmem_shared>>) target(%dma_start3A_32 : memref<16x128xf32, #tpu.memory_space<hbm>>) target_semaphore(%run_scoped3A : memref<!tpu.dma_semaphore, #tpu.memory_space<semaphore_mem>>)
        %dma_wait3A = arith.constant 0 : i32
        %dma_wait3A_36 = tpu.memref_slice %arg5[%add3A_30, %dma_wait3A] : memref<20000x128xf32, #tpu.memory_space<hbm>> -> memref<16x128xf32, #tpu.memory_space<hbm>>
        %dma_wait3A_37 = arith.constant 9984 : i32
        %dma_wait3A_38 = arith.constant 0 : i32
        %dma_wait3A_39 = tpu.memref_slice %arg10[%dma_wait3A_37, %dma_wait3A_38] : memref<10000x128xf32, #tpu.memory_space<vmem_shared>> -> memref<16x128xf32, #tpu.memory_space<vmem_shared>>
        tpu.wait_dma2 semaphore(%run_scoped3A : memref<!tpu.dma_semaphore, #tpu.memory_space<semaphore_mem>>) src(%dma_wait3A_39 : memref<16x128xf32, #tpu.memory_space<vmem_shared>>) dst(%dma_wait3A_36 : memref<16x128xf32, #tpu.memory_space<hbm>>)
        tpu.yield
      }) : () -> ()
    } else {
    }
    return
  }
}

#map = affine_map<(d0, d1) -> (0, 0)>
#map1 = affine_map<(d0, d1) -> (0)>
module attributes {stable_mosaic.version = 14 : i64} {
  func.func @s1(%arg0: i32, %arg1: i32, %arg2: memref<10000x128xf32, #tpu.memory_space<hbm>>, %arg3: memref<10000x128xf32, #tpu.memory_space<hbm>>, %arg4: memref<320000xi32, #tpu.memory_space<hbm>>, %arg5: memref<320000xi32, #tpu.memory_space<hbm>>, %arg6: memref<10000xf32, #tpu.memory_space<hbm>>, %arg7: memref<10000xf32, #tpu.memory_space<hbm>>, %arg8: memref<10000xf32, #tpu.memory_space<hbm>>, %arg9: memref<128xf32, #tpu.memory_space<hbm>>, %arg10: memref<320000x128xf32, #tpu.memory_space<hbm>>, %arg11: memref<10000xf32, #tpu.memory_space<vmem>>, %arg12: memref<10000xf32, #tpu.memory_space<vmem>>, %arg13: memref<10000xf32, #tpu.memory_space<vmem>>, %arg14: memref<128xf32, #tpu.memory_space<vmem>>, %arg15: memref<10000xi32, #tpu.memory_space<vmem>>, %arg16: memref<10000xi32, #tpu.memory_space<vmem>>, %arg17: memref<80x128xf32, #tpu.memory_space<vmem>>, %arg18: memref<80x128xf32, #tpu.memory_space<vmem>>, %arg19: memref<80x128xf32, #tpu.memory_space<vmem>>, %arg20: memref<80x128xf32, #tpu.memory_space<vmem>>, %arg21: memref<80x128xf32, #tpu.memory_space<vmem>>, %arg22: memref<80x128xf32, #tpu.memory_space<vmem>>, %arg23: memref<96xf32, #tpu.memory_space<vmem>>, %arg24: memref<!tpu.dma_semaphore, #tpu.memory_space<semaphore_mem>>, %arg25: memref<!tpu.dma_semaphore, #tpu.memory_space<semaphore_mem>>, %arg26: memref<!tpu.dma_semaphore, #tpu.memory_space<semaphore_mem>>, %arg27: memref<!tpu.dma_semaphore, #tpu.memory_space<semaphore_mem>>) attributes {dimension_semantics = [#tpu.dimension_semantics<core_parallel>, #tpu.dimension_semantics<subcore_parallel>], iteration_bounds = array<i64: 2, 16>, scalar_prefetch = 0 : i64, scratch_operands = 17 : i64, tpu.core_type = #tpu.core_type<sc_vector_subcore>, window_params = [{transform_indices = #map}, {transform_indices = #map}, {transform_indices = #map1}, {transform_indices = #map1}, {transform_indices = #map1}, {transform_indices = #map1}, {transform_indices = #map1}, {transform_indices = #map1}, {transform_indices = #map}]} {
    %mul3A = arith.constant 2 : i32
    %mul3A_0 = arith.muli %arg1, %mul3A : i32
    %add3A = arith.addi %mul3A_0, %arg0 : i32
    %mul3A_1 = arith.constant 10000 : i32
    %mul3A_2 = arith.muli %add3A, %mul3A_1 : i32
    "tpu.region"() ({
      %run_scoped3A = tpu.sem_alloc : memref<!tpu.dma_semaphore, #tpu.memory_space<semaphore_mem>>
      tpu.enqueue_dma source(%arg6 : memref<10000xf32, #tpu.memory_space<hbm>>) target(%arg11 : memref<10000xf32, #tpu.memory_space<vmem>>) target_semaphore(%run_scoped3A : memref<!tpu.dma_semaphore, #tpu.memory_space<semaphore_mem>>)
      tpu.wait_dma2 semaphore(%run_scoped3A : memref<!tpu.dma_semaphore, #tpu.memory_space<semaphore_mem>>) src(%arg6 : memref<10000xf32, #tpu.memory_space<hbm>>) dst(%arg11 : memref<10000xf32, #tpu.memory_space<vmem>>)
      tpu.yield
    }) : () -> ()
    "tpu.region"() ({
      %run_scoped3A = tpu.sem_alloc : memref<!tpu.dma_semaphore, #tpu.memory_space<semaphore_mem>>
      tpu.enqueue_dma source(%arg7 : memref<10000xf32, #tpu.memory_space<hbm>>) target(%arg12 : memref<10000xf32, #tpu.memory_space<vmem>>) target_semaphore(%run_scoped3A : memref<!tpu.dma_semaphore, #tpu.memory_space<semaphore_mem>>)
      tpu.wait_dma2 semaphore(%run_scoped3A : memref<!tpu.dma_semaphore, #tpu.memory_space<semaphore_mem>>) src(%arg7 : memref<10000xf32, #tpu.memory_space<hbm>>) dst(%arg12 : memref<10000xf32, #tpu.memory_space<vmem>>)
      tpu.yield
    }) : () -> ()
    "tpu.region"() ({
      %run_scoped3A = tpu.sem_alloc : memref<!tpu.dma_semaphore, #tpu.memory_space<semaphore_mem>>
      tpu.enqueue_dma source(%arg8 : memref<10000xf32, #tpu.memory_space<hbm>>) target(%arg13 : memref<10000xf32, #tpu.memory_space<vmem>>) target_semaphore(%run_scoped3A : memref<!tpu.dma_semaphore, #tpu.memory_space<semaphore_mem>>)
      tpu.wait_dma2 semaphore(%run_scoped3A : memref<!tpu.dma_semaphore, #tpu.memory_space<semaphore_mem>>) src(%arg8 : memref<10000xf32, #tpu.memory_space<hbm>>) dst(%arg13 : memref<10000xf32, #tpu.memory_space<vmem>>)
      tpu.yield
    }) : () -> ()
    "tpu.region"() ({
      %run_scoped3A = tpu.sem_alloc : memref<!tpu.dma_semaphore, #tpu.memory_space<semaphore_mem>>
      tpu.enqueue_dma source(%arg9 : memref<128xf32, #tpu.memory_space<hbm>>) target(%arg14 : memref<128xf32, #tpu.memory_space<vmem>>) target_semaphore(%run_scoped3A : memref<!tpu.dma_semaphore, #tpu.memory_space<semaphore_mem>>)
      tpu.wait_dma2 semaphore(%run_scoped3A : memref<!tpu.dma_semaphore, #tpu.memory_space<semaphore_mem>>) src(%arg9 : memref<128xf32, #tpu.memory_space<hbm>>) dst(%arg14 : memref<128xf32, #tpu.memory_space<vmem>>)
      tpu.yield
    }) : () -> ()
    "tpu.region"() ({
      %run_scoped3A = tpu.sem_alloc : memref<!tpu.dma_semaphore, #tpu.memory_space<semaphore_mem>>
      %dma_start3A_31 = tpu.memref_slice %arg4[%mul3A_2] : memref<320000xi32, #tpu.memory_space<hbm>> -> memref<10000xi32, #tpu.memory_space<hbm>>
      %dma_start3A_32 = tpu.memref_slice %arg4[%mul3A_2] : memref<320000xi32, #tpu.memory_space<hbm>> -> memref<10000xi32, #tpu.memory_space<hbm>>
      tpu.enqueue_dma source(%dma_start3A_32 : memref<10000xi32, #tpu.memory_space<hbm>>) target(%arg15 : memref<10000xi32, #tpu.memory_space<vmem>>) target_semaphore(%run_scoped3A : memref<!tpu.dma_semaphore, #tpu.memory_space<semaphore_mem>>)
      %dma_wait3A = tpu.memref_slice %arg4[%mul3A_2] : memref<320000xi32, #tpu.memory_space<hbm>> -> memref<10000xi32, #tpu.memory_space<hbm>>
      %dma_wait3A_33 = tpu.memref_slice %arg4[%mul3A_2] : memref<320000xi32, #tpu.memory_space<hbm>> -> memref<10000xi32, #tpu.memory_space<hbm>>
      tpu.wait_dma2 semaphore(%run_scoped3A : memref<!tpu.dma_semaphore, #tpu.memory_space<semaphore_mem>>) src(%dma_wait3A_33 : memref<10000xi32, #tpu.memory_space<hbm>>) dst(%arg15 : memref<10000xi32, #tpu.memory_space<vmem>>)
      tpu.yield
    }) : () -> ()
    "tpu.region"() ({
      %run_scoped3A = tpu.sem_alloc : memref<!tpu.dma_semaphore, #tpu.memory_space<semaphore_mem>>
      %dma_start3A_31 = tpu.memref_slice %arg5[%mul3A_2] : memref<320000xi32, #tpu.memory_space<hbm>> -> memref<10000xi32, #tpu.memory_space<hbm>>
      %dma_start3A_32 = tpu.memref_slice %arg5[%mul3A_2] : memref<320000xi32, #tpu.memory_space<hbm>> -> memref<10000xi32, #tpu.memory_space<hbm>>
      tpu.enqueue_dma source(%dma_start3A_32 : memref<10000xi32, #tpu.memory_space<hbm>>) target(%arg16 : memref<10000xi32, #tpu.memory_space<vmem>>) target_semaphore(%run_scoped3A : memref<!tpu.dma_semaphore, #tpu.memory_space<semaphore_mem>>)
      %dma_wait3A = tpu.memref_slice %arg5[%mul3A_2] : memref<320000xi32, #tpu.memory_space<hbm>> -> memref<10000xi32, #tpu.memory_space<hbm>>
      %dma_wait3A_33 = tpu.memref_slice %arg5[%mul3A_2] : memref<320000xi32, #tpu.memory_space<hbm>> -> memref<10000xi32, #tpu.memory_space<hbm>>
      tpu.wait_dma2 semaphore(%run_scoped3A : memref<!tpu.dma_semaphore, #tpu.memory_space<semaphore_mem>>) src(%dma_wait3A_33 : memref<10000xi32, #tpu.memory_space<hbm>>) dst(%arg16 : memref<10000xi32, #tpu.memory_space<vmem>>)
      tpu.yield
    }) : () -> ()
    %get3A = arith.constant 0 : index
    %get3A_3 = tpu.vector_load %arg14[%get3A] {strides = array<i32>} : memref<128xf32, #tpu.memory_space<vmem>>, vector<16xf32>,
    %get3A_4 = arith.constant 16 : index
    %get3A_5 = tpu.vector_load %arg14[%get3A_4] {strides = array<i32>} : memref<128xf32, #tpu.memory_space<vmem>>, vector<16xf32>,
    %get3A_6 = arith.constant 32 : index
    %get3A_7 = tpu.vector_load %arg14[%get3A_6] {strides = array<i32>} : memref<128xf32, #tpu.memory_space<vmem>>, vector<16xf32>,
    %get3A_8 = arith.constant 48 : index
    %get3A_9 = tpu.vector_load %arg14[%get3A_8] {strides = array<i32>} : memref<128xf32, #tpu.memory_space<vmem>>, vector<16xf32>,
    %get3A_10 = arith.constant 64 : index
    %get3A_11 = tpu.vector_load %arg14[%get3A_10] {strides = array<i32>} : memref<128xf32, #tpu.memory_space<vmem>>, vector<16xf32>,
    %get3A_12 = arith.constant 80 : index
    %get3A_13 = tpu.vector_load %arg14[%get3A_12] {strides = array<i32>} : memref<128xf32, #tpu.memory_space<vmem>>, vector<16xf32>,
    %get3A_14 = arith.constant 96 : index
    %get3A_15 = tpu.vector_load %arg14[%get3A_14] {strides = array<i32>} : memref<128xf32, #tpu.memory_space<vmem>>, vector<16xf32>,
    %get3A_16 = arith.constant 112 : index
    %get3A_17 = tpu.vector_load %arg14[%get3A_16] {strides = array<i32>} : memref<128xf32, #tpu.memory_space<vmem>>, vector<16xf32>,
    %dma_start3A = arith.constant 0 : i32
    %dma_start3A_18 = tpu.memref_slice %arg15[%dma_start3A] : memref<10000xi32, #tpu.memory_space<vmem>> -> memref<80xi32, #tpu.memory_space<vmem>>
    %dma_start3A_19 = arith.constant 0 : i32
    %dma_start3A_20 = arith.constant 0 : i32
    %dma_start3A_21 = tpu.memref_slice %arg2[%dma_start3A_19, %dma_start3A_20] : memref<10000x128xf32, #tpu.memory_space<hbm>> -> memref<10000x128xf32, #tpu.memory_space<hbm>>
    tpu.enqueue_indirect_dma source(%dma_start3A_21 : memref<10000x128xf32, #tpu.memory_space<hbm>>) target(%arg17 : memref<80x128xf32, #tpu.memory_space<vmem>>) offsets(%dma_start3A_18 : memref<80xi32, #tpu.memory_space<vmem>>) semaphore(%arg24 : memref<!tpu.dma_semaphore, #tpu.memory_space<semaphore_mem>>)
    %dma_start3A_22 = arith.constant 0 : i32
    %dma_start3A_23 = tpu.memref_slice %arg16[%dma_start3A_22] : memref<10000xi32, #tpu.memory_space<vmem>> -> memref<80xi32, #tpu.memory_space<vmem>>
    %dma_start3A_24 = arith.constant 0 : i32
    %dma_start3A_25 = arith.constant 0 : i32
    %dma_start3A_26 = tpu.memref_slice %arg3[%dma_start3A_24, %dma_start3A_25] : memref<10000x128xf32, #tpu.memory_space<hbm>> -> memref<10000x128xf32, #tpu.memory_space<hbm>>
    tpu.enqueue_indirect_dma source(%dma_start3A_26 : memref<10000x128xf32, #tpu.memory_space<hbm>>) target(%arg19 : memref<80x128xf32, #tpu.memory_space<vmem>>) offsets(%dma_start3A_23 : memref<80xi32, #tpu.memory_space<vmem>>) semaphore(%arg26 : memref<!tpu.dma_semaphore, #tpu.memory_space<semaphore_mem>>)
    %scan3A = arith.constant 0 : i32
    %scan3A_27 = arith.constant 63 : i32
    %scan3A_28 = arith.addi %scan3A, %scan3A_27 : i32
    %scan3A_29 = arith.constant 1 : i32
    scf.for %scan3A_31 = %scan3A to %scan3A_28 step %scan3A_29  : i32 {
      %mul3A_32 = arith.constant 2 : i32
      %mul3A_33 = arith.muli %scan3A_31, %mul3A_32 : i32
      %add3A_34 = arith.constant 0 : i32
      %add3A_35 = arith.addi %add3A_34, %mul3A_33 : i32
      %add3A_36 = arith.constant 1 : i32
      %add3A_37 = arith.addi %add3A_35, %add3A_36 : i32
      %lt3A = arith.constant 125 : i32
      %lt3A_38 = arith.cmpi slt, %add3A_37, %lt3A : i32
      %convert_element_type3A = arith.extui %lt3A_38 : i1 to i32
      %cond3A = arith.constant 0 : i32
      %cond3A_39 = arith.cmpi ne, %convert_element_type3A, %cond3A : i32
      scf.if %cond3A_39 {
        %add3A_381 = arith.constant 1 : i32
        %add3A_382 = arith.addi %add3A_35, %add3A_381 : i32
        %mul3A_383 = arith.constant 80 : i32
        %mul3A_384 = arith.muli %add3A_382, %mul3A_383 : i32
        %dma_start3A_385 = tpu.memref_slice %arg15[%mul3A_384] : memref<10000xi32, #tpu.memory_space<vmem>> -> memref<80xi32, #tpu.memory_space<vmem>>
        %dma_start3A_386 = arith.constant 0 : i32
        %dma_start3A_387 = arith.constant 0 : i32
        %dma_start3A_388 = tpu.memref_slice %arg2[%dma_start3A_386, %dma_start3A_387] : memref<10000x128xf32, #tpu.memory_space<hbm>> -> memref<10000x128xf32, #tpu.memory_space<hbm>>
        tpu.enqueue_indirect_dma source(%dma_start3A_388 : memref<10000x128xf32, #tpu.memory_space<hbm>>) target(%arg18 : memref<80x128xf32, #tpu.memory_space<vmem>>) offsets(%dma_start3A_385 : memref<80xi32, #tpu.memory_space<vmem>>) semaphore(%arg25 : memref<!tpu.dma_semaphore, #tpu.memory_space<semaphore_mem>>)
        %dma_start3A_389 = tpu.memref_slice %arg16[%mul3A_384] : memref<10000xi32, #tpu.memory_space<vmem>> -> memref<80xi32, #tpu.memory_space<vmem>>
        %dma_start3A_390 = arith.constant 0 : i32
        %dma_start3A_391 = arith.constant 0 : i32
        %dma_start3A_392 = tpu.memref_slice %arg3[%dma_start3A_390, %dma_start3A_391] : memref<10000x128xf32, #tpu.memory_space<hbm>> -> memref<10000x128xf32, #tpu.memory_space<hbm>>
        tpu.enqueue_indirect_dma source(%dma_start3A_392 : memref<10000x128xf32, #tpu.memory_space<hbm>>) target(%arg20 : memref<80x128xf32, #tpu.memory_space<vmem>>) offsets(%dma_start3A_389 : memref<80xi32, #tpu.memory_space<vmem>>) semaphore(%arg27 : memref<!tpu.dma_semaphore, #tpu.memory_space<semaphore_mem>>)
      } else {
      }
      %dma_wait3A = arith.constant 0 : i32
      %dma_wait3A_40 = tpu.memref_slice %arg15[%dma_wait3A] : memref<10000xi32, #tpu.memory_space<vmem>> -> memref<80xi32, #tpu.memory_space<vmem>>
      %dma_wait3A_41 = arith.constant 0 : i32
      %dma_wait3A_42 = arith.constant 0 : i32
      %dma_wait3A_43 = tpu.memref_slice %arg2[%dma_wait3A_41, %dma_wait3A_42] : memref<10000x128xf32, #tpu.memory_space<hbm>> -> memref<10000x128xf32, #tpu.memory_space<hbm>>
      tpu.wait_indirect_dma semaphore(%arg24 : memref<!tpu.dma_semaphore, #tpu.memory_space<semaphore_mem>>) src(%dma_wait3A_43 : memref<10000x128xf32, #tpu.memory_space<hbm>>) dst(%arg17 : memref<80x128xf32, #tpu.memory_space<vmem>>)
      %dma_wait3A_44 = arith.constant 0 : i32
      %dma_wait3A_45 = tpu.memref_slice %arg16[%dma_wait3A_44] : memref<10000xi32, #tpu.memory_space<vmem>> -> memref<80xi32, #tpu.memory_space<vmem>>
      %dma_wait3A_46 = arith.constant 0 : i32
      %dma_wait3A_47 = arith.constant 0 : i32
      %dma_wait3A_48 = tpu.memref_slice %arg3[%dma_wait3A_46, %dma_wait3A_47] : memref<10000x128xf32, #tpu.memory_space<hbm>> -> memref<10000x128xf32, #tpu.memory_space<hbm>>
      tpu.wait_indirect_dma semaphore(%arg26 : memref<!tpu.dma_semaphore, #tpu.memory_space<semaphore_mem>>) src(%dma_wait3A_48 : memref<10000x128xf32, #tpu.memory_space<hbm>>) dst(%arg19 : memref<80x128xf32, #tpu.memory_space<vmem>>)
      %mul3A_49 = arith.constant 80 : i32
      %mul3A_50 = arith.muli %add3A_35, %mul3A_49 : i32
      %add3A_51 = arith.constant 0 : i32
      %add3A_52 = arith.addi %mul3A_50, %add3A_51 : i32
      %get3A_53 = arith.index_cast %add3A_52 : i32 to index
      %get3A_54 = tpu.vector_load %arg15[%get3A_53] {strides = array<i32>} : memref<10000xi32, #tpu.memory_space<vmem>>, vector<16xi32>,
      %get3A_55 = arith.index_cast %add3A_52 : i32 to index
      %get3A_56 = tpu.vector_load %arg16[%get3A_55] {strides = array<i32>} : memref<10000xi32, #tpu.memory_space<vmem>>, vector<16xi32>,
      %gather3A = tpu.vector_load_idx %arg11[%get3A_56] : memref<10000xf32, #tpu.memory_space<vmem>>[vector<16xi32>], vector<16xf32>,
      %gather3A_57 = tpu.vector_load_idx %arg11[%get3A_54] : memref<10000xf32, #tpu.memory_space<vmem>>[vector<16xi32>], vector<16xf32>,
      %sub3A = arith.subf %gather3A, %gather3A_57 : vector<16xf32>
      %gather3A_58 = tpu.vector_load_idx %arg12[%get3A_56] : memref<10000xf32, #tpu.memory_space<vmem>>[vector<16xi32>], vector<16xf32>,
      %gather3A_59 = tpu.vector_load_idx %arg12[%get3A_54] : memref<10000xf32, #tpu.memory_space<vmem>>[vector<16xi32>], vector<16xf32>,
      %sub3A_60 = arith.subf %gather3A_58, %gather3A_59 : vector<16xf32>
      %gather3A_61 = tpu.vector_load_idx %arg13[%get3A_56] : memref<10000xf32, #tpu.memory_space<vmem>>[vector<16xi32>], vector<16xf32>,
      %gather3A_62 = tpu.vector_load_idx %arg13[%get3A_54] : memref<10000xf32, #tpu.memory_space<vmem>>[vector<16xi32>], vector<16xf32>,
      %sub3A_63 = arith.subf %gather3A_61, %gather3A_62 : vector<16xf32>
      %mul3A_64 = arith.mulf %sub3A, %sub3A : vector<16xf32>
      %mul3A_65 = arith.mulf %sub3A_60, %sub3A_60 : vector<16xf32>
      %add3A_66 = arith.addf %mul3A_64, %mul3A_65 : vector<16xf32>
      %mul3A_67 = arith.mulf %sub3A_63, %sub3A_63 : vector<16xf32>
      %add3A_68 = arith.addf %add3A_66, %mul3A_67 : vector<16xf32>
      %add3A_69 = arith.constant 9.99999996E-13 : f32
      %add3A_70 = vector.broadcast %add3A_69 : f32 to vector<16xf32>
      %add3A_71 = arith.addf %add3A_68, %add3A_70 : vector<16xf32>
      %bitcast_convert_type3A = tpu.bitcast %add3A_71 : vector<16xf32> -> vector<16xi32>
      %shift_right_logical3A = arith.constant 1 : i32
      %shift_right_logical3A_72 = vector.broadcast %shift_right_logical3A : i32 to vector<16xi32>
      %shift_right_logical3A_73 = arith.shrui %bitcast_convert_type3A, %shift_right_logical3A_72 : vector<16xi32>
      %sub3A_74 = arith.constant 1597463007 : i32
      %sub3A_75 = vector.broadcast %sub3A_74 : i32 to vector<16xi32>
      %sub3A_76 = arith.subi %sub3A_75, %shift_right_logical3A_73 : vector<16xi32>
      %bitcast_convert_type3A_77 = tpu.bitcast %sub3A_76 : vector<16xi32> -> vector<16xf32>
      %mul3A_78 = arith.constant 5.000000e-01 : f32
      %mul3A_79 = vector.broadcast %mul3A_78 : f32 to vector<16xf32>
      %mul3A_80 = arith.mulf %mul3A_79, %add3A_71 : vector<16xf32>
      %mul3A_81 = arith.mulf %mul3A_80, %bitcast_convert_type3A_77 : vector<16xf32>
      %mul3A_82 = arith.mulf %mul3A_81, %bitcast_convert_type3A_77 : vector<16xf32>
      %sub3A_83 = arith.constant 1.500000e+00 : f32
      %sub3A_84 = vector.broadcast %sub3A_83 : f32 to vector<16xf32>
      %sub3A_85 = arith.subf %sub3A_84, %mul3A_82 : vector<16xf32>
      %mul3A_86 = arith.mulf %bitcast_convert_type3A_77, %sub3A_85 : vector<16xf32>
      %mul3A_87 = arith.constant 5.000000e-01 : f32
      %mul3A_88 = vector.broadcast %mul3A_87 : f32 to vector<16xf32>
      %mul3A_89 = arith.mulf %mul3A_88, %add3A_71 : vector<16xf32>
      %mul3A_90 = arith.mulf %mul3A_89, %mul3A_86 : vector<16xf32>
      %mul3A_91 = arith.mulf %mul3A_90, %mul3A_86 : vector<16xf32>
      %sub3A_92 = arith.constant 1.500000e+00 : f32
      %sub3A_93 = vector.broadcast %sub3A_92 : f32 to vector<16xf32>
      %sub3A_94 = arith.subf %sub3A_93, %mul3A_91 : vector<16xf32>
      %mul3A_95 = arith.mulf %mul3A_86, %sub3A_94 : vector<16xf32>
      %mul3A_96 = arith.constant 5.000000e-01 : f32
      %mul3A_97 = vector.broadcast %mul3A_96 : f32 to vector<16xf32>
      %mul3A_98 = arith.mulf %mul3A_97, %add3A_71 : vector<16xf32>
      %mul3A_99 = arith.mulf %mul3A_98, %mul3A_95 : vector<16xf32>
      %mul3A_100 = arith.mulf %mul3A_99, %mul3A_95 : vector<16xf32>
      %sub3A_101 = arith.constant 1.500000e+00 : f32
      %sub3A_102 = vector.broadcast %sub3A_101 : f32 to vector<16xf32>
      %sub3A_103 = arith.subf %sub3A_102, %mul3A_100 : vector<16xf32>
      %mul3A_104 = arith.mulf %mul3A_95, %sub3A_103 : vector<16xf32>
      %mul3A_105 = arith.mulf %add3A_71, %mul3A_104 : vector<16xf32>
      %swap3A = arith.constant 0 : index
      %swap3A_106 = tpu.vector_load %arg23[%swap3A] {strides = array<i32>} : memref<96xf32, #tpu.memory_space<vmem>>, vector<16xf32>,
      tpu.vector_store %arg23[%swap3A], %mul3A_105 {strides = array<i32>} : memref<96xf32, #tpu.memory_space<vmem>>, vector<16xf32>,
      %mul3A_107 = arith.constant 80 : i32
      %mul3A_108 = arith.muli %add3A_35, %mul3A_107 : i32
      %add3A_109 = arith.constant 16 : i32
      %add3A_110 = arith.addi %mul3A_108, %add3A_109 : i32
      %get3A_111 = arith.index_cast %add3A_110 : i32 to index
      %get3A_112 = tpu.vector_load %arg15[%get3A_111] {strides = array<i32>} : memref<10000xi32, #tpu.memory_space<vmem>>, vector<16xi32>,
      %get3A_113 = arith.index_cast %add3A_110 : i32 to index
      %get3A_114 = tpu.vector_load %arg16[%get3A_113] {strides = array<i32>} : memref<10000xi32, #tpu.memory_space<vmem>>, vector<16xi32>,
      %gather3A_115 = tpu.vector_load_idx %arg11[%get3A_114] : memref<10000xf32, #tpu.memory_space<vmem>>[vector<16xi32>], vector<16xf32>,
      %gather3A_116 = tpu.vector_load_idx %arg11[%get3A_112] : memref<10000xf32, #tpu.memory_space<vmem>>[vector<16xi32>], vector<16xf32>,
      %sub3A_117 = arith.subf %gather3A_115, %gather3A_116 : vector<16xf32>
      %gather3A_118 = tpu.vector_load_idx %arg12[%get3A_114] : memref<10000xf32, #tpu.memory_space<vmem>>[vector<16xi32>], vector<16xf32>,
      %gather3A_119 = tpu.vector_load_idx %arg12[%get3A_112] : memref<10000xf32, #tpu.memory_space<vmem>>[vector<16xi32>], vector<16xf32>,
      %sub3A_120 = arith.subf %gather3A_118, %gather3A_119 : vector<16xf32>
      %gather3A_121 = tpu.vector_load_idx %arg13[%get3A_114] : memref<10000xf32, #tpu.memory_space<vmem>>[vector<16xi32>], vector<16xf32>,
      %gather3A_122 = tpu.vector_load_idx %arg13[%get3A_112] : memref<10000xf32, #tpu.memory_space<vmem>>[vector<16xi32>], vector<16xf32>,
      %sub3A_123 = arith.subf %gather3A_121, %gather3A_122 : vector<16xf32>
      %mul3A_124 = arith.mulf %sub3A_117, %sub3A_117 : vector<16xf32>
      %mul3A_125 = arith.mulf %sub3A_120, %sub3A_120 : vector<16xf32>
      %add3A_126 = arith.addf %mul3A_124, %mul3A_125 : vector<16xf32>
      %mul3A_127 = arith.mulf %sub3A_123, %sub3A_123 : vector<16xf32>
      %add3A_128 = arith.addf %add3A_126, %mul3A_127 : vector<16xf32>
      %add3A_129 = arith.constant 9.99999996E-13 : f32
      %add3A_130 = vector.broadcast %add3A_129 : f32 to vector<16xf32>
      %add3A_131 = arith.addf %add3A_128, %add3A_130 : vector<16xf32>
      %bitcast_convert_type3A_132 = tpu.bitcast %add3A_131 : vector<16xf32> -> vector<16xi32>
      %shift_right_logical3A_133 = arith.constant 1 : i32
      %shift_right_logical3A_134 = vector.broadcast %shift_right_logical3A_133 : i32 to vector<16xi32>
      %shift_right_logical3A_135 = arith.shrui %bitcast_convert_type3A_132, %shift_right_logical3A_134 : vector<16xi32>
      %sub3A_136 = arith.constant 1597463007 : i32
      %sub3A_137 = vector.broadcast %sub3A_136 : i32 to vector<16xi32>
      %sub3A_138 = arith.subi %sub3A_137, %shift_right_logical3A_135 : vector<16xi32>
      %bitcast_convert_type3A_139 = tpu.bitcast %sub3A_138 : vector<16xi32> -> vector<16xf32>
      %mul3A_140 = arith.constant 5.000000e-01 : f32
      %mul3A_141 = vector.broadcast %mul3A_140 : f32 to vector<16xf32>
      %mul3A_142 = arith.mulf %mul3A_141, %add3A_131 : vector<16xf32>
      %mul3A_143 = arith.mulf %mul3A_142, %bitcast_convert_type3A_139 : vector<16xf32>
      %mul3A_144 = arith.mulf %mul3A_143, %bitcast_convert_type3A_139 : vector<16xf32>
      %sub3A_145 = arith.constant 1.500000e+00 : f32
      %sub3A_146 = vector.broadcast %sub3A_145 : f32 to vector<16xf32>
      %sub3A_147 = arith.subf %sub3A_146, %mul3A_144 : vector<16xf32>
      %mul3A_148 = arith.mulf %bitcast_convert_type3A_139, %sub3A_147 : vector<16xf32>
      %mul3A_149 = arith.constant 5.000000e-01 : f32
      %mul3A_150 = vector.broadcast %mul3A_149 : f32 to vector<16xf32>
      %mul3A_151 = arith.mulf %mul3A_150, %add3A_131 : vector<16xf32>
      %mul3A_152 = arith.mulf %mul3A_151, %mul3A_148 : vector<16xf32>
      %mul3A_153 = arith.mulf %mul3A_152, %mul3A_148 : vector<16xf32>
      %sub3A_154 = arith.constant 1.500000e+00 : f32
      %sub3A_155 = vector.broadcast %sub3A_154 : f32 to vector<16xf32>
      %sub3A_156 = arith.subf %sub3A_155, %mul3A_153 : vector<16xf32>
      %mul3A_157 = arith.mulf %mul3A_148, %sub3A_156 : vector<16xf32>
      %mul3A_158 = arith.constant 5.000000e-01 : f32
      %mul3A_159 = vector.broadcast %mul3A_158 : f32 to vector<16xf32>
      %mul3A_160 = arith.mulf %mul3A_159, %add3A_131 : vector<16xf32>
      %mul3A_161 = arith.mulf %mul3A_160, %mul3A_157 : vector<16xf32>
      %mul3A_162 = arith.mulf %mul3A_161, %mul3A_157 : vector<16xf32>
      %sub3A_163 = arith.constant 1.500000e+00 : f32
      %sub3A_164 = vector.broadcast %sub3A_163 : f32 to vector<16xf32>
      %sub3A_165 = arith.subf %sub3A_164, %mul3A_162 : vector<16xf32>
      %mul3A_166 = arith.mulf %mul3A_157, %sub3A_165 : vector<16xf32>
      %mul3A_167 = arith.mulf %add3A_131, %mul3A_166 : vector<16xf32>
      %swap3A_168 = arith.constant 16 : index
      %swap3A_169 = tpu.vector_load %arg23[%swap3A_168] {strides = array<i32>} : memref<96xf32, #tpu.memory_space<vmem>>, vector<16xf32>,
      tpu.vector_store %arg23[%swap3A_168], %mul3A_167 {strides = array<i32>} : memref<96xf32, #tpu.memory_space<vmem>>, vector<16xf32>,
      %mul3A_170 = arith.constant 80 : i32
      %mul3A_171 = arith.muli %add3A_35, %mul3A_170 : i32
      %add3A_172 = arith.constant 32 : i32
      %add3A_173 = arith.addi %mul3A_171, %add3A_172 : i32
      %get3A_174 = arith.index_cast %add3A_173 : i32 to index
      %get3A_175 = tpu.vector_load %arg15[%get3A_174] {strides = array<i32>} : memref<10000xi32, #tpu.memory_space<vmem>>, vector<16xi32>,
      %get3A_176 = arith.index_cast %add3A_173 : i32 to index
      %get3A_177 = tpu.vector_load %arg16[%get3A_176] {strides = array<i32>} : memref<10000xi32, #tpu.memory_space<vmem>>, vector<16xi32>,
      %gather3A_178 = tpu.vector_load_idx %arg11[%get3A_177] : memref<10000xf32, #tpu.memory_space<vmem>>[vector<16xi32>], vector<16xf32>,
      %gather3A_179 = tpu.vector_load_idx %arg11[%get3A_175] : memref<10000xf32, #tpu.memory_space<vmem>>[vector<16xi32>], vector<16xf32>,
      %sub3A_180 = arith.subf %gather3A_178, %gather3A_179 : vector<16xf32>
      %gather3A_181 = tpu.vector_load_idx %arg12[%get3A_177] : memref<10000xf32, #tpu.memory_space<vmem>>[vector<16xi32>], vector<16xf32>,
      %gather3A_182 = tpu.vector_load_idx %arg12[%get3A_175] : memref<10000xf32, #tpu.memory_space<vmem>>[vector<16xi32>], vector<16xf32>,
      %sub3A_183 = arith.subf %gather3A_181, %gather3A_182 : vector<16xf32>
      %gather3A_184 = tpu.vector_load_idx %arg13[%get3A_177] : memref<10000xf32, #tpu.memory_space<vmem>>[vector<16xi32>], vector<16xf32>,
      %gather3A_185 = tpu.vector_load_idx %arg13[%get3A_175] : memref<10000xf32, #tpu.memory_space<vmem>>[vector<16xi32>], vector<16xf32>,
      %sub3A_186 = arith.subf %gather3A_184, %gather3A_185 : vector<16xf32>
      %mul3A_187 = arith.mulf %sub3A_180, %sub3A_180 : vector<16xf32>
      %mul3A_188 = arith.mulf %sub3A_183, %sub3A_183 : vector<16xf32>
      %add3A_189 = arith.addf %mul3A_187, %mul3A_188 : vector<16xf32>
      %mul3A_190 = arith.mulf %sub3A_186, %sub3A_186 : vector<16xf32>
      %add3A_191 = arith.addf %add3A_189, %mul3A_190 : vector<16xf32>
      %add3A_192 = arith.constant 9.99999996E-13 : f32
      %add3A_193 = vector.broadcast %add3A_192 : f32 to vector<16xf32>
      %add3A_194 = arith.addf %add3A_191, %add3A_193 : vector<16xf32>
      %bitcast_convert_type3A_195 = tpu.bitcast %add3A_194 : vector<16xf32> -> vector<16xi32>
      %shift_right_logical3A_196 = arith.constant 1 : i32
      %shift_right_logical3A_197 = vector.broadcast %shift_right_logical3A_196 : i32 to vector<16xi32>
      %shift_right_logical3A_198 = arith.shrui %bitcast_convert_type3A_195, %shift_right_logical3A_197 : vector<16xi32>
      %sub3A_199 = arith.constant 1597463007 : i32
      %sub3A_200 = vector.broadcast %sub3A_199 : i32 to vector<16xi32>
      %sub3A_201 = arith.subi %sub3A_200, %shift_right_logical3A_198 : vector<16xi32>
      %bitcast_convert_type3A_202 = tpu.bitcast %sub3A_201 : vector<16xi32> -> vector<16xf32>
      %mul3A_203 = arith.constant 5.000000e-01 : f32
      %mul3A_204 = vector.broadcast %mul3A_203 : f32 to vector<16xf32>
      %mul3A_205 = arith.mulf %mul3A_204, %add3A_194 : vector<16xf32>
      %mul3A_206 = arith.mulf %mul3A_205, %bitcast_convert_type3A_202 : vector<16xf32>
      %mul3A_207 = arith.mulf %mul3A_206, %bitcast_convert_type3A_202 : vector<16xf32>
      %sub3A_208 = arith.constant 1.500000e+00 : f32
      %sub3A_209 = vector.broadcast %sub3A_208 : f32 to vector<16xf32>
      %sub3A_210 = arith.subf %sub3A_209, %mul3A_207 : vector<16xf32>
      %mul3A_211 = arith.mulf %bitcast_convert_type3A_202, %sub3A_210 : vector<16xf32>
      %mul3A_212 = arith.constant 5.000000e-01 : f32
      %mul3A_213 = vector.broadcast %mul3A_212 : f32 to vector<16xf32>
      %mul3A_214 = arith.mulf %mul3A_213, %add3A_194 : vector<16xf32>
      %mul3A_215 = arith.mulf %mul3A_214, %mul3A_211 : vector<16xf32>
      %mul3A_216 = arith.mulf %mul3A_215, %mul3A_211 : vector<16xf32>
      %sub3A_217 = arith.constant 1.500000e+00 : f32
      %sub3A_218 = vector.broadcast %sub3A_217 : f32 to vector<16xf32>
      %sub3A_219 = arith.subf %sub3A_218, %mul3A_216 : vector<16xf32>
      %mul3A_220 = arith.mulf %mul3A_211, %sub3A_219 : vector<16xf32>
      %mul3A_221 = arith.constant 5.000000e-01 : f32
      %mul3A_222 = vector.broadcast %mul3A_221 : f32 to vector<16xf32>
      %mul3A_223 = arith.mulf %mul3A_222, %add3A_194 : vector<16xf32>
      %mul3A_224 = arith.mulf %mul3A_223, %mul3A_220 : vector<16xf32>
      %mul3A_225 = arith.mulf %mul3A_224, %mul3A_220 : vector<16xf32>
      %sub3A_226 = arith.constant 1.500000e+00 : f32
      %sub3A_227 = vector.broadcast %sub3A_226 : f32 to vector<16xf32>
      %sub3A_228 = arith.subf %sub3A_227, %mul3A_225 : vector<16xf32>
      %mul3A_229 = arith.mulf %mul3A_220, %sub3A_228 : vector<16xf32>
      %mul3A_230 = arith.mulf %add3A_194, %mul3A_229 : vector<16xf32>
      %swap3A_231 = arith.constant 32 : index
      %swap3A_232 = tpu.vector_load %arg23[%swap3A_231] {strides = array<i32>} : memref<96xf32, #tpu.memory_space<vmem>>, vector<16xf32>,
      tpu.vector_store %arg23[%swap3A_231], %mul3A_230 {strides = array<i32>} : memref<96xf32, #tpu.memory_space<vmem>>, vector<16xf32>,
      %mul3A_233 = arith.constant 80 : i32
      %mul3A_234 = arith.muli %add3A_35, %mul3A_233 : i32
      %add3A_235 = arith.constant 48 : i32
      %add3A_236 = arith.addi %mul3A_234, %add3A_235 : i32
      %get3A_237 = arith.index_cast %add3A_236 : i32 to index
      %get3A_238 = tpu.vector_load %arg15[%get3A_237] {strides = array<i32>} : memref<10000xi32, #tpu.memory_space<vmem>>, vector<16xi32>,
      %get3A_239 = arith.index_cast %add3A_236 : i32 to index
      %get3A_240 = tpu.vector_load %arg16[%get3A_239] {strides = array<i32>} : memref<10000xi32, #tpu.memory_space<vmem>>, vector<16xi32>,
      %gather3A_241 = tpu.vector_load_idx %arg11[%get3A_240] : memref<10000xf32, #tpu.memory_space<vmem>>[vector<16xi32>], vector<16xf32>,
      %gather3A_242 = tpu.vector_load_idx %arg11[%get3A_238] : memref<10000xf32, #tpu.memory_space<vmem>>[vector<16xi32>], vector<16xf32>,
      %sub3A_243 = arith.subf %gather3A_241, %gather3A_242 : vector<16xf32>
      %gather3A_244 = tpu.vector_load_idx %arg12[%get3A_240] : memref<10000xf32, #tpu.memory_space<vmem>>[vector<16xi32>], vector<16xf32>,
      %gather3A_245 = tpu.vector_load_idx %arg12[%get3A_238] : memref<10000xf32, #tpu.memory_space<vmem>>[vector<16xi32>], vector<16xf32>,
      %sub3A_246 = arith.subf %gather3A_244, %gather3A_245 : vector<16xf32>
      %gather3A_247 = tpu.vector_load_idx %arg13[%get3A_240] : memref<10000xf32, #tpu.memory_space<vmem>>[vector<16xi32>], vector<16xf32>,
      %gather3A_248 = tpu.vector_load_idx %arg13[%get3A_238] : memref<10000xf32, #tpu.memory_space<vmem>>[vector<16xi32>], vector<16xf32>,
      %sub3A_249 = arith.subf %gather3A_247, %gather3A_248 : vector<16xf32>
      %mul3A_250 = arith.mulf %sub3A_243, %sub3A_243 : vector<16xf32>
      %mul3A_251 = arith.mulf %sub3A_246, %sub3A_246 : vector<16xf32>
      %add3A_252 = arith.addf %mul3A_250, %mul3A_251 : vector<16xf32>
      %mul3A_253 = arith.mulf %sub3A_249, %sub3A_249 : vector<16xf32>
      %add3A_254 = arith.addf %add3A_252, %mul3A_253 : vector<16xf32>
      %add3A_255 = arith.constant 9.99999996E-13 : f32
      %add3A_256 = vector.broadcast %add3A_255 : f32 to vector<16xf32>
      %add3A_257 = arith.addf %add3A_254, %add3A_256 : vector<16xf32>
      %bitcast_convert_type3A_258 = tpu.bitcast %add3A_257 : vector<16xf32> -> vector<16xi32>
      %shift_right_logical3A_259 = arith.constant 1 : i32
      %shift_right_logical3A_260 = vector.broadcast %shift_right_logical3A_259 : i32 to vector<16xi32>
      %shift_right_logical3A_261 = arith.shrui %bitcast_convert_type3A_258, %shift_right_logical3A_260 : vector<16xi32>
      %sub3A_262 = arith.constant 1597463007 : i32
      %sub3A_263 = vector.broadcast %sub3A_262 : i32 to vector<16xi32>
      %sub3A_264 = arith.subi %sub3A_263, %shift_right_logical3A_261 : vector<16xi32>
      %bitcast_convert_type3A_265 = tpu.bitcast %sub3A_264 : vector<16xi32> -> vector<16xf32>
      %mul3A_266 = arith.constant 5.000000e-01 : f32
      %mul3A_267 = vector.broadcast %mul3A_266 : f32 to vector<16xf32>
      %mul3A_268 = arith.mulf %mul3A_267, %add3A_257 : vector<16xf32>
      %mul3A_269 = arith.mulf %mul3A_268, %bitcast_convert_type3A_265 : vector<16xf32>
      %mul3A_270 = arith.mulf %mul3A_269, %bitcast_convert_type3A_265 : vector<16xf32>
      %sub3A_271 = arith.constant 1.500000e+00 : f32
      %sub3A_272 = vector.broadcast %sub3A_271 : f32 to vector<16xf32>
      %sub3A_273 = arith.subf %sub3A_272, %mul3A_270 : vector<16xf32>
      %mul3A_274 = arith.mulf %bitcast_convert_type3A_265, %sub3A_273 : vector<16xf32>
      %mul3A_275 = arith.constant 5.000000e-01 : f32
      %mul3A_276 = vector.broadcast %mul3A_275 : f32 to vector<16xf32>
      %mul3A_277 = arith.mulf %mul3A_276, %add3A_257 : vector<16xf32>
      %mul3A_278 = arith.mulf %mul3A_277, %mul3A_274 : vector<16xf32>
      %mul3A_279 = arith.mulf %mul3A_278, %mul3A_274 : vector<16xf32>
      %sub3A_280 = arith.constant 1.500000e+00 : f32
      %sub3A_281 = vector.broadcast %sub3A_280 : f32 to vector<16xf32>
      %sub3A_282 = arith.subf %sub3A_281, %mul3A_279 : vector<16xf32>
      %mul3A_283 = arith.mulf %mul3A_274, %sub3A_282 : vector<16xf32>
      %mul3A_284 = arith.constant 5.000000e-01 : f32
      %mul3A_285 = vector.broadcast %mul3A_284 : f32 to vector<16xf32>
      %mul3A_286 = arith.mulf %mul3A_285, %add3A_257 : vector<16xf32>
      %mul3A_287 = arith.mulf %mul3A_286, %mul3A_283 : vector<16xf32>
      %mul3A_288 = arith.mulf %mul3A_287, %mul3A_283 : vector<16xf32>
      %sub3A_289 = arith.constant 1.500000e+00 : f32
      %sub3A_290 = vector.broadcast %sub3A_289 : f32 to vector<16xf32>
      %sub3A_291 = arith.subf %sub3A_290, %mul3A_288 : vector<16xf32>
      %mul3A_292 = arith.mulf %mul3A_283, %sub3A_291 : vector<16xf32>
      %mul3A_293 = arith.mulf %add3A_257, %mul3A_292 : vector<16xf32>
      %swap3A_294 = arith.constant 48 : index
      %swap3A_295 = tpu.vector_load %arg23[%swap3A_294] {strides = array<i32>} : memref<96xf32, #tpu.memory_space<vmem>>, vector<16xf32>,
      tpu.vector_store %arg23[%swap3A_294], %mul3A_293 {strides = array<i32>} : memref<96xf32, #tpu.memory_space<vmem>>, vector<16xf32>,
      %mul3A_296 = arith.constant 80 : i32
      %mul3A_297 = arith.muli %add3A_35, %mul3A_296 : i32
      %add3A_298 = arith.constant 64 : i32
      %add3A_299 = arith.addi %mul3A_297, %add3A_298 : i32
      %get3A_300 = arith.index_cast %add3A_299 : i32 to index
      %get3A_301 = tpu.vector_load %arg15[%get3A_300] {strides = array<i32>} : memref<10000xi32, #tpu.memory_space<vmem>>, vector<16xi32>,
      %get3A_302 = arith.index_cast %add3A_299 : i32 to index
      %get3A_303 = tpu.vector_load %arg16[%get3A_302] {strides = array<i32>} : memref<10000xi32, #tpu.memory_space<vmem>>, vector<16xi32>,
      %gather3A_304 = tpu.vector_load_idx %arg11[%get3A_303] : memref<10000xf32, #tpu.memory_space<vmem>>[vector<16xi32>], vector<16xf32>,
      %gather3A_305 = tpu.vector_load_idx %arg11[%get3A_301] : memref<10000xf32, #tpu.memory_space<vmem>>[vector<16xi32>], vector<16xf32>,
      %sub3A_306 = arith.subf %gather3A_304, %gather3A_305 : vector<16xf32>
      %gather3A_307 = tpu.vector_load_idx %arg12[%get3A_303] : memref<10000xf32, #tpu.memory_space<vmem>>[vector<16xi32>], vector<16xf32>,
      %gather3A_308 = tpu.vector_load_idx %arg12[%get3A_301] : memref<10000xf32, #tpu.memory_space<vmem>>[vector<16xi32>], vector<16xf32>,
      %sub3A_309 = arith.subf %gather3A_307, %gather3A_308 : vector<16xf32>
      %gather3A_310 = tpu.vector_load_idx %arg13[%get3A_303] : memref<10000xf32, #tpu.memory_space<vmem>>[vector<16xi32>], vector<16xf32>,
      %gather3A_311 = tpu.vector_load_idx %arg13[%get3A_301] : memref<10000xf32, #tpu.memory_space<vmem>>[vector<16xi32>], vector<16xf32>,
      %sub3A_312 = arith.subf %gather3A_310, %gather3A_311 : vector<16xf32>
      %mul3A_313 = arith.mulf %sub3A_306, %sub3A_306 : vector<16xf32>
      %mul3A_314 = arith.mulf %sub3A_309, %sub3A_309 : vector<16xf32>
      %add3A_315 = arith.addf %mul3A_313, %mul3A_314 : vector<16xf32>
      %mul3A_316 = arith.mulf %sub3A_312, %sub3A_312 : vector<16xf32>
      %add3A_317 = arith.addf %add3A_315, %mul3A_316 : vector<16xf32>
      %add3A_318 = arith.constant 9.99999996E-13 : f32
      %add3A_319 = vector.broadcast %add3A_318 : f32 to vector<16xf32>
      %add3A_320 = arith.addf %add3A_317, %add3A_319 : vector<16xf32>
      %bitcast_convert_type3A_321 = tpu.bitcast %add3A_320 : vector<16xf32> -> vector<16xi32>
      %shift_right_logical3A_322 = arith.constant 1 : i32
      %shift_right_logical3A_323 = vector.broadcast %shift_right_logical3A_322 : i32 to vector<16xi32>
      %shift_right_logical3A_324 = arith.shrui %bitcast_convert_type3A_321, %shift_right_logical3A_323 : vector<16xi32>
      %sub3A_325 = arith.constant 1597463007 : i32
      %sub3A_326 = vector.broadcast %sub3A_325 : i32 to vector<16xi32>
      %sub3A_327 = arith.subi %sub3A_326, %shift_right_logical3A_324 : vector<16xi32>
      %bitcast_convert_type3A_328 = tpu.bitcast %sub3A_327 : vector<16xi32> -> vector<16xf32>
      %mul3A_329 = arith.constant 5.000000e-01 : f32
      %mul3A_330 = vector.broadcast %mul3A_329 : f32 to vector<16xf32>
      %mul3A_331 = arith.mulf %mul3A_330, %add3A_320 : vector<16xf32>
      %mul3A_332 = arith.mulf %mul3A_331, %bitcast_convert_type3A_328 : vector<16xf32>
      %mul3A_333 = arith.mulf %mul3A_332, %bitcast_convert_type3A_328 : vector<16xf32>
      %sub3A_334 = arith.constant 1.500000e+00 : f32
      %sub3A_335 = vector.broadcast %sub3A_334 : f32 to vector<16xf32>
      %sub3A_336 = arith.subf %sub3A_335, %mul3A_333 : vector<16xf32>
      %mul3A_337 = arith.mulf %bitcast_convert_type3A_328, %sub3A_336 : vector<16xf32>
      %mul3A_338 = arith.constant 5.000000e-01 : f32
      %mul3A_339 = vector.broadcast %mul3A_338 : f32 to vector<16xf32>
      %mul3A_340 = arith.mulf %mul3A_339, %add3A_320 : vector<16xf32>
      %mul3A_341 = arith.mulf %mul3A_340, %mul3A_337 : vector<16xf32>
      %mul3A_342 = arith.mulf %mul3A_341, %mul3A_337 : vector<16xf32>
      %sub3A_343 = arith.constant 1.500000e+00 : f32
      %sub3A_344 = vector.broadcast %sub3A_343 : f32 to vector<16xf32>
      %sub3A_345 = arith.subf %sub3A_344, %mul3A_342 : vector<16xf32>
      %mul3A_346 = arith.mulf %mul3A_337, %sub3A_345 : vector<16xf32>
      %mul3A_347 = arith.constant 5.000000e-01 : f32
      %mul3A_348 = vector.broadcast %mul3A_347 : f32 to vector<16xf32>
      %mul3A_349 = arith.mulf %mul3A_348, %add3A_320 : vector<16xf32>
      %mul3A_350 = arith.mulf %mul3A_349, %mul3A_346 : vector<16xf32>
      %mul3A_351 = arith.mulf %mul3A_350, %mul3A_346 : vector<16xf32>
      %sub3A_352 = arith.constant 1.500000e+00 : f32
      %sub3A_353 = vector.broadcast %sub3A_352 : f32 to vector<16xf32>
      %sub3A_354 = arith.subf %sub3A_353, %mul3A_351 : vector<16xf32>
      %mul3A_355 = arith.mulf %mul3A_346, %sub3A_354 : vector<16xf32>
      %mul3A_356 = arith.mulf %add3A_320, %mul3A_355 : vector<16xf32>
      %swap3A_357 = arith.constant 64 : index
      %swap3A_358 = tpu.vector_load %arg23[%swap3A_357] {strides = array<i32>} : memref<96xf32, #tpu.memory_space<vmem>>, vector<16xf32>,
      tpu.vector_store %arg23[%swap3A_357], %mul3A_356 {strides = array<i32>} : memref<96xf32, #tpu.memory_space<vmem>>, vector<16xf32>,
      %scan3A_359 = arith.constant 0 : i32
      %scan3A_360 = arith.constant 80 : i32
      %scan3A_361 = arith.addi %scan3A_359, %scan3A_360 : i32
      %scan3A_362 = arith.constant 1 : i32
      scf.for %scan3A_381 = %scan3A_359 to %scan3A_361 step %scan3A_362  : i32 {
        %mul3A_382 = arith.constant 1 : i32
        %mul3A_383 = arith.muli %scan3A_381, %mul3A_382 : i32
        %add3A_384 = arith.constant 0 : i32
        %add3A_385 = arith.addi %add3A_384, %mul3A_383 : i32
        %get3A_386 = arith.index_cast %add3A_385 : i32 to index
        %get3A_387 = tpu.vector_load %arg23[%get3A_386] {strides = array<i32>} : memref<96xf32, #tpu.memory_space<vmem>>, vector<16xf32>,
        %slice3A = vector.extract_strided_slice %get3A_387 {offsets = [0], sizes = [1], strides = [1]} : vector<16xf32> to vector<1xf32>
        %squeeze3A = vector.extract %slice3A[0] : f32 from vector<1xf32>
        %get3A_388 = arith.index_cast %add3A_385 : i32 to index
        %get3A_389 = arith.constant 0 : index
        %get3A_390 = tpu.vector_load %arg17[%get3A_388, %get3A_389] {strides = array<i32>} : memref<80x128xf32, #tpu.memory_space<vmem>>, vector<16xf32>,
        %get3A_391 = arith.index_cast %add3A_385 : i32 to index
        %get3A_392 = arith.constant 0 : index
        %get3A_393 = tpu.vector_load %arg19[%get3A_391, %get3A_392] {strides = array<i32>} : memref<80x128xf32, #tpu.memory_space<vmem>>, vector<16xf32>,
        %add3A_394 = arith.addf %get3A_390, %get3A_393 : vector<16xf32>
        %mul3A_395 = vector.broadcast %squeeze3A : f32 to vector<16xf32>
        %mul3A_396 = arith.mulf %mul3A_395, %get3A_3 : vector<16xf32>
        %add3A_397 = arith.addf %add3A_394, %mul3A_396 : vector<16xf32>
        %swap3A_398 = arith.index_cast %add3A_385 : i32 to index
        %swap3A_399 = arith.constant 0 : index
        %swap3A_400 = tpu.vector_load %arg21[%swap3A_398, %swap3A_399] {strides = array<i32>} : memref<80x128xf32, #tpu.memory_space<vmem>>, vector<16xf32>,
        tpu.vector_store %arg21[%swap3A_398, %swap3A_399], %add3A_397 {strides = array<i32>} : memref<80x128xf32, #tpu.memory_space<vmem>>, vector<16xf32>,
        %get3A_401 = arith.index_cast %add3A_385 : i32 to index
        %get3A_402 = arith.constant 16 : index
        %get3A_403 = tpu.vector_load %arg17[%get3A_401, %get3A_402] {strides = array<i32>} : memref<80x128xf32, #tpu.memory_space<vmem>>, vector<16xf32>,
        %get3A_404 = arith.index_cast %add3A_385 : i32 to index
        %get3A_405 = arith.constant 16 : index
        %get3A_406 = tpu.vector_load %arg19[%get3A_404, %get3A_405] {strides = array<i32>} : memref<80x128xf32, #tpu.memory_space<vmem>>, vector<16xf32>,
        %add3A_407 = arith.addf %get3A_403, %get3A_406 : vector<16xf32>
        %mul3A_408 = vector.broadcast %squeeze3A : f32 to vector<16xf32>
        %mul3A_409 = arith.mulf %mul3A_408, %get3A_5 : vector<16xf32>
        %add3A_410 = arith.addf %add3A_407, %mul3A_409 : vector<16xf32>
        %swap3A_411 = arith.index_cast %add3A_385 : i32 to index
        %swap3A_412 = arith.constant 16 : index
        %swap3A_413 = tpu.vector_load %arg21[%swap3A_411, %swap3A_412] {strides = array<i32>} : memref<80x128xf32, #tpu.memory_space<vmem>>, vector<16xf32>,
        tpu.vector_store %arg21[%swap3A_411, %swap3A_412], %add3A_410 {strides = array<i32>} : memref<80x128xf32, #tpu.memory_space<vmem>>, vector<16xf32>,
        %get3A_414 = arith.index_cast %add3A_385 : i32 to index
        %get3A_415 = arith.constant 32 : index
        %get3A_416 = tpu.vector_load %arg17[%get3A_414, %get3A_415] {strides = array<i32>} : memref<80x128xf32, #tpu.memory_space<vmem>>, vector<16xf32>,
        %get3A_417 = arith.index_cast %add3A_385 : i32 to index
        %get3A_418 = arith.constant 32 : index
        %get3A_419 = tpu.vector_load %arg19[%get3A_417, %get3A_418] {strides = array<i32>} : memref<80x128xf32, #tpu.memory_space<vmem>>, vector<16xf32>,
        %add3A_420 = arith.addf %get3A_416, %get3A_419 : vector<16xf32>
        %mul3A_421 = vector.broadcast %squeeze3A : f32 to vector<16xf32>
        %mul3A_422 = arith.mulf %mul3A_421, %get3A_7 : vector<16xf32>
        %add3A_423 = arith.addf %add3A_420, %mul3A_422 : vector<16xf32>
        %swap3A_424 = arith.index_cast %add3A_385 : i32 to index
        %swap3A_425 = arith.constant 32 : index
        %swap3A_426 = tpu.vector_load %arg21[%swap3A_424, %swap3A_425] {strides = array<i32>} : memref<80x128xf32, #tpu.memory_space<vmem>>, vector<16xf32>,
        tpu.vector_store %arg21[%swap3A_424, %swap3A_425], %add3A_423 {strides = array<i32>} : memref<80x128xf32, #tpu.memory_space<vmem>>, vector<16xf32>,
        %get3A_427 = arith.index_cast %add3A_385 : i32 to index
        %get3A_428 = arith.constant 48 : index
        %get3A_429 = tpu.vector_load %arg17[%get3A_427, %get3A_428] {strides = array<i32>} : memref<80x128xf32, #tpu.memory_space<vmem>>, vector<16xf32>,
        %get3A_430 = arith.index_cast %add3A_385 : i32 to index
        %get3A_431 = arith.constant 48 : index
        %get3A_432 = tpu.vector_load %arg19[%get3A_430, %get3A_431] {strides = array<i32>} : memref<80x128xf32, #tpu.memory_space<vmem>>, vector<16xf32>,
        %add3A_433 = arith.addf %get3A_429, %get3A_432 : vector<16xf32>
        %mul3A_434 = vector.broadcast %squeeze3A : f32 to vector<16xf32>
        %mul3A_435 = arith.mulf %mul3A_434, %get3A_9 : vector<16xf32>
        %add3A_436 = arith.addf %add3A_433, %mul3A_435 : vector<16xf32>
        %swap3A_437 = arith.index_cast %add3A_385 : i32 to index
        %swap3A_438 = arith.constant 48 : index
        %swap3A_439 = tpu.vector_load %arg21[%swap3A_437, %swap3A_438] {strides = array<i32>} : memref<80x128xf32, #tpu.memory_space<vmem>>, vector<16xf32>,
        tpu.vector_store %arg21[%swap3A_437, %swap3A_438], %add3A_436 {strides = array<i32>} : memref<80x128xf32, #tpu.memory_space<vmem>>, vector<16xf32>,
        %get3A_440 = arith.index_cast %add3A_385 : i32 to index
        %get3A_441 = arith.constant 64 : index
        %get3A_442 = tpu.vector_load %arg17[%get3A_440, %get3A_441] {strides = array<i32>} : memref<80x128xf32, #tpu.memory_space<vmem>>, vector<16xf32>,
        %get3A_443 = arith.index_cast %add3A_385 : i32 to index
        %get3A_444 = arith.constant 64 : index
        %get3A_445 = tpu.vector_load %arg19[%get3A_443, %get3A_444] {strides = array<i32>} : memref<80x128xf32, #tpu.memory_space<vmem>>, vector<16xf32>,
        %add3A_446 = arith.addf %get3A_442, %get3A_445 : vector<16xf32>
        %mul3A_447 = vector.broadcast %squeeze3A : f32 to vector<16xf32>
        %mul3A_448 = arith.mulf %mul3A_447, %get3A_11 : vector<16xf32>
        %add3A_449 = arith.addf %add3A_446, %mul3A_448 : vector<16xf32>
        %swap3A_450 = arith.index_cast %add3A_385 : i32 to index
        %swap3A_451 = arith.constant 64 : index
        %swap3A_452 = tpu.vector_load %arg21[%swap3A_450, %swap3A_451] {strides = array<i32>} : memref<80x128xf32, #tpu.memory_space<vmem>>, vector<16xf32>,
        tpu.vector_store %arg21[%swap3A_450, %swap3A_451], %add3A_449 {strides = array<i32>} : memref<80x128xf32, #tpu.memory_space<vmem>>, vector<16xf32>,
        %get3A_453 = arith.index_cast %add3A_385 : i32 to index
        %get3A_454 = arith.constant 80 : index
        %get3A_455 = tpu.vector_load %arg17[%get3A_453, %get3A_454] {strides = array<i32>} : memref<80x128xf32, #tpu.memory_space<vmem>>, vector<16xf32>,
        %get3A_456 = arith.index_cast %add3A_385 : i32 to index
        %get3A_457 = arith.constant 80 : index
        %get3A_458 = tpu.vector_load %arg19[%get3A_456, %get3A_457] {strides = array<i32>} : memref<80x128xf32, #tpu.memory_space<vmem>>, vector<16xf32>,
        %add3A_459 = arith.addf %get3A_455, %get3A_458 : vector<16xf32>
        %mul3A_460 = vector.broadcast %squeeze3A : f32 to vector<16xf32>
        %mul3A_461 = arith.mulf %mul3A_460, %get3A_13 : vector<16xf32>
        %add3A_462 = arith.addf %add3A_459, %mul3A_461 : vector<16xf32>
        %swap3A_463 = arith.index_cast %add3A_385 : i32 to index
        %swap3A_464 = arith.constant 80 : index
        %swap3A_465 = tpu.vector_load %arg21[%swap3A_463, %swap3A_464] {strides = array<i32>} : memref<80x128xf32, #tpu.memory_space<vmem>>, vector<16xf32>,
        tpu.vector_store %arg21[%swap3A_463, %swap3A_464], %add3A_462 {strides = array<i32>} : memref<80x128xf32, #tpu.memory_space<vmem>>, vector<16xf32>,
        %get3A_466 = arith.index_cast %add3A_385 : i32 to index
        %get3A_467 = arith.constant 96 : index
        %get3A_468 = tpu.vector_load %arg17[%get3A_466, %get3A_467] {strides = array<i32>} : memref<80x128xf32, #tpu.memory_space<vmem>>, vector<16xf32>,
        %get3A_469 = arith.index_cast %add3A_385 : i32 to index
        %get3A_470 = arith.constant 96 : index
        %get3A_471 = tpu.vector_load %arg19[%get3A_469, %get3A_470] {strides = array<i32>} : memref<80x128xf32, #tpu.memory_space<vmem>>, vector<16xf32>,
        %add3A_472 = arith.addf %get3A_468, %get3A_471 : vector<16xf32>
        %mul3A_473 = vector.broadcast %squeeze3A : f32 to vector<16xf32>
        %mul3A_474 = arith.mulf %mul3A_473, %get3A_15 : vector<16xf32>
        %add3A_475 = arith.addf %add3A_472, %mul3A_474 : vector<16xf32>
        %swap3A_476 = arith.index_cast %add3A_385 : i32 to index
        %swap3A_477 = arith.constant 96 : index
        %swap3A_478 = tpu.vector_load %arg21[%swap3A_476, %swap3A_477] {strides = array<i32>} : memref<80x128xf32, #tpu.memory_space<vmem>>, vector<16xf32>,
        tpu.vector_store %arg21[%swap3A_476, %swap3A_477], %add3A_475 {strides = array<i32>} : memref<80x128xf32, #tpu.memory_space<vmem>>, vector<16xf32>,
        %get3A_479 = arith.index_cast %add3A_385 : i32 to index
        %get3A_480 = arith.constant 112 : index
        %get3A_481 = tpu.vector_load %arg17[%get3A_479, %get3A_480] {strides = array<i32>} : memref<80x128xf32, #tpu.memory_space<vmem>>, vector<16xf32>,
        %get3A_482 = arith.index_cast %add3A_385 : i32 to index
        %get3A_483 = arith.constant 112 : index
        %get3A_484 = tpu.vector_load %arg19[%get3A_482, %get3A_483] {strides = array<i32>} : memref<80x128xf32, #tpu.memory_space<vmem>>, vector<16xf32>,
        %add3A_485 = arith.addf %get3A_481, %get3A_484 : vector<16xf32>
        %mul3A_486 = vector.broadcast %squeeze3A : f32 to vector<16xf32>
        %mul3A_487 = arith.mulf %mul3A_486, %get3A_17 : vector<16xf32>
        %add3A_488 = arith.addf %add3A_485, %mul3A_487 : vector<16xf32>
        %swap3A_489 = arith.index_cast %add3A_385 : i32 to index
        %swap3A_490 = arith.constant 112 : index
        %swap3A_491 = tpu.vector_load %arg21[%swap3A_489, %swap3A_490] {strides = array<i32>} : memref<80x128xf32, #tpu.memory_space<vmem>>, vector<16xf32>,
        tpu.vector_store %arg21[%swap3A_489, %swap3A_490], %add3A_488 {strides = array<i32>} : memref<80x128xf32, #tpu.memory_space<vmem>>, vector<16xf32>,
      }
      %scan3A_363 = arith.constant 80 : i32
      %mul3A_364 = arith.constant 80 : i32
      %mul3A_365 = arith.muli %add3A_35, %mul3A_364 : i32
      %add3A_366 = arith.addi %mul3A_2, %mul3A_365 : i32
      "tpu.region"() ({
        %run_scoped3A = tpu.sem_alloc : memref<!tpu.dma_semaphore, #tpu.memory_space<semaphore_mem>>
        %dma_start3A_381 = arith.constant 0 : i32
        %dma_start3A_382 = tpu.memref_slice %arg10[%add3A_366, %dma_start3A_381] : memref<320000x128xf32, #tpu.memory_space<hbm>> -> memref<80x128xf32, #tpu.memory_space<hbm>>
        %dma_start3A_383 = arith.constant 0 : i32
        %dma_start3A_384 = tpu.memref_slice %arg10[%add3A_366, %dma_start3A_383] : memref<320000x128xf32, #tpu.memory_space<hbm>> -> memref<80x128xf32, #tpu.memory_space<hbm>>
        tpu.enqueue_dma source(%arg21 : memref<80x128xf32, #tpu.memory_space<vmem>>) target(%dma_start3A_384 : memref<80x128xf32, #tpu.memory_space<hbm>>) target_semaphore(%run_scoped3A : memref<!tpu.dma_semaphore, #tpu.memory_space<semaphore_mem>>)
        %dma_wait3A_385 = arith.constant 0 : i32
        %dma_wait3A_386 = tpu.memref_slice %arg10[%add3A_366, %dma_wait3A_385] : memref<320000x128xf32, #tpu.memory_space<hbm>> -> memref<80x128xf32, #tpu.memory_space<hbm>>
        %dma_wait3A_387 = arith.constant 0 : i32
        %dma_wait3A_388 = tpu.memref_slice %arg10[%add3A_366, %dma_wait3A_387] : memref<320000x128xf32, #tpu.memory_space<hbm>> -> memref<80x128xf32, #tpu.memory_space<hbm>>
        tpu.wait_dma2 semaphore(%run_scoped3A : memref<!tpu.dma_semaphore, #tpu.memory_space<semaphore_mem>>) src(%arg21 : memref<80x128xf32, #tpu.memory_space<vmem>>) dst(%dma_wait3A_388 : memref<80x128xf32, #tpu.memory_space<hbm>>)
        tpu.yield
      }) : () -> ()
      %add3A_367 = arith.constant 2 : i32
      %add3A_368 = arith.addi %add3A_35, %add3A_367 : i32
      %lt3A_369 = arith.constant 125 : i32
      %lt3A_370 = arith.cmpi slt, %add3A_368, %lt3A_369 : i32
      %convert_element_type3A_371 = arith.extui %lt3A_370 : i1 to i32
      %cond3A_372 = arith.constant 0 : i32
      %cond3A_373 = arith.cmpi ne, %convert_element_type3A_371, %cond3A_372 : i32
      scf.if %cond3A_373 {
        %add3A_381 = arith.constant 2 : i32
        %add3A_382 = arith.addi %add3A_35, %add3A_381 : i32
        %mul3A_383 = arith.constant 80 : i32
        %mul3A_384 = arith.muli %add3A_382, %mul3A_383 : i32
        %dma_start3A_385 = tpu.memref_slice %arg15[%mul3A_384] : memref<10000xi32, #tpu.memory_space<vmem>> -> memref<80xi32, #tpu.memory_space<vmem>>
        %dma_start3A_386 = arith.constant 0 : i32
        %dma_start3A_387 = arith.constant 0 : i32
        %dma_start3A_388 = tpu.memref_slice %arg2[%dma_start3A_386, %dma_start3A_387] : memref<10000x128xf32, #tpu.memory_space<hbm>> -> memref<10000x128xf32, #tpu.memory_space<hbm>>
        tpu.enqueue_indirect_dma source(%dma_start3A_388 : memref<10000x128xf32, #tpu.memory_space<hbm>>) target(%arg17 : memref<80x128xf32, #tpu.memory_space<vmem>>) offsets(%dma_start3A_385 : memref<80xi32, #tpu.memory_space<vmem>>) semaphore(%arg24 : memref<!tpu.dma_semaphore, #tpu.memory_space<semaphore_mem>>)
        %dma_start3A_389 = tpu.memref_slice %arg16[%mul3A_384] : memref<10000xi32, #tpu.memory_space<vmem>> -> memref<80xi32, #tpu.memory_space<vmem>>
        %dma_start3A_390 = arith.constant 0 : i32
        %dma_start3A_391 = arith.constant 0 : i32
        %dma_start3A_392 = tpu.memref_slice %arg3[%dma_start3A_390, %dma_start3A_391] : memref<10000x128xf32, #tpu.memory_space<hbm>> -> memref<10000x128xf32, #tpu.memory_space<hbm>>
        tpu.enqueue_indirect_dma source(%dma_start3A_392 : memref<10000x128xf32, #tpu.memory_space<hbm>>) target(%arg19 : memref<80x128xf32, #tpu.memory_space<vmem>>) offsets(%dma_start3A_389 : memref<80xi32, #tpu.memory_space<vmem>>) semaphore(%arg26 : memref<!tpu.dma_semaphore, #tpu.memory_space<semaphore_mem>>)
      } else {
      }
      %add3A_374 = arith.constant 1 : i32
      %add3A_375 = arith.addi %add3A_35, %add3A_374 : i32
      %lt3A_376 = arith.constant 125 : i32
      %lt3A_377 = arith.cmpi slt, %add3A_375, %lt3A_376 : i32
      %convert_element_type3A_378 = arith.extui %lt3A_377 : i1 to i32
      %cond3A_379 = arith.constant 0 : i32
      %cond3A_380 = arith.cmpi ne, %convert_element_type3A_378, %cond3A_379 : i32
      scf.if %cond3A_380 {
        %dma_wait3A_381 = arith.constant 0 : i32
        %dma_wait3A_382 = tpu.memref_slice %arg15[%dma_wait3A_381] : memref<10000xi32, #tpu.memory_space<vmem>> -> memref<80xi32, #tpu.memory_space<vmem>>
        %dma_wait3A_383 = arith.constant 0 : i32
        %dma_wait3A_384 = arith.constant 0 : i32
        %dma_wait3A_385 = tpu.memref_slice %arg2[%dma_wait3A_383, %dma_wait3A_384] : memref<10000x128xf32, #tpu.memory_space<hbm>> -> memref<10000x128xf32, #tpu.memory_space<hbm>>
        tpu.wait_indirect_dma semaphore(%arg25 : memref<!tpu.dma_semaphore, #tpu.memory_space<semaphore_mem>>) src(%dma_wait3A_385 : memref<10000x128xf32, #tpu.memory_space<hbm>>) dst(%arg18 : memref<80x128xf32, #tpu.memory_space<vmem>>)
        %dma_wait3A_386 = arith.constant 0 : i32
        %dma_wait3A_387 = tpu.memref_slice %arg16[%dma_wait3A_386] : memref<10000xi32, #tpu.memory_space<vmem>> -> memref<80xi32, #tpu.memory_space<vmem>>
        %dma_wait3A_388 = arith.constant 0 : i32
        %dma_wait3A_389 = arith.constant 0 : i32
        %dma_wait3A_390 = tpu.memref_slice %arg3[%dma_wait3A_388, %dma_wait3A_389] : memref<10000x128xf32, #tpu.memory_space<hbm>> -> memref<10000x128xf32, #tpu.memory_space<hbm>>
        tpu.wait_indirect_dma semaphore(%arg27 : memref<!tpu.dma_semaphore, #tpu.memory_space<semaphore_mem>>) src(%dma_wait3A_390 : memref<10000x128xf32, #tpu.memory_space<hbm>>) dst(%arg20 : memref<80x128xf32, #tpu.memory_space<vmem>>)
        %add3A_391 = arith.constant 1 : i32
        %add3A_392 = arith.addi %add3A_35, %add3A_391 : i32
        %mul3A_393 = arith.constant 80 : i32
        %mul3A_394 = arith.muli %add3A_392, %mul3A_393 : i32
        %add3A_395 = arith.constant 0 : i32
        %add3A_396 = arith.addi %mul3A_394, %add3A_395 : i32
        %get3A_397 = arith.index_cast %add3A_396 : i32 to index
        %get3A_398 = tpu.vector_load %arg15[%get3A_397] {strides = array<i32>} : memref<10000xi32, #tpu.memory_space<vmem>>, vector<16xi32>,
        %get3A_399 = arith.index_cast %add3A_396 : i32 to index
        %get3A_400 = tpu.vector_load %arg16[%get3A_399] {strides = array<i32>} : memref<10000xi32, #tpu.memory_space<vmem>>, vector<16xi32>,
        %gather3A_401 = tpu.vector_load_idx %arg11[%get3A_400] : memref<10000xf32, #tpu.memory_space<vmem>>[vector<16xi32>], vector<16xf32>,
        %gather3A_402 = tpu.vector_load_idx %arg11[%get3A_398] : memref<10000xf32, #tpu.memory_space<vmem>>[vector<16xi32>], vector<16xf32>,
        %sub3A_403 = arith.subf %gather3A_401, %gather3A_402 : vector<16xf32>
        %gather3A_404 = tpu.vector_load_idx %arg12[%get3A_400] : memref<10000xf32, #tpu.memory_space<vmem>>[vector<16xi32>], vector<16xf32>,
        %gather3A_405 = tpu.vector_load_idx %arg12[%get3A_398] : memref<10000xf32, #tpu.memory_space<vmem>>[vector<16xi32>], vector<16xf32>,
        %sub3A_406 = arith.subf %gather3A_404, %gather3A_405 : vector<16xf32>
        %gather3A_407 = tpu.vector_load_idx %arg13[%get3A_400] : memref<10000xf32, #tpu.memory_space<vmem>>[vector<16xi32>], vector<16xf32>,
        %gather3A_408 = tpu.vector_load_idx %arg13[%get3A_398] : memref<10000xf32, #tpu.memory_space<vmem>>[vector<16xi32>], vector<16xf32>,
        %sub3A_409 = arith.subf %gather3A_407, %gather3A_408 : vector<16xf32>
        %mul3A_410 = arith.mulf %sub3A_403, %sub3A_403 : vector<16xf32>
        %mul3A_411 = arith.mulf %sub3A_406, %sub3A_406 : vector<16xf32>
        %add3A_412 = arith.addf %mul3A_410, %mul3A_411 : vector<16xf32>
        %mul3A_413 = arith.mulf %sub3A_409, %sub3A_409 : vector<16xf32>
        %add3A_414 = arith.addf %add3A_412, %mul3A_413 : vector<16xf32>
        %add3A_415 = arith.constant 9.99999996E-13 : f32
        %add3A_416 = vector.broadcast %add3A_415 : f32 to vector<16xf32>
        %add3A_417 = arith.addf %add3A_414, %add3A_416 : vector<16xf32>
        %bitcast_convert_type3A_418 = tpu.bitcast %add3A_417 : vector<16xf32> -> vector<16xi32>
        %shift_right_logical3A_419 = arith.constant 1 : i32
        %shift_right_logical3A_420 = vector.broadcast %shift_right_logical3A_419 : i32 to vector<16xi32>
        %shift_right_logical3A_421 = arith.shrui %bitcast_convert_type3A_418, %shift_right_logical3A_420 : vector<16xi32>
        %sub3A_422 = arith.constant 1597463007 : i32
        %sub3A_423 = vector.broadcast %sub3A_422 : i32 to vector<16xi32>
        %sub3A_424 = arith.subi %sub3A_423, %shift_right_logical3A_421 : vector<16xi32>
        %bitcast_convert_type3A_425 = tpu.bitcast %sub3A_424 : vector<16xi32> -> vector<16xf32>
        %mul3A_426 = arith.constant 5.000000e-01 : f32
        %mul3A_427 = vector.broadcast %mul3A_426 : f32 to vector<16xf32>
        %mul3A_428 = arith.mulf %mul3A_427, %add3A_417 : vector<16xf32>
        %mul3A_429 = arith.mulf %mul3A_428, %bitcast_convert_type3A_425 : vector<16xf32>
        %mul3A_430 = arith.mulf %mul3A_429, %bitcast_convert_type3A_425 : vector<16xf32>
        %sub3A_431 = arith.constant 1.500000e+00 : f32
        %sub3A_432 = vector.broadcast %sub3A_431 : f32 to vector<16xf32>
        %sub3A_433 = arith.subf %sub3A_432, %mul3A_430 : vector<16xf32>
        %mul3A_434 = arith.mulf %bitcast_convert_type3A_425, %sub3A_433 : vector<16xf32>
        %mul3A_435 = arith.constant 5.000000e-01 : f32
        %mul3A_436 = vector.broadcast %mul3A_435 : f32 to vector<16xf32>
        %mul3A_437 = arith.mulf %mul3A_436, %add3A_417 : vector<16xf32>
        %mul3A_438 = arith.mulf %mul3A_437, %mul3A_434 : vector<16xf32>
        %mul3A_439 = arith.mulf %mul3A_438, %mul3A_434 : vector<16xf32>
        %sub3A_440 = arith.constant 1.500000e+00 : f32
        %sub3A_441 = vector.broadcast %sub3A_440 : f32 to vector<16xf32>
        %sub3A_442 = arith.subf %sub3A_441, %mul3A_439 : vector<16xf32>
        %mul3A_443 = arith.mulf %mul3A_434, %sub3A_442 : vector<16xf32>
        %mul3A_444 = arith.constant 5.000000e-01 : f32
        %mul3A_445 = vector.broadcast %mul3A_444 : f32 to vector<16xf32>
        %mul3A_446 = arith.mulf %mul3A_445, %add3A_417 : vector<16xf32>
        %mul3A_447 = arith.mulf %mul3A_446, %mul3A_443 : vector<16xf32>
        %mul3A_448 = arith.mulf %mul3A_447, %mul3A_443 : vector<16xf32>
        %sub3A_449 = arith.constant 1.500000e+00 : f32
        %sub3A_450 = vector.broadcast %sub3A_449 : f32 to vector<16xf32>
        %sub3A_451 = arith.subf %sub3A_450, %mul3A_448 : vector<16xf32>
        %mul3A_452 = arith.mulf %mul3A_443, %sub3A_451 : vector<16xf32>
        %mul3A_453 = arith.mulf %add3A_417, %mul3A_452 : vector<16xf32>
        %swap3A_454 = arith.constant 0 : index
        %swap3A_455 = tpu.vector_load %arg23[%swap3A_454] {strides = array<i32>} : memref<96xf32, #tpu.memory_space<vmem>>, vector<16xf32>,
        tpu.vector_store %arg23[%swap3A_454], %mul3A_453 {strides = array<i32>} : memref<96xf32, #tpu.memory_space<vmem>>, vector<16xf32>,
        %mul3A_456 = arith.constant 80 : i32
        %mul3A_457 = arith.muli %add3A_392, %mul3A_456 : i32
        %add3A_458 = arith.constant 16 : i32
        %add3A_459 = arith.addi %mul3A_457, %add3A_458 : i32
        %get3A_460 = arith.index_cast %add3A_459 : i32 to index
        %get3A_461 = tpu.vector_load %arg15[%get3A_460] {strides = array<i32>} : memref<10000xi32, #tpu.memory_space<vmem>>, vector<16xi32>,
        %get3A_462 = arith.index_cast %add3A_459 : i32 to index
        %get3A_463 = tpu.vector_load %arg16[%get3A_462] {strides = array<i32>} : memref<10000xi32, #tpu.memory_space<vmem>>, vector<16xi32>,
        %gather3A_464 = tpu.vector_load_idx %arg11[%get3A_463] : memref<10000xf32, #tpu.memory_space<vmem>>[vector<16xi32>], vector<16xf32>,
        %gather3A_465 = tpu.vector_load_idx %arg11[%get3A_461] : memref<10000xf32, #tpu.memory_space<vmem>>[vector<16xi32>], vector<16xf32>,
        %sub3A_466 = arith.subf %gather3A_464, %gather3A_465 : vector<16xf32>
        %gather3A_467 = tpu.vector_load_idx %arg12[%get3A_463] : memref<10000xf32, #tpu.memory_space<vmem>>[vector<16xi32>], vector<16xf32>,
        %gather3A_468 = tpu.vector_load_idx %arg12[%get3A_461] : memref<10000xf32, #tpu.memory_space<vmem>>[vector<16xi32>], vector<16xf32>,
        %sub3A_469 = arith.subf %gather3A_467, %gather3A_468 : vector<16xf32>
        %gather3A_470 = tpu.vector_load_idx %arg13[%get3A_463] : memref<10000xf32, #tpu.memory_space<vmem>>[vector<16xi32>], vector<16xf32>,
        %gather3A_471 = tpu.vector_load_idx %arg13[%get3A_461] : memref<10000xf32, #tpu.memory_space<vmem>>[vector<16xi32>], vector<16xf32>,
        %sub3A_472 = arith.subf %gather3A_470, %gather3A_471 : vector<16xf32>
        %mul3A_473 = arith.mulf %sub3A_466, %sub3A_466 : vector<16xf32>
        %mul3A_474 = arith.mulf %sub3A_469, %sub3A_469 : vector<16xf32>
        %add3A_475 = arith.addf %mul3A_473, %mul3A_474 : vector<16xf32>
        %mul3A_476 = arith.mulf %sub3A_472, %sub3A_472 : vector<16xf32>
        %add3A_477 = arith.addf %add3A_475, %mul3A_476 : vector<16xf32>
        %add3A_478 = arith.constant 9.99999996E-13 : f32
        %add3A_479 = vector.broadcast %add3A_478 : f32 to vector<16xf32>
        %add3A_480 = arith.addf %add3A_477, %add3A_479 : vector<16xf32>
        %bitcast_convert_type3A_481 = tpu.bitcast %add3A_480 : vector<16xf32> -> vector<16xi32>
        %shift_right_logical3A_482 = arith.constant 1 : i32
        %shift_right_logical3A_483 = vector.broadcast %shift_right_logical3A_482 : i32 to vector<16xi32>
        %shift_right_logical3A_484 = arith.shrui %bitcast_convert_type3A_481, %shift_right_logical3A_483 : vector<16xi32>
        %sub3A_485 = arith.constant 1597463007 : i32
        %sub3A_486 = vector.broadcast %sub3A_485 : i32 to vector<16xi32>
        %sub3A_487 = arith.subi %sub3A_486, %shift_right_logical3A_484 : vector<16xi32>
        %bitcast_convert_type3A_488 = tpu.bitcast %sub3A_487 : vector<16xi32> -> vector<16xf32>
        %mul3A_489 = arith.constant 5.000000e-01 : f32
        %mul3A_490 = vector.broadcast %mul3A_489 : f32 to vector<16xf32>
        %mul3A_491 = arith.mulf %mul3A_490, %add3A_480 : vector<16xf32>
        %mul3A_492 = arith.mulf %mul3A_491, %bitcast_convert_type3A_488 : vector<16xf32>
        %mul3A_493 = arith.mulf %mul3A_492, %bitcast_convert_type3A_488 : vector<16xf32>
        %sub3A_494 = arith.constant 1.500000e+00 : f32
        %sub3A_495 = vector.broadcast %sub3A_494 : f32 to vector<16xf32>
        %sub3A_496 = arith.subf %sub3A_495, %mul3A_493 : vector<16xf32>
        %mul3A_497 = arith.mulf %bitcast_convert_type3A_488, %sub3A_496 : vector<16xf32>
        %mul3A_498 = arith.constant 5.000000e-01 : f32
        %mul3A_499 = vector.broadcast %mul3A_498 : f32 to vector<16xf32>
        %mul3A_500 = arith.mulf %mul3A_499, %add3A_480 : vector<16xf32>
        %mul3A_501 = arith.mulf %mul3A_500, %mul3A_497 : vector<16xf32>
        %mul3A_502 = arith.mulf %mul3A_501, %mul3A_497 : vector<16xf32>
        %sub3A_503 = arith.constant 1.500000e+00 : f32
        %sub3A_504 = vector.broadcast %sub3A_503 : f32 to vector<16xf32>
        %sub3A_505 = arith.subf %sub3A_504, %mul3A_502 : vector<16xf32>
        %mul3A_506 = arith.mulf %mul3A_497, %sub3A_505 : vector<16xf32>
        %mul3A_507 = arith.constant 5.000000e-01 : f32
        %mul3A_508 = vector.broadcast %mul3A_507 : f32 to vector<16xf32>
        %mul3A_509 = arith.mulf %mul3A_508, %add3A_480 : vector<16xf32>
        %mul3A_510 = arith.mulf %mul3A_509, %mul3A_506 : vector<16xf32>
        %mul3A_511 = arith.mulf %mul3A_510, %mul3A_506 : vector<16xf32>
        %sub3A_512 = arith.constant 1.500000e+00 : f32
        %sub3A_513 = vector.broadcast %sub3A_512 : f32 to vector<16xf32>
        %sub3A_514 = arith.subf %sub3A_513, %mul3A_511 : vector<16xf32>
        %mul3A_515 = arith.mulf %mul3A_506, %sub3A_514 : vector<16xf32>
        %mul3A_516 = arith.mulf %add3A_480, %mul3A_515 : vector<16xf32>
        %swap3A_517 = arith.constant 16 : index
        %swap3A_518 = tpu.vector_load %arg23[%swap3A_517] {strides = array<i32>} : memref<96xf32, #tpu.memory_space<vmem>>, vector<16xf32>,
        tpu.vector_store %arg23[%swap3A_517], %mul3A_516 {strides = array<i32>} : memref<96xf32, #tpu.memory_space<vmem>>, vector<16xf32>,
        %mul3A_519 = arith.constant 80 : i32
        %mul3A_520 = arith.muli %add3A_392, %mul3A_519 : i32
        %add3A_521 = arith.constant 32 : i32
        %add3A_522 = arith.addi %mul3A_520, %add3A_521 : i32
        %get3A_523 = arith.index_cast %add3A_522 : i32 to index
        %get3A_524 = tpu.vector_load %arg15[%get3A_523] {strides = array<i32>} : memref<10000xi32, #tpu.memory_space<vmem>>, vector<16xi32>,
        %get3A_525 = arith.index_cast %add3A_522 : i32 to index
        %get3A_526 = tpu.vector_load %arg16[%get3A_525] {strides = array<i32>} : memref<10000xi32, #tpu.memory_space<vmem>>, vector<16xi32>,
        %gather3A_527 = tpu.vector_load_idx %arg11[%get3A_526] : memref<10000xf32, #tpu.memory_space<vmem>>[vector<16xi32>], vector<16xf32>,
        %gather3A_528 = tpu.vector_load_idx %arg11[%get3A_524] : memref<10000xf32, #tpu.memory_space<vmem>>[vector<16xi32>], vector<16xf32>,
        %sub3A_529 = arith.subf %gather3A_527, %gather3A_528 : vector<16xf32>
        %gather3A_530 = tpu.vector_load_idx %arg12[%get3A_526] : memref<10000xf32, #tpu.memory_space<vmem>>[vector<16xi32>], vector<16xf32>,
        %gather3A_531 = tpu.vector_load_idx %arg12[%get3A_524] : memref<10000xf32, #tpu.memory_space<vmem>>[vector<16xi32>], vector<16xf32>,
        %sub3A_532 = arith.subf %gather3A_530, %gather3A_531 : vector<16xf32>
        %gather3A_533 = tpu.vector_load_idx %arg13[%get3A_526] : memref<10000xf32, #tpu.memory_space<vmem>>[vector<16xi32>], vector<16xf32>,
        %gather3A_534 = tpu.vector_load_idx %arg13[%get3A_524] : memref<10000xf32, #tpu.memory_space<vmem>>[vector<16xi32>], vector<16xf32>,
        %sub3A_535 = arith.subf %gather3A_533, %gather3A_534 : vector<16xf32>
        %mul3A_536 = arith.mulf %sub3A_529, %sub3A_529 : vector<16xf32>
        %mul3A_537 = arith.mulf %sub3A_532, %sub3A_532 : vector<16xf32>
        %add3A_538 = arith.addf %mul3A_536, %mul3A_537 : vector<16xf32>
        %mul3A_539 = arith.mulf %sub3A_535, %sub3A_535 : vector<16xf32>
        %add3A_540 = arith.addf %add3A_538, %mul3A_539 : vector<16xf32>
        %add3A_541 = arith.constant 9.99999996E-13 : f32
        %add3A_542 = vector.broadcast %add3A_541 : f32 to vector<16xf32>
        %add3A_543 = arith.addf %add3A_540, %add3A_542 : vector<16xf32>
        %bitcast_convert_type3A_544 = tpu.bitcast %add3A_543 : vector<16xf32> -> vector<16xi32>
        %shift_right_logical3A_545 = arith.constant 1 : i32
        %shift_right_logical3A_546 = vector.broadcast %shift_right_logical3A_545 : i32 to vector<16xi32>
        %shift_right_logical3A_547 = arith.shrui %bitcast_convert_type3A_544, %shift_right_logical3A_546 : vector<16xi32>
        %sub3A_548 = arith.constant 1597463007 : i32
        %sub3A_549 = vector.broadcast %sub3A_548 : i32 to vector<16xi32>
        %sub3A_550 = arith.subi %sub3A_549, %shift_right_logical3A_547 : vector<16xi32>
        %bitcast_convert_type3A_551 = tpu.bitcast %sub3A_550 : vector<16xi32> -> vector<16xf32>
        %mul3A_552 = arith.constant 5.000000e-01 : f32
        %mul3A_553 = vector.broadcast %mul3A_552 : f32 to vector<16xf32>
        %mul3A_554 = arith.mulf %mul3A_553, %add3A_543 : vector<16xf32>
        %mul3A_555 = arith.mulf %mul3A_554, %bitcast_convert_type3A_551 : vector<16xf32>
        %mul3A_556 = arith.mulf %mul3A_555, %bitcast_convert_type3A_551 : vector<16xf32>
        %sub3A_557 = arith.constant 1.500000e+00 : f32
        %sub3A_558 = vector.broadcast %sub3A_557 : f32 to vector<16xf32>
        %sub3A_559 = arith.subf %sub3A_558, %mul3A_556 : vector<16xf32>
        %mul3A_560 = arith.mulf %bitcast_convert_type3A_551, %sub3A_559 : vector<16xf32>
        %mul3A_561 = arith.constant 5.000000e-01 : f32
        %mul3A_562 = vector.broadcast %mul3A_561 : f32 to vector<16xf32>
        %mul3A_563 = arith.mulf %mul3A_562, %add3A_543 : vector<16xf32>
        %mul3A_564 = arith.mulf %mul3A_563, %mul3A_560 : vector<16xf32>
        %mul3A_565 = arith.mulf %mul3A_564, %mul3A_560 : vector<16xf32>
        %sub3A_566 = arith.constant 1.500000e+00 : f32
        %sub3A_567 = vector.broadcast %sub3A_566 : f32 to vector<16xf32>
        %sub3A_568 = arith.subf %sub3A_567, %mul3A_565 : vector<16xf32>
        %mul3A_569 = arith.mulf %mul3A_560, %sub3A_568 : vector<16xf32>
        %mul3A_570 = arith.constant 5.000000e-01 : f32
        %mul3A_571 = vector.broadcast %mul3A_570 : f32 to vector<16xf32>
        %mul3A_572 = arith.mulf %mul3A_571, %add3A_543 : vector<16xf32>
        %mul3A_573 = arith.mulf %mul3A_572, %mul3A_569 : vector<16xf32>
        %mul3A_574 = arith.mulf %mul3A_573, %mul3A_569 : vector<16xf32>
        %sub3A_575 = arith.constant 1.500000e+00 : f32
        %sub3A_576 = vector.broadcast %sub3A_575 : f32 to vector<16xf32>
        %sub3A_577 = arith.subf %sub3A_576, %mul3A_574 : vector<16xf32>
        %mul3A_578 = arith.mulf %mul3A_569, %sub3A_577 : vector<16xf32>
        %mul3A_579 = arith.mulf %add3A_543, %mul3A_578 : vector<16xf32>
        %swap3A_580 = arith.constant 32 : index
        %swap3A_581 = tpu.vector_load %arg23[%swap3A_580] {strides = array<i32>} : memref<96xf32, #tpu.memory_space<vmem>>, vector<16xf32>,
        tpu.vector_store %arg23[%swap3A_580], %mul3A_579 {strides = array<i32>} : memref<96xf32, #tpu.memory_space<vmem>>, vector<16xf32>,
        %mul3A_582 = arith.constant 80 : i32
        %mul3A_583 = arith.muli %add3A_392, %mul3A_582 : i32
        %add3A_584 = arith.constant 48 : i32
        %add3A_585 = arith.addi %mul3A_583, %add3A_584 : i32
        %get3A_586 = arith.index_cast %add3A_585 : i32 to index
        %get3A_587 = tpu.vector_load %arg15[%get3A_586] {strides = array<i32>} : memref<10000xi32, #tpu.memory_space<vmem>>, vector<16xi32>,
        %get3A_588 = arith.index_cast %add3A_585 : i32 to index
        %get3A_589 = tpu.vector_load %arg16[%get3A_588] {strides = array<i32>} : memref<10000xi32, #tpu.memory_space<vmem>>, vector<16xi32>,
        %gather3A_590 = tpu.vector_load_idx %arg11[%get3A_589] : memref<10000xf32, #tpu.memory_space<vmem>>[vector<16xi32>], vector<16xf32>,
        %gather3A_591 = tpu.vector_load_idx %arg11[%get3A_587] : memref<10000xf32, #tpu.memory_space<vmem>>[vector<16xi32>], vector<16xf32>,
        %sub3A_592 = arith.subf %gather3A_590, %gather3A_591 : vector<16xf32>
        %gather3A_593 = tpu.vector_load_idx %arg12[%get3A_589] : memref<10000xf32, #tpu.memory_space<vmem>>[vector<16xi32>], vector<16xf32>,
        %gather3A_594 = tpu.vector_load_idx %arg12[%get3A_587] : memref<10000xf32, #tpu.memory_space<vmem>>[vector<16xi32>], vector<16xf32>,
        %sub3A_595 = arith.subf %gather3A_593, %gather3A_594 : vector<16xf32>
        %gather3A_596 = tpu.vector_load_idx %arg13[%get3A_589] : memref<10000xf32, #tpu.memory_space<vmem>>[vector<16xi32>], vector<16xf32>,
        %gather3A_597 = tpu.vector_load_idx %arg13[%get3A_587] : memref<10000xf32, #tpu.memory_space<vmem>>[vector<16xi32>], vector<16xf32>,
        %sub3A_598 = arith.subf %gather3A_596, %gather3A_597 : vector<16xf32>
        %mul3A_599 = arith.mulf %sub3A_592, %sub3A_592 : vector<16xf32>
        %mul3A_600 = arith.mulf %sub3A_595, %sub3A_595 : vector<16xf32>
        %add3A_601 = arith.addf %mul3A_599, %mul3A_600 : vector<16xf32>
        %mul3A_602 = arith.mulf %sub3A_598, %sub3A_598 : vector<16xf32>
        %add3A_603 = arith.addf %add3A_601, %mul3A_602 : vector<16xf32>
        %add3A_604 = arith.constant 9.99999996E-13 : f32
        %add3A_605 = vector.broadcast %add3A_604 : f32 to vector<16xf32>
        %add3A_606 = arith.addf %add3A_603, %add3A_605 : vector<16xf32>
        %bitcast_convert_type3A_607 = tpu.bitcast %add3A_606 : vector<16xf32> -> vector<16xi32>
        %shift_right_logical3A_608 = arith.constant 1 : i32
        %shift_right_logical3A_609 = vector.broadcast %shift_right_logical3A_608 : i32 to vector<16xi32>
        %shift_right_logical3A_610 = arith.shrui %bitcast_convert_type3A_607, %shift_right_logical3A_609 : vector<16xi32>
        %sub3A_611 = arith.constant 1597463007 : i32
        %sub3A_612 = vector.broadcast %sub3A_611 : i32 to vector<16xi32>
        %sub3A_613 = arith.subi %sub3A_612, %shift_right_logical3A_610 : vector<16xi32>
        %bitcast_convert_type3A_614 = tpu.bitcast %sub3A_613 : vector<16xi32> -> vector<16xf32>
        %mul3A_615 = arith.constant 5.000000e-01 : f32
        %mul3A_616 = vector.broadcast %mul3A_615 : f32 to vector<16xf32>
        %mul3A_617 = arith.mulf %mul3A_616, %add3A_606 : vector<16xf32>
        %mul3A_618 = arith.mulf %mul3A_617, %bitcast_convert_type3A_614 : vector<16xf32>
        %mul3A_619 = arith.mulf %mul3A_618, %bitcast_convert_type3A_614 : vector<16xf32>
        %sub3A_620 = arith.constant 1.500000e+00 : f32
        %sub3A_621 = vector.broadcast %sub3A_620 : f32 to vector<16xf32>
        %sub3A_622 = arith.subf %sub3A_621, %mul3A_619 : vector<16xf32>
        %mul3A_623 = arith.mulf %bitcast_convert_type3A_614, %sub3A_622 : vector<16xf32>
        %mul3A_624 = arith.constant 5.000000e-01 : f32
        %mul3A_625 = vector.broadcast %mul3A_624 : f32 to vector<16xf32>
        %mul3A_626 = arith.mulf %mul3A_625, %add3A_606 : vector<16xf32>
        %mul3A_627 = arith.mulf %mul3A_626, %mul3A_623 : vector<16xf32>
        %mul3A_628 = arith.mulf %mul3A_627, %mul3A_623 : vector<16xf32>
        %sub3A_629 = arith.constant 1.500000e+00 : f32
        %sub3A_630 = vector.broadcast %sub3A_629 : f32 to vector<16xf32>
        %sub3A_631 = arith.subf %sub3A_630, %mul3A_628 : vector<16xf32>
        %mul3A_632 = arith.mulf %mul3A_623, %sub3A_631 : vector<16xf32>
        %mul3A_633 = arith.constant 5.000000e-01 : f32
        %mul3A_634 = vector.broadcast %mul3A_633 : f32 to vector<16xf32>
        %mul3A_635 = arith.mulf %mul3A_634, %add3A_606 : vector<16xf32>
        %mul3A_636 = arith.mulf %mul3A_635, %mul3A_632 : vector<16xf32>
        %mul3A_637 = arith.mulf %mul3A_636, %mul3A_632 : vector<16xf32>
        %sub3A_638 = arith.constant 1.500000e+00 : f32
        %sub3A_639 = vector.broadcast %sub3A_638 : f32 to vector<16xf32>
        %sub3A_640 = arith.subf %sub3A_639, %mul3A_637 : vector<16xf32>
        %mul3A_641 = arith.mulf %mul3A_632, %sub3A_640 : vector<16xf32>
        %mul3A_642 = arith.mulf %add3A_606, %mul3A_641 : vector<16xf32>
        %swap3A_643 = arith.constant 48 : index
        %swap3A_644 = tpu.vector_load %arg23[%swap3A_643] {strides = array<i32>} : memref<96xf32, #tpu.memory_space<vmem>>, vector<16xf32>,
        tpu.vector_store %arg23[%swap3A_643], %mul3A_642 {strides = array<i32>} : memref<96xf32, #tpu.memory_space<vmem>>, vector<16xf32>,
        %mul3A_645 = arith.constant 80 : i32
        %mul3A_646 = arith.muli %add3A_392, %mul3A_645 : i32
        %add3A_647 = arith.constant 64 : i32
        %add3A_648 = arith.addi %mul3A_646, %add3A_647 : i32
        %get3A_649 = arith.index_cast %add3A_648 : i32 to index
        %get3A_650 = tpu.vector_load %arg15[%get3A_649] {strides = array<i32>} : memref<10000xi32, #tpu.memory_space<vmem>>, vector<16xi32>,
        %get3A_651 = arith.index_cast %add3A_648 : i32 to index
        %get3A_652 = tpu.vector_load %arg16[%get3A_651] {strides = array<i32>} : memref<10000xi32, #tpu.memory_space<vmem>>, vector<16xi32>,
        %gather3A_653 = tpu.vector_load_idx %arg11[%get3A_652] : memref<10000xf32, #tpu.memory_space<vmem>>[vector<16xi32>], vector<16xf32>,
        %gather3A_654 = tpu.vector_load_idx %arg11[%get3A_650] : memref<10000xf32, #tpu.memory_space<vmem>>[vector<16xi32>], vector<16xf32>,
        %sub3A_655 = arith.subf %gather3A_653, %gather3A_654 : vector<16xf32>
        %gather3A_656 = tpu.vector_load_idx %arg12[%get3A_652] : memref<10000xf32, #tpu.memory_space<vmem>>[vector<16xi32>], vector<16xf32>,
        %gather3A_657 = tpu.vector_load_idx %arg12[%get3A_650] : memref<10000xf32, #tpu.memory_space<vmem>>[vector<16xi32>], vector<16xf32>,
        %sub3A_658 = arith.subf %gather3A_656, %gather3A_657 : vector<16xf32>
        %gather3A_659 = tpu.vector_load_idx %arg13[%get3A_652] : memref<10000xf32, #tpu.memory_space<vmem>>[vector<16xi32>], vector<16xf32>,
        %gather3A_660 = tpu.vector_load_idx %arg13[%get3A_650] : memref<10000xf32, #tpu.memory_space<vmem>>[vector<16xi32>], vector<16xf32>,
        %sub3A_661 = arith.subf %gather3A_659, %gather3A_660 : vector<16xf32>
        %mul3A_662 = arith.mulf %sub3A_655, %sub3A_655 : vector<16xf32>
        %mul3A_663 = arith.mulf %sub3A_658, %sub3A_658 : vector<16xf32>
        %add3A_664 = arith.addf %mul3A_662, %mul3A_663 : vector<16xf32>
        %mul3A_665 = arith.mulf %sub3A_661, %sub3A_661 : vector<16xf32>
        %add3A_666 = arith.addf %add3A_664, %mul3A_665 : vector<16xf32>
        %add3A_667 = arith.constant 9.99999996E-13 : f32
        %add3A_668 = vector.broadcast %add3A_667 : f32 to vector<16xf32>
        %add3A_669 = arith.addf %add3A_666, %add3A_668 : vector<16xf32>
        %bitcast_convert_type3A_670 = tpu.bitcast %add3A_669 : vector<16xf32> -> vector<16xi32>
        %shift_right_logical3A_671 = arith.constant 1 : i32
        %shift_right_logical3A_672 = vector.broadcast %shift_right_logical3A_671 : i32 to vector<16xi32>
        %shift_right_logical3A_673 = arith.shrui %bitcast_convert_type3A_670, %shift_right_logical3A_672 : vector<16xi32>
        %sub3A_674 = arith.constant 1597463007 : i32
        %sub3A_675 = vector.broadcast %sub3A_674 : i32 to vector<16xi32>
        %sub3A_676 = arith.subi %sub3A_675, %shift_right_logical3A_673 : vector<16xi32>
        %bitcast_convert_type3A_677 = tpu.bitcast %sub3A_676 : vector<16xi32> -> vector<16xf32>
        %mul3A_678 = arith.constant 5.000000e-01 : f32
        %mul3A_679 = vector.broadcast %mul3A_678 : f32 to vector<16xf32>
        %mul3A_680 = arith.mulf %mul3A_679, %add3A_669 : vector<16xf32>
        %mul3A_681 = arith.mulf %mul3A_680, %bitcast_convert_type3A_677 : vector<16xf32>
        %mul3A_682 = arith.mulf %mul3A_681, %bitcast_convert_type3A_677 : vector<16xf32>
        %sub3A_683 = arith.constant 1.500000e+00 : f32
        %sub3A_684 = vector.broadcast %sub3A_683 : f32 to vector<16xf32>
        %sub3A_685 = arith.subf %sub3A_684, %mul3A_682 : vector<16xf32>
        %mul3A_686 = arith.mulf %bitcast_convert_type3A_677, %sub3A_685 : vector<16xf32>
        %mul3A_687 = arith.constant 5.000000e-01 : f32
        %mul3A_688 = vector.broadcast %mul3A_687 : f32 to vector<16xf32>
        %mul3A_689 = arith.mulf %mul3A_688, %add3A_669 : vector<16xf32>
        %mul3A_690 = arith.mulf %mul3A_689, %mul3A_686 : vector<16xf32>
        %mul3A_691 = arith.mulf %mul3A_690, %mul3A_686 : vector<16xf32>
        %sub3A_692 = arith.constant 1.500000e+00 : f32
        %sub3A_693 = vector.broadcast %sub3A_692 : f32 to vector<16xf32>
        %sub3A_694 = arith.subf %sub3A_693, %mul3A_691 : vector<16xf32>
        %mul3A_695 = arith.mulf %mul3A_686, %sub3A_694 : vector<16xf32>
        %mul3A_696 = arith.constant 5.000000e-01 : f32
        %mul3A_697 = vector.broadcast %mul3A_696 : f32 to vector<16xf32>
        %mul3A_698 = arith.mulf %mul3A_697, %add3A_669 : vector<16xf32>
        %mul3A_699 = arith.mulf %mul3A_698, %mul3A_695 : vector<16xf32>
        %mul3A_700 = arith.mulf %mul3A_699, %mul3A_695 : vector<16xf32>
        %sub3A_701 = arith.constant 1.500000e+00 : f32
        %sub3A_702 = vector.broadcast %sub3A_701 : f32 to vector<16xf32>
        %sub3A_703 = arith.subf %sub3A_702, %mul3A_700 : vector<16xf32>
        %mul3A_704 = arith.mulf %mul3A_695, %sub3A_703 : vector<16xf32>
        %mul3A_705 = arith.mulf %add3A_669, %mul3A_704 : vector<16xf32>
        %swap3A_706 = arith.constant 64 : index
        %swap3A_707 = tpu.vector_load %arg23[%swap3A_706] {strides = array<i32>} : memref<96xf32, #tpu.memory_space<vmem>>, vector<16xf32>,
        tpu.vector_store %arg23[%swap3A_706], %mul3A_705 {strides = array<i32>} : memref<96xf32, #tpu.memory_space<vmem>>, vector<16xf32>,
        %scan3A_708 = arith.constant 0 : i32
        %scan3A_709 = arith.constant 80 : i32
        %scan3A_710 = arith.addi %scan3A_708, %scan3A_709 : i32
        %scan3A_711 = arith.constant 1 : i32
        scf.for %scan3A_716 = %scan3A_708 to %scan3A_710 step %scan3A_711  : i32 {
          %mul3A_717 = arith.constant 1 : i32
          %mul3A_718 = arith.muli %scan3A_716, %mul3A_717 : i32
          %add3A_719 = arith.constant 0 : i32
          %add3A_720 = arith.addi %add3A_719, %mul3A_718 : i32
          %get3A_721 = arith.index_cast %add3A_720 : i32 to index
          %get3A_722 = tpu.vector_load %arg23[%get3A_721] {strides = array<i32>} : memref<96xf32, #tpu.memory_space<vmem>>, vector<16xf32>,
          %slice3A = vector.extract_strided_slice %get3A_722 {offsets = [0], sizes = [1], strides = [1]} : vector<16xf32> to vector<1xf32>
          %squeeze3A = vector.extract %slice3A[0] : f32 from vector<1xf32>
          %get3A_723 = arith.index_cast %add3A_720 : i32 to index
          %get3A_724 = arith.constant 0 : index
          %get3A_725 = tpu.vector_load %arg18[%get3A_723, %get3A_724] {strides = array<i32>} : memref<80x128xf32, #tpu.memory_space<vmem>>, vector<16xf32>,
          %get3A_726 = arith.index_cast %add3A_720 : i32 to index
          %get3A_727 = arith.constant 0 : index
          %get3A_728 = tpu.vector_load %arg20[%get3A_726, %get3A_727] {strides = array<i32>} : memref<80x128xf32, #tpu.memory_space<vmem>>, vector<16xf32>,
          %add3A_729 = arith.addf %get3A_725, %get3A_728 : vector<16xf32>
          %mul3A_730 = vector.broadcast %squeeze3A : f32 to vector<16xf32>
          %mul3A_731 = arith.mulf %mul3A_730, %get3A_3 : vector<16xf32>
          %add3A_732 = arith.addf %add3A_729, %mul3A_731 : vector<16xf32>
          %swap3A_733 = arith.index_cast %add3A_720 : i32 to index
          %swap3A_734 = arith.constant 0 : index
          %swap3A_735 = tpu.vector_load %arg22[%swap3A_733, %swap3A_734] {strides = array<i32>} : memref<80x128xf32, #tpu.memory_space<vmem>>, vector<16xf32>,
          tpu.vector_store %arg22[%swap3A_733, %swap3A_734], %add3A_732 {strides = array<i32>} : memref<80x128xf32, #tpu.memory_space<vmem>>, vector<16xf32>,
          %get3A_736 = arith.index_cast %add3A_720 : i32 to index
          %get3A_737 = arith.constant 16 : index
          %get3A_738 = tpu.vector_load %arg18[%get3A_736, %get3A_737] {strides = array<i32>} : memref<80x128xf32, #tpu.memory_space<vmem>>, vector<16xf32>,
          %get3A_739 = arith.index_cast %add3A_720 : i32 to index
          %get3A_740 = arith.constant 16 : index
          %get3A_741 = tpu.vector_load %arg20[%get3A_739, %get3A_740] {strides = array<i32>} : memref<80x128xf32, #tpu.memory_space<vmem>>, vector<16xf32>,
          %add3A_742 = arith.addf %get3A_738, %get3A_741 : vector<16xf32>
          %mul3A_743 = vector.broadcast %squeeze3A : f32 to vector<16xf32>
          %mul3A_744 = arith.mulf %mul3A_743, %get3A_5 : vector<16xf32>
          %add3A_745 = arith.addf %add3A_742, %mul3A_744 : vector<16xf32>
          %swap3A_746 = arith.index_cast %add3A_720 : i32 to index
          %swap3A_747 = arith.constant 16 : index
          %swap3A_748 = tpu.vector_load %arg22[%swap3A_746, %swap3A_747] {strides = array<i32>} : memref<80x128xf32, #tpu.memory_space<vmem>>, vector<16xf32>,
          tpu.vector_store %arg22[%swap3A_746, %swap3A_747], %add3A_745 {strides = array<i32>} : memref<80x128xf32, #tpu.memory_space<vmem>>, vector<16xf32>,
          %get3A_749 = arith.index_cast %add3A_720 : i32 to index
          %get3A_750 = arith.constant 32 : index
          %get3A_751 = tpu.vector_load %arg18[%get3A_749, %get3A_750] {strides = array<i32>} : memref<80x128xf32, #tpu.memory_space<vmem>>, vector<16xf32>,
          %get3A_752 = arith.index_cast %add3A_720 : i32 to index
          %get3A_753 = arith.constant 32 : index
          %get3A_754 = tpu.vector_load %arg20[%get3A_752, %get3A_753] {strides = array<i32>} : memref<80x128xf32, #tpu.memory_space<vmem>>, vector<16xf32>,
          %add3A_755 = arith.addf %get3A_751, %get3A_754 : vector<16xf32>
          %mul3A_756 = vector.broadcast %squeeze3A : f32 to vector<16xf32>
          %mul3A_757 = arith.mulf %mul3A_756, %get3A_7 : vector<16xf32>
          %add3A_758 = arith.addf %add3A_755, %mul3A_757 : vector<16xf32>
          %swap3A_759 = arith.index_cast %add3A_720 : i32 to index
          %swap3A_760 = arith.constant 32 : index
          %swap3A_761 = tpu.vector_load %arg22[%swap3A_759, %swap3A_760] {strides = array<i32>} : memref<80x128xf32, #tpu.memory_space<vmem>>, vector<16xf32>,
          tpu.vector_store %arg22[%swap3A_759, %swap3A_760], %add3A_758 {strides = array<i32>} : memref<80x128xf32, #tpu.memory_space<vmem>>, vector<16xf32>,
          %get3A_762 = arith.index_cast %add3A_720 : i32 to index
          %get3A_763 = arith.constant 48 : index
          %get3A_764 = tpu.vector_load %arg18[%get3A_762, %get3A_763] {strides = array<i32>} : memref<80x128xf32, #tpu.memory_space<vmem>>, vector<16xf32>,
          %get3A_765 = arith.index_cast %add3A_720 : i32 to index
          %get3A_766 = arith.constant 48 : index
          %get3A_767 = tpu.vector_load %arg20[%get3A_765, %get3A_766] {strides = array<i32>} : memref<80x128xf32, #tpu.memory_space<vmem>>, vector<16xf32>,
          %add3A_768 = arith.addf %get3A_764, %get3A_767 : vector<16xf32>
          %mul3A_769 = vector.broadcast %squeeze3A : f32 to vector<16xf32>
          %mul3A_770 = arith.mulf %mul3A_769, %get3A_9 : vector<16xf32>
          %add3A_771 = arith.addf %add3A_768, %mul3A_770 : vector<16xf32>
          %swap3A_772 = arith.index_cast %add3A_720 : i32 to index
          %swap3A_773 = arith.constant 48 : index
          %swap3A_774 = tpu.vector_load %arg22[%swap3A_772, %swap3A_773] {strides = array<i32>} : memref<80x128xf32, #tpu.memory_space<vmem>>, vector<16xf32>,
          tpu.vector_store %arg22[%swap3A_772, %swap3A_773], %add3A_771 {strides = array<i32>} : memref<80x128xf32, #tpu.memory_space<vmem>>, vector<16xf32>,
          %get3A_775 = arith.index_cast %add3A_720 : i32 to index
          %get3A_776 = arith.constant 64 : index
          %get3A_777 = tpu.vector_load %arg18[%get3A_775, %get3A_776] {strides = array<i32>} : memref<80x128xf32, #tpu.memory_space<vmem>>, vector<16xf32>,
          %get3A_778 = arith.index_cast %add3A_720 : i32 to index
          %get3A_779 = arith.constant 64 : index
          %get3A_780 = tpu.vector_load %arg20[%get3A_778, %get3A_779] {strides = array<i32>} : memref<80x128xf32, #tpu.memory_space<vmem>>, vector<16xf32>,
          %add3A_781 = arith.addf %get3A_777, %get3A_780 : vector<16xf32>
          %mul3A_782 = vector.broadcast %squeeze3A : f32 to vector<16xf32>
          %mul3A_783 = arith.mulf %mul3A_782, %get3A_11 : vector<16xf32>
          %add3A_784 = arith.addf %add3A_781, %mul3A_783 : vector<16xf32>
          %swap3A_785 = arith.index_cast %add3A_720 : i32 to index
          %swap3A_786 = arith.constant 64 : index
          %swap3A_787 = tpu.vector_load %arg22[%swap3A_785, %swap3A_786] {strides = array<i32>} : memref<80x128xf32, #tpu.memory_space<vmem>>, vector<16xf32>,
          tpu.vector_store %arg22[%swap3A_785, %swap3A_786], %add3A_784 {strides = array<i32>} : memref<80x128xf32, #tpu.memory_space<vmem>>, vector<16xf32>,
          %get3A_788 = arith.index_cast %add3A_720 : i32 to index
          %get3A_789 = arith.constant 80 : index
          %get3A_790 = tpu.vector_load %arg18[%get3A_788, %get3A_789] {strides = array<i32>} : memref<80x128xf32, #tpu.memory_space<vmem>>, vector<16xf32>,
          %get3A_791 = arith.index_cast %add3A_720 : i32 to index
          %get3A_792 = arith.constant 80 : index
          %get3A_793 = tpu.vector_load %arg20[%get3A_791, %get3A_792] {strides = array<i32>} : memref<80x128xf32, #tpu.memory_space<vmem>>, vector<16xf32>,
          %add3A_794 = arith.addf %get3A_790, %get3A_793 : vector<16xf32>
          %mul3A_795 = vector.broadcast %squeeze3A : f32 to vector<16xf32>
          %mul3A_796 = arith.mulf %mul3A_795, %get3A_13 : vector<16xf32>
          %add3A_797 = arith.addf %add3A_794, %mul3A_796 : vector<16xf32>
          %swap3A_798 = arith.index_cast %add3A_720 : i32 to index
          %swap3A_799 = arith.constant 80 : index
          %swap3A_800 = tpu.vector_load %arg22[%swap3A_798, %swap3A_799] {strides = array<i32>} : memref<80x128xf32, #tpu.memory_space<vmem>>, vector<16xf32>,
          tpu.vector_store %arg22[%swap3A_798, %swap3A_799], %add3A_797 {strides = array<i32>} : memref<80x128xf32, #tpu.memory_space<vmem>>, vector<16xf32>,
          %get3A_801 = arith.index_cast %add3A_720 : i32 to index
          %get3A_802 = arith.constant 96 : index
          %get3A_803 = tpu.vector_load %arg18[%get3A_801, %get3A_802] {strides = array<i32>} : memref<80x128xf32, #tpu.memory_space<vmem>>, vector<16xf32>,
          %get3A_804 = arith.index_cast %add3A_720 : i32 to index
          %get3A_805 = arith.constant 96 : index
          %get3A_806 = tpu.vector_load %arg20[%get3A_804, %get3A_805] {strides = array<i32>} : memref<80x128xf32, #tpu.memory_space<vmem>>, vector<16xf32>,
          %add3A_807 = arith.addf %get3A_803, %get3A_806 : vector<16xf32>
          %mul3A_808 = vector.broadcast %squeeze3A : f32 to vector<16xf32>
          %mul3A_809 = arith.mulf %mul3A_808, %get3A_15 : vector<16xf32>
          %add3A_810 = arith.addf %add3A_807, %mul3A_809 : vector<16xf32>
          %swap3A_811 = arith.index_cast %add3A_720 : i32 to index
          %swap3A_812 = arith.constant 96 : index
          %swap3A_813 = tpu.vector_load %arg22[%swap3A_811, %swap3A_812] {strides = array<i32>} : memref<80x128xf32, #tpu.memory_space<vmem>>, vector<16xf32>,
          tpu.vector_store %arg22[%swap3A_811, %swap3A_812], %add3A_810 {strides = array<i32>} : memref<80x128xf32, #tpu.memory_space<vmem>>, vector<16xf32>,
          %get3A_814 = arith.index_cast %add3A_720 : i32 to index
          %get3A_815 = arith.constant 112 : index
          %get3A_816 = tpu.vector_load %arg18[%get3A_814, %get3A_815] {strides = array<i32>} : memref<80x128xf32, #tpu.memory_space<vmem>>, vector<16xf32>,
          %get3A_817 = arith.index_cast %add3A_720 : i32 to index
          %get3A_818 = arith.constant 112 : index
          %get3A_819 = tpu.vector_load %arg20[%get3A_817, %get3A_818] {strides = array<i32>} : memref<80x128xf32, #tpu.memory_space<vmem>>, vector<16xf32>,
          %add3A_820 = arith.addf %get3A_816, %get3A_819 : vector<16xf32>
          %mul3A_821 = vector.broadcast %squeeze3A : f32 to vector<16xf32>
          %mul3A_822 = arith.mulf %mul3A_821, %get3A_17 : vector<16xf32>
          %add3A_823 = arith.addf %add3A_820, %mul3A_822 : vector<16xf32>
          %swap3A_824 = arith.index_cast %add3A_720 : i32 to index
          %swap3A_825 = arith.constant 112 : index
          %swap3A_826 = tpu.vector_load %arg22[%swap3A_824, %swap3A_825] {strides = array<i32>} : memref<80x128xf32, #tpu.memory_space<vmem>>, vector<16xf32>,
          tpu.vector_store %arg22[%swap3A_824, %swap3A_825], %add3A_823 {strides = array<i32>} : memref<80x128xf32, #tpu.memory_space<vmem>>, vector<16xf32>,
        }
        %scan3A_712 = arith.constant 80 : i32
        %mul3A_713 = arith.constant 80 : i32
        %mul3A_714 = arith.muli %add3A_392, %mul3A_713 : i32
        %add3A_715 = arith.addi %mul3A_2, %mul3A_714 : i32
        "tpu.region"() ({
          %run_scoped3A = tpu.sem_alloc : memref<!tpu.dma_semaphore, #tpu.memory_space<semaphore_mem>>
          %dma_start3A_716 = arith.constant 0 : i32
          %dma_start3A_717 = tpu.memref_slice %arg10[%add3A_715, %dma_start3A_716] : memref<320000x128xf32, #tpu.memory_space<hbm>> -> memref<80x128xf32, #tpu.memory_space<hbm>>
          %dma_start3A_718 = arith.constant 0 : i32
          %dma_start3A_719 = tpu.memref_slice %arg10[%add3A_715, %dma_start3A_718] : memref<320000x128xf32, #tpu.memory_space<hbm>> -> memref<80x128xf32, #tpu.memory_space<hbm>>
          tpu.enqueue_dma source(%arg22 : memref<80x128xf32, #tpu.memory_space<vmem>>) target(%dma_start3A_719 : memref<80x128xf32, #tpu.memory_space<hbm>>) target_semaphore(%run_scoped3A : memref<!tpu.dma_semaphore, #tpu.memory_space<semaphore_mem>>)
          %dma_wait3A_720 = arith.constant 0 : i32
          %dma_wait3A_721 = tpu.memref_slice %arg10[%add3A_715, %dma_wait3A_720] : memref<320000x128xf32, #tpu.memory_space<hbm>> -> memref<80x128xf32, #tpu.memory_space<hbm>>
          %dma_wait3A_722 = arith.constant 0 : i32
          %dma_wait3A_723 = tpu.memref_slice %arg10[%add3A_715, %dma_wait3A_722] : memref<320000x128xf32, #tpu.memory_space<hbm>> -> memref<80x128xf32, #tpu.memory_space<hbm>>
          tpu.wait_dma2 semaphore(%run_scoped3A : memref<!tpu.dma_semaphore, #tpu.memory_space<semaphore_mem>>) src(%arg22 : memref<80x128xf32, #tpu.memory_space<vmem>>) dst(%dma_wait3A_723 : memref<80x128xf32, #tpu.memory_space<hbm>>)
          tpu.yield
        }) : () -> ()
      } else {
      }
    }
    %scan3A_30 = arith.constant 63 : i32
    return
  }
}

#map = affine_map<(d0, d1) -> (0)>
#map1 = affine_map<(d0, d1) -> (0, 0)>
module attributes {stable_mosaic.version = 14 : i64} {
  func.func @s2b(%arg0: i32, %arg1: i32, %arg2: memref<320000xf32, #tpu.memory_space<hbm>>, %arg3: memref<320000xi32, #tpu.memory_space<hbm>>, %arg4: memref<320000xi32, #tpu.memory_space<hbm>>, %arg5: memref<10000xf32, #tpu.memory_space<hbm>>, %arg6: memref<10000xf32, #tpu.memory_space<hbm>>, %arg7: memref<10000xf32, #tpu.memory_space<hbm>>, %arg8: memref<10000x128xf32, #tpu.memory_space<hbm>>, %arg9: memref<20000x128xf32, #tpu.memory_space<hbm>>, %arg10: memref<10000xf32, #tpu.memory_space<vmem>>, %arg11: memref<10000xf32, #tpu.memory_space<vmem>>, %arg12: memref<10000xf32, #tpu.memory_space<vmem>>, %arg13: memref<80xi32, #tpu.memory_space<vmem>>, %arg14: memref<80xi32, #tpu.memory_space<vmem>>, %arg15: memref<80xi32, #tpu.memory_space<vmem>>, %arg16: memref<80xi32, #tpu.memory_space<vmem>>, %arg17: memref<80xf32, #tpu.memory_space<vmem>>, %arg18: memref<80xf32, #tpu.memory_space<vmem>>, %arg19: memref<80x128xf32, #tpu.memory_space<vmem>>, %arg20: memref<10000x128xf32, #tpu.memory_space<vmem_shared>>, %arg21: memref<!tpu.dma_semaphore, #tpu.memory_space<semaphore_mem>>, %arg22: memref<!tpu.dma_semaphore, #tpu.memory_space<semaphore_mem>>, %arg23: memref<!tpu.dma_semaphore, #tpu.memory_space<semaphore_mem>>, %arg24: memref<!tpu.dma_semaphore, #tpu.memory_space<semaphore_mem>>, %arg25: memref<!tpu.dma_semaphore, #tpu.memory_space<semaphore_mem>>, %arg26: memref<!tpu.dma_semaphore, #tpu.memory_space<semaphore_mem>>) attributes {dimension_semantics = [#tpu.dimension_semantics<core_parallel>, #tpu.dimension_semantics<subcore_parallel>], iteration_bounds = array<i64: 2, 16>, scalar_prefetch = 0 : i64, scratch_operands = 17 : i64, tpu.core_type = #tpu.core_type<sc_vector_subcore>, window_params = [{transform_indices = #map}, {transform_indices = #map}, {transform_indices = #map}, {transform_indices = #map}, {transform_indices = #map}, {transform_indices = #map}, {transform_indices = #map1}, {transform_indices = #map1}]} {
    %mul3A = arith.constant 2 : i32
    %mul3A_0 = arith.muli %arg1, %mul3A : i32
    %add3A = arith.addi %mul3A_0, %arg0 : i32
    %mul3A_1 = arith.constant 10000 : i32
    %mul3A_2 = arith.muli %add3A, %mul3A_1 : i32
    "tpu.region"() ({
      %run_scoped3A = tpu.sem_alloc : memref<!tpu.dma_semaphore, #tpu.memory_space<semaphore_mem>>
      tpu.enqueue_dma source(%arg5 : memref<10000xf32, #tpu.memory_space<hbm>>) target(%arg10 : memref<10000xf32, #tpu.memory_space<vmem>>) target_semaphore(%run_scoped3A : memref<!tpu.dma_semaphore, #tpu.memory_space<semaphore_mem>>)
      tpu.wait_dma2 semaphore(%run_scoped3A : memref<!tpu.dma_semaphore, #tpu.memory_space<semaphore_mem>>) src(%arg5 : memref<10000xf32, #tpu.memory_space<hbm>>) dst(%arg10 : memref<10000xf32, #tpu.memory_space<vmem>>)
      tpu.yield
    }) : () -> ()
    "tpu.region"() ({
      %run_scoped3A = tpu.sem_alloc : memref<!tpu.dma_semaphore, #tpu.memory_space<semaphore_mem>>
      tpu.enqueue_dma source(%arg6 : memref<10000xf32, #tpu.memory_space<hbm>>) target(%arg11 : memref<10000xf32, #tpu.memory_space<vmem>>) target_semaphore(%run_scoped3A : memref<!tpu.dma_semaphore, #tpu.memory_space<semaphore_mem>>)
      tpu.wait_dma2 semaphore(%run_scoped3A : memref<!tpu.dma_semaphore, #tpu.memory_space<semaphore_mem>>) src(%arg6 : memref<10000xf32, #tpu.memory_space<hbm>>) dst(%arg11 : memref<10000xf32, #tpu.memory_space<vmem>>)
      tpu.yield
    }) : () -> ()
    "tpu.region"() ({
      %run_scoped3A = tpu.sem_alloc : memref<!tpu.dma_semaphore, #tpu.memory_space<semaphore_mem>>
      tpu.enqueue_dma source(%arg7 : memref<10000xf32, #tpu.memory_space<hbm>>) target(%arg12 : memref<10000xf32, #tpu.memory_space<vmem>>) target_semaphore(%run_scoped3A : memref<!tpu.dma_semaphore, #tpu.memory_space<semaphore_mem>>)
      tpu.wait_dma2 semaphore(%run_scoped3A : memref<!tpu.dma_semaphore, #tpu.memory_space<semaphore_mem>>) src(%arg7 : memref<10000xf32, #tpu.memory_space<hbm>>) dst(%arg12 : memref<10000xf32, #tpu.memory_space<vmem>>)
      tpu.yield
    }) : () -> ()
    %iota3A = tpu.iota {dimensions = array<i32: 0>} : vector<16xi32>
    %eq3A = arith.constant 3 : i32
    %eq3A_3 = vector.broadcast %eq3A : i32 to vector<16xi32>
    %eq3A_4 = arith.cmpi eq, %iota3A, %eq3A_3 : vector<16xi32>
    %jit3A = arith.constant 1.000000e+00 : f32
    %jit3A_5 = arith.constant 0.000000e+00 : f32
    %broadcast_in_dim3A = vector.broadcast %jit3A : f32 to vector<16xf32>
    %broadcast_in_dim3A_6 = vector.broadcast %jit3A_5 : f32 to vector<16xf32>
    %select_n3A = arith.select %eq3A_4, %broadcast_in_dim3A, %broadcast_in_dim3A_6 : vector<16xi1>, vector<16xf32>
    %broadcast_in_dim3A_7 = arith.constant 0.000000e+00 : f32
    %broadcast_in_dim3A_8 = vector.broadcast %broadcast_in_dim3A_7 : f32 to vector<16xf32>
    %scan3A = arith.constant 0 : i32
    %scan3A_9 = arith.constant 80 : i32
    %scan3A_10 = arith.addi %scan3A, %scan3A_9 : i32
    %scan3A_11 = arith.constant 1 : i32
    scf.for %scan3A_39 = %scan3A to %scan3A_10 step %scan3A_11  : i32 {
      %mul3A_40 = arith.constant 1 : i32
      %mul3A_41 = arith.muli %scan3A_39, %mul3A_40 : i32
      %add3A_42 = arith.constant 0 : i32
      %add3A_43 = arith.addi %add3A_42, %mul3A_41 : i32
      %swap3A = arith.index_cast %add3A_43 : i32 to index
      %swap3A_44 = arith.constant 0 : index
      %swap3A_45 = tpu.vector_load %arg19[%swap3A, %swap3A_44] {strides = array<i32>} : memref<80x128xf32, #tpu.memory_space<vmem>>, vector<16xf32>,
      tpu.vector_store %arg19[%swap3A, %swap3A_44], %select_n3A {strides = array<i32>} : memref<80x128xf32, #tpu.memory_space<vmem>>, vector<16xf32>,
      %swap3A_46 = arith.index_cast %add3A_43 : i32 to index
      %swap3A_47 = arith.constant 16 : index
      %swap3A_48 = tpu.vector_load %arg19[%swap3A_46, %swap3A_47] {strides = array<i32>} : memref<80x128xf32, #tpu.memory_space<vmem>>, vector<16xf32>,
      tpu.vector_store %arg19[%swap3A_46, %swap3A_47], %broadcast_in_dim3A_8 {strides = array<i32>} : memref<80x128xf32, #tpu.memory_space<vmem>>, vector<16xf32>,
      %swap3A_49 = arith.index_cast %add3A_43 : i32 to index
      %swap3A_50 = arith.constant 32 : index
      %swap3A_51 = tpu.vector_load %arg19[%swap3A_49, %swap3A_50] {strides = array<i32>} : memref<80x128xf32, #tpu.memory_space<vmem>>, vector<16xf32>,
      tpu.vector_store %arg19[%swap3A_49, %swap3A_50], %broadcast_in_dim3A_8 {strides = array<i32>} : memref<80x128xf32, #tpu.memory_space<vmem>>, vector<16xf32>,
      %swap3A_52 = arith.index_cast %add3A_43 : i32 to index
      %swap3A_53 = arith.constant 48 : index
      %swap3A_54 = tpu.vector_load %arg19[%swap3A_52, %swap3A_53] {strides = array<i32>} : memref<80x128xf32, #tpu.memory_space<vmem>>, vector<16xf32>,
      tpu.vector_store %arg19[%swap3A_52, %swap3A_53], %broadcast_in_dim3A_8 {strides = array<i32>} : memref<80x128xf32, #tpu.memory_space<vmem>>, vector<16xf32>,
      %swap3A_55 = arith.index_cast %add3A_43 : i32 to index
      %swap3A_56 = arith.constant 64 : index
      %swap3A_57 = tpu.vector_load %arg19[%swap3A_55, %swap3A_56] {strides = array<i32>} : memref<80x128xf32, #tpu.memory_space<vmem>>, vector<16xf32>,
      tpu.vector_store %arg19[%swap3A_55, %swap3A_56], %broadcast_in_dim3A_8 {strides = array<i32>} : memref<80x128xf32, #tpu.memory_space<vmem>>, vector<16xf32>,
      %swap3A_58 = arith.index_cast %add3A_43 : i32 to index
      %swap3A_59 = arith.constant 80 : index
      %swap3A_60 = tpu.vector_load %arg19[%swap3A_58, %swap3A_59] {strides = array<i32>} : memref<80x128xf32, #tpu.memory_space<vmem>>, vector<16xf32>,
      tpu.vector_store %arg19[%swap3A_58, %swap3A_59], %broadcast_in_dim3A_8 {strides = array<i32>} : memref<80x128xf32, #tpu.memory_space<vmem>>, vector<16xf32>,
      %swap3A_61 = arith.index_cast %add3A_43 : i32 to index
      %swap3A_62 = arith.constant 96 : index
      %swap3A_63 = tpu.vector_load %arg19[%swap3A_61, %swap3A_62] {strides = array<i32>} : memref<80x128xf32, #tpu.memory_space<vmem>>, vector<16xf32>,
      tpu.vector_store %arg19[%swap3A_61, %swap3A_62], %broadcast_in_dim3A_8 {strides = array<i32>} : memref<80x128xf32, #tpu.memory_space<vmem>>, vector<16xf32>,
      %swap3A_64 = arith.index_cast %add3A_43 : i32 to index
      %swap3A_65 = arith.constant 112 : index
      %swap3A_66 = tpu.vector_load %arg19[%swap3A_64, %swap3A_65] {strides = array<i32>} : memref<80x128xf32, #tpu.memory_space<vmem>>, vector<16xf32>,
      tpu.vector_store %arg19[%swap3A_64, %swap3A_65], %broadcast_in_dim3A_8 {strides = array<i32>} : memref<80x128xf32, #tpu.memory_space<vmem>>, vector<16xf32>,
    }
    %scan3A_12 = arith.constant 80 : i32
    %eq3A_13 = arith.constant 0 : i32
    %eq3A_14 = arith.cmpi eq, %arg1, %eq3A_13 : i32
    %convert_element_type3A = arith.extui %eq3A_14 : i1 to i32
    %cond3A = arith.constant 0 : i32
    %cond3A_15 = arith.cmpi ne, %convert_element_type3A, %cond3A : i32
    scf.if %cond3A_15 {
      "tpu.region"() ({
        %run_scoped3A = tpu.sem_alloc : memref<!tpu.dma_semaphore, #tpu.memory_space<semaphore_mem>>
        tpu.enqueue_dma source(%arg8 : memref<10000x128xf32, #tpu.memory_space<hbm>>) target(%arg20 : memref<10000x128xf32, #tpu.memory_space<vmem_shared>>) target_semaphore(%run_scoped3A : memref<!tpu.dma_semaphore, #tpu.memory_space<semaphore_mem>>)
        tpu.wait_dma2 semaphore(%run_scoped3A : memref<!tpu.dma_semaphore, #tpu.memory_space<semaphore_mem>>) src(%arg8 : memref<10000x128xf32, #tpu.memory_space<hbm>>) dst(%arg20 : memref<10000x128xf32, #tpu.memory_space<vmem_shared>>)
        tpu.yield
      }) : () -> ()
    } else {
    }
    %barrier3A = arith.constant 0 : index
    tpu.barrier barrier_id(%barrier3A)
    %add3A_16 = arith.constant 0 : i32
    %add3A_17 = arith.addi %mul3A_2, %add3A_16 : i32
    %dma_start3A = tpu.memref_slice %arg3[%add3A_17] : memref<320000xi32, #tpu.memory_space<hbm>> -> memref<80xi32, #tpu.memory_space<hbm>>
    %dma_start3A_18 = tpu.memref_slice %arg3[%add3A_17] : memref<320000xi32, #tpu.memory_space<hbm>> -> memref<80xi32, #tpu.memory_space<hbm>>
    tpu.enqueue_dma source(%dma_start3A_18 : memref<80xi32, #tpu.memory_space<hbm>>) target(%arg13 : memref<80xi32, #tpu.memory_space<vmem>>) target_semaphore(%arg21 : memref<!tpu.dma_semaphore, #tpu.memory_space<semaphore_mem>>)
    %dma_start3A_19 = tpu.memref_slice %arg4[%add3A_17] : memref<320000xi32, #tpu.memory_space<hbm>> -> memref<80xi32, #tpu.memory_space<hbm>>
    %dma_start3A_20 = tpu.memref_slice %arg4[%add3A_17] : memref<320000xi32, #tpu.memory_space<hbm>> -> memref<80xi32, #tpu.memory_space<hbm>>
    tpu.enqueue_dma source(%dma_start3A_20 : memref<80xi32, #tpu.memory_space<hbm>>) target(%arg15 : memref<80xi32, #tpu.memory_space<vmem>>) target_semaphore(%arg23 : memref<!tpu.dma_semaphore, #tpu.memory_space<semaphore_mem>>)
    %dma_start3A_21 = tpu.memref_slice %arg2[%add3A_17] : memref<320000xf32, #tpu.memory_space<hbm>> -> memref<80xf32, #tpu.memory_space<hbm>>
    %dma_start3A_22 = tpu.memref_slice %arg2[%add3A_17] : memref<320000xf32, #tpu.memory_space<hbm>> -> memref<80xf32, #tpu.memory_space<hbm>>
    tpu.enqueue_dma source(%dma_start3A_22 : memref<80xf32, #tpu.memory_space<hbm>>) target(%arg17 : memref<80xf32, #tpu.memory_space<vmem>>) target_semaphore(%arg25 : memref<!tpu.dma_semaphore, #tpu.memory_space<semaphore_mem>>)
    %scan3A_23 = arith.constant 0 : i32
    %scan3A_24 = arith.constant 63 : i32
    %scan3A_25 = arith.addi %scan3A_23, %scan3A_24 : i32
    %scan3A_26 = arith.constant 1 : i32
    scf.for %scan3A_39 = %scan3A_23 to %scan3A_25 step %scan3A_26  : i32 {
      %mul3A_40 = arith.constant 2 : i32
      %mul3A_41 = arith.muli %scan3A_39, %mul3A_40 : i32
      %add3A_42 = arith.constant 0 : i32
      %add3A_43 = arith.addi %add3A_42, %mul3A_41 : i32
      %add3A_44 = arith.constant 1 : i32
      %add3A_45 = arith.addi %add3A_43, %add3A_44 : i32
      %lt3A = arith.constant 125 : i32
      %lt3A_46 = arith.cmpi slt, %add3A_45, %lt3A : i32
      %convert_element_type3A_47 = arith.extui %lt3A_46 : i1 to i32
      %cond3A_48 = arith.constant 0 : i32
      %cond3A_49 = arith.cmpi ne, %convert_element_type3A_47, %cond3A_48 : i32
      scf.if %cond3A_49 {
        %add3A_207 = arith.constant 1 : i32
        %add3A_208 = arith.addi %add3A_43, %add3A_207 : i32
        %mul3A_209 = arith.constant 80 : i32
        %mul3A_210 = arith.muli %add3A_208, %mul3A_209 : i32
        %add3A_211 = arith.addi %mul3A_2, %mul3A_210 : i32
        %dma_start3A_212 = tpu.memref_slice %arg3[%add3A_211] : memref<320000xi32, #tpu.memory_space<hbm>> -> memref<80xi32, #tpu.memory_space<hbm>>
        %dma_start3A_213 = tpu.memref_slice %arg3[%add3A_211] : memref<320000xi32, #tpu.memory_space<hbm>> -> memref<80xi32, #tpu.memory_space<hbm>>
        tpu.enqueue_dma source(%dma_start3A_213 : memref<80xi32, #tpu.memory_space<hbm>>) target(%arg14 : memref<80xi32, #tpu.memory_space<vmem>>) target_semaphore(%arg22 : memref<!tpu.dma_semaphore, #tpu.memory_space<semaphore_mem>>)
        %dma_start3A_214 = tpu.memref_slice %arg4[%add3A_211] : memref<320000xi32, #tpu.memory_space<hbm>> -> memref<80xi32, #tpu.memory_space<hbm>>
        %dma_start3A_215 = tpu.memref_slice %arg4[%add3A_211] : memref<320000xi32, #tpu.memory_space<hbm>> -> memref<80xi32, #tpu.memory_space<hbm>>
        tpu.enqueue_dma source(%dma_start3A_215 : memref<80xi32, #tpu.memory_space<hbm>>) target(%arg16 : memref<80xi32, #tpu.memory_space<vmem>>) target_semaphore(%arg24 : memref<!tpu.dma_semaphore, #tpu.memory_space<semaphore_mem>>)
        %dma_start3A_216 = tpu.memref_slice %arg2[%add3A_211] : memref<320000xf32, #tpu.memory_space<hbm>> -> memref<80xf32, #tpu.memory_space<hbm>>
        %dma_start3A_217 = tpu.memref_slice %arg2[%add3A_211] : memref<320000xf32, #tpu.memory_space<hbm>> -> memref<80xf32, #tpu.memory_space<hbm>>
        tpu.enqueue_dma source(%dma_start3A_217 : memref<80xf32, #tpu.memory_space<hbm>>) target(%arg18 : memref<80xf32, #tpu.memory_space<vmem>>) target_semaphore(%arg26 : memref<!tpu.dma_semaphore, #tpu.memory_space<semaphore_mem>>)
      } else {
      }
      %dma_wait3A = arith.constant 0 : i32
      %dma_wait3A_50 = tpu.memref_slice %arg3[%dma_wait3A] : memref<320000xi32, #tpu.memory_space<hbm>> -> memref<80xi32, #tpu.memory_space<hbm>>
      %dma_wait3A_51 = arith.constant 0 : i32
      %dma_wait3A_52 = tpu.memref_slice %arg3[%dma_wait3A_51] : memref<320000xi32, #tpu.memory_space<hbm>> -> memref<80xi32, #tpu.memory_space<hbm>>
      tpu.wait_dma2 semaphore(%arg21 : memref<!tpu.dma_semaphore, #tpu.memory_space<semaphore_mem>>) src(%dma_wait3A_52 : memref<80xi32, #tpu.memory_space<hbm>>) dst(%arg13 : memref<80xi32, #tpu.memory_space<vmem>>)
      %dma_wait3A_53 = arith.constant 0 : i32
      %dma_wait3A_54 = tpu.memref_slice %arg4[%dma_wait3A_53] : memref<320000xi32, #tpu.memory_space<hbm>> -> memref<80xi32, #tpu.memory_space<hbm>>
      %dma_wait3A_55 = arith.constant 0 : i32
      %dma_wait3A_56 = tpu.memref_slice %arg4[%dma_wait3A_55] : memref<320000xi32, #tpu.memory_space<hbm>> -> memref<80xi32, #tpu.memory_space<hbm>>
      tpu.wait_dma2 semaphore(%arg23 : memref<!tpu.dma_semaphore, #tpu.memory_space<semaphore_mem>>) src(%dma_wait3A_56 : memref<80xi32, #tpu.memory_space<hbm>>) dst(%arg15 : memref<80xi32, #tpu.memory_space<vmem>>)
      %dma_wait3A_57 = arith.constant 0 : i32
      %dma_wait3A_58 = tpu.memref_slice %arg2[%dma_wait3A_57] : memref<320000xf32, #tpu.memory_space<hbm>> -> memref<80xf32, #tpu.memory_space<hbm>>
      %dma_wait3A_59 = arith.constant 0 : i32
      %dma_wait3A_60 = tpu.memref_slice %arg2[%dma_wait3A_59] : memref<320000xf32, #tpu.memory_space<hbm>> -> memref<80xf32, #tpu.memory_space<hbm>>
      tpu.wait_dma2 semaphore(%arg25 : memref<!tpu.dma_semaphore, #tpu.memory_space<semaphore_mem>>) src(%dma_wait3A_60 : memref<80xf32, #tpu.memory_space<hbm>>) dst(%arg17 : memref<80xf32, #tpu.memory_space<vmem>>)
      %get3A = arith.constant 0 : index
      %get3A_61 = tpu.vector_load %arg13[%get3A] {strides = array<i32>} : memref<80xi32, #tpu.memory_space<vmem>>, vector<16xi32>,
      %get3A_62 = arith.constant 0 : index
      %get3A_63 = tpu.vector_load %arg15[%get3A_62] {strides = array<i32>} : memref<80xi32, #tpu.memory_space<vmem>>, vector<16xi32>,
      %get3A_64 = arith.constant 0 : index
      %get3A_65 = tpu.vector_load %arg17[%get3A_64] {strides = array<i32>} : memref<80xf32, #tpu.memory_space<vmem>>, vector<16xf32>,
      %gather3A = tpu.vector_load_idx %arg10[%get3A_63] : memref<10000xf32, #tpu.memory_space<vmem>>[vector<16xi32>], vector<16xf32>,
      %gather3A_66 = tpu.vector_load_idx %arg10[%get3A_61] : memref<10000xf32, #tpu.memory_space<vmem>>[vector<16xi32>], vector<16xf32>,
      %sub3A = arith.subf %gather3A, %gather3A_66 : vector<16xf32>
      %mul3A_67 = arith.mulf %sub3A, %get3A_65 : vector<16xf32>
      %gather3A_68 = tpu.vector_load_idx %arg11[%get3A_63] : memref<10000xf32, #tpu.memory_space<vmem>>[vector<16xi32>], vector<16xf32>,
      %gather3A_69 = tpu.vector_load_idx %arg11[%get3A_61] : memref<10000xf32, #tpu.memory_space<vmem>>[vector<16xi32>], vector<16xf32>,
      %sub3A_70 = arith.subf %gather3A_68, %gather3A_69 : vector<16xf32>
      %mul3A_71 = arith.mulf %sub3A_70, %get3A_65 : vector<16xf32>
      %gather3A_72 = tpu.vector_load_idx %arg12[%get3A_63] : memref<10000xf32, #tpu.memory_space<vmem>>[vector<16xi32>], vector<16xf32>,
      %gather3A_73 = tpu.vector_load_idx %arg12[%get3A_61] : memref<10000xf32, #tpu.memory_space<vmem>>[vector<16xi32>], vector<16xf32>,
      %sub3A_74 = arith.subf %gather3A_72, %gather3A_73 : vector<16xf32>
      %mul3A_75 = arith.mulf %sub3A_74, %get3A_65 : vector<16xf32>
      %add3A_76 = arith.constant 0 : i32
      %add3A_77 = vector.broadcast %add3A_76 : i32 to vector<16xi32>
      %add3A_78 = arith.addi %iota3A, %add3A_77 : vector<16xi32>
      %broadcast_in_dim3A_79 = arith.constant 0 : i32
      %broadcast_in_dim3A_80 = vector.broadcast %broadcast_in_dim3A_79 : i32 to vector<16xi32>
      tpu.vector_store_idx %arg19[%add3A_78, %broadcast_in_dim3A_80], %mul3A_67 : memref<80x128xf32, #tpu.memory_space<vmem>>[vector<16xi32>, vector<16xi32>], vector<16xf32>,
      %broadcast_in_dim3A_81 = arith.constant 1 : i32
      %broadcast_in_dim3A_82 = vector.broadcast %broadcast_in_dim3A_81 : i32 to vector<16xi32>
      tpu.vector_store_idx %arg19[%add3A_78, %broadcast_in_dim3A_82], %mul3A_71 : memref<80x128xf32, #tpu.memory_space<vmem>>[vector<16xi32>, vector<16xi32>], vector<16xf32>,
      %broadcast_in_dim3A_83 = arith.constant 2 : i32
      %broadcast_in_dim3A_84 = vector.broadcast %broadcast_in_dim3A_83 : i32 to vector<16xi32>
      tpu.vector_store_idx %arg19[%add3A_78, %broadcast_in_dim3A_84], %mul3A_75 : memref<80x128xf32, #tpu.memory_space<vmem>>[vector<16xi32>, vector<16xi32>], vector<16xf32>,
      %get3A_85 = arith.constant 16 : index
      %get3A_86 = tpu.vector_load %arg13[%get3A_85] {strides = array<i32>} : memref<80xi32, #tpu.memory_space<vmem>>, vector<16xi32>,
      %get3A_87 = arith.constant 16 : index
      %get3A_88 = tpu.vector_load %arg15[%get3A_87] {strides = array<i32>} : memref<80xi32, #tpu.memory_space<vmem>>, vector<16xi32>,
      %get3A_89 = arith.constant 16 : index
      %get3A_90 = tpu.vector_load %arg17[%get3A_89] {strides = array<i32>} : memref<80xf32, #tpu.memory_space<vmem>>, vector<16xf32>,
      %gather3A_91 = tpu.vector_load_idx %arg10[%get3A_88] : memref<10000xf32, #tpu.memory_space<vmem>>[vector<16xi32>], vector<16xf32>,
      %gather3A_92 = tpu.vector_load_idx %arg10[%get3A_86] : memref<10000xf32, #tpu.memory_space<vmem>>[vector<16xi32>], vector<16xf32>,
      %sub3A_93 = arith.subf %gather3A_91, %gather3A_92 : vector<16xf32>
      %mul3A_94 = arith.mulf %sub3A_93, %get3A_90 : vector<16xf32>
      %gather3A_95 = tpu.vector_load_idx %arg11[%get3A_88] : memref<10000xf32, #tpu.memory_space<vmem>>[vector<16xi32>], vector<16xf32>,
      %gather3A_96 = tpu.vector_load_idx %arg11[%get3A_86] : memref<10000xf32, #tpu.memory_space<vmem>>[vector<16xi32>], vector<16xf32>,
      %sub3A_97 = arith.subf %gather3A_95, %gather3A_96 : vector<16xf32>
      %mul3A_98 = arith.mulf %sub3A_97, %get3A_90 : vector<16xf32>
      %gather3A_99 = tpu.vector_load_idx %arg12[%get3A_88] : memref<10000xf32, #tpu.memory_space<vmem>>[vector<16xi32>], vector<16xf32>,
      %gather3A_100 = tpu.vector_load_idx %arg12[%get3A_86] : memref<10000xf32, #tpu.memory_space<vmem>>[vector<16xi32>], vector<16xf32>,
      %sub3A_101 = arith.subf %gather3A_99, %gather3A_100 : vector<16xf32>
      %mul3A_102 = arith.mulf %sub3A_101, %get3A_90 : vector<16xf32>
      %add3A_103 = arith.constant 16 : i32
      %add3A_104 = vector.broadcast %add3A_103 : i32 to vector<16xi32>
      %add3A_105 = arith.addi %iota3A, %add3A_104 : vector<16xi32>
      %broadcast_in_dim3A_106 = arith.constant 0 : i32
      %broadcast_in_dim3A_107 = vector.broadcast %broadcast_in_dim3A_106 : i32 to vector<16xi32>
      tpu.vector_store_idx %arg19[%add3A_105, %broadcast_in_dim3A_107], %mul3A_94 : memref<80x128xf32, #tpu.memory_space<vmem>>[vector<16xi32>, vector<16xi32>], vector<16xf32>,
      %broadcast_in_dim3A_108 = arith.constant 1 : i32
      %broadcast_in_dim3A_109 = vector.broadcast %broadcast_in_dim3A_108 : i32 to vector<16xi32>
      tpu.vector_store_idx %arg19[%add3A_105, %broadcast_in_dim3A_109], %mul3A_98 : memref<80x128xf32, #tpu.memory_space<vmem>>[vector<16xi32>, vector<16xi32>], vector<16xf32>,
      %broadcast_in_dim3A_110 = arith.constant 2 : i32
      %broadcast_in_dim3A_111 = vector.broadcast %broadcast_in_dim3A_110 : i32 to vector<16xi32>
      tpu.vector_store_idx %arg19[%add3A_105, %broadcast_in_dim3A_111], %mul3A_102 : memref<80x128xf32, #tpu.memory_space<vmem>>[vector<16xi32>, vector<16xi32>], vector<16xf32>,
      %get3A_112 = arith.constant 32 : index
      %get3A_113 = tpu.vector_load %arg13[%get3A_112] {strides = array<i32>} : memref<80xi32, #tpu.memory_space<vmem>>, vector<16xi32>,
      %get3A_114 = arith.constant 32 : index
      %get3A_115 = tpu.vector_load %arg15[%get3A_114] {strides = array<i32>} : memref<80xi32, #tpu.memory_space<vmem>>, vector<16xi32>,
      %get3A_116 = arith.constant 32 : index
      %get3A_117 = tpu.vector_load %arg17[%get3A_116] {strides = array<i32>} : memref<80xf32, #tpu.memory_space<vmem>>, vector<16xf32>,
      %gather3A_118 = tpu.vector_load_idx %arg10[%get3A_115] : memref<10000xf32, #tpu.memory_space<vmem>>[vector<16xi32>], vector<16xf32>,
      %gather3A_119 = tpu.vector_load_idx %arg10[%get3A_113] : memref<10000xf32, #tpu.memory_space<vmem>>[vector<16xi32>], vector<16xf32>,
      %sub3A_120 = arith.subf %gather3A_118, %gather3A_119 : vector<16xf32>
      %mul3A_121 = arith.mulf %sub3A_120, %get3A_117 : vector<16xf32>
      %gather3A_122 = tpu.vector_load_idx %arg11[%get3A_115] : memref<10000xf32, #tpu.memory_space<vmem>>[vector<16xi32>], vector<16xf32>,
      %gather3A_123 = tpu.vector_load_idx %arg11[%get3A_113] : memref<10000xf32, #tpu.memory_space<vmem>>[vector<16xi32>], vector<16xf32>,
      %sub3A_124 = arith.subf %gather3A_122, %gather3A_123 : vector<16xf32>
      %mul3A_125 = arith.mulf %sub3A_124, %get3A_117 : vector<16xf32>
      %gather3A_126 = tpu.vector_load_idx %arg12[%get3A_115] : memref<10000xf32, #tpu.memory_space<vmem>>[vector<16xi32>], vector<16xf32>,
      %gather3A_127 = tpu.vector_load_idx %arg12[%get3A_113] : memref<10000xf32, #tpu.memory_space<vmem>>[vector<16xi32>], vector<16xf32>,
      %sub3A_128 = arith.subf %gather3A_126, %gather3A_127 : vector<16xf32>
      %mul3A_129 = arith.mulf %sub3A_128, %get3A_117 : vector<16xf32>
      %add3A_130 = arith.constant 32 : i32
      %add3A_131 = vector.broadcast %add3A_130 : i32 to vector<16xi32>
      %add3A_132 = arith.addi %iota3A, %add3A_131 : vector<16xi32>
      %broadcast_in_dim3A_133 = arith.constant 0 : i32
      %broadcast_in_dim3A_134 = vector.broadcast %broadcast_in_dim3A_133 : i32 to vector<16xi32>
      tpu.vector_store_idx %arg19[%add3A_132, %broadcast_in_dim3A_134], %mul3A_121 : memref<80x128xf32, #tpu.memory_space<vmem>>[vector<16xi32>, vector<16xi32>], vector<16xf32>,
      %broadcast_in_dim3A_135 = arith.constant 1 : i32
      %broadcast_in_dim3A_136 = vector.broadcast %broadcast_in_dim3A_135 : i32 to vector<16xi32>
      tpu.vector_store_idx %arg19[%add3A_132, %broadcast_in_dim3A_136], %mul3A_125 : memref<80x128xf32, #tpu.memory_space<vmem>>[vector<16xi32>, vector<16xi32>], vector<16xf32>,
      %broadcast_in_dim3A_137 = arith.constant 2 : i32
      %broadcast_in_dim3A_138 = vector.broadcast %broadcast_in_dim3A_137 : i32 to vector<16xi32>
      tpu.vector_store_idx %arg19[%add3A_132, %broadcast_in_dim3A_138], %mul3A_129 : memref<80x128xf32, #tpu.memory_space<vmem>>[vector<16xi32>, vector<16xi32>], vector<16xf32>,
      %get3A_139 = arith.constant 48 : index
      %get3A_140 = tpu.vector_load %arg13[%get3A_139] {strides = array<i32>} : memref<80xi32, #tpu.memory_space<vmem>>, vector<16xi32>,
      %get3A_141 = arith.constant 48 : index
      %get3A_142 = tpu.vector_load %arg15[%get3A_141] {strides = array<i32>} : memref<80xi32, #tpu.memory_space<vmem>>, vector<16xi32>,
      %get3A_143 = arith.constant 48 : index
      %get3A_144 = tpu.vector_load %arg17[%get3A_143] {strides = array<i32>} : memref<80xf32, #tpu.memory_space<vmem>>, vector<16xf32>,
      %gather3A_145 = tpu.vector_load_idx %arg10[%get3A_142] : memref<10000xf32, #tpu.memory_space<vmem>>[vector<16xi32>], vector<16xf32>,
      %gather3A_146 = tpu.vector_load_idx %arg10[%get3A_140] : memref<10000xf32, #tpu.memory_space<vmem>>[vector<16xi32>], vector<16xf32>,
      %sub3A_147 = arith.subf %gather3A_145, %gather3A_146 : vector<16xf32>
      %mul3A_148 = arith.mulf %sub3A_147, %get3A_144 : vector<16xf32>
      %gather3A_149 = tpu.vector_load_idx %arg11[%get3A_142] : memref<10000xf32, #tpu.memory_space<vmem>>[vector<16xi32>], vector<16xf32>,
      %gather3A_150 = tpu.vector_load_idx %arg11[%get3A_140] : memref<10000xf32, #tpu.memory_space<vmem>>[vector<16xi32>], vector<16xf32>,
      %sub3A_151 = arith.subf %gather3A_149, %gather3A_150 : vector<16xf32>
      %mul3A_152 = arith.mulf %sub3A_151, %get3A_144 : vector<16xf32>
      %gather3A_153 = tpu.vector_load_idx %arg12[%get3A_142] : memref<10000xf32, #tpu.memory_space<vmem>>[vector<16xi32>], vector<16xf32>,
      %gather3A_154 = tpu.vector_load_idx %arg12[%get3A_140] : memref<10000xf32, #tpu.memory_space<vmem>>[vector<16xi32>], vector<16xf32>,
      %sub3A_155 = arith.subf %gather3A_153, %gather3A_154 : vector<16xf32>
      %mul3A_156 = arith.mulf %sub3A_155, %get3A_144 : vector<16xf32>
      %add3A_157 = arith.constant 48 : i32
      %add3A_158 = vector.broadcast %add3A_157 : i32 to vector<16xi32>
      %add3A_159 = arith.addi %iota3A, %add3A_158 : vector<16xi32>
      %broadcast_in_dim3A_160 = arith.constant 0 : i32
      %broadcast_in_dim3A_161 = vector.broadcast %broadcast_in_dim3A_160 : i32 to vector<16xi32>
      tpu.vector_store_idx %arg19[%add3A_159, %broadcast_in_dim3A_161], %mul3A_148 : memref<80x128xf32, #tpu.memory_space<vmem>>[vector<16xi32>, vector<16xi32>], vector<16xf32>,
      %broadcast_in_dim3A_162 = arith.constant 1 : i32
      %broadcast_in_dim3A_163 = vector.broadcast %broadcast_in_dim3A_162 : i32 to vector<16xi32>
      tpu.vector_store_idx %arg19[%add3A_159, %broadcast_in_dim3A_163], %mul3A_152 : memref<80x128xf32, #tpu.memory_space<vmem>>[vector<16xi32>, vector<16xi32>], vector<16xf32>,
      %broadcast_in_dim3A_164 = arith.constant 2 : i32
      %broadcast_in_dim3A_165 = vector.broadcast %broadcast_in_dim3A_164 : i32 to vector<16xi32>
      tpu.vector_store_idx %arg19[%add3A_159, %broadcast_in_dim3A_165], %mul3A_156 : memref<80x128xf32, #tpu.memory_space<vmem>>[vector<16xi32>, vector<16xi32>], vector<16xf32>,
      %get3A_166 = arith.constant 64 : index
      %get3A_167 = tpu.vector_load %arg13[%get3A_166] {strides = array<i32>} : memref<80xi32, #tpu.memory_space<vmem>>, vector<16xi32>,
      %get3A_168 = arith.constant 64 : index
      %get3A_169 = tpu.vector_load %arg15[%get3A_168] {strides = array<i32>} : memref<80xi32, #tpu.memory_space<vmem>>, vector<16xi32>,
      %get3A_170 = arith.constant 64 : index
      %get3A_171 = tpu.vector_load %arg17[%get3A_170] {strides = array<i32>} : memref<80xf32, #tpu.memory_space<vmem>>, vector<16xf32>,
      %gather3A_172 = tpu.vector_load_idx %arg10[%get3A_169] : memref<10000xf32, #tpu.memory_space<vmem>>[vector<16xi32>], vector<16xf32>,
      %gather3A_173 = tpu.vector_load_idx %arg10[%get3A_167] : memref<10000xf32, #tpu.memory_space<vmem>>[vector<16xi32>], vector<16xf32>,
      %sub3A_174 = arith.subf %gather3A_172, %gather3A_173 : vector<16xf32>
      %mul3A_175 = arith.mulf %sub3A_174, %get3A_171 : vector<16xf32>
      %gather3A_176 = tpu.vector_load_idx %arg11[%get3A_169] : memref<10000xf32, #tpu.memory_space<vmem>>[vector<16xi32>], vector<16xf32>,
      %gather3A_177 = tpu.vector_load_idx %arg11[%get3A_167] : memref<10000xf32, #tpu.memory_space<vmem>>[vector<16xi32>], vector<16xf32>,
      %sub3A_178 = arith.subf %gather3A_176, %gather3A_177 : vector<16xf32>
      %mul3A_179 = arith.mulf %sub3A_178, %get3A_171 : vector<16xf32>
      %gather3A_180 = tpu.vector_load_idx %arg12[%get3A_169] : memref<10000xf32, #tpu.memory_space<vmem>>[vector<16xi32>], vector<16xf32>,
      %gather3A_181 = tpu.vector_load_idx %arg12[%get3A_167] : memref<10000xf32, #tpu.memory_space<vmem>>[vector<16xi32>], vector<16xf32>,
      %sub3A_182 = arith.subf %gather3A_180, %gather3A_181 : vector<16xf32>
      %mul3A_183 = arith.mulf %sub3A_182, %get3A_171 : vector<16xf32>
      %add3A_184 = arith.constant 64 : i32
      %add3A_185 = vector.broadcast %add3A_184 : i32 to vector<16xi32>
      %add3A_186 = arith.addi %iota3A, %add3A_185 : vector<16xi32>
      %broadcast_in_dim3A_187 = arith.constant 0 : i32
      %broadcast_in_dim3A_188 = vector.broadcast %broadcast_in_dim3A_187 : i32 to vector<16xi32>
      tpu.vector_store_idx %arg19[%add3A_186, %broadcast_in_dim3A_188], %mul3A_175 : memref<80x128xf32, #tpu.memory_space<vmem>>[vector<16xi32>, vector<16xi32>], vector<16xf32>,
      %broadcast_in_dim3A_189 = arith.constant 1 : i32
      %broadcast_in_dim3A_190 = vector.broadcast %broadcast_in_dim3A_189 : i32 to vector<16xi32>
      tpu.vector_store_idx %arg19[%add3A_186, %broadcast_in_dim3A_190], %mul3A_179 : memref<80x128xf32, #tpu.memory_space<vmem>>[vector<16xi32>, vector<16xi32>], vector<16xf32>,
      %broadcast_in_dim3A_191 = arith.constant 2 : i32
      %broadcast_in_dim3A_192 = vector.broadcast %broadcast_in_dim3A_191 : i32 to vector<16xi32>
      tpu.vector_store_idx %arg19[%add3A_186, %broadcast_in_dim3A_192], %mul3A_183 : memref<80x128xf32, #tpu.memory_space<vmem>>[vector<16xi32>, vector<16xi32>], vector<16xf32>,
      "tpu.region"() ({
        %run_scoped3A = tpu.sem_alloc : memref<!tpu.dma_semaphore, #tpu.memory_space<semaphore_mem>>
        %dma_start3A_207 = arith.constant 0 : i32
        %dma_start3A_208 = arith.constant 0 : i32
        %dma_start3A_209 = tpu.memref_slice %arg20[%dma_start3A_207, %dma_start3A_208] : memref<10000x128xf32, #tpu.memory_space<vmem_shared>> -> memref<10000x128xf32, #tpu.memory_space<vmem_shared>>
        tpu.enqueue_indirect_dma source(%arg19 : memref<80x128xf32, #tpu.memory_space<vmem>>) target(%dma_start3A_209 : memref<10000x128xf32, #tpu.memory_space<vmem_shared>>) offsets(%arg13 : memref<80xi32, #tpu.memory_space<vmem>>) semaphore(%run_scoped3A : memref<!tpu.dma_semaphore, #tpu.memory_space<semaphore_mem>>) {add = true}
        %dma_wait3A_210 = arith.constant 0 : i32
        %dma_wait3A_211 = arith.constant 0 : i32
        %dma_wait3A_212 = tpu.memref_slice %arg20[%dma_wait3A_210, %dma_wait3A_211] : memref<10000x128xf32, #tpu.memory_space<vmem_shared>> -> memref<10000x128xf32, #tpu.memory_space<vmem_shared>>
        tpu.wait_indirect_dma semaphore(%run_scoped3A : memref<!tpu.dma_semaphore, #tpu.memory_space<semaphore_mem>>) src(%arg19 : memref<80x128xf32, #tpu.memory_space<vmem>>) dst(%dma_wait3A_212 : memref<10000x128xf32, #tpu.memory_space<vmem_shared>>)
        tpu.yield
      }) : () -> ()
      %add3A_193 = arith.constant 2 : i32
      %add3A_194 = arith.addi %add3A_43, %add3A_193 : i32
      %lt3A_195 = arith.constant 125 : i32
      %lt3A_196 = arith.cmpi slt, %add3A_194, %lt3A_195 : i32
      %convert_element_type3A_197 = arith.extui %lt3A_196 : i1 to i32
      %cond3A_198 = arith.constant 0 : i32
      %cond3A_199 = arith.cmpi ne, %convert_element_type3A_197, %cond3A_198 : i32
      scf.if %cond3A_199 {
        %add3A_207 = arith.constant 2 : i32
        %add3A_208 = arith.addi %add3A_43, %add3A_207 : i32
        %mul3A_209 = arith.constant 80 : i32
        %mul3A_210 = arith.muli %add3A_208, %mul3A_209 : i32
        %add3A_211 = arith.addi %mul3A_2, %mul3A_210 : i32
        %dma_start3A_212 = tpu.memref_slice %arg3[%add3A_211] : memref<320000xi32, #tpu.memory_space<hbm>> -> memref<80xi32, #tpu.memory_space<hbm>>
        %dma_start3A_213 = tpu.memref_slice %arg3[%add3A_211] : memref<320000xi32, #tpu.memory_space<hbm>> -> memref<80xi32, #tpu.memory_space<hbm>>
        tpu.enqueue_dma source(%dma_start3A_213 : memref<80xi32, #tpu.memory_space<hbm>>) target(%arg13 : memref<80xi32, #tpu.memory_space<vmem>>) target_semaphore(%arg21 : memref<!tpu.dma_semaphore, #tpu.memory_space<semaphore_mem>>)
        %dma_start3A_214 = tpu.memref_slice %arg4[%add3A_211] : memref<320000xi32, #tpu.memory_space<hbm>> -> memref<80xi32, #tpu.memory_space<hbm>>
        %dma_start3A_215 = tpu.memref_slice %arg4[%add3A_211] : memref<320000xi32, #tpu.memory_space<hbm>> -> memref<80xi32, #tpu.memory_space<hbm>>
        tpu.enqueue_dma source(%dma_start3A_215 : memref<80xi32, #tpu.memory_space<hbm>>) target(%arg15 : memref<80xi32, #tpu.memory_space<vmem>>) target_semaphore(%arg23 : memref<!tpu.dma_semaphore, #tpu.memory_space<semaphore_mem>>)
        %dma_start3A_216 = tpu.memref_slice %arg2[%add3A_211] : memref<320000xf32, #tpu.memory_space<hbm>> -> memref<80xf32, #tpu.memory_space<hbm>>
        %dma_start3A_217 = tpu.memref_slice %arg2[%add3A_211] : memref<320000xf32, #tpu.memory_space<hbm>> -> memref<80xf32, #tpu.memory_space<hbm>>
        tpu.enqueue_dma source(%dma_start3A_217 : memref<80xf32, #tpu.memory_space<hbm>>) target(%arg17 : memref<80xf32, #tpu.memory_space<vmem>>) target_semaphore(%arg25 : memref<!tpu.dma_semaphore, #tpu.memory_space<semaphore_mem>>)
      } else {
      }
      %add3A_200 = arith.constant 1 : i32
      %add3A_201 = arith.addi %add3A_43, %add3A_200 : i32
      %lt3A_202 = arith.constant 125 : i32
      %lt3A_203 = arith.cmpi slt, %add3A_201, %lt3A_202 : i32
      %convert_element_type3A_204 = arith.extui %lt3A_203 : i1 to i32
      %cond3A_205 = arith.constant 0 : i32
      %cond3A_206 = arith.cmpi ne, %convert_element_type3A_204, %cond3A_205 : i32
      scf.if %cond3A_206 {
        %dma_wait3A_207 = arith.constant 0 : i32
        %dma_wait3A_208 = tpu.memref_slice %arg3[%dma_wait3A_207] : memref<320000xi32, #tpu.memory_space<hbm>> -> memref<80xi32, #tpu.memory_space<hbm>>
        %dma_wait3A_209 = arith.constant 0 : i32
        %dma_wait3A_210 = tpu.memref_slice %arg3[%dma_wait3A_209] : memref<320000xi32, #tpu.memory_space<hbm>> -> memref<80xi32, #tpu.memory_space<hbm>>
        tpu.wait_dma2 semaphore(%arg22 : memref<!tpu.dma_semaphore, #tpu.memory_space<semaphore_mem>>) src(%dma_wait3A_210 : memref<80xi32, #tpu.memory_space<hbm>>) dst(%arg14 : memref<80xi32, #tpu.memory_space<vmem>>)
        %dma_wait3A_211 = arith.constant 0 : i32
        %dma_wait3A_212 = tpu.memref_slice %arg4[%dma_wait3A_211] : memref<320000xi32, #tpu.memory_space<hbm>> -> memref<80xi32, #tpu.memory_space<hbm>>
        %dma_wait3A_213 = arith.constant 0 : i32
        %dma_wait3A_214 = tpu.memref_slice %arg4[%dma_wait3A_213] : memref<320000xi32, #tpu.memory_space<hbm>> -> memref<80xi32, #tpu.memory_space<hbm>>
        tpu.wait_dma2 semaphore(%arg24 : memref<!tpu.dma_semaphore, #tpu.memory_space<semaphore_mem>>) src(%dma_wait3A_214 : memref<80xi32, #tpu.memory_space<hbm>>) dst(%arg16 : memref<80xi32, #tpu.memory_space<vmem>>)
        %dma_wait3A_215 = arith.constant 0 : i32
        %dma_wait3A_216 = tpu.memref_slice %arg2[%dma_wait3A_215] : memref<320000xf32, #tpu.memory_space<hbm>> -> memref<80xf32, #tpu.memory_space<hbm>>
        %dma_wait3A_217 = arith.constant 0 : i32
        %dma_wait3A_218 = tpu.memref_slice %arg2[%dma_wait3A_217] : memref<320000xf32, #tpu.memory_space<hbm>> -> memref<80xf32, #tpu.memory_space<hbm>>
        tpu.wait_dma2 semaphore(%arg26 : memref<!tpu.dma_semaphore, #tpu.memory_space<semaphore_mem>>) src(%dma_wait3A_218 : memref<80xf32, #tpu.memory_space<hbm>>) dst(%arg18 : memref<80xf32, #tpu.memory_space<vmem>>)
        %get3A_219 = arith.constant 0 : index
        %get3A_220 = tpu.vector_load %arg14[%get3A_219] {strides = array<i32>} : memref<80xi32, #tpu.memory_space<vmem>>, vector<16xi32>,
        %get3A_221 = arith.constant 0 : index
        %get3A_222 = tpu.vector_load %arg16[%get3A_221] {strides = array<i32>} : memref<80xi32, #tpu.memory_space<vmem>>, vector<16xi32>,
        %get3A_223 = arith.constant 0 : index
        %get3A_224 = tpu.vector_load %arg18[%get3A_223] {strides = array<i32>} : memref<80xf32, #tpu.memory_space<vmem>>, vector<16xf32>,
        %gather3A_225 = tpu.vector_load_idx %arg10[%get3A_222] : memref<10000xf32, #tpu.memory_space<vmem>>[vector<16xi32>], vector<16xf32>,
        %gather3A_226 = tpu.vector_load_idx %arg10[%get3A_220] : memref<10000xf32, #tpu.memory_space<vmem>>[vector<16xi32>], vector<16xf32>,
        %sub3A_227 = arith.subf %gather3A_225, %gather3A_226 : vector<16xf32>
        %mul3A_228 = arith.mulf %sub3A_227, %get3A_224 : vector<16xf32>
        %gather3A_229 = tpu.vector_load_idx %arg11[%get3A_222] : memref<10000xf32, #tpu.memory_space<vmem>>[vector<16xi32>], vector<16xf32>,
        %gather3A_230 = tpu.vector_load_idx %arg11[%get3A_220] : memref<10000xf32, #tpu.memory_space<vmem>>[vector<16xi32>], vector<16xf32>,
        %sub3A_231 = arith.subf %gather3A_229, %gather3A_230 : vector<16xf32>
        %mul3A_232 = arith.mulf %sub3A_231, %get3A_224 : vector<16xf32>
        %gather3A_233 = tpu.vector_load_idx %arg12[%get3A_222] : memref<10000xf32, #tpu.memory_space<vmem>>[vector<16xi32>], vector<16xf32>,
        %gather3A_234 = tpu.vector_load_idx %arg12[%get3A_220] : memref<10000xf32, #tpu.memory_space<vmem>>[vector<16xi32>], vector<16xf32>,
        %sub3A_235 = arith.subf %gather3A_233, %gather3A_234 : vector<16xf32>
        %mul3A_236 = arith.mulf %sub3A_235, %get3A_224 : vector<16xf32>
        %add3A_237 = arith.constant 0 : i32
        %add3A_238 = vector.broadcast %add3A_237 : i32 to vector<16xi32>
        %add3A_239 = arith.addi %iota3A, %add3A_238 : vector<16xi32>
        %broadcast_in_dim3A_240 = arith.constant 0 : i32
        %broadcast_in_dim3A_241 = vector.broadcast %broadcast_in_dim3A_240 : i32 to vector<16xi32>
        tpu.vector_store_idx %arg19[%add3A_239, %broadcast_in_dim3A_241], %mul3A_228 : memref<80x128xf32, #tpu.memory_space<vmem>>[vector<16xi32>, vector<16xi32>], vector<16xf32>,
        %broadcast_in_dim3A_242 = arith.constant 1 : i32
        %broadcast_in_dim3A_243 = vector.broadcast %broadcast_in_dim3A_242 : i32 to vector<16xi32>
        tpu.vector_store_idx %arg19[%add3A_239, %broadcast_in_dim3A_243], %mul3A_232 : memref<80x128xf32, #tpu.memory_space<vmem>>[vector<16xi32>, vector<16xi32>], vector<16xf32>,
        %broadcast_in_dim3A_244 = arith.constant 2 : i32
        %broadcast_in_dim3A_245 = vector.broadcast %broadcast_in_dim3A_244 : i32 to vector<16xi32>
        tpu.vector_store_idx %arg19[%add3A_239, %broadcast_in_dim3A_245], %mul3A_236 : memref<80x128xf32, #tpu.memory_space<vmem>>[vector<16xi32>, vector<16xi32>], vector<16xf32>,
        %get3A_246 = arith.constant 16 : index
        %get3A_247 = tpu.vector_load %arg14[%get3A_246] {strides = array<i32>} : memref<80xi32, #tpu.memory_space<vmem>>, vector<16xi32>,
        %get3A_248 = arith.constant 16 : index
        %get3A_249 = tpu.vector_load %arg16[%get3A_248] {strides = array<i32>} : memref<80xi32, #tpu.memory_space<vmem>>, vector<16xi32>,
        %get3A_250 = arith.constant 16 : index
        %get3A_251 = tpu.vector_load %arg18[%get3A_250] {strides = array<i32>} : memref<80xf32, #tpu.memory_space<vmem>>, vector<16xf32>,
        %gather3A_252 = tpu.vector_load_idx %arg10[%get3A_249] : memref<10000xf32, #tpu.memory_space<vmem>>[vector<16xi32>], vector<16xf32>,
        %gather3A_253 = tpu.vector_load_idx %arg10[%get3A_247] : memref<10000xf32, #tpu.memory_space<vmem>>[vector<16xi32>], vector<16xf32>,
        %sub3A_254 = arith.subf %gather3A_252, %gather3A_253 : vector<16xf32>
        %mul3A_255 = arith.mulf %sub3A_254, %get3A_251 : vector<16xf32>
        %gather3A_256 = tpu.vector_load_idx %arg11[%get3A_249] : memref<10000xf32, #tpu.memory_space<vmem>>[vector<16xi32>], vector<16xf32>,
        %gather3A_257 = tpu.vector_load_idx %arg11[%get3A_247] : memref<10000xf32, #tpu.memory_space<vmem>>[vector<16xi32>], vector<16xf32>,
        %sub3A_258 = arith.subf %gather3A_256, %gather3A_257 : vector<16xf32>
        %mul3A_259 = arith.mulf %sub3A_258, %get3A_251 : vector<16xf32>
        %gather3A_260 = tpu.vector_load_idx %arg12[%get3A_249] : memref<10000xf32, #tpu.memory_space<vmem>>[vector<16xi32>], vector<16xf32>,
        %gather3A_261 = tpu.vector_load_idx %arg12[%get3A_247] : memref<10000xf32, #tpu.memory_space<vmem>>[vector<16xi32>], vector<16xf32>,
        %sub3A_262 = arith.subf %gather3A_260, %gather3A_261 : vector<16xf32>
        %mul3A_263 = arith.mulf %sub3A_262, %get3A_251 : vector<16xf32>
        %add3A_264 = arith.constant 16 : i32
        %add3A_265 = vector.broadcast %add3A_264 : i32 to vector<16xi32>
        %add3A_266 = arith.addi %iota3A, %add3A_265 : vector<16xi32>
        %broadcast_in_dim3A_267 = arith.constant 0 : i32
        %broadcast_in_dim3A_268 = vector.broadcast %broadcast_in_dim3A_267 : i32 to vector<16xi32>
        tpu.vector_store_idx %arg19[%add3A_266, %broadcast_in_dim3A_268], %mul3A_255 : memref<80x128xf32, #tpu.memory_space<vmem>>[vector<16xi32>, vector<16xi32>], vector<16xf32>,
        %broadcast_in_dim3A_269 = arith.constant 1 : i32
        %broadcast_in_dim3A_270 = vector.broadcast %broadcast_in_dim3A_269 : i32 to vector<16xi32>
        tpu.vector_store_idx %arg19[%add3A_266, %broadcast_in_dim3A_270], %mul3A_259 : memref<80x128xf32, #tpu.memory_space<vmem>>[vector<16xi32>, vector<16xi32>], vector<16xf32>,
        %broadcast_in_dim3A_271 = arith.constant 2 : i32
        %broadcast_in_dim3A_272 = vector.broadcast %broadcast_in_dim3A_271 : i32 to vector<16xi32>
        tpu.vector_store_idx %arg19[%add3A_266, %broadcast_in_dim3A_272], %mul3A_263 : memref<80x128xf32, #tpu.memory_space<vmem>>[vector<16xi32>, vector<16xi32>], vector<16xf32>,
        %get3A_273 = arith.constant 32 : index
        %get3A_274 = tpu.vector_load %arg14[%get3A_273] {strides = array<i32>} : memref<80xi32, #tpu.memory_space<vmem>>, vector<16xi32>,
        %get3A_275 = arith.constant 32 : index
        %get3A_276 = tpu.vector_load %arg16[%get3A_275] {strides = array<i32>} : memref<80xi32, #tpu.memory_space<vmem>>, vector<16xi32>,
        %get3A_277 = arith.constant 32 : index
        %get3A_278 = tpu.vector_load %arg18[%get3A_277] {strides = array<i32>} : memref<80xf32, #tpu.memory_space<vmem>>, vector<16xf32>,
        %gather3A_279 = tpu.vector_load_idx %arg10[%get3A_276] : memref<10000xf32, #tpu.memory_space<vmem>>[vector<16xi32>], vector<16xf32>,
        %gather3A_280 = tpu.vector_load_idx %arg10[%get3A_274] : memref<10000xf32, #tpu.memory_space<vmem>>[vector<16xi32>], vector<16xf32>,
        %sub3A_281 = arith.subf %gather3A_279, %gather3A_280 : vector<16xf32>
        %mul3A_282 = arith.mulf %sub3A_281, %get3A_278 : vector<16xf32>
        %gather3A_283 = tpu.vector_load_idx %arg11[%get3A_276] : memref<10000xf32, #tpu.memory_space<vmem>>[vector<16xi32>], vector<16xf32>,
        %gather3A_284 = tpu.vector_load_idx %arg11[%get3A_274] : memref<10000xf32, #tpu.memory_space<vmem>>[vector<16xi32>], vector<16xf32>,
        %sub3A_285 = arith.subf %gather3A_283, %gather3A_284 : vector<16xf32>
        %mul3A_286 = arith.mulf %sub3A_285, %get3A_278 : vector<16xf32>
        %gather3A_287 = tpu.vector_load_idx %arg12[%get3A_276] : memref<10000xf32, #tpu.memory_space<vmem>>[vector<16xi32>], vector<16xf32>,
        %gather3A_288 = tpu.vector_load_idx %arg12[%get3A_274] : memref<10000xf32, #tpu.memory_space<vmem>>[vector<16xi32>], vector<16xf32>,
        %sub3A_289 = arith.subf %gather3A_287, %gather3A_288 : vector<16xf32>
        %mul3A_290 = arith.mulf %sub3A_289, %get3A_278 : vector<16xf32>
        %add3A_291 = arith.constant 32 : i32
        %add3A_292 = vector.broadcast %add3A_291 : i32 to vector<16xi32>
        %add3A_293 = arith.addi %iota3A, %add3A_292 : vector<16xi32>
        %broadcast_in_dim3A_294 = arith.constant 0 : i32
        %broadcast_in_dim3A_295 = vector.broadcast %broadcast_in_dim3A_294 : i32 to vector<16xi32>
        tpu.vector_store_idx %arg19[%add3A_293, %broadcast_in_dim3A_295], %mul3A_282 : memref<80x128xf32, #tpu.memory_space<vmem>>[vector<16xi32>, vector<16xi32>], vector<16xf32>,
        %broadcast_in_dim3A_296 = arith.constant 1 : i32
        %broadcast_in_dim3A_297 = vector.broadcast %broadcast_in_dim3A_296 : i32 to vector<16xi32>
        tpu.vector_store_idx %arg19[%add3A_293, %broadcast_in_dim3A_297], %mul3A_286 : memref<80x128xf32, #tpu.memory_space<vmem>>[vector<16xi32>, vector<16xi32>], vector<16xf32>,
        %broadcast_in_dim3A_298 = arith.constant 2 : i32
        %broadcast_in_dim3A_299 = vector.broadcast %broadcast_in_dim3A_298 : i32 to vector<16xi32>
        tpu.vector_store_idx %arg19[%add3A_293, %broadcast_in_dim3A_299], %mul3A_290 : memref<80x128xf32, #tpu.memory_space<vmem>>[vector<16xi32>, vector<16xi32>], vector<16xf32>,
        %get3A_300 = arith.constant 48 : index
        %get3A_301 = tpu.vector_load %arg14[%get3A_300] {strides = array<i32>} : memref<80xi32, #tpu.memory_space<vmem>>, vector<16xi32>,
        %get3A_302 = arith.constant 48 : index
        %get3A_303 = tpu.vector_load %arg16[%get3A_302] {strides = array<i32>} : memref<80xi32, #tpu.memory_space<vmem>>, vector<16xi32>,
        %get3A_304 = arith.constant 48 : index
        %get3A_305 = tpu.vector_load %arg18[%get3A_304] {strides = array<i32>} : memref<80xf32, #tpu.memory_space<vmem>>, vector<16xf32>,
        %gather3A_306 = tpu.vector_load_idx %arg10[%get3A_303] : memref<10000xf32, #tpu.memory_space<vmem>>[vector<16xi32>], vector<16xf32>,
        %gather3A_307 = tpu.vector_load_idx %arg10[%get3A_301] : memref<10000xf32, #tpu.memory_space<vmem>>[vector<16xi32>], vector<16xf32>,
        %sub3A_308 = arith.subf %gather3A_306, %gather3A_307 : vector<16xf32>
        %mul3A_309 = arith.mulf %sub3A_308, %get3A_305 : vector<16xf32>
        %gather3A_310 = tpu.vector_load_idx %arg11[%get3A_303] : memref<10000xf32, #tpu.memory_space<vmem>>[vector<16xi32>], vector<16xf32>,
        %gather3A_311 = tpu.vector_load_idx %arg11[%get3A_301] : memref<10000xf32, #tpu.memory_space<vmem>>[vector<16xi32>], vector<16xf32>,
        %sub3A_312 = arith.subf %gather3A_310, %gather3A_311 : vector<16xf32>
        %mul3A_313 = arith.mulf %sub3A_312, %get3A_305 : vector<16xf32>
        %gather3A_314 = tpu.vector_load_idx %arg12[%get3A_303] : memref<10000xf32, #tpu.memory_space<vmem>>[vector<16xi32>], vector<16xf32>,
        %gather3A_315 = tpu.vector_load_idx %arg12[%get3A_301] : memref<10000xf32, #tpu.memory_space<vmem>>[vector<16xi32>], vector<16xf32>,
        %sub3A_316 = arith.subf %gather3A_314, %gather3A_315 : vector<16xf32>
        %mul3A_317 = arith.mulf %sub3A_316, %get3A_305 : vector<16xf32>
        %add3A_318 = arith.constant 48 : i32
        %add3A_319 = vector.broadcast %add3A_318 : i32 to vector<16xi32>
        %add3A_320 = arith.addi %iota3A, %add3A_319 : vector<16xi32>
        %broadcast_in_dim3A_321 = arith.constant 0 : i32
        %broadcast_in_dim3A_322 = vector.broadcast %broadcast_in_dim3A_321 : i32 to vector<16xi32>
        tpu.vector_store_idx %arg19[%add3A_320, %broadcast_in_dim3A_322], %mul3A_309 : memref<80x128xf32, #tpu.memory_space<vmem>>[vector<16xi32>, vector<16xi32>], vector<16xf32>,
        %broadcast_in_dim3A_323 = arith.constant 1 : i32
        %broadcast_in_dim3A_324 = vector.broadcast %broadcast_in_dim3A_323 : i32 to vector<16xi32>
        tpu.vector_store_idx %arg19[%add3A_320, %broadcast_in_dim3A_324], %mul3A_313 : memref<80x128xf32, #tpu.memory_space<vmem>>[vector<16xi32>, vector<16xi32>], vector<16xf32>,
        %broadcast_in_dim3A_325 = arith.constant 2 : i32
        %broadcast_in_dim3A_326 = vector.broadcast %broadcast_in_dim3A_325 : i32 to vector<16xi32>
        tpu.vector_store_idx %arg19[%add3A_320, %broadcast_in_dim3A_326], %mul3A_317 : memref<80x128xf32, #tpu.memory_space<vmem>>[vector<16xi32>, vector<16xi32>], vector<16xf32>,
        %get3A_327 = arith.constant 64 : index
        %get3A_328 = tpu.vector_load %arg14[%get3A_327] {strides = array<i32>} : memref<80xi32, #tpu.memory_space<vmem>>, vector<16xi32>,
        %get3A_329 = arith.constant 64 : index
        %get3A_330 = tpu.vector_load %arg16[%get3A_329] {strides = array<i32>} : memref<80xi32, #tpu.memory_space<vmem>>, vector<16xi32>,
        %get3A_331 = arith.constant 64 : index
        %get3A_332 = tpu.vector_load %arg18[%get3A_331] {strides = array<i32>} : memref<80xf32, #tpu.memory_space<vmem>>, vector<16xf32>,
        %gather3A_333 = tpu.vector_load_idx %arg10[%get3A_330] : memref<10000xf32, #tpu.memory_space<vmem>>[vector<16xi32>], vector<16xf32>,
        %gather3A_334 = tpu.vector_load_idx %arg10[%get3A_328] : memref<10000xf32, #tpu.memory_space<vmem>>[vector<16xi32>], vector<16xf32>,
        %sub3A_335 = arith.subf %gather3A_333, %gather3A_334 : vector<16xf32>
        %mul3A_336 = arith.mulf %sub3A_335, %get3A_332 : vector<16xf32>
        %gather3A_337 = tpu.vector_load_idx %arg11[%get3A_330] : memref<10000xf32, #tpu.memory_space<vmem>>[vector<16xi32>], vector<16xf32>,
        %gather3A_338 = tpu.vector_load_idx %arg11[%get3A_328] : memref<10000xf32, #tpu.memory_space<vmem>>[vector<16xi32>], vector<16xf32>,
        %sub3A_339 = arith.subf %gather3A_337, %gather3A_338 : vector<16xf32>
        %mul3A_340 = arith.mulf %sub3A_339, %get3A_332 : vector<16xf32>
        %gather3A_341 = tpu.vector_load_idx %arg12[%get3A_330] : memref<10000xf32, #tpu.memory_space<vmem>>[vector<16xi32>], vector<16xf32>,
        %gather3A_342 = tpu.vector_load_idx %arg12[%get3A_328] : memref<10000xf32, #tpu.memory_space<vmem>>[vector<16xi32>], vector<16xf32>,
        %sub3A_343 = arith.subf %gather3A_341, %gather3A_342 : vector<16xf32>
        %mul3A_344 = arith.mulf %sub3A_343, %get3A_332 : vector<16xf32>
        %add3A_345 = arith.constant 64 : i32
        %add3A_346 = vector.broadcast %add3A_345 : i32 to vector<16xi32>
        %add3A_347 = arith.addi %iota3A, %add3A_346 : vector<16xi32>
        %broadcast_in_dim3A_348 = arith.constant 0 : i32
        %broadcast_in_dim3A_349 = vector.broadcast %broadcast_in_dim3A_348 : i32 to vector<16xi32>
        tpu.vector_store_idx %arg19[%add3A_347, %broadcast_in_dim3A_349], %mul3A_336 : memref<80x128xf32, #tpu.memory_space<vmem>>[vector<16xi32>, vector<16xi32>], vector<16xf32>,
        %broadcast_in_dim3A_350 = arith.constant 1 : i32
        %broadcast_in_dim3A_351 = vector.broadcast %broadcast_in_dim3A_350 : i32 to vector<16xi32>
        tpu.vector_store_idx %arg19[%add3A_347, %broadcast_in_dim3A_351], %mul3A_340 : memref<80x128xf32, #tpu.memory_space<vmem>>[vector<16xi32>, vector<16xi32>], vector<16xf32>,
        %broadcast_in_dim3A_352 = arith.constant 2 : i32
        %broadcast_in_dim3A_353 = vector.broadcast %broadcast_in_dim3A_352 : i32 to vector<16xi32>
        tpu.vector_store_idx %arg19[%add3A_347, %broadcast_in_dim3A_353], %mul3A_344 : memref<80x128xf32, #tpu.memory_space<vmem>>[vector<16xi32>, vector<16xi32>], vector<16xf32>,
        "tpu.region"() ({
          %run_scoped3A = tpu.sem_alloc : memref<!tpu.dma_semaphore, #tpu.memory_space<semaphore_mem>>
          %dma_start3A_354 = arith.constant 0 : i32
          %dma_start3A_355 = arith.constant 0 : i32
          %dma_start3A_356 = tpu.memref_slice %arg20[%dma_start3A_354, %dma_start3A_355] : memref<10000x128xf32, #tpu.memory_space<vmem_shared>> -> memref<10000x128xf32, #tpu.memory_space<vmem_shared>>
          tpu.enqueue_indirect_dma source(%arg19 : memref<80x128xf32, #tpu.memory_space<vmem>>) target(%dma_start3A_356 : memref<10000x128xf32, #tpu.memory_space<vmem_shared>>) offsets(%arg14 : memref<80xi32, #tpu.memory_space<vmem>>) semaphore(%run_scoped3A : memref<!tpu.dma_semaphore, #tpu.memory_space<semaphore_mem>>) {add = true}
          %dma_wait3A_357 = arith.constant 0 : i32
          %dma_wait3A_358 = arith.constant 0 : i32
          %dma_wait3A_359 = tpu.memref_slice %arg20[%dma_wait3A_357, %dma_wait3A_358] : memref<10000x128xf32, #tpu.memory_space<vmem_shared>> -> memref<10000x128xf32, #tpu.memory_space<vmem_shared>>
          tpu.wait_indirect_dma semaphore(%run_scoped3A : memref<!tpu.dma_semaphore, #tpu.memory_space<semaphore_mem>>) src(%arg19 : memref<80x128xf32, #tpu.memory_space<vmem>>) dst(%dma_wait3A_359 : memref<10000x128xf32, #tpu.memory_space<vmem_shared>>)
          tpu.yield
        }) : () -> ()
      } else {
      }
    }
    %scan3A_27 = arith.constant 63 : i32
    %barrier3A_28 = arith.constant 0 : index
    tpu.barrier barrier_id(%barrier3A_28)
    %mul3A_29 = arith.constant 624 : i32
    %mul3A_30 = arith.muli %arg1, %mul3A_29 : i32
    %mul3A_31 = arith.constant 10000 : i32
    %mul3A_32 = arith.muli %arg0, %mul3A_31 : i32
    %add3A_33 = arith.addi %mul3A_32, %mul3A_30 : i32
    "tpu.region"() ({
      %run_scoped3A = tpu.sem_alloc : memref<!tpu.dma_semaphore, #tpu.memory_space<semaphore_mem>>
      %dma_start3A_39 = arith.constant 0 : i32
      %dma_start3A_40 = tpu.memref_slice %arg9[%add3A_33, %dma_start3A_39] : memref<20000x128xf32, #tpu.memory_space<hbm>> -> memref<624x128xf32, #tpu.memory_space<hbm>>
      %dma_start3A_41 = arith.constant 0 : i32
      %dma_start3A_42 = tpu.memref_slice %arg20[%mul3A_30, %dma_start3A_41] : memref<10000x128xf32, #tpu.memory_space<vmem_shared>> -> memref<624x128xf32, #tpu.memory_space<vmem_shared>>
      tpu.enqueue_dma source(%dma_start3A_42 : memref<624x128xf32, #tpu.memory_space<vmem_shared>>) target(%dma_start3A_40 : memref<624x128xf32, #tpu.memory_space<hbm>>) target_semaphore(%run_scoped3A : memref<!tpu.dma_semaphore, #tpu.memory_space<semaphore_mem>>)
      %dma_wait3A = arith.constant 0 : i32
      %dma_wait3A_43 = tpu.memref_slice %arg9[%add3A_33, %dma_wait3A] : memref<20000x128xf32, #tpu.memory_space<hbm>> -> memref<624x128xf32, #tpu.memory_space<hbm>>
      %dma_wait3A_44 = arith.constant 0 : i32
      %dma_wait3A_45 = tpu.memref_slice %arg20[%mul3A_30, %dma_wait3A_44] : memref<10000x128xf32, #tpu.memory_space<vmem_shared>> -> memref<624x128xf32, #tpu.memory_space<vmem_shared>>
      tpu.wait_dma2 semaphore(%run_scoped3A : memref<!tpu.dma_semaphore, #tpu.memory_space<semaphore_mem>>) src(%dma_wait3A_45 : memref<624x128xf32, #tpu.memory_space<vmem_shared>>) dst(%dma_wait3A_43 : memref<624x128xf32, #tpu.memory_space<hbm>>)
      tpu.yield
    }) : () -> ()
    %eq3A_34 = arith.constant 0 : i32
    %eq3A_35 = arith.cmpi eq, %arg1, %eq3A_34 : i32
    %convert_element_type3A_36 = arith.extui %eq3A_35 : i1 to i32
    %cond3A_37 = arith.constant 0 : i32
    %cond3A_38 = arith.cmpi ne, %convert_element_type3A_36, %cond3A_37 : i32
    scf.if %cond3A_38 {
      %mul3A_39 = arith.constant 10000 : i32
      %mul3A_40 = arith.muli %arg0, %mul3A_39 : i32
      %add3A_41 = arith.constant 9984 : i32
      %add3A_42 = arith.addi %mul3A_40, %add3A_41 : i32
      "tpu.region"() ({
        %run_scoped3A = tpu.sem_alloc : memref<!tpu.dma_semaphore, #tpu.memory_space<semaphore_mem>>
        %dma_start3A_43 = arith.constant 0 : i32
        %dma_start3A_44 = tpu.memref_slice %arg9[%add3A_42, %dma_start3A_43] : memref<20000x128xf32, #tpu.memory_space<hbm>> -> memref<16x128xf32, #tpu.memory_space<hbm>>
        %dma_start3A_45 = arith.constant 9984 : i32
        %dma_start3A_46 = arith.constant 0 : i32
        %dma_start3A_47 = tpu.memref_slice %arg20[%dma_start3A_45, %dma_start3A_46] : memref<10000x128xf32, #tpu.memory_space<vmem_shared>> -> memref<16x128xf32, #tpu.memory_space<vmem_shared>>
        tpu.enqueue_dma source(%dma_start3A_47 : memref<16x128xf32, #tpu.memory_space<vmem_shared>>) target(%dma_start3A_44 : memref<16x128xf32, #tpu.memory_space<hbm>>) target_semaphore(%run_scoped3A : memref<!tpu.dma_semaphore, #tpu.memory_space<semaphore_mem>>)
        %dma_wait3A = arith.constant 0 : i32
        %dma_wait3A_48 = tpu.memref_slice %arg9[%add3A_42, %dma_wait3A] : memref<20000x128xf32, #tpu.memory_space<hbm>> -> memref<16x128xf32, #tpu.memory_space<hbm>>
        %dma_wait3A_49 = arith.constant 9984 : i32
        %dma_wait3A_50 = arith.constant 0 : i32
        %dma_wait3A_51 = tpu.memref_slice %arg20[%dma_wait3A_49, %dma_wait3A_50] : memref<10000x128xf32, #tpu.memory_space<vmem_shared>> -> memref<16x128xf32, #tpu.memory_space<vmem_shared>>
        tpu.wait_dma2 semaphore(%run_scoped3A : memref<!tpu.dma_semaphore, #tpu.memory_space<semaphore_mem>>) src(%dma_wait3A_51 : memref<16x128xf32, #tpu.memory_space<vmem_shared>>) dst(%dma_wait3A_48 : memref<16x128xf32, #tpu.memory_space<hbm>>)
        tpu.yield
      }) : () -> ()
    } else {
    }
    return
  }
}

module attributes {stable_mosaic.version = 14 : i64} {
  func.func @_p0_body(%arg0: memref<10000x128xf32, #tpu.memory_space<vmem>>, %arg1: memref<128x128xf32, #tpu.memory_space<vmem>>, %arg2: memref<128x128xf32, #tpu.memory_space<vmem>>, %arg3: memref<1x128xf32, #tpu.memory_space<vmem>>, %arg4: memref<10000x128xf32, #tpu.memory_space<vmem>>, %arg5: memref<10000x128xf32, #tpu.memory_space<vmem>>) attributes {dimension_semantics = [], scalar_prefetch = 0 : i64, scratch_operands = 0 : i64, tpu.core_type = #tpu.core_type<tc>} {
    %get3A = arith.constant 0 : index
    %get3A_0 = arith.constant 0 : index
    %get3A_1 = vector.load %arg0[%get3A, %get3A_0] : memref<10000x128xf32, #tpu.memory_space<vmem>>, vector<10000x128xf32>
    %get3A_2 = arith.constant 0 : index
    %get3A_3 = arith.constant 0 : index
    %get3A_4 = vector.load %arg1[%get3A_2, %get3A_3] : memref<128x128xf32, #tpu.memory_space<vmem>>, vector<128x128xf32>
    %dot_general3A = arith.constant dense<0.000000e+00> : vector<10000x128xf32>
    %dot_general3A_5 = tpu.matmul %get3A_1, %get3A_4, %dot_general3A {dimension_numbers = #tpu.dot_dimension_numbers<[1], [0], [0], [1], [0, 0, 1, 1], [], []>, transpose_lhs_hint = false} : vector<10000x128xf32>, vector<128x128xf32>, vector<10000x128xf32> -> vector<10000x128xf32>
    %get3A_6 = arith.constant 0 : index
    %get3A_7 = arith.constant 0 : index
    %get3A_8 = vector.load %arg3[%get3A_6, %get3A_7] : memref<1x128xf32, #tpu.memory_space<vmem>>, vector<1x128xf32>
    %add3A = vector.broadcast %get3A_8 : vector<1x128xf32> to vector<10000x128xf32>
    %add3A_9 = arith.addf %dot_general3A_5, %add3A : vector<10000x128xf32>
    %swap3A = arith.constant 0 : index
    %swap3A_10 = arith.constant 0 : index
    %swap3A_11 = vector.load %arg4[%swap3A, %swap3A_10] : memref<10000x128xf32, #tpu.memory_space<vmem>>, vector<10000x128xf32>
    tpu.vector_store %arg4[%swap3A, %swap3A_10], %add3A_9 {strides = array<i32>} : memref<10000x128xf32, #tpu.memory_space<vmem>>, vector<10000x128xf32>,
    %get3A_12 = arith.constant 0 : index
    %get3A_13 = arith.constant 0 : index
    %get3A_14 = vector.load %arg2[%get3A_12, %get3A_13] : memref<128x128xf32, #tpu.memory_space<vmem>>, vector<128x128xf32>
    %dot_general3A_15 = arith.constant dense<0.000000e+00> : vector<10000x128xf32>
    %dot_general3A_16 = tpu.matmul %get3A_1, %get3A_14, %dot_general3A_15 {dimension_numbers = #tpu.dot_dimension_numbers<[1], [0], [0], [1], [0, 0, 1, 1], [], []>, transpose_lhs_hint = false} : vector<10000x128xf32>, vector<128x128xf32>, vector<10000x128xf32> -> vector<10000x128xf32>
    %swap3A_17 = arith.constant 0 : index
    %swap3A_18 = arith.constant 0 : index
    %swap3A_19 = vector.load %arg5[%swap3A_17, %swap3A_18] : memref<10000x128xf32, #tpu.memory_space<vmem>>, vector<10000x128xf32>
    tpu.vector_store %arg5[%swap3A_17, %swap3A_18], %dot_general3A_16 {strides = array<i32>} : memref<10000x128xf32, #tpu.memory_space<vmem>>, vector<10000x128xf32>,
    return
  }
}

module attributes {stable_mosaic.version = 14 : i64} {
  func.func @_p2_body(%arg0: i32, %arg1: memref<16000x128xf32, #tpu.memory_space<vmem>>, %arg2: memref<2x128xf32, #tpu.memory_space<vmem>>) attributes {dimension_semantics = [#tpu.dimension_semantics<arbitrary>], iteration_bounds = array<i64: 20>, scalar_prefetch = 0 : i64, scratch_operands = 0 : i64, tpu.core_type = #tpu.core_type<tc>, window_params = [{transform_indices = @transform_0, window_bounds = array<i64: 16000, 128>}, {pipeline_mode = #tpu.pipeline_mode<synchronous>, transform_indices = @transform_1, window_bounds = array<i64: 2, 128>}]} {
    %get3A = arith.constant 0 : index
    %get3A_0 = arith.constant 0 : index
    %get3A_1 = vector.load %arg1[%get3A, %get3A_0] : memref<16000x128xf32, #tpu.memory_space<vmem>>, vector<16000x128xf32>
    %reduce_sum3A = arith.constant dense<0.000000e+00> : vector<128xf32>
    %reduce_sum3A_2 = vector.multi_reduction <add>, %get3A_1, %reduce_sum3A [0] : vector<16000x128xf32> to vector<128xf32>
    %broadcast_in_dim3A = vector.shape_cast %reduce_sum3A_2 : vector<128xf32> to vector<1x128xf32>
    %mul3A = arith.mulf %get3A_1, %get3A_1 : vector<16000x128xf32>
    %reduce_sum3A_3 = arith.constant dense<0.000000e+00> : vector<128xf32>
    %reduce_sum3A_4 = vector.multi_reduction <add>, %mul3A, %reduce_sum3A_3 [0] : vector<16000x128xf32> to vector<128xf32>
    %broadcast_in_dim3A_5 = vector.shape_cast %reduce_sum3A_4 : vector<128xf32> to vector<1x128xf32>
    %concatenate3A = tpu.concatenate %broadcast_in_dim3A, %broadcast_in_dim3A_5 in 0 : vector<1x128xf32>, vector<1x128xf32> -> vector<2x128xf32>
    %eq3A = arith.constant 0 : i32
    %eq3A_6 = arith.cmpi eq, %arg0, %eq3A : i32
    %convert_element_type3A = arith.extui %eq3A_6 : i1 to i32
    %cond3A = arith.constant 0 : i32
    %cond3A_7 = arith.cmpi ne, %convert_element_type3A, %cond3A : i32
    scf.if %cond3A_7 {
      %broadcast_in_dim3A_13 = arith.constant 0.000000e+00 : f32
      %broadcast_in_dim3A_14 = vector.broadcast %broadcast_in_dim3A_13 : f32 to vector<2x128xf32>
      %swap3A_15 = arith.constant 0 : index
      %swap3A_16 = arith.constant 0 : index
      %swap3A_17 = vector.load %arg2[%swap3A_15, %swap3A_16] : memref<2x128xf32, #tpu.memory_space<vmem>>, vector<2x128xf32>
      tpu.vector_store %arg2[%swap3A_15, %swap3A_16], %broadcast_in_dim3A_14 {strides = array<i32>} : memref<2x128xf32, #tpu.memory_space<vmem>>, vector<2x128xf32>,
    } else {
    }
    %get3A_8 = arith.constant 0 : index
    %get3A_9 = arith.constant 0 : index
    %get3A_10 = vector.load %arg2[%get3A_8, %get3A_9] : memref<2x128xf32, #tpu.memory_space<vmem>>, vector<2x128xf32>
    %add3A = arith.addf %get3A_10, %concatenate3A : vector<2x128xf32>
    %swap3A = arith.constant 0 : index
    %swap3A_11 = arith.constant 0 : index
    %swap3A_12 = vector.load %arg2[%swap3A, %swap3A_11] : memref<2x128xf32, #tpu.memory_space<vmem>>, vector<2x128xf32>
    tpu.vector_store %arg2[%swap3A, %swap3A_11], %add3A {strides = array<i32>} : memref<2x128xf32, #tpu.memory_space<vmem>>, vector<2x128xf32>,
    return
  }
  func.func @transform_0(%arg0: i32) -> (i32, i32) {
    %c0_i32 = arith.constant 0 : i32
    %c0_i32_0 = arith.constant 0 : i32
    return %arg0, %c0_i32 : i32, i32
  }
  func.func @transform_1(%arg0: i32) -> (i32, i32) {
    %c0_i32 = arith.constant 0 : i32
    %c0_i32_0 = arith.constant 0 : i32
    %c0_i32_1 = arith.constant 0 : i32
    return %c0_i32, %c0_i32_0 : i32, i32
  }
}

module attributes {stable_mosaic.version = 14 : i64} {
  func.func @_p3_body(%arg0: i32, %arg1: memref<16000x128xf32, #tpu.memory_space<vmem>>, %arg2: memref<2x128xf32, #tpu.memory_space<vmem>>, %arg3: memref<1x128xf32, #tpu.memory_space<vmem>>, %arg4: memref<1x128xf32, #tpu.memory_space<vmem>>, %arg5: memref<128x128xf32, #tpu.memory_space<vmem>>, %arg6: memref<1x128xf32, #tpu.memory_space<vmem>>, %arg7: memref<16000x128xf32, #tpu.memory_space<vmem>>, %arg8: memref<2x128xf32, #tpu.memory_space<vmem>>) attributes {dimension_semantics = [#tpu.dimension_semantics<arbitrary>], iteration_bounds = array<i64: 20>, scalar_prefetch = 0 : i64, scratch_operands = 0 : i64, tpu.core_type = #tpu.core_type<tc>, window_params = [{transform_indices = @transform_0, window_bounds = array<i64: 16000, 128>}, {pipeline_mode = #tpu.pipeline_mode<synchronous>, transform_indices = @transform_1, window_bounds = array<i64: 2, 128>}, {pipeline_mode = #tpu.pipeline_mode<synchronous>, transform_indices = @transform_2, window_bounds = array<i64: 1, 128>}, {pipeline_mode = #tpu.pipeline_mode<synchronous>, transform_indices = @transform_3, window_bounds = array<i64: 1, 128>}, {pipeline_mode = #tpu.pipeline_mode<synchronous>, transform_indices = @transform_4, window_bounds = array<i64: 128, 128>}, {pipeline_mode = #tpu.pipeline_mode<synchronous>, transform_indices = @transform_5, window_bounds = array<i64: 1, 128>}, {transform_indices = @transform_6, window_bounds = array<i64: 16000, 128>}, {pipeline_mode = #tpu.pipeline_mode<synchronous>, transform_indices = @transform_7, window_bounds = array<i64: 2, 128>}]} {
    %get3A = arith.constant 0 : index
    %get3A_0 = arith.constant 0 : index
    %get3A_1 = vector.load %arg2[%get3A, %get3A_0] : memref<2x128xf32, #tpu.memory_space<vmem>>, vector<1x128xf32>
    %get3A_2 = arith.constant 1 : index
    %get3A_3 = arith.constant 0 : index
    %get3A_4 = vector.load %arg2[%get3A_2, %get3A_3] : memref<2x128xf32, #tpu.memory_space<vmem>>, vector<1x128xf32>
    %mul3A = arith.constant 3.125000e-06 : f32
    %mul3A_5 = vector.broadcast %mul3A : f32 to vector<1x128xf32>
    %mul3A_6 = arith.mulf %get3A_1, %mul3A_5 : vector<1x128xf32>
    %mul3A_7 = arith.constant 3.125000e-06 : f32
    %mul3A_8 = vector.broadcast %mul3A_7 : f32 to vector<1x128xf32>
    %mul3A_9 = arith.mulf %get3A_4, %mul3A_8 : vector<1x128xf32>
    %mul3A_10 = arith.mulf %mul3A_6, %mul3A_6 : vector<1x128xf32>
    %sub3A = arith.subf %mul3A_9, %mul3A_10 : vector<1x128xf32>
    %get3A_11 = arith.constant 0 : index
    %get3A_12 = arith.constant 0 : index
    %get3A_13 = vector.load %arg3[%get3A_11, %get3A_12] : memref<1x128xf32, #tpu.memory_space<vmem>>, vector<1x128xf32>
    %add3A = arith.constant 9.99999974E-6 : f32
    %add3A_14 = vector.broadcast %add3A : f32 to vector<1x128xf32>
    %add3A_15 = arith.addf %sub3A, %add3A_14 : vector<1x128xf32>
    %rsqrt3A = math.rsqrt %add3A_15 : vector<1x128xf32>
    %mul3A_16 = arith.mulf %get3A_13, %rsqrt3A : vector<1x128xf32>
    %get3A_17 = arith.constant 0 : index
    %get3A_18 = arith.constant 0 : index
    %get3A_19 = vector.load %arg4[%get3A_17, %get3A_18] : memref<1x128xf32, #tpu.memory_space<vmem>>, vector<1x128xf32>
    %mul3A_20 = arith.mulf %mul3A_6, %mul3A_16 : vector<1x128xf32>
    %sub3A_21 = arith.subf %get3A_19, %mul3A_20 : vector<1x128xf32>
    %get3A_22 = arith.constant 0 : index
    %get3A_23 = arith.constant 0 : index
    %get3A_24 = vector.load %arg1[%get3A_22, %get3A_23] : memref<16000x128xf32, #tpu.memory_space<vmem>>, vector<16000x128xf32>
    %mul3A_25 = vector.broadcast %mul3A_16 : vector<1x128xf32> to vector<16000x128xf32>
    %mul3A_26 = arith.mulf %mul3A_25, %get3A_24 : vector<16000x128xf32>
    %add3A_27 = vector.broadcast %sub3A_21 : vector<1x128xf32> to vector<16000x128xf32>
    %add3A_28 = arith.addf %mul3A_26, %add3A_27 : vector<16000x128xf32>
    %max3A = arith.constant 0.000000e+00 : f32
    %max3A_29 = vector.broadcast %max3A : f32 to vector<16000x128xf32>
    %max3A_30 = arith.maximumf %add3A_28, %max3A_29 : vector<16000x128xf32>
    %convert_element_type3A = arith.truncf %max3A_30 : vector<16000x128xf32> to vector<16000x128xbf16>
    %get3A_31 = arith.constant 0 : index
    %get3A_32 = arith.constant 0 : index
    %get3A_33 = vector.load %arg5[%get3A_31, %get3A_32] : memref<128x128xf32, #tpu.memory_space<vmem>>, vector<128x128xf32>
    %convert_element_type3A_34 = arith.truncf %get3A_33 : vector<128x128xf32> to vector<128x128xbf16>
    %dot_general3A = arith.constant dense<0.000000e+00> : vector<16000x128xf32>
    %dot_general3A_35 = tpu.matmul %convert_element_type3A, %convert_element_type3A_34, %dot_general3A {dimension_numbers = #tpu.dot_dimension_numbers<[1], [0], [0], [1], [0, 0, 1, 1], [], []>, transpose_lhs_hint = false} : vector<16000x128xbf16>, vector<128x128xbf16>, vector<16000x128xf32> -> vector<16000x128xf32>
    %get3A_36 = arith.constant 0 : index
    %get3A_37 = arith.constant 0 : index
    %get3A_38 = vector.load %arg6[%get3A_36, %get3A_37] : memref<1x128xf32, #tpu.memory_space<vmem>>, vector<1x128xf32>
    %add3A_39 = vector.broadcast %get3A_38 : vector<1x128xf32> to vector<16000x128xf32>
    %add3A_40 = arith.addf %dot_general3A_35, %add3A_39 : vector<16000x128xf32>
    %swap3A = arith.constant 0 : index
    %swap3A_41 = arith.constant 0 : index
    %swap3A_42 = vector.load %arg7[%swap3A, %swap3A_41] : memref<16000x128xf32, #tpu.memory_space<vmem>>, vector<16000x128xf32>
    tpu.vector_store %arg7[%swap3A, %swap3A_41], %add3A_40 {strides = array<i32>} : memref<16000x128xf32, #tpu.memory_space<vmem>>, vector<16000x128xf32>,
    %reduce_sum3A = arith.constant dense<0.000000e+00> : vector<128xf32>
    %reduce_sum3A_43 = vector.multi_reduction <add>, %add3A_40, %reduce_sum3A [0] : vector<16000x128xf32> to vector<128xf32>
    %broadcast_in_dim3A = vector.shape_cast %reduce_sum3A_43 : vector<128xf32> to vector<1x128xf32>
    %mul3A_44 = arith.mulf %add3A_40, %add3A_40 : vector<16000x128xf32>
    %reduce_sum3A_45 = arith.constant dense<0.000000e+00> : vector<128xf32>
    %reduce_sum3A_46 = vector.multi_reduction <add>, %mul3A_44, %reduce_sum3A_45 [0] : vector<16000x128xf32> to vector<128xf32>
    %broadcast_in_dim3A_47 = vector.shape_cast %reduce_sum3A_46 : vector<128xf32> to vector<1x128xf32>
    %concatenate3A = tpu.concatenate %broadcast_in_dim3A, %broadcast_in_dim3A_47 in 0 : vector<1x128xf32>, vector<1x128xf32> -> vector<2x128xf32>
    %eq3A = arith.constant 0 : i32
    %eq3A_48 = arith.cmpi eq, %arg0, %eq3A : i32
    %convert_element_type3A_49 = arith.extui %eq3A_48 : i1 to i32
    %cond3A = arith.constant 0 : i32
    %cond3A_50 = arith.cmpi ne, %convert_element_type3A_49, %cond3A : i32
    scf.if %cond3A_50 {
      %broadcast_in_dim3A_58 = arith.constant 0.000000e+00 : f32
      %broadcast_in_dim3A_59 = vector.broadcast %broadcast_in_dim3A_58 : f32 to vector<2x128xf32>
      %swap3A_60 = arith.constant 0 : index
      %swap3A_61 = arith.constant 0 : index
      %swap3A_62 = vector.load %arg8[%swap3A_60, %swap3A_61] : memref<2x128xf32, #tpu.memory_space<vmem>>, vector<2x128xf32>
      tpu.vector_store %arg8[%swap3A_60, %swap3A_61], %broadcast_in_dim3A_59 {strides = array<i32>} : memref<2x128xf32, #tpu.memory_space<vmem>>, vector<2x128xf32>,
    } else {
    }
    %get3A_51 = arith.constant 0 : index
    %get3A_52 = arith.constant 0 : index
    %get3A_53 = vector.load %arg8[%get3A_51, %get3A_52] : memref<2x128xf32, #tpu.memory_space<vmem>>, vector<2x128xf32>
    %add3A_54 = arith.addf %get3A_53, %concatenate3A : vector<2x128xf32>
    %swap3A_55 = arith.constant 0 : index
    %swap3A_56 = arith.constant 0 : index
    %swap3A_57 = vector.load %arg8[%swap3A_55, %swap3A_56] : memref<2x128xf32, #tpu.memory_space<vmem>>, vector<2x128xf32>
    tpu.vector_store %arg8[%swap3A_55, %swap3A_56], %add3A_54 {strides = array<i32>} : memref<2x128xf32, #tpu.memory_space<vmem>>, vector<2x128xf32>,
    return
  }
  func.func @transform_0(%arg0: i32) -> (i32, i32) {
    %c0_i32 = arith.constant 0 : i32
    %c0_i32_0 = arith.constant 0 : i32
    return %arg0, %c0_i32 : i32, i32
  }
  func.func @transform_1(%arg0: i32) -> (i32, i32) {
    %c0_i32 = arith.constant 0 : i32
    %c0_i32_0 = arith.constant 0 : i32
    %c0_i32_1 = arith.constant 0 : i32
    return %c0_i32, %c0_i32_0 : i32, i32
  }
  func.func @transform_2(%arg0: i32) -> (i32, i32) {
    %c0_i32 = arith.constant 0 : i32
    %c0_i32_0 = arith.constant 0 : i32
    %c0_i32_1 = arith.constant 0 : i32
    return %c0_i32, %c0_i32_0 : i32, i32
  }
  func.func @transform_3(%arg0: i32) -> (i32, i32) {
    %c0_i32 = arith.constant 0 : i32
    %c0_i32_0 = arith.constant 0 : i32
    %c0_i32_1 = arith.constant 0 : i32
    return %c0_i32, %c0_i32_0 : i32, i32
  }
  func.func @transform_4(%arg0: i32) -> (i32, i32) {
    %c0_i32 = arith.constant 0 : i32
    %c0_i32_0 = arith.constant 0 : i32
    %c0_i32_1 = arith.constant 0 : i32
    return %c0_i32, %c0_i32_0 : i32, i32
  }
  func.func @transform_5(%arg0: i32) -> (i32, i32) {
    %c0_i32 = arith.constant 0 : i32
    %c0_i32_0 = arith.constant 0 : i32
    %c0_i32_1 = arith.constant 0 : i32
    return %c0_i32, %c0_i32_0 : i32, i32
  }
  func.func @transform_6(%arg0: i32) -> (i32, i32) {
    %c0_i32 = arith.constant 0 : i32
    %c0_i32_0 = arith.constant 0 : i32
    return %arg0, %c0_i32 : i32, i32
  }
  func.func @transform_7(%arg0: i32) -> (i32, i32) {
    %c0_i32 = arith.constant 0 : i32
    %c0_i32_0 = arith.constant 0 : i32
    %c0_i32_1 = arith.constant 0 : i32
    return %c0_i32, %c0_i32_0 : i32, i32
  }
}

module attributes {stable_mosaic.version = 14 : i64} {
  func.func @_p4_body(%arg0: i32, %arg1: memref<16000x128xf32, #tpu.memory_space<vmem>>, %arg2: memref<2x128xf32, #tpu.memory_space<vmem>>, %arg3: memref<1x128xf32, #tpu.memory_space<vmem>>, %arg4: memref<1x128xf32, #tpu.memory_space<vmem>>, %arg5: memref<128x128xf32, #tpu.memory_space<vmem>>, %arg6: memref<1x128xf32, #tpu.memory_space<vmem>>, %arg7: memref<16000x128xf32, #tpu.memory_space<vmem>>, %arg8: memref<2x128xf32, #tpu.memory_space<vmem>>) attributes {dimension_semantics = [#tpu.dimension_semantics<arbitrary>], iteration_bounds = array<i64: 20>, scalar_prefetch = 0 : i64, scratch_operands = 0 : i64, tpu.core_type = #tpu.core_type<tc>, window_params = [{transform_indices = @transform_0, window_bounds = array<i64: 16000, 128>}, {pipeline_mode = #tpu.pipeline_mode<synchronous>, transform_indices = @transform_1, window_bounds = array<i64: 2, 128>}, {pipeline_mode = #tpu.pipeline_mode<synchronous>, transform_indices = @transform_2, window_bounds = array<i64: 1, 128>}, {pipeline_mode = #tpu.pipeline_mode<synchronous>, transform_indices = @transform_3, window_bounds = array<i64: 1, 128>}, {pipeline_mode = #tpu.pipeline_mode<synchronous>, transform_indices = @transform_4, window_bounds = array<i64: 128, 128>}, {pipeline_mode = #tpu.pipeline_mode<synchronous>, transform_indices = @transform_5, window_bounds = array<i64: 1, 128>}, {transform_indices = @transform_6, window_bounds = array<i64: 16000, 128>}, {pipeline_mode = #tpu.pipeline_mode<synchronous>, transform_indices = @transform_7, window_bounds = array<i64: 2, 128>}]} {
    %get3A = arith.constant 0 : index
    %get3A_0 = arith.constant 0 : index
    %get3A_1 = vector.load %arg2[%get3A, %get3A_0] : memref<2x128xf32, #tpu.memory_space<vmem>>, vector<1x128xf32>
    %get3A_2 = arith.constant 1 : index
    %get3A_3 = arith.constant 0 : index
    %get3A_4 = vector.load %arg2[%get3A_2, %get3A_3] : memref<2x128xf32, #tpu.memory_space<vmem>>, vector<1x128xf32>
    %mul3A = arith.constant 3.125000e-06 : f32
    %mul3A_5 = vector.broadcast %mul3A : f32 to vector<1x128xf32>
    %mul3A_6 = arith.mulf %get3A_1, %mul3A_5 : vector<1x128xf32>
    %mul3A_7 = arith.constant 3.125000e-06 : f32
    %mul3A_8 = vector.broadcast %mul3A_7 : f32 to vector<1x128xf32>
    %mul3A_9 = arith.mulf %get3A_4, %mul3A_8 : vector<1x128xf32>
    %mul3A_10 = arith.mulf %mul3A_6, %mul3A_6 : vector<1x128xf32>
    %sub3A = arith.subf %mul3A_9, %mul3A_10 : vector<1x128xf32>
    %get3A_11 = arith.constant 0 : index
    %get3A_12 = arith.constant 0 : index
    %get3A_13 = vector.load %arg3[%get3A_11, %get3A_12] : memref<1x128xf32, #tpu.memory_space<vmem>>, vector<1x128xf32>
    %add3A = arith.constant 9.99999974E-6 : f32
    %add3A_14 = vector.broadcast %add3A : f32 to vector<1x128xf32>
    %add3A_15 = arith.addf %sub3A, %add3A_14 : vector<1x128xf32>
    %rsqrt3A = math.rsqrt %add3A_15 : vector<1x128xf32>
    %mul3A_16 = arith.mulf %get3A_13, %rsqrt3A : vector<1x128xf32>
    %get3A_17 = arith.constant 0 : index
    %get3A_18 = arith.constant 0 : index
    %get3A_19 = vector.load %arg4[%get3A_17, %get3A_18] : memref<1x128xf32, #tpu.memory_space<vmem>>, vector<1x128xf32>
    %mul3A_20 = arith.mulf %mul3A_6, %mul3A_16 : vector<1x128xf32>
    %sub3A_21 = arith.subf %get3A_19, %mul3A_20 : vector<1x128xf32>
    %get3A_22 = arith.constant 0 : index
    %get3A_23 = arith.constant 0 : index
    %get3A_24 = vector.load %arg1[%get3A_22, %get3A_23] : memref<16000x128xf32, #tpu.memory_space<vmem>>, vector<16000x128xf32>
    %mul3A_25 = vector.broadcast %mul3A_16 : vector<1x128xf32> to vector<16000x128xf32>
    %mul3A_26 = arith.mulf %mul3A_25, %get3A_24 : vector<16000x128xf32>
    %add3A_27 = vector.broadcast %sub3A_21 : vector<1x128xf32> to vector<16000x128xf32>
    %add3A_28 = arith.addf %mul3A_26, %add3A_27 : vector<16000x128xf32>
    %max3A = arith.constant 0.000000e+00 : f32
    %max3A_29 = vector.broadcast %max3A : f32 to vector<16000x128xf32>
    %max3A_30 = arith.maximumf %add3A_28, %max3A_29 : vector<16000x128xf32>
    %swap3A = arith.constant 0 : index
    %swap3A_31 = arith.constant 0 : index
    %swap3A_32 = vector.load %arg7[%swap3A, %swap3A_31] : memref<16000x128xf32, #tpu.memory_space<vmem>>, vector<16000x128xf32>
    tpu.vector_store %arg7[%swap3A, %swap3A_31], %max3A_30 {strides = array<i32>} : memref<16000x128xf32, #tpu.memory_space<vmem>>, vector<16000x128xf32>,
    %convert_element_type3A = arith.truncf %max3A_30 : vector<16000x128xf32> to vector<16000x128xbf16>
    %get3A_33 = arith.constant 0 : index
    %get3A_34 = arith.constant 0 : index
    %get3A_35 = vector.load %arg5[%get3A_33, %get3A_34] : memref<128x128xf32, #tpu.memory_space<vmem>>, vector<128x128xf32>
    %convert_element_type3A_36 = arith.truncf %get3A_35 : vector<128x128xf32> to vector<128x128xbf16>
    %dot_general3A = arith.constant dense<0.000000e+00> : vector<16000x128xf32>
    %dot_general3A_37 = tpu.matmul %convert_element_type3A, %convert_element_type3A_36, %dot_general3A {dimension_numbers = #tpu.dot_dimension_numbers<[1], [0], [0], [1], [0, 0, 1, 1], [], []>, transpose_lhs_hint = false} : vector<16000x128xbf16>, vector<128x128xbf16>, vector<16000x128xf32> -> vector<16000x128xf32>
    %get3A_38 = arith.constant 0 : index
    %get3A_39 = arith.constant 0 : index
    %get3A_40 = vector.load %arg6[%get3A_38, %get3A_39] : memref<1x128xf32, #tpu.memory_space<vmem>>, vector<1x128xf32>
    %add3A_41 = vector.broadcast %get3A_40 : vector<1x128xf32> to vector<16000x128xf32>
    %add3A_42 = arith.addf %dot_general3A_37, %add3A_41 : vector<16000x128xf32>
    %reduce_sum3A = arith.constant dense<0.000000e+00> : vector<128xf32>
    %reduce_sum3A_43 = vector.multi_reduction <add>, %add3A_42, %reduce_sum3A [0] : vector<16000x128xf32> to vector<128xf32>
    %broadcast_in_dim3A = vector.shape_cast %reduce_sum3A_43 : vector<128xf32> to vector<1x128xf32>
    %mul3A_44 = arith.mulf %add3A_42, %add3A_42 : vector<16000x128xf32>
    %reduce_sum3A_45 = arith.constant dense<0.000000e+00> : vector<128xf32>
    %reduce_sum3A_46 = vector.multi_reduction <add>, %mul3A_44, %reduce_sum3A_45 [0] : vector<16000x128xf32> to vector<128xf32>
    %broadcast_in_dim3A_47 = vector.shape_cast %reduce_sum3A_46 : vector<128xf32> to vector<1x128xf32>
    %concatenate3A = tpu.concatenate %broadcast_in_dim3A, %broadcast_in_dim3A_47 in 0 : vector<1x128xf32>, vector<1x128xf32> -> vector<2x128xf32>
    %eq3A = arith.constant 0 : i32
    %eq3A_48 = arith.cmpi eq, %arg0, %eq3A : i32
    %convert_element_type3A_49 = arith.extui %eq3A_48 : i1 to i32
    %cond3A = arith.constant 0 : i32
    %cond3A_50 = arith.cmpi ne, %convert_element_type3A_49, %cond3A : i32
    scf.if %cond3A_50 {
      %broadcast_in_dim3A_58 = arith.constant 0.000000e+00 : f32
      %broadcast_in_dim3A_59 = vector.broadcast %broadcast_in_dim3A_58 : f32 to vector<2x128xf32>
      %swap3A_60 = arith.constant 0 : index
      %swap3A_61 = arith.constant 0 : index
      %swap3A_62 = vector.load %arg8[%swap3A_60, %swap3A_61] : memref<2x128xf32, #tpu.memory_space<vmem>>, vector<2x128xf32>
      tpu.vector_store %arg8[%swap3A_60, %swap3A_61], %broadcast_in_dim3A_59 {strides = array<i32>} : memref<2x128xf32, #tpu.memory_space<vmem>>, vector<2x128xf32>,
    } else {
    }
    %get3A_51 = arith.constant 0 : index
    %get3A_52 = arith.constant 0 : index
    %get3A_53 = vector.load %arg8[%get3A_51, %get3A_52] : memref<2x128xf32, #tpu.memory_space<vmem>>, vector<2x128xf32>
    %add3A_54 = arith.addf %get3A_53, %concatenate3A : vector<2x128xf32>
    %swap3A_55 = arith.constant 0 : index
    %swap3A_56 = arith.constant 0 : index
    %swap3A_57 = vector.load %arg8[%swap3A_55, %swap3A_56] : memref<2x128xf32, #tpu.memory_space<vmem>>, vector<2x128xf32>
    tpu.vector_store %arg8[%swap3A_55, %swap3A_56], %add3A_54 {strides = array<i32>} : memref<2x128xf32, #tpu.memory_space<vmem>>, vector<2x128xf32>,
    return
  }
  func.func @transform_0(%arg0: i32) -> (i32, i32) {
    %c0_i32 = arith.constant 0 : i32
    %c0_i32_0 = arith.constant 0 : i32
    return %arg0, %c0_i32 : i32, i32
  }
  func.func @transform_1(%arg0: i32) -> (i32, i32) {
    %c0_i32 = arith.constant 0 : i32
    %c0_i32_0 = arith.constant 0 : i32
    %c0_i32_1 = arith.constant 0 : i32
    return %c0_i32, %c0_i32_0 : i32, i32
  }
  func.func @transform_2(%arg0: i32) -> (i32, i32) {
    %c0_i32 = arith.constant 0 : i32
    %c0_i32_0 = arith.constant 0 : i32
    %c0_i32_1 = arith.constant 0 : i32
    return %c0_i32, %c0_i32_0 : i32, i32
  }
  func.func @transform_3(%arg0: i32) -> (i32, i32) {
    %c0_i32 = arith.constant 0 : i32
    %c0_i32_0 = arith.constant 0 : i32
    %c0_i32_1 = arith.constant 0 : i32
    return %c0_i32, %c0_i32_0 : i32, i32
  }
  func.func @transform_4(%arg0: i32) -> (i32, i32) {
    %c0_i32 = arith.constant 0 : i32
    %c0_i32_0 = arith.constant 0 : i32
    %c0_i32_1 = arith.constant 0 : i32
    return %c0_i32, %c0_i32_0 : i32, i32
  }
  func.func @transform_5(%arg0: i32) -> (i32, i32) {
    %c0_i32 = arith.constant 0 : i32
    %c0_i32_0 = arith.constant 0 : i32
    %c0_i32_1 = arith.constant 0 : i32
    return %c0_i32, %c0_i32_0 : i32, i32
  }
  func.func @transform_6(%arg0: i32) -> (i32, i32) {
    %c0_i32 = arith.constant 0 : i32
    %c0_i32_0 = arith.constant 0 : i32
    return %arg0, %c0_i32 : i32, i32
  }
  func.func @transform_7(%arg0: i32) -> (i32, i32) {
    %c0_i32 = arith.constant 0 : i32
    %c0_i32_0 = arith.constant 0 : i32
    %c0_i32_1 = arith.constant 0 : i32
    return %c0_i32, %c0_i32_0 : i32, i32
  }
}

module attributes {stable_mosaic.version = 14 : i64} {
  func.func @_p5_body(%arg0: i32, %arg1: memref<16000x128xf32, #tpu.memory_space<vmem>>, %arg2: memref<2x128xf32, #tpu.memory_space<vmem>>, %arg3: memref<1x128xf32, #tpu.memory_space<vmem>>, %arg4: memref<1x128xf32, #tpu.memory_space<vmem>>, %arg5: memref<128x128xf32, #tpu.memory_space<vmem>>, %arg6: memref<1x128xf32, #tpu.memory_space<vmem>>, %arg7: memref<1x128xf32, #tpu.memory_space<vmem>>, %arg8: memref<1x1xf32, #tpu.memory_space<vmem>>, %arg9: memref<1x1x16000xf32, #tpu.memory_space<vmem>>, %arg10: memref<2x1xf32, #tpu.memory_space<vmem>>) attributes {dimension_semantics = [#tpu.dimension_semantics<arbitrary>], iteration_bounds = array<i64: 20>, scalar_prefetch = 0 : i64, scratch_operands = 0 : i64, tpu.core_type = #tpu.core_type<tc>, window_params = [{transform_indices = @transform_0, window_bounds = array<i64: 16000, 128>}, {pipeline_mode = #tpu.pipeline_mode<synchronous>, transform_indices = @transform_1, window_bounds = array<i64: 2, 128>}, {pipeline_mode = #tpu.pipeline_mode<synchronous>, transform_indices = @transform_2, window_bounds = array<i64: 1, 128>}, {pipeline_mode = #tpu.pipeline_mode<synchronous>, transform_indices = @transform_3, window_bounds = array<i64: 1, 128>}, {pipeline_mode = #tpu.pipeline_mode<synchronous>, transform_indices = @transform_4, window_bounds = array<i64: 128, 128>}, {pipeline_mode = #tpu.pipeline_mode<synchronous>, transform_indices = @transform_5, window_bounds = array<i64: 1, 128>}, {pipeline_mode = #tpu.pipeline_mode<synchronous>, transform_indices = @transform_6, window_bounds = array<i64: 1, 128>}, {pipeline_mode = #tpu.pipeline_mode<synchronous>, transform_indices = @transform_7, window_bounds = array<i64: 1, 1>}, {transform_indices = @transform_8, window_bounds = array<i64: 1, 1, 16000>}, {pipeline_mode = #tpu.pipeline_mode<synchronous>, transform_indices = @transform_9, window_bounds = array<i64: 2, 1>}]} {
    %get3A = arith.constant 0 : index
    %get3A_0 = arith.constant 0 : index
    %get3A_1 = vector.load %arg2[%get3A, %get3A_0] : memref<2x128xf32, #tpu.memory_space<vmem>>, vector<1x128xf32>
    %get3A_2 = arith.constant 1 : index
    %get3A_3 = arith.constant 0 : index
    %get3A_4 = vector.load %arg2[%get3A_2, %get3A_3] : memref<2x128xf32, #tpu.memory_space<vmem>>, vector<1x128xf32>
    %mul3A = arith.constant 3.125000e-06 : f32
    %mul3A_5 = vector.broadcast %mul3A : f32 to vector<1x128xf32>
    %mul3A_6 = arith.mulf %get3A_1, %mul3A_5 : vector<1x128xf32>
    %mul3A_7 = arith.constant 3.125000e-06 : f32
    %mul3A_8 = vector.broadcast %mul3A_7 : f32 to vector<1x128xf32>
    %mul3A_9 = arith.mulf %get3A_4, %mul3A_8 : vector<1x128xf32>
    %mul3A_10 = arith.mulf %mul3A_6, %mul3A_6 : vector<1x128xf32>
    %sub3A = arith.subf %mul3A_9, %mul3A_10 : vector<1x128xf32>
    %get3A_11 = arith.constant 0 : index
    %get3A_12 = arith.constant 0 : index
    %get3A_13 = vector.load %arg3[%get3A_11, %get3A_12] : memref<1x128xf32, #tpu.memory_space<vmem>>, vector<1x128xf32>
    %add3A = arith.constant 9.99999974E-6 : f32
    %add3A_14 = vector.broadcast %add3A : f32 to vector<1x128xf32>
    %add3A_15 = arith.addf %sub3A, %add3A_14 : vector<1x128xf32>
    %rsqrt3A = math.rsqrt %add3A_15 : vector<1x128xf32>
    %mul3A_16 = arith.mulf %get3A_13, %rsqrt3A : vector<1x128xf32>
    %get3A_17 = arith.constant 0 : index
    %get3A_18 = arith.constant 0 : index
    %get3A_19 = vector.load %arg4[%get3A_17, %get3A_18] : memref<1x128xf32, #tpu.memory_space<vmem>>, vector<1x128xf32>
    %mul3A_20 = arith.mulf %mul3A_6, %mul3A_16 : vector<1x128xf32>
    %sub3A_21 = arith.subf %get3A_19, %mul3A_20 : vector<1x128xf32>
    %get3A_22 = arith.constant 0 : index
    %get3A_23 = arith.constant 0 : index
    %get3A_24 = vector.load %arg1[%get3A_22, %get3A_23] : memref<16000x128xf32, #tpu.memory_space<vmem>>, vector<16000x128xf32>
    %convert_element_type3A = arith.truncf %get3A_24 : vector<16000x128xf32> to vector<16000x128xbf16>
    %get3A_25 = arith.constant 0 : index
    %get3A_26 = arith.constant 0 : index
    %get3A_27 = vector.load %arg5[%get3A_25, %get3A_26] : memref<128x128xf32, #tpu.memory_space<vmem>>, vector<128x128xf32>
    %convert_element_type3A_28 = arith.truncf %get3A_27 : vector<128x128xf32> to vector<128x128xbf16>
    %dot_general3A = arith.constant dense<0.000000e+00> : vector<16000x128xf32>
    %dot_general3A_29 = tpu.matmul %convert_element_type3A, %convert_element_type3A_28, %dot_general3A {dimension_numbers = #tpu.dot_dimension_numbers<[1], [0], [0], [1], [0, 0, 1, 1], [], []>, transpose_lhs_hint = false} : vector<16000x128xbf16>, vector<128x128xbf16>, vector<16000x128xf32> -> vector<16000x128xf32>
    %get3A_30 = arith.constant 0 : index
    %get3A_31 = arith.constant 0 : index
    %get3A_32 = vector.load %arg6[%get3A_30, %get3A_31] : memref<1x128xf32, #tpu.memory_space<vmem>>, vector<1x128xf32>
    %add3A_33 = vector.broadcast %get3A_32 : vector<1x128xf32> to vector<16000x128xf32>
    %add3A_34 = arith.addf %dot_general3A_29, %add3A_33 : vector<16000x128xf32>
    %mul3A_35 = vector.broadcast %mul3A_16 : vector<1x128xf32> to vector<16000x128xf32>
    %mul3A_36 = arith.mulf %mul3A_35, %add3A_34 : vector<16000x128xf32>
    %add3A_37 = vector.broadcast %sub3A_21 : vector<1x128xf32> to vector<16000x128xf32>
    %add3A_38 = arith.addf %mul3A_36, %add3A_37 : vector<16000x128xf32>
    %max3A = arith.constant 0.000000e+00 : f32
    %max3A_39 = vector.broadcast %max3A : f32 to vector<16000x128xf32>
    %max3A_40 = arith.maximumf %add3A_38, %max3A_39 : vector<16000x128xf32>
    %get3A_41 = arith.constant 0 : index
    %get3A_42 = arith.constant 0 : index
    %get3A_43 = vector.load %arg7[%get3A_41, %get3A_42] : memref<1x128xf32, #tpu.memory_space<vmem>>, vector<1x128xf32>
    %dot_general3A_44 = arith.constant dense<0.000000e+00> : vector<1x16000xf32>
    %dot_general3A_45 = tpu.matmul %get3A_43, %max3A_40, %dot_general3A_44 {dimension_numbers = #tpu.dot_dimension_numbers<[1], [1], [0], [0], [0, 0, 1, 0], [], []>, transpose_lhs_hint = false} : vector<1x128xf32>, vector<16000x128xf32>, vector<1x16000xf32> -> vector<1x16000xf32>
    %get3A_46 = arith.constant 0 : index
    %get3A_47 = arith.constant 0 : index
    %get3A_48 = vector.load %arg8[%get3A_46, %get3A_47] : memref<1x1xf32, #tpu.memory_space<vmem>>, vector<1x1xf32>
    %get3A_49 = vector.extract %get3A_48[0, 0] : f32 from vector<1x1xf32>
    %add3A_50 = vector.broadcast %get3A_49 : f32 to vector<1x16000xf32>
    %add3A_51 = arith.addf %dot_general3A_45, %add3A_50 : vector<1x16000xf32>
    %broadcast_in_dim3A = vector.shape_cast %add3A_51 : vector<1x16000xf32> to vector<1x1x16000xf32>
    %swap3A = arith.constant 0 : index
    %swap3A_52 = arith.constant 0 : index
    %swap3A_53 = arith.constant 0 : index
    %swap3A_54 = vector.load %arg9[%swap3A, %swap3A_52, %swap3A_53] : memref<1x1x16000xf32, #tpu.memory_space<vmem>>, vector<1x1x16000xf32>
    tpu.vector_store %arg9[%swap3A, %swap3A_52, %swap3A_53], %broadcast_in_dim3A {strides = array<i32>} : memref<1x1x16000xf32, #tpu.memory_space<vmem>>, vector<1x1x16000xf32>,
    %reduce_sum3A = arith.constant dense<0.000000e+00> : vector<1xf32>
    %reduce_sum3A_55 = vector.multi_reduction <add>, %add3A_51, %reduce_sum3A [1] : vector<1x16000xf32> to vector<1xf32>
    %broadcast_in_dim3A_56 = vector.shape_cast %reduce_sum3A_55 : vector<1xf32> to vector<1x1xf32>
    %mul3A_57 = arith.mulf %add3A_51, %add3A_51 : vector<1x16000xf32>
    %reduce_sum3A_58 = arith.constant dense<0.000000e+00> : vector<1xf32>
    %reduce_sum3A_59 = vector.multi_reduction <add>, %mul3A_57, %reduce_sum3A_58 [1] : vector<1x16000xf32> to vector<1xf32>
    %broadcast_in_dim3A_60 = vector.shape_cast %reduce_sum3A_59 : vector<1xf32> to vector<1x1xf32>
    %concatenate3A = tpu.concatenate %broadcast_in_dim3A_56, %broadcast_in_dim3A_60 in 0 : vector<1x1xf32>, vector<1x1xf32> -> vector<2x1xf32>
    %eq3A = arith.constant 0 : i32
    %eq3A_61 = arith.cmpi eq, %arg0, %eq3A : i32
    %convert_element_type3A_62 = arith.extui %eq3A_61 : i1 to i32
    %cond3A = arith.constant 0 : i32
    %cond3A_63 = arith.cmpi ne, %convert_element_type3A_62, %cond3A : i32
    scf.if %cond3A_63 {
      %broadcast_in_dim3A_71 = arith.constant 0.000000e+00 : f32
      %broadcast_in_dim3A_72 = vector.broadcast %broadcast_in_dim3A_71 : f32 to vector<2x1xf32>
      %swap3A_73 = arith.constant 0 : index
      %swap3A_74 = arith.constant 0 : index
      %swap3A_75 = vector.load %arg10[%swap3A_73, %swap3A_74] : memref<2x1xf32, #tpu.memory_space<vmem>>, vector<2x1xf32>
      tpu.vector_store %arg10[%swap3A_73, %swap3A_74], %broadcast_in_dim3A_72 {strides = array<i32>} : memref<2x1xf32, #tpu.memory_space<vmem>>, vector<2x1xf32>,
    } else {
    }
    %get3A_64 = arith.constant 0 : index
    %get3A_65 = arith.constant 0 : index
    %get3A_66 = vector.load %arg10[%get3A_64, %get3A_65] : memref<2x1xf32, #tpu.memory_space<vmem>>, vector<2x1xf32>
    %add3A_67 = arith.addf %get3A_66, %concatenate3A : vector<2x1xf32>
    %swap3A_68 = arith.constant 0 : index
    %swap3A_69 = arith.constant 0 : index
    %swap3A_70 = vector.load %arg10[%swap3A_68, %swap3A_69] : memref<2x1xf32, #tpu.memory_space<vmem>>, vector<2x1xf32>
    tpu.vector_store %arg10[%swap3A_68, %swap3A_69], %add3A_67 {strides = array<i32>} : memref<2x1xf32, #tpu.memory_space<vmem>>, vector<2x1xf32>,
    return
  }
  func.func @transform_0(%arg0: i32) -> (i32, i32) {
    %c0_i32 = arith.constant 0 : i32
    %c0_i32_0 = arith.constant 0 : i32
    return %arg0, %c0_i32 : i32, i32
  }
  func.func @transform_1(%arg0: i32) -> (i32, i32) {
    %c0_i32 = arith.constant 0 : i32
    %c0_i32_0 = arith.constant 0 : i32
    %c0_i32_1 = arith.constant 0 : i32
    return %c0_i32, %c0_i32_0 : i32, i32
  }
  func.func @transform_2(%arg0: i32) -> (i32, i32) {
    %c0_i32 = arith.constant 0 : i32
    %c0_i32_0 = arith.constant 0 : i32
    %c0_i32_1 = arith.constant 0 : i32
    return %c0_i32, %c0_i32_0 : i32, i32
  }
  func.func @transform_3(%arg0: i32) -> (i32, i32) {
    %c0_i32 = arith.constant 0 : i32
    %c0_i32_0 = arith.constant 0 : i32
    %c0_i32_1 = arith.constant 0 : i32
    return %c0_i32, %c0_i32_0 : i32, i32
  }
  func.func @transform_4(%arg0: i32) -> (i32, i32) {
    %c0_i32 = arith.constant 0 : i32
    %c0_i32_0 = arith.constant 0 : i32
    %c0_i32_1 = arith.constant 0 : i32
    return %c0_i32, %c0_i32_0 : i32, i32
  }
  func.func @transform_5(%arg0: i32) -> (i32, i32) {
    %c0_i32 = arith.constant 0 : i32
    %c0_i32_0 = arith.constant 0 : i32
    %c0_i32_1 = arith.constant 0 : i32
    return %c0_i32, %c0_i32_0 : i32, i32
  }
  func.func @transform_6(%arg0: i32) -> (i32, i32) {
    %c0_i32 = arith.constant 0 : i32
    %c0_i32_0 = arith.constant 0 : i32
    %c0_i32_1 = arith.constant 0 : i32
    return %c0_i32, %c0_i32_0 : i32, i32
  }
  func.func @transform_7(%arg0: i32) -> (i32, i32) {
    %c0_i32 = arith.constant 0 : i32
    %c0_i32_0 = arith.constant 0 : i32
    %c0_i32_1 = arith.constant 0 : i32
    return %c0_i32, %c0_i32_0 : i32, i32
  }
  func.func @transform_8(%arg0: i32) -> (i32, i32, i32) {
    %c0_i32 = arith.constant 0 : i32
    %c0_i32_0 = arith.constant 0 : i32
    %c0_i32_1 = arith.constant 0 : i32
    return %arg0, %c0_i32, %c0_i32_0 : i32, i32, i32
  }
  func.func @transform_9(%arg0: i32) -> (i32, i32) {
    %c0_i32 = arith.constant 0 : i32
    %c0_i32_0 = arith.constant 0 : i32
    %c0_i32_1 = arith.constant 0 : i32
    return %c0_i32, %c0_i32_0 : i32, i32
  }
}

module attributes {stable_mosaic.version = 14 : i64} {
  func.func @_p5c_body(%arg0: i32, %arg1: memref<1x1x16000xf32, #tpu.memory_space<vmem>>, %arg2: memref<2x1xf32, #tpu.memory_space<vmem>>, %arg3: memref<1x1xf32, #tpu.memory_space<vmem>>, %arg4: memref<1x1xf32, #tpu.memory_space<vmem>>, %arg5: memref<1x1x16000xf32, #tpu.memory_space<vmem>>) attributes {dimension_semantics = [#tpu.dimension_semantics<arbitrary>], iteration_bounds = array<i64: 20>, scalar_prefetch = 0 : i64, scratch_operands = 0 : i64, tpu.core_type = #tpu.core_type<tc>, window_params = [{transform_indices = @transform_0, window_bounds = array<i64: 1, 1, 16000>}, {pipeline_mode = #tpu.pipeline_mode<synchronous>, transform_indices = @transform_1, window_bounds = array<i64: 2, 1>}, {pipeline_mode = #tpu.pipeline_mode<synchronous>, transform_indices = @transform_2, window_bounds = array<i64: 1, 1>}, {pipeline_mode = #tpu.pipeline_mode<synchronous>, transform_indices = @transform_3, window_bounds = array<i64: 1, 1>}, {transform_indices = @transform_4, window_bounds = array<i64: 1, 1, 16000>}]} {
    %get3A = arith.constant 0 : index
    %get3A_0 = arith.constant 0 : index
    %get3A_1 = vector.load %arg2[%get3A, %get3A_0] : memref<2x1xf32, #tpu.memory_space<vmem>>, vector<1x1xf32>
    %get3A_2 = vector.extract %get3A_1[0, 0] : f32 from vector<1x1xf32>
    %mul3A = arith.constant 3.125000e-06 : f32
    %mul3A_3 = arith.mulf %get3A_2, %mul3A : f32
    %get3A_4 = arith.constant 1 : index
    %get3A_5 = arith.constant 0 : index
    %get3A_6 = vector.load %arg2[%get3A_4, %get3A_5] : memref<2x1xf32, #tpu.memory_space<vmem>>, vector<1x1xf32>
    %get3A_7 = vector.extract %get3A_6[0, 0] : f32 from vector<1x1xf32>
    %mul3A_8 = arith.constant 3.125000e-06 : f32
    %mul3A_9 = arith.mulf %get3A_7, %mul3A_8 : f32
    %mul3A_10 = arith.mulf %mul3A_3, %mul3A_3 : f32
    %sub3A = arith.subf %mul3A_9, %mul3A_10 : f32
    %get3A_11 = arith.constant 0 : index
    %get3A_12 = arith.constant 0 : index
    %get3A_13 = vector.load %arg3[%get3A_11, %get3A_12] : memref<1x1xf32, #tpu.memory_space<vmem>>, vector<1x1xf32>
    %get3A_14 = vector.extract %get3A_13[0, 0] : f32 from vector<1x1xf32>
    %add3A = arith.constant 9.99999974E-6 : f32
    %add3A_15 = arith.addf %sub3A, %add3A : f32
    %rsqrt3A = math.rsqrt %add3A_15 : f32
    %mul3A_16 = arith.mulf %get3A_14, %rsqrt3A : f32
    %get3A_17 = arith.constant 0 : index
    %get3A_18 = arith.constant 0 : index
    %get3A_19 = vector.load %arg4[%get3A_17, %get3A_18] : memref<1x1xf32, #tpu.memory_space<vmem>>, vector<1x1xf32>
    %get3A_20 = vector.extract %get3A_19[0, 0] : f32 from vector<1x1xf32>
    %mul3A_21 = arith.mulf %mul3A_3, %mul3A_16 : f32
    %sub3A_22 = arith.subf %get3A_20, %mul3A_21 : f32
    %get3A_23 = arith.constant 0 : index
    %get3A_24 = arith.constant 0 : index
    %get3A_25 = arith.constant 0 : index
    %get3A_26 = vector.load %arg1[%get3A_23, %get3A_24, %get3A_25] : memref<1x1x16000xf32, #tpu.memory_space<vmem>>, vector<1x1x16000xf32>
    %mul3A_27 = vector.broadcast %mul3A_16 : f32 to vector<1x1x16000xf32>
    %mul3A_28 = arith.mulf %mul3A_27, %get3A_26 : vector<1x1x16000xf32>
    %add3A_29 = vector.broadcast %sub3A_22 : f32 to vector<1x1x16000xf32>
    %add3A_30 = arith.addf %mul3A_28, %add3A_29 : vector<1x1x16000xf32>
    %max3A = arith.constant 0.000000e+00 : f32
    %max3A_31 = vector.broadcast %max3A : f32 to vector<1x1x16000xf32>
    %max3A_32 = arith.maximumf %add3A_30, %max3A_31 : vector<1x1x16000xf32>
    %swap3A = arith.constant 0 : index
    %swap3A_33 = arith.constant 0 : index
    %swap3A_34 = arith.constant 0 : index
    %swap3A_35 = vector.load %arg5[%swap3A, %swap3A_33, %swap3A_34] : memref<1x1x16000xf32, #tpu.memory_space<vmem>>, vector<1x1x16000xf32>
    tpu.vector_store %arg5[%swap3A, %swap3A_33, %swap3A_34], %max3A_32 {strides = array<i32>} : memref<1x1x16000xf32, #tpu.memory_space<vmem>>, vector<1x1x16000xf32>,
    return
  }
  func.func @transform_0(%arg0: i32) -> (i32, i32, i32) {
    %c0_i32 = arith.constant 0 : i32
    %c0_i32_0 = arith.constant 0 : i32
    %c0_i32_1 = arith.constant 0 : i32
    return %arg0, %c0_i32, %c0_i32_0 : i32, i32, i32
  }
  func.func @transform_1(%arg0: i32) -> (i32, i32) {
    %c0_i32 = arith.constant 0 : i32
    %c0_i32_0 = arith.constant 0 : i32
    %c0_i32_1 = arith.constant 0 : i32
    return %c0_i32, %c0_i32_0 : i32, i32
  }
  func.func @transform_2(%arg0: i32) -> (i32, i32) {
    %c0_i32 = arith.constant 0 : i32
    %c0_i32_0 = arith.constant 0 : i32
    %c0_i32_1 = arith.constant 0 : i32
    return %c0_i32, %c0_i32_0 : i32, i32
  }
  func.func @transform_3(%arg0: i32) -> (i32, i32) {
    %c0_i32 = arith.constant 0 : i32
    %c0_i32_0 = arith.constant 0 : i32
    %c0_i32_1 = arith.constant 0 : i32
    return %c0_i32, %c0_i32_0 : i32, i32
  }
  func.func @transform_4(%arg0: i32) -> (i32, i32, i32) {
    %c0_i32 = arith.constant 0 : i32
    %c0_i32_0 = arith.constant 0 : i32
    %c0_i32_1 = arith.constant 0 : i32
    return %arg0, %c0_i32, %c0_i32_0 : i32, i32, i32
  }
}

module attributes {stable_mosaic.version = 14 : i64} {
  func.func @_p6b_body(%arg0: memref<10000x16xf32, #tpu.memory_space<vmem>>, %arg1: memref<20000x128xf32, #tpu.memory_space<vmem>>, %arg2: memref<10000x16xf32, #tpu.memory_space<vmem>>) attributes {dimension_semantics = [], scalar_prefetch = 0 : i64, scratch_operands = 0 : i64, tpu.core_type = #tpu.core_type<tc>} {
    %get3A = arith.constant 0 : index
    %get3A_0 = arith.constant 0 : index
    %get3A_1 = vector.load %arg1[%get3A, %get3A_0] : memref<20000x128xf32, #tpu.memory_space<vmem>>, vector<10000x16xf32>
    %get3A_2 = arith.constant 10000 : index
    %get3A_3 = arith.constant 0 : index
    %get3A_4 = vector.load %arg1[%get3A_2, %get3A_3] : memref<20000x128xf32, #tpu.memory_space<vmem>>, vector<10000x16xf32>
    %add3A = arith.addf %get3A_1, %get3A_4 : vector<10000x16xf32>
    %slice3A = vector.extract_strided_slice %add3A {offsets = [0, 3], sizes = [10000, 1], strides = [1, 1]} : vector<10000x16xf32> to vector<10000x1xf32>
    %max3A = arith.constant 1.000000e+00 : f32
    %max3A_5 = vector.broadcast %max3A : f32 to vector<10000x1xf32>
    %max3A_6 = arith.maximumf %slice3A, %max3A_5 : vector<10000x1xf32>
    %div3A = arith.constant 1.000000e+00 : f32
    %div3A_7 = vector.broadcast %div3A : f32 to vector<10000x1xf32>
    %div3A_8 = arith.divf %div3A_7, %max3A_6 : vector<10000x1xf32>
    %iota3A = tpu.iota {dimensions = array<i32: 1>} : vector<10000x16xi32>
    %mul3A = vector.broadcast %div3A_8 : vector<10000x1xf32> to vector<10000x16xf32>
    %mul3A_9 = arith.mulf %add3A, %mul3A : vector<10000x16xf32>
    %lt3A = arith.constant 3 : i32
    %lt3A_10 = vector.broadcast %lt3A : i32 to vector<10000x16xi32>
    %lt3A_11 = arith.cmpi slt, %iota3A, %lt3A_10 : vector<10000x16xi32>
    %jit3A = arith.constant 1.000000e+00 : f32
    %jit3A_12 = arith.constant 0.000000e+00 : f32
    %broadcast_in_dim3A = vector.broadcast %jit3A : f32 to vector<10000x16xf32>
    %broadcast_in_dim3A_13 = vector.broadcast %jit3A_12 : f32 to vector<10000x16xf32>
    %select_n3A = arith.select %lt3A_11, %broadcast_in_dim3A, %broadcast_in_dim3A_13 : vector<10000x16xi1>, vector<10000x16xf32>
    %mul3A_14 = arith.mulf %mul3A_9, %select_n3A : vector<10000x16xf32>
    %get3A_15 = arith.constant 0 : index
    %get3A_16 = arith.constant 0 : index
    %get3A_17 = vector.load %arg0[%get3A_15, %get3A_16] : memref<10000x16xf32, #tpu.memory_space<vmem>>, vector<10000x16xf32>
    %add3A_18 = arith.addf %get3A_17, %mul3A_14 : vector<10000x16xf32>
    %swap3A = arith.constant 0 : index
    %swap3A_19 = arith.constant 0 : index
    %swap3A_20 = vector.load %arg2[%swap3A, %swap3A_19] : memref<10000x16xf32, #tpu.memory_space<vmem>>, vector<10000x16xf32>
    tpu.vector_store %arg2[%swap3A, %swap3A_19], %add3A_18 {strides = array<i32>} : memref<10000x16xf32, #tpu.memory_space<vmem>>, vector<10000x16xf32>,
    return
  }
}

module attributes {stable_mosaic.version = 14 : i64} {
  func.func @_p6a_body(%arg0: memref<10000x128xf32, #tpu.memory_space<vmem>>, %arg1: memref<20000x128xf32, #tpu.memory_space<vmem>>, %arg2: memref<128x128xf32, #tpu.memory_space<vmem>>, %arg3: memref<128x128xf32, #tpu.memory_space<vmem>>, %arg4: memref<1x128xf32, #tpu.memory_space<vmem>>, %arg5: memref<1x128xf32, #tpu.memory_space<vmem>>, %arg6: memref<1x128xf32, #tpu.memory_space<vmem>>, %arg7: memref<10000x128xf32, #tpu.memory_space<vmem>>) attributes {dimension_semantics = [], scalar_prefetch = 0 : i64, scratch_operands = 0 : i64, tpu.core_type = #tpu.core_type<tc>} {
    %get3A = arith.constant 0 : index
    %get3A_0 = arith.constant 0 : index
    %get3A_1 = vector.load %arg0[%get3A, %get3A_0] : memref<10000x128xf32, #tpu.memory_space<vmem>>, vector<10000x128xf32>
    %get3A_2 = arith.constant 0 : index
    %get3A_3 = arith.constant 0 : index
    %get3A_4 = vector.load %arg1[%get3A_2, %get3A_3] : memref<20000x128xf32, #tpu.memory_space<vmem>>, vector<10000x128xf32>
    %get3A_5 = arith.constant 10000 : index
    %get3A_6 = arith.constant 0 : index
    %get3A_7 = vector.load %arg1[%get3A_5, %get3A_6] : memref<20000x128xf32, #tpu.memory_space<vmem>>, vector<10000x128xf32>
    %add3A = arith.addf %get3A_4, %get3A_7 : vector<10000x128xf32>
    %get3A_8 = arith.constant 0 : index
    %get3A_9 = arith.constant 0 : index
    %get3A_10 = vector.load %arg2[%get3A_8, %get3A_9] : memref<128x128xf32, #tpu.memory_space<vmem>>, vector<128x128xf32>
    %dot_general3A = arith.constant dense<0.000000e+00> : vector<10000x128xf32>
    %dot_general3A_11 = tpu.matmul %get3A_1, %get3A_10, %dot_general3A {dimension_numbers = #tpu.dot_dimension_numbers<[1], [0], [0], [1], [0, 0, 1, 1], [], []>, transpose_lhs_hint = false} : vector<10000x128xf32>, vector<128x128xf32>, vector<10000x128xf32> -> vector<10000x128xf32>
    %get3A_12 = arith.constant 0 : index
    %get3A_13 = arith.constant 0 : index
    %get3A_14 = vector.load %arg3[%get3A_12, %get3A_13] : memref<128x128xf32, #tpu.memory_space<vmem>>, vector<128x128xf32>
    %dot_general3A_15 = arith.constant dense<0.000000e+00> : vector<10000x128xf32>
    %dot_general3A_16 = tpu.matmul %add3A, %get3A_14, %dot_general3A_15 {dimension_numbers = #tpu.dot_dimension_numbers<[1], [0], [0], [1], [0, 0, 1, 1], [], []>, transpose_lhs_hint = false} : vector<10000x128xf32>, vector<128x128xf32>, vector<10000x128xf32> -> vector<10000x128xf32>
    %add3A_17 = arith.addf %dot_general3A_11, %dot_general3A_16 : vector<10000x128xf32>
    %get3A_18 = arith.constant 0 : index
    %get3A_19 = arith.constant 0 : index
    %get3A_20 = vector.load %arg4[%get3A_18, %get3A_19] : memref<1x128xf32, #tpu.memory_space<vmem>>, vector<1x128xf32>
    %add3A_21 = vector.broadcast %get3A_20 : vector<1x128xf32> to vector<10000x128xf32>
    %add3A_22 = arith.addf %add3A_17, %add3A_21 : vector<10000x128xf32>
    %reduce_sum3A = arith.constant dense<0.000000e+00> : vector<128xf32>
    %reduce_sum3A_23 = vector.multi_reduction <add>, %add3A_22, %reduce_sum3A [0] : vector<10000x128xf32> to vector<128xf32>
    %broadcast_in_dim3A = vector.shape_cast %reduce_sum3A_23 : vector<128xf32> to vector<1x128xf32>
    %div3A = arith.constant 1.000000e+04 : f32
    %div3A_24 = vector.broadcast %div3A : f32 to vector<1x128xf32>
    %div3A_25 = arith.divf %broadcast_in_dim3A, %div3A_24 : vector<1x128xf32>
    %mul3A = arith.mulf %add3A_22, %add3A_22 : vector<10000x128xf32>
    %reduce_sum3A_26 = arith.constant dense<0.000000e+00> : vector<128xf32>
    %reduce_sum3A_27 = vector.multi_reduction <add>, %mul3A, %reduce_sum3A_26 [0] : vector<10000x128xf32> to vector<128xf32>
    %broadcast_in_dim3A_28 = vector.shape_cast %reduce_sum3A_27 : vector<128xf32> to vector<1x128xf32>
    %div3A_29 = arith.constant 1.000000e+04 : f32
    %div3A_30 = vector.broadcast %div3A_29 : f32 to vector<1x128xf32>
    %div3A_31 = arith.divf %broadcast_in_dim3A_28, %div3A_30 : vector<1x128xf32>
    %mul3A_32 = arith.mulf %div3A_25, %div3A_25 : vector<1x128xf32>
    %sub3A = arith.subf %div3A_31, %mul3A_32 : vector<1x128xf32>
    %get3A_33 = arith.constant 0 : index
    %get3A_34 = arith.constant 0 : index
    %get3A_35 = vector.load %arg5[%get3A_33, %get3A_34] : memref<1x128xf32, #tpu.memory_space<vmem>>, vector<1x128xf32>
    %add3A_36 = arith.constant 9.99999974E-6 : f32
    %add3A_37 = vector.broadcast %add3A_36 : f32 to vector<1x128xf32>
    %add3A_38 = arith.addf %sub3A, %add3A_37 : vector<1x128xf32>
    %rsqrt3A = math.rsqrt %add3A_38 : vector<1x128xf32>
    %mul3A_39 = arith.mulf %get3A_35, %rsqrt3A : vector<1x128xf32>
    %get3A_40 = arith.constant 0 : index
    %get3A_41 = arith.constant 0 : index
    %get3A_42 = vector.load %arg6[%get3A_40, %get3A_41] : memref<1x128xf32, #tpu.memory_space<vmem>>, vector<1x128xf32>
    %mul3A_43 = arith.mulf %div3A_25, %mul3A_39 : vector<1x128xf32>
    %sub3A_44 = arith.subf %get3A_42, %mul3A_43 : vector<1x128xf32>
    %mul3A_45 = vector.broadcast %mul3A_39 : vector<1x128xf32> to vector<10000x128xf32>
    %mul3A_46 = arith.mulf %mul3A_45, %add3A_22 : vector<10000x128xf32>
    %add3A_47 = vector.broadcast %sub3A_44 : vector<1x128xf32> to vector<10000x128xf32>
    %add3A_48 = arith.addf %mul3A_46, %add3A_47 : vector<10000x128xf32>
    %max3A = arith.constant 0.000000e+00 : f32
    %max3A_49 = vector.broadcast %max3A : f32 to vector<10000x128xf32>
    %max3A_50 = arith.maximumf %add3A_48, %max3A_49 : vector<10000x128xf32>
    %add3A_51 = arith.addf %get3A_1, %max3A_50 : vector<10000x128xf32>
    %swap3A = arith.constant 0 : index
    %swap3A_52 = arith.constant 0 : index
    %swap3A_53 = vector.load %arg7[%swap3A, %swap3A_52] : memref<10000x128xf32, #tpu.memory_space<vmem>>, vector<10000x128xf32>
    tpu.vector_store %arg7[%swap3A, %swap3A_52], %add3A_51 {strides = array<i32>} : memref<10000x128xf32, #tpu.memory_space<vmem>>, vector<10000x128xf32>,
    return
  }
}

</mosaic_0001>

<sc_bundles>
// kernel: kernel.13.cloned.1.call-start
scs
__scs_entry_jumppad:
0x0: {  	(pc) =	sbr.rel $0x88, $3  }
0x1: {  	(tag) =	ssettag $0x0;
	lr =	simm.s32 $0x1  }
0x2: {  	[smem:$0x3F8A] =	sst lr;
	_ =	strace $0xD0000000  }
0x3: {  	_ = 	snop  }
0x4: {  	_ = 	snop  }
0x5: {  	_ = 	snop  }
0x6: {  	_ = 	snop  }
0x7: {  	_ = 	snop  }
__scs_overlays_trampoline_lowered:
0x8: {  	[smem:$0x3F99] =	sst s0  }
0x9: {  	[smem:$0x3F9A] =	sst s1  }
0xa: {  	[smem:$0x3F9B] =	sst s2  }
0xb: {  	[smem:$0x3F9C] =	sst s3  }
0xc: {  	[smem:$0x3F9D] =	sst s4  }
0xd: {  	[smem:$0x3F9E] =	sst s5  }
0xe: {  	[smem:$0x3F9F] =	sst s6  }
0xf: {  	[smem:$0x3FA0] =	sst s7  }
0x10: {  	[smem:$0x3FA1] =	sst s8  }
0x11: {  	[smem:$0x3FA2] =	sst s9;
	s0 =	simm.s32 @!p0 $0x0  }
0x12: {  	s1 =	sld [smem:$0x3F88];
	s0 =	simm.s32 @p0 $0x1  }
0x13: {  	[smem:$0x3FA3] =	sst s0;
	s0 =	simm.s32 @!p1 $0x0  }
0x14: {  	s2 =	sld [smem:$0x3F87];
	s0 =	simm.s32 @p1 $0x1  }
0x15: {  	[smem:$0x3FA4] =	sst s0;
	s0 =	simm.s32 @!p2 $0x0  }
0x16: {  	s3 =	sld [smem:$0x3FDB];
	s0 =	simm.s32 @p2 $0x1  }
0x17: {  	s4 =	simm.s32 $0x1BF5;
	[smem:$0x3FA6] =	sst s0  }
0x18: {  	s0 =	sld [smem:$0x3F89];
	_ =	swait.ge [sflag:s4], $0x0  }
0x19: {  	s7 =	sld [smem:$0x3F8A]  }
0x1a: {  	s8 =	sadd.s32 $0xFFFFE003, lr  }
0x1b: {  	s9 =	sadd.s32 $0xFFFFFEF7, lr;
	s5 =	simm.s32 $0xFFFFFFFF;
	p2 =	slt.u32 s8, $0xFFFFF086  }
0x1c: {  	p1 =	slt.u32 s9, $0xF7A;
	s5 =	simm.s32 @!p2 $0x0  }
0x1d: {  	s5 =	simm.s32 @p1 $0x1;
	p0 =	seq.s32 s7, s2  }
0x1e: {  	s7 =	smul.u32 @!p0 $0xF7A, s2;
	p2 =	seq.s32 @!p0 s5, $0x0  }
0x1f: {  	s9 =	smul.u32 $0xF7A, s1;
	s8 =	simm.s32 @!p0 $0x1BF5;
	p2 =	por !p2, p0  }
0x20: {  	[sflag:s8] =	ssyncset.s32 @!p0 $0xFFFFF086;
	s6 =	sadd.s32 @!p0 s3, s7;
	s7 =	simm.s32 @!p0 $0x108  }
0x21: {  	s3 =	sadd.s32 s3, s9;
	s6 =	sadd.s32 @!p0 $0x88, s6;
	s7 =	simm.s32 @p2 $0x1082  }
0x22: {  	[simem:s7], [sflag:s8] =	dma.local @!p0 [hbm:s6], $0xF7A  }
0x23: {  	s9 =	sor.u32 $0xD0000000, s2;
	s6 =	simm.s32 $0x108;
	_ =	swait.ge @!p0 [sflag:s8], $0x0  }
0x24: {  	s3 =	sadd.s32 $0x88, s3;
	s6 =	simm.s32 @!p1 $0x1082;
	[sflag:s4] =	ssyncset.s32 $0xFFFFF086  }
0x25: {  	[simem:s6], [sflag:s4] =	dma.local [hbm:s3], $0xF7A  }
0x26: {  	[smem:$0x3F8A] =	sst s1;
	(tag) =	ssettag s2;
	_ =	strace s9  }
0x27: {  	s1 =	sld [smem:$0x3F9A]  }
0x28: {  	s2 =	sld [smem:$0x3F9B]  }
0x29: {  	s4 =	sld [smem:$0x3F9D]  }
0x2a: {  	p0 =	seq.s32 s5, $0x0;
	s5 =	sld [smem:$0x3F9E]  }
0x2b: {  	s6 =	sld [smem:$0x3F9F]  }
0x2c: {  	s7 =	sld [smem:$0x3FA0]  }
0x2d: {  	s3 =	simm.s32 $0x108;
	s8 =	sld [smem:$0x3FA1]  }
0x2e: {  	s3 =	simm.s32 @!p0 $0x1082;
	s9 =	sld [smem:$0x3FA2]  }
0x2f: {  	lr =	sadd.s32 s0, s3;
	s0 =	sld [smem:$0x3F99]  }
0x30: {  	s3 =	sld [smem:$0x3F9C]  }
0x31: {  	[smem:$0x3FA5] =	sst s10  }
0x32: {  	s10 =	sld [smem:$0x3FA3];
	_ =	sdelay $0x3  }
0x33: {  	p0 =	seq.s32 s10, $0x1;
	s10 =	sld [smem:$0x3FA5];
	_ =	sdelay $0x3  }
0x34: {  	[smem:$0x3FA5] =	sst s10  }
0x35: {  	s10 =	sld [smem:$0x3FA4];
	_ =	sdelay $0x3  }
0x36: {  	p1 =	seq.s32 s10, $0x1;
	s10 =	sld [smem:$0x3FA5];
	_ =	sdelay $0x3  }
0x37: {  	[smem:$0x3FA5] =	sst s10  }
0x38: {  	s10 =	sld [smem:$0x3FA6]  }
0x39: {  	_ = 	snop;
	(pc) =	sbr.ind lr, $3  }
0x3a: {  	_ = 	snop  }
0x3b: {  	_ = 	snop  }
0x3c: {  	p2 =	seq.s32 s10, $0x1;
	s10 =	sld [smem:$0x3FA5]  }
0x3d: {  	_ =	shalt  }
0x3e: {  	_ =	shalt  }
0x3f: {  	_ =	shalt  }
0x40: {  	_ =	shalt  }
0x41: {  	_ =	shalt  }
0x42: {  	_ =	shalt  }
0x43: {  	_ =	shalt  }
0x44: {  	_ =	shalt  }
0x45: {  	_ =	shalt  }
0x46: {  	_ =	shalt  }
0x47: {  	_ =	shalt  }
0x48: {  	_ =	shalt  }
0x49: {  	_ =	shalt  }
0x4a: {  	_ =	shalt  }
0x4b: {  	_ =	shalt  }
0x4c: {  	_ =	shalt  }
0x4d: {  	_ =	shalt  }
0x4e: {  	_ =	shalt  }
0x4f: {  	_ =	shalt  }
0x50: {  	_ =	shalt  }
0x51: {  	_ =	shalt  }
0x52: {  	_ =	shalt  }
0x53: {  	_ =	shalt  }
0x54: {  	_ =	shalt  }
0x55: {  	_ =	shalt  }
0x56: {  	_ =	shalt  }
0x57: {  	_ =	shalt  }
0x58: {  	_ =	shalt  }
0x59: {  	_ =	shalt  }
0x5a: {  	_ =	shalt  }
0x5b: {  	_ =	shalt  }
0x5c: {  	_ =	shalt  }
0x5d: {  	_ =	shalt  }
0x5e: {  	_ =	shalt  }
0x5f: {  	_ =	shalt  }
0x60: {  	_ =	shalt  }
0x61: {  	_ =	shalt  }
0x62: {  	_ =	shalt  }
0x63: {  	_ =	shalt  }
0x64: {  	_ =	shalt  }
0x65: {  	_ =	shalt  }
0x66: {  	_ =	shalt  }
0x67: {  	_ =	shalt  }
0x68: {  	_ =	shalt  }
0x69: {  	_ =	shalt  }
0x6a: {  	_ =	shalt  }
0x6b: {  	_ =	shalt  }
0x6c: {  	_ =	shalt  }
0x6d: {  	_ =	shalt  }
0x6e: {  	_ =	shalt  }
0x6f: {  	_ =	shalt  }
0x70: {  	_ =	shalt  }
0x71: {  	_ =	shalt  }
0x72: {  	_ =	shalt  }
0x73: {  	_ =	shalt  }
0x74: {  	_ =	shalt  }
0x75: {  	_ =	shalt  }
0x76: {  	_ =	shalt  }
0x77: {  	_ =	shalt  }
0x78: {  	_ =	shalt  }
0x79: {  	_ =	shalt  }
0x7a: {  	_ =	shalt  }
0x7b: {  	_ =	shalt  }
0x7c: {  	_ =	shalt  }
0x7d: {  	_ =	shalt  }
0x7e: {  	_ =	shalt  }
0x7f: {  	_ =	shalt  }
0x80: {  	_ =	shalt  }
0x81: {  	_ =	shalt  }
0x82: {  	_ =	shalt  }
0x83: {  	_ =	shalt  }
0x84: {  	_ =	shalt  }
0x85: {  	_ =	shalt  }
0x86: {  	_ =	shalt  }
0x87: {  	_ =	shalt  }
.Lfunc_end0:
.L_simem_size_0:
called_computation_lowered:
.L_overlay_start_0:
0x88: {  	s2 =	sld [smem:$0x3FD9]  }
0x89: {  	s3 =	sld [smem:$0x3FFE];
	_ =	sdelay $0x1  }
0x8a: {  	s1 =	srdreg.scid  }
0x8b: {  	s0 =	sand.u32 $0x1, s1  }
0x8c: {  	s14 =	sshll.u32 s0, $0xA;
	s2 =	sadd.s32 s3, s2  }
0x8d: {  	s2 =	sadd.s32 s2, s14  }
0x8e: {  	[smem:$0x3FB1] =	sst s2  }
0x8f: {  	_ = 	snop  }
0x90: {  	s2 =	sld [smem:$0x3FD0];
	_ =	sdelay $0x2  }
0x91: {  	s15 =	simm.s32 $0xB;
	s4 =	simm.s32 $0x10  }
0x92: {  	[smem:s4], [sflag:s15] =	dma.local [hbm:s2], $0x1  }
0x93: {  	_ =	swait.eq [sflag:s15], $0x1  }
0x94: {  	[sflag:s15] =	ssyncset.done $0x0  }
0x95: {  	s16 =	sld [smem:$0x10];
	[sflag:s15] =	ssyncadd.s32 $0xFFFFFFFF  }
0x96: {  	s17 =	sld [smem:$0x11];
	(tm) =	ssettm $0x1  }
0x97: {  	s18 =	sld [smem:$0x3FFB];
	_ =	sdelay $0x3  }
0x98: {  	_ =	strace s18  }
0x99: {  	s4 =	sld [smem:$0x3FFC];
	_ =	sdelay $0x3  }
0x9a: {  	_ =	strace s4  }
0x9b: {  	s4 =	sld [smem:$0x3FFD];
	_ =	sdelay $0x3  }
0x9c: {  	_ =	strace s4  }
0x9d: {  	_ =	strace $0x8FFFFFFF  }
0x9e: {  	s19 =	sld [smem:$0x3FDB];
	_ =	sdelay $0x1  }
0x9f: {  	s5 =	simm.s32 $_scs_section_size  }
0xa0: {  	s6 =	simm.s32 $_size__tile_overlayer_lowered;
	s7 =	simm.s32 $_tile_overlayer_lowered  }
0xa1: {  	s22 =	simm.s32 $0x1BFF;
	s21 =	sshll.u32 s7, $0x1;
	s4 =	sadd.s32 s5, s19  }
0xa2: {  	s8 =	simm.s32 $0x0;
	s20 =	sshll.u32 s6, $0x1;
	s6 =	sadd.s32 s21, s4  }
0xa3: {  	[timem:s8], [sflag:s22] =	dma.local [hbm:s6], s20  }
0xa4: {  	_ =	swait.ge [sflag:s22], s20  }
0xa5: {  	s5 =	ssub.s32 $0x0, s20;
	[sflag:s22] =	ssyncset.done $0x0  }
0xa6: {  	[sflag:s22] =	ssyncadd.s32 s5;
	_ =	sdelay $0x1  }
0xa7: {  	s23 =	simm.s32 $0x1B8B  }
0xa8: {  	_ =	swait.ge [sflag:s23], $0x1  }
0xa9: {  	[sflag:s23] =	ssyncset.done $0x0  }
0xaa: {  	s25 =	simm.s32 $0x1B8E;
	s24 =	sld [smem:$0x3FFE];
	[sflag:s23] =	ssyncadd.s32 $0xFFFFFFFF  }
0xab: {  	s26 =	simm.s32 $execute0_lowered;
	[smem:$0x3FD2] =	sst s25  }
0xac: {  	s6 =	sshll.u32 s26, $0x1;
	_ =	strace $0x80000046;
	[dreg:$0x1] =	wrdreg $0xFFFFFFFF  }
0xad: {  	s28 =	simm.s32 $_size_execute0_lowered;
	s4 =	sadd.s32 s4, s6;
	[dreg:$0x0] =	wrdreg $0x0  }
0xae: {  	s6 =	sshll.u32 s28, $0x1;
	[dreg:$0x2] =	wrdreg s4  }
0xaf: {  	[dreg:$0x3] =	wrdreg s6  }
0xb0: {  	[dreg:$0x4] =	wrdreg $0xC0  }
0xb1: {  	_ =	task [dreg:s8], $0x5FFFF  }
0xb2: {  	[dreg:$0x1] =	wrdreg $0xFFFFFFFF  }
0xb3: {  	[dreg:$0x0] =	wrdreg $0x60  }
0xb4: {  	[dreg:$0x2] =	wrdreg s16  }
0xb5: {  	[dreg:$0x3] =	wrdreg s24  }
0xb6: {  	[dreg:$0x4] =	wrdreg s17  }
0xb7: {  	[dreg:$0x5] =	wrdreg $0x9  }
0xb8: {  	_ =	task.clear_ibuf [dreg:s8], $0x6FFFF;
	_ =	strace $0x90000046  }
0xb9: {  	s29 =	simm.s32 $0x9;
	_ =	strace $0x80000048  }
0xba: {  	_ =	swait.ge [sflag:s29], $0x1  }
0xbb: {  	[sflag:s29] =	ssyncadd.s32 $0xFFFFFFFF  }
0xbc: {  	_ =	strace $0x90000048  }
0xbd: {  	_ =	sfence  }
0xbe: {  	s30 =	sld [smem:$0x0];
	_ =	sdelay $0x2  }
0xbf: {  	s31 =	sshll.u32 s1, $0xD;
	s1 =	sshrl.u32 s1, $0x2  }
0xc0: {  	s3 =	sand.u32 $0x4000, s31;
	s1 =	sadd.s32 s1, s30  }
0xc1: {  	s0 =	sor.u32 s3, s0;
	s1 =	sshll.u32 s1, $0x11  }
0xc2: {  	s0 =	sor.u32 s1, s0  }
0xc3: {  	s0 =	sadd.s32 $0x8F2B, s0  }
0xc4: {  	[sflag:s0] =	ssyncadd.remote.s32 $0x1  }
0xc5: {  	_ =	sfence.sel $0xFFFF  }
0xc6: {  	[dreg:$0x0] =	wrdreg $0xFFFFFFFF;
	(pc) =	sbr.abs _section_cstart, $3  }
0xc7: {  	[dreg:$0x1] =	wrdreg $0xFFFFFFFF  }
0xc8: {  	_ =	task.clear_ibuf [dreg:s8], $0x2FFFF;
	_ =	strace $0x9FFFFFFF  }
0xc9: {  	(tm) =	ssettm $0x7FFFFFFF  }
tec
execute0_lowered:
.L_overlay_start_1:
0x0: {  	(tag) =	ssettag $0x1  }
0x1: {  	s0 =	srdreg.scid;
	s1 =	rddreg [dreg:$0x0]  }
0x2: {  	s2 =	stileid.u32;
	s3 =	rddreg [dreg:$0x1]  }
0x3: {  	s5 =	simm.s32 $0x0;
	s14 =	simm.s32 $0x5;
	s15 =	simm.s32 $0x2780  }
0x4: {  	s16 =	simm.s32 $0x4F00;
	s18 =	simm.s32 $0x7700;
	s19 =	simm.s32 $0x9E80  }
0x5: {  	s20 =	simm.s32 $0x50;
	s23 =	simm.s32 $0x1;
	s24 =	simm.s32 $0x3  }
0x6: {  	s25 =	simm.s32 $0x16600;
	s28 =	simm.s32 $0x2;
	s29 =	simm.s32 $0x4  }
0x7: {  	s30 =	simm.s32 $0x18E00;
	s0 =	sand.u32 $0x1, s0;
	s2 =	sshll.u32 s2, $0x1  }
0x8: {  	s31 =	simm.s32 $0x0;
	[smem:$0x7FF] =	sst s5;
	s2 =	sor.u32 s0, s2  }
0x9: {  	s6 =	sadd.s32 $0x17400, s3;
	s7 =	sadd.s32 $0x16E00, s3;
	s4 =	smul.u32 $0x2710, s2  }
.Ltmp0:
0xa: {  	s8 =	sadd.s32 $0x16800, s3;
	s9 =	sadd.s32 $0x2A00, s3;
	(pc) =	sbr.rel .LBB2_1-.Ltmp0, $4  }
0xb: {  	s10 =	sadd.s32 $0x3E600, s3;
	_ =	strace $0x80000047;
	s0 =	ssub.s32 $0x2, s0  }
0xc: {  	[dreg:$0x4] =	wrdreg s7;
	s26 =	sshrl.u32 s0, $0x1;
	s2 =	sshrl.u32 s4, $0x3  }
0xd: {  	s0 =	ssub.s32 s0, s26;
	s26 =	simm.s32 $0x6;
	s2 =	sadd.s32 s2, s3  }
0xe: {  	s13 =	smax.u32 s0, $0x1;
	s11 =	sadd.s32 $0xCA00, s2;
	s12 =	sadd.s32 $0x2C00, s2  }
.LBB2_9:
0xf: {  	s31 =	sadd.s32 $0x1, s31  }
0x10: {  	p0 =	sne.s32 s31, s13  }
.Ltmp1:
0x11: {  	_ = 	snop;
	(pc) =	sbr.rel @!p0 .LBB2_10-.Ltmp1, $1  }
0x12: {  	_ =	sdelay $0x3  }
.LBB2_1:
0x13: {  	s0 =	rddreg [dreg:$0x4]  }
0x14: {  	[tilespmem:s5], [sflag:$0x5] =	stream.linear.gather [hbm4b:s0+s5], $0x2780, $0x38;
	[tilespmem:$0x1B680] =	vst v63  }
0x15: {  	_ =	swait.ge [sflag:s14], $0x2780  }
0x16: {  	[sflag:s14] =	ssyncset.done $0x0  }
0x17: {  	[sflag:s14] =	ssyncadd.s32 $0xFFFFD880  }
0x18: {  	[tilespmem:s15], [sflag:$0x5] =	stream.linear.gather [hbm4b:s8+s5], $0x2780, $0x38;
	[tilespmem:$0x1B680] =	vst v63  }
0x19: {  	_ =	swait.ge [sflag:s14], $0x2780  }
0x1a: {  	[sflag:s14] =	ssyncset.done $0x0  }
0x1b: {  	[sflag:s14] =	ssyncadd.s32 $0xFFFFD880  }
0x1c: {  	s7 =	rddreg [dreg:$0x2]  }
0x1d: {  	[tilespmem:s16], [sflag:$0x5] =	stream.linear.gather [hbm4b:s7+s5], $0x2780, $0x38;
	[tilespmem:$0x1B680] =	vst v63  }
0x1e: {  	_ =	swait.ge [sflag:s14], $0x2780  }
0x1f: {  	[sflag:s14] =	ssyncset.done $0x0  }
0x20: {  	s17 =	simm.s32 $0x7680;
	[sflag:s14] =	ssyncadd.s32 $0xFFFFD880  }
0x21: {  	[tilespmem:s17], [sflag:$0x5] =	stream.linear.gather [hbm4b:s9+s5], $0x80, $0x38;
	[tilespmem:$0x1B680] =	vst v63  }
0x22: {  	_ =	swait.ge [sflag:s14], $0x80  }
0x23: {  	[sflag:s14] =	ssyncset.done $0x0  }
0x24: {  	[sflag:s14] =	ssyncadd.s32 $0xFFFFFF80  }
0x25: {  	[tilespmem:s18], [sflag:$0x5] =	stream.linear.gather [hbm4b:s11+s5], $0x2710, $0x38;
	[tilespmem:$0x1B680] =	vst v63  }
0x26: {  	_ =	swait.ge [sflag:s14], $0x2710  }
0x27: {  	[sflag:s14] =	ssyncset.done $0x0  }
0x28: {  	[sflag:s14] =	ssyncadd.s32 $0xFFFFD8F0  }
0x29: {  	[tilespmem:s19], [sflag:$0x5] =	stream.linear.gather [hbm4b:s12+s5], $0x2710, $0x38;
	[tilespmem:$0x1B680] =	vst v63  }
0x2a: {  	_ =	swait.ge [sflag:s14], $0x2710  }
0x2b: {  	[sflag:s14] =	ssyncset.done $0x0  }
0x2c: {  	[sflag:s14] =	ssyncadd.s32 $0xFFFFD8F0  }
0x2d: {  	v0 =	vld [tilespmem:$0x7680]  }
0x2e: {  	v1 =	vld [tilespmem:$0x7690]  }
0x2f: {  	v2 =	vld [tilespmem:$0x76A0]  }
0x30: {  	v3 =	vld [tilespmem:$0x76B0]  }
0x31: {  	v4 =	vld [tilespmem:$0x76C0]  }
.Ltmp2:
0x32: {  	v5 =	vld [tilespmem:$0x76D0];
	(pc) =	sbr.rel .LBB2_2-.Ltmp2, $4  }
0x33: {  	s21 =	simm.s32 $0xC600;
	v6 =	vld [tilespmem:$0x76E0]  }
0x34: {  	v7 =	vld [tilespmem:$0x76F0];
	[tilespmem:s21], [sflag:$0x1] =	stream.indirect.gather [hbm4b:s1+s20], $0x80, s18, s20, $0xb8  }
0x35: {  	s22 =	simm.s32 $0x11600;
	s2 =	simm.s32 $0x0  }
0x36: {  	[tilespmem:s22], [sflag:$0x3] =	stream.indirect.gather [hbm4b:s6+s20], $0x80, s19, s20, $0xb8;
	[tilespmem:$0x1B680] =	vst v63  }
.LBB2_8:
0x37: {  	s2 =	sadd.s32 $0x1, s2  }
0x38: {  	p0 =	sne.s32 s2, $0x3F  }
.Ltmp3:
0x39: {  	_ = 	snop;
	(pc) =	sbr.rel @!p0 .LBB2_9-.Ltmp3, $1  }
0x3a: {  	_ =	sdelay $0x3  }
.LBB2_2:
0x3b: {  	s0 =	sshllo.u32 s2, $0x1  }
0x3c: {  	p0 =	sgt.u32 s0, $0x7C  }
0x3d: {  	s3 =	smul.u32 @!p0 $0x50, s0;
	_ =	sdelay $0x1  }
0x3e: {  	s21 =	simm.s32 @!p0 $0x50;
	s22 =	simm.s32 @!p0 $0xEE00;
	s17 =	sadd.s32 @!p0 $0x7700, s3  }
0x3f: {  	[tilespmem:s22], [sflag:$0x2] =	stream.indirect.gather @!p0 [hbm4b:s1+s21], $0x80, s17, s21, $0xb8;
	[tilespmem:$0x1B680] =	vst v63  }
0x40: {  	s3 =	sadd.s32 @!p0 $0x9E80, s3;
	s17 =	simm.s32 @!p0 $0x13E00  }
0x41: {  	[tilespmem:s17], [sflag:$0x4] =	stream.indirect.gather @!p0 [hbm4b:s6+s21], $0x80, s3, s21, $0xb8;
	[tilespmem:$0x1B680] =	vst v63  }
0x42: {  	_ =	swait.ge [sflag:s23], $0x2800  }
0x43: {  	[sflag:s23] =	ssyncset.done $0x0  }
0x44: {  	[sflag:s23] =	ssyncadd.s32 $0xFFFFD800  }
0x45: {  	_ =	swait.ge [sflag:s24], $0x2800  }
0x46: {  	s3 =	smul.u32 $0xA0, s2;
	[sflag:s24] =	ssyncset.done $0x0  }
0x47: {  	[sflag:s24] =	ssyncadd.s32 $0xFFFFD800  }
0x48: {  	v8 =	vld [tilespmem:s3+$0x9E80]  }
0x49: {  	v9 =	vld [tilespmem:s3+$0x7700];
	_ =	sdelay $0x5  }
0x4a: {  	s22 =	simm.s32 $0x0  }
0x4b: {  	v10 =	vld.idx.msk [tilespmem:v8+s22+$0x0], $0xffff  }
0x4c: {  	v11 =	vld.idx.msk [tilespmem:v9+s22+$0x0], $0xffff  }
0x4d: {  	v12 =	vld.idx.msk [tilespmem:v8+s15+$0x0], $0xffff  }
0x4e: {  	v13 =	vld.idx.msk [tilespmem:v9+s15+$0x0], $0xffff  }
0x4f: {  	v8 =	vld.idx.msk [tilespmem:v8+s16+$0x0], $0xffff  }
0x50: {  	v9 =	vld.idx.msk [tilespmem:v9+s16+$0x0], $0xffff;
	_ =	sdelay $0x2  }
0x51: {  	v10 =	vsub.f32 v10, v11;
	v11 =	vsub.f32 v12, v13;
	_ =	sdelay $0x1  }
0x52: {  	v8 =	vsub.f32 v8, v9;
	v9 =	vmul.f32 v10, v10;
	v10 =	vmul.f32 v11, v11;
	_ =	sdelay $0x1  }
0x53: {  	v8 =	vmul.f32 v8, v8;
	v9 =	vadd.f32 v10, v9;
	_ =	sdelay $0x1  }
0x54: {  	v8 =	vadd.f32 v8, v9;
	_ =	sdelay $0x1  }
0x55: {  	v8 =	vadd.f32 $9.999999960e-13, v8;
	_ =	sdelay $0x1  }
0x56: {  	v9 =	vshrl.u32 v8, $0x1;
	v10 =	vmul.f32 $5.000000000e-01, v8  }
0x57: {  	v9 =	vsub.s32 $0x5F3759DF, v9  }
0x58: {  	v11 =	vmul.f32 v9, v10;
	_ =	sdelay $0x1  }
0x59: {  	v11 =	vmul.f32 v9, v11;
	_ =	sdelay $0x1  }
0x5a: {  	v11 =	vsub.f32 $1.500000000e+00, v11;
	_ =	sdelay $0x1  }
0x5b: {  	v9 =	vmul.f32 v9, v11;
	_ =	sdelay $0x1  }
0x5c: {  	v11 =	vmul.f32 v9, v10;
	_ =	sdelay $0x1  }
0x5d: {  	v11 =	vmul.f32 v11, v9;
	_ =	sdelay $0x1  }
0x5e: {  	v11 =	vsub.f32 $1.500000000e+00, v11;
	_ =	sdelay $0x1  }
0x5f: {  	v9 =	vmul.f32 v11, v9;
	_ =	sdelay $0x1  }
0x60: {  	v10 =	vmul.f32 v9, v10;
	_ =	sdelay $0x1  }
0x61: {  	v10 =	vmul.f32 v10, v9;
	_ =	sdelay $0x1  }
0x62: {  	v10 =	vsub.f32 $1.500000000e+00, v10;
	_ =	sdelay $0x1  }
0x63: {  	v9 =	vmul.f32 v10, v9;
	_ =	sdelay $0x1  }
0x64: {  	v8 =	vmul.f32 v9, v8;
	_ =	sdelay $0x1  }
0x65: {  	[tilespmem:$0x1B600] =	vst v8  }
0x66: {  	v8 =	vld [tilespmem:s3+$0x9E90]  }
0x67: {  	v9 =	vld [tilespmem:s3+$0x7710];
	_ =	sdelay $0x6  }
0x68: {  	v10 =	vld.idx.msk [tilespmem:v8+s22+$0x0], $0xffff  }
0x69: {  	v11 =	vld.idx.msk [tilespmem:v9+s22+$0x0], $0xffff  }
0x6a: {  	v12 =	vld.idx.msk [tilespmem:v8+s15+$0x0], $0xffff  }
0x6b: {  	v13 =	vld.idx.msk [tilespmem:v9+s15+$0x0], $0xffff  }
0x6c: {  	v8 =	vld.idx.msk [tilespmem:v8+s16+$0x0], $0xffff  }
0x6d: {  	v9 =	vld.idx.msk [tilespmem:v9+s16+$0x0], $0xffff;
	_ =	sdelay $0x2  }
0x6e: {  	v10 =	vsub.f32 v10, v11;
	v11 =	vsub.f32 v12, v13;
	_ =	sdelay $0x1  }
0x6f: {  	v8 =	vsub.f32 v8, v9;
	v9 =	vmul.f32 v10, v10;
	v10 =	vmul.f32 v11, v11;
	_ =	sdelay $0x1  }
0x70: {  	v8 =	vmul.f32 v8, v8;
	v9 =	vadd.f32 v10, v9;
	_ =	sdelay $0x1  }
0x71: {  	v8 =	vadd.f32 v8, v9;
	_ =	sdelay $0x1  }
0x72: {  	v8 =	vadd.f32 $9.999999960e-13, v8;
	_ =	sdelay $0x1  }
0x73: {  	v9 =	vshrl.u32 v8, $0x1;
	v10 =	vmul.f32 $5.000000000e-01, v8  }
0x74: {  	v9 =	vsub.s32 $0x5F3759DF, v9  }
0x75: {  	v11 =	vmul.f32 v9, v10;
	_ =	sdelay $0x1  }
0x76: {  	v11 =	vmul.f32 v9, v11;
	_ =	sdelay $0x1  }
0x77: {  	v11 =	vsub.f32 $1.500000000e+00, v11;
	_ =	sdelay $0x1  }
0x78: {  	v9 =	vmul.f32 v9, v11;
	_ =	sdelay $0x1  }
0x79: {  	v11 =	vmul.f32 v9, v10;
	_ =	sdelay $0x1  }
0x7a: {  	v11 =	vmul.f32 v11, v9;
	_ =	sdelay $0x1  }
0x7b: {  	v11 =	vsub.f32 $1.500000000e+00, v11;
	_ =	sdelay $0x1  }
0x7c: {  	v9 =	vmul.f32 v11, v9;
	_ =	sdelay $0x1  }
0x7d: {  	v10 =	vmul.f32 v9, v10;
	_ =	sdelay $0x1  }
0x7e: {  	v10 =	vmul.f32 v10, v9;
	_ =	sdelay $0x1  }
0x7f: {  	v10 =	vsub.f32 $1.500000000e+00, v10;
	_ =	sdelay $0x1  }
0x80: {  	v9 =	vmul.f32 v10, v9;
	_ =	sdelay $0x1  }
0x81: {  	v8 =	vmul.f32 v9, v8;
	_ =	sdelay $0x1  }
0x82: {  	[tilespmem:$0x1B610] =	vst v8  }
0x83: {  	v8 =	vld [tilespmem:s3+$0x9EA0]  }
0x84: {  	v9 =	vld [tilespmem:s3+$0x7720];
	_ =	sdelay $0x6  }
0x85: {  	v10 =	vld.idx.msk [tilespmem:v8+s22+$0x0], $0xffff  }
0x86: {  	v11 =	vld.idx.msk [tilespmem:v9+s22+$0x0], $0xffff  }
0x87: {  	v12 =	vld.idx.msk [tilespmem:v8+s15+$0x0], $0xffff  }
0x88: {  	v13 =	vld.idx.msk [tilespmem:v9+s15+$0x0], $0xffff  }
0x89: {  	v8 =	vld.idx.msk [tilespmem:v8+s16+$0x0], $0xffff  }
0x8a: {  	v9 =	vld.idx.msk [tilespmem:v9+s16+$0x0], $0xffff;
	_ =	sdelay $0x2  }
0x8b: {  	v10 =	vsub.f32 v10, v11;
	v11 =	vsub.f32 v12, v13;
	_ =	sdelay $0x1  }
0x8c: {  	v8 =	vsub.f32 v8, v9;
	v9 =	vmul.f32 v10, v10;
	v10 =	vmul.f32 v11, v11;
	_ =	sdelay $0x1  }
0x8d: {  	v8 =	vmul.f32 v8, v8;
	v9 =	vadd.f32 v10, v9;
	_ =	sdelay $0x1  }
0x8e: {  	v8 =	vadd.f32 v8, v9;
	_ =	sdelay $0x1  }
0x8f: {  	v8 =	vadd.f32 $9.999999960e-13, v8;
	_ =	sdelay $0x1  }
0x90: {  	v9 =	vshrl.u32 v8, $0x1;
	v10 =	vmul.f32 $5.000000000e-01, v8  }
0x91: {  	v9 =	vsub.s32 $0x5F3759DF, v9  }
0x92: {  	v11 =	vmul.f32 v9, v10;
	_ =	sdelay $0x1  }
0x93: {  	v11 =	vmul.f32 v9, v11;
	_ =	sdelay $0x1  }
0x94: {  	v11 =	vsub.f32 $1.500000000e+00, v11;
	_ =	sdelay $0x1  }
0x95: {  	v9 =	vmul.f32 v9, v11;
	_ =	sdelay $0x1  }
0x96: {  	v11 =	vmul.f32 v9, v10;
	_ =	sdelay $0x1  }
0x97: {  	v11 =	vmul.f32 v11, v9;
	_ =	sdelay $0x1  }
0x98: {  	v11 =	vsub.f32 $1.500000000e+00, v11;
	_ =	sdelay $0x1  }
0x99: {  	v9 =	vmul.f32 v11, v9;
	_ =	sdelay $0x1  }
0x9a: {  	v10 =	vmul.f32 v9, v10;
	_ =	sdelay $0x1  }
0x9b: {  	v10 =	vmul.f32 v10, v9;
	_ =	sdelay $0x1  }
0x9c: {  	v10 =	vsub.f32 $1.500000000e+00, v10;
	_ =	sdelay $0x1  }
0x9d: {  	v9 =	vmul.f32 v10, v9;
	_ =	sdelay $0x1  }
0x9e: {  	v8 =	vmul.f32 v9, v8;
	_ =	sdelay $0x1  }
0x9f: {  	[tilespmem:$0x1B620] =	vst v8  }
0xa0: {  	v8 =	vld [tilespmem:s3+$0x9EB0]  }
0xa1: {  	v9 =	vld [tilespmem:s3+$0x7730];
	_ =	sdelay $0x6  }
0xa2: {  	v10 =	vld.idx.msk [tilespmem:v8+s22+$0x0], $0xffff  }
0xa3: {  	v11 =	vld.idx.msk [tilespmem:v9+s22+$0x0], $0xffff  }
0xa4: {  	v12 =	vld.idx.msk [tilespmem:v8+s15+$0x0], $0xffff  }
0xa5: {  	v13 =	vld.idx.msk [tilespmem:v9+s15+$0x0], $0xffff  }
0xa6: {  	v8 =	vld.idx.msk [tilespmem:v8+s16+$0x0], $0xffff  }
0xa7: {  	v9 =	vld.idx.msk [tilespmem:v9+s16+$0x0], $0xffff;
	_ =	sdelay $0x2  }
0xa8: {  	v10 =	vsub.f32 v10, v11;
	v11 =	vsub.f32 v12, v13;
	_ =	sdelay $0x1  }
0xa9: {  	v8 =	vsub.f32 v8, v9;
	v9 =	vmul.f32 v10, v10;
	v10 =	vmul.f32 v11, v11;
	_ =	sdelay $0x1  }
0xaa: {  	v8 =	vmul.f32 v8, v8;
	v9 =	vadd.f32 v10, v9;
	_ =	sdelay $0x1  }
0xab: {  	v8 =	vadd.f32 v8, v9;
	_ =	sdelay $0x1  }
0xac: {  	v8 =	vadd.f32 $9.999999960e-13, v8;
	_ =	sdelay $0x1  }
0xad: {  	v9 =	vshrl.u32 v8, $0x1;
	v10 =	vmul.f32 $5.000000000e-01, v8  }
0xae: {  	v9 =	vsub.s32 $0x5F3759DF, v9  }
0xaf: {  	v11 =	vmul.f32 v9, v10;
	_ =	sdelay $0x1  }
0xb0: {  	v11 =	vmul.f32 v9, v11;
	_ =	sdelay $0x1  }
0xb1: {  	v11 =	vsub.f32 $1.500000000e+00, v11;
	_ =	sdelay $0x1  }
0xb2: {  	v9 =	vmul.f32 v9, v11;
	_ =	sdelay $0x1  }
0xb3: {  	v11 =	vmul.f32 v9, v10;
	_ =	sdelay $0x1  }
0xb4: {  	v11 =	vmul.f32 v11, v9;
	_ =	sdelay $0x1  }
0xb5: {  	v11 =	vsub.f32 $1.500000000e+00, v11;
	_ =	sdelay $0x1  }
0xb6: {  	v9 =	vmul.f32 v11, v9;
	_ =	sdelay $0x1  }
0xb7: {  	v10 =	vmul.f32 v9, v10;
	_ =	sdelay $0x1  }
0xb8: {  	v10 =	vmul.f32 v10, v9;
	_ =	sdelay $0x1  }
0xb9: {  	v10 =	vsub.f32 $1.500000000e+00, v10;
	_ =	sdelay $0x1  }
0xba: {  	v9 =	vmul.f32 v10, v9;
	_ =	sdelay $0x1  }
0xbb: {  	v8 =	vmul.f32 v9, v8;
	_ =	sdelay $0x1  }
0xbc: {  	[tilespmem:$0x1B630] =	vst v8  }
0xbd: {  	v8 =	vld [tilespmem:s3+$0x9EC0]  }
0xbe: {  	v9 =	vld [tilespmem:s3+$0x7740];
	_ =	sdelay $0x6  }
0xbf: {  	v10 =	vld.idx.msk [tilespmem:v8+s22+$0x0], $0xffff  }
0xc0: {  	v11 =	vld.idx.msk [tilespmem:v9+s22+$0x0], $0xffff  }
0xc1: {  	v12 =	vld.idx.msk [tilespmem:v8+s15+$0x0], $0xffff  }
0xc2: {  	v13 =	vld.idx.msk [tilespmem:v9+s15+$0x0], $0xffff  }
0xc3: {  	v8 =	vld.idx.msk [tilespmem:v8+s16+$0x0], $0xffff  }
0xc4: {  	v9 =	vld.idx.msk [tilespmem:v9+s16+$0x0], $0xffff;
	_ =	sdelay $0x2  }
0xc5: {  	v10 =	vsub.f32 v10, v11;
	v11 =	vsub.f32 v12, v13;
	_ =	sdelay $0x1  }
0xc6: {  	v8 =	vsub.f32 v8, v9;
	v9 =	vmul.f32 v10, v10;
	v10 =	vmul.f32 v11, v11;
	_ =	sdelay $0x1  }
0xc7: {  	v8 =	vmul.f32 v8, v8;
	v9 =	vadd.f32 v10, v9;
	_ =	sdelay $0x1  }
0xc8: {  	v8 =	vadd.f32 v8, v9;
	_ =	sdelay $0x1  }
0xc9: {  	v8 =	vadd.f32 $9.999999960e-13, v8;
	_ =	sdelay $0x1  }
0xca: {  	v9 =	vshrl.u32 v8, $0x1;
	v10 =	vmul.f32 $5.000000000e-01, v8  }
0xcb: {  	v9 =	vsub.s32 $0x5F3759DF, v9  }
0xcc: {  	v11 =	vmul.f32 v9, v10;
	_ =	sdelay $0x1  }
0xcd: {  	v11 =	vmul.f32 v9, v11;
	_ =	sdelay $0x1  }
0xce: {  	v11 =	vsub.f32 $1.500000000e+00, v11;
	_ =	sdelay $0x1  }
0xcf: {  	v9 =	vmul.f32 v9, v11;
	_ =	sdelay $0x1  }
0xd0: {  	v11 =	vmul.f32 v9, v10;
	_ =	sdelay $0x1  }
0xd1: {  	v11 =	vmul.f32 v11, v9;
	_ =	sdelay $0x1  }
0xd2: {  	v11 =	vsub.f32 $1.500000000e+00, v11;
	_ =	sdelay $0x1  }
0xd3: {  	v9 =	vmul.f32 v11, v9;
	_ =	sdelay $0x1  }
0xd4: {  	v10 =	vmul.f32 v9, v10;
	_ =	sdelay $0x1  }
0xd5: {  	v10 =	vmul.f32 v10, v9;
	_ =	sdelay $0x1  }
0xd6: {  	v10 =	vsub.f32 $1.500000000e+00, v10;
	_ =	sdelay $0x1  }
0xd7: {  	v9 =	vmul.f32 v10, v9;
	_ =	sdelay $0x1  }
0xd8: {  	v8 =	vmul.f32 v9, v8;
	_ =	sdelay $0x1  }
0xd9: {  	s17 =	simm.s32 $0x0;
	[tilespmem:$0x1B640] =	vst v8  }
0xda: {  	v8 =	vld [tilespmem:s17+$0xC600]  }
0xdb: {  	v9 =	vld [tilespmem:s17+$0x11600]  }
0xdc: {  	v10 =	vld [tilespmem:s17+$0xC610]  }
0xdd: {  	v11 =	vld [tilespmem:s17+$0x11610]  }
0xde: {  	v12 =	vld [tilespmem:s17+$0xC620]  }
0xdf: {  	v14 =	vld [tilespmem:s17+$0x11620]  }
0xe0: {  	v15 =	vld [tilespmem:s17+$0xC630]  }
0xe1: {  	v17 =	vld [tilespmem:s17+$0x11630]  }
0xe2: {  	v16 =	vld [tilespmem:s17+$0xC640]  }
0xe3: {  	v20 =	vld [tilespmem:s17+$0x11640]  }
0xe4: {  	v19 =	vld [tilespmem:s17+$0xC650]  }
0xe5: {  	v21 =	vld [tilespmem:s17+$0x11650]  }
0xe6: {  	v18 =	vld [tilespmem:s17+$0xC660]  }
0xe7: {  	s21 =	simm.s32 $0x1B600;
	v22 =	vld [tilespmem:s17+$0x11660]  }
0xe8: {  	s22 =	simm.s32 $0x200;
	v13 =	vld.msk [tilespmem:s21+$0x0 ss:$0x0], $0xffff  }
.LBB2_3:
0xe9: {  	p1 =	sne.s32 s22, $0x9E00;
	v23 =	vld [tilespmem:s17+$0xC670]  }
0xea: {  	v24 =	vld [tilespmem:s17+$0x11670]  }
0xeb: {  	s7 =	sshra.s32 s22, $0x2;
	v25 =	vadd.f32 v9, v8;
	v26 =	vadd.f32 v11, v10  }
0xec: {  	v27 =	vadd.f32 v14, v12;
	v15 =	vadd.f32 v17, v15;
	v8 =	vld [tilespmem:s7+$0xC600]  }
0xed: {  	v16 =	vadd.f32 v20, v16;
	v19 =	vadd.f32 v21, v19;
	v9 =	vld [tilespmem:s7+$0x11600]  }
0xee: {  	v18 =	vadd.f32 v22, v18;
	v14 =	vmul.f32 v13, v0;
	v17 =	vmul.f32 v13, v1;
	v10 =	vld [tilespmem:s7+$0xC610]  }
0xef: {  	v20 =	vmul.f32 v13, v2;
	v21 =	vmul.f32 v13, v3;
	v11 =	vld [tilespmem:s7+$0x11610];
	v22 =	vadd.f32 v24, v23  }
0xf0: {  	v23 =	vadd.f32 v25, v14;
	v24 =	vadd.f32 v26, v17;
	v17 =	vmul.f32 v13, v4;
	v12 =	vld [tilespmem:s7+$0xC620]  }
0xf1: {  	v20 =	vadd.f32 v27, v20;
	v21 =	vadd.f32 v15, v21;
	v25 =	vmul.f32 v13, v5;
	v14 =	vld [tilespmem:s7+$0x11620]  }
0xf2: {  	v26 =	vmul.f32 v13, v6;
	v13 =	vmul.f32 v13, v7;
	v15 =	vld [tilespmem:s7+$0xC630];
	[tilespmem:s17+$0x16600] =	vst v23;
	v23 =	vadd.f32 v16, v17  }
0xf3: {  	v17 =	vld [tilespmem:s7+$0x11630];
	[tilespmem:s17+$0x16610] =	vst v24;
	v24 =	vadd.f32 v19, v25  }
0xf4: {  	v13 =	vadd.f32 v22, v13;
	v25 =	vadd.f32 v18, v26;
	v16 =	vld [tilespmem:s7+$0xC640];
	[tilespmem:s17+$0x16620] =	vst v20  }
0xf5: {  	v20 =	vld [tilespmem:s7+$0x11640];
	[tilespmem:s17+$0x16630] =	vst v21  }
.Ltmp4:
0xf6: {  	v19 =	vld [tilespmem:s7+$0xC650];
	[tilespmem:s17+$0x16640] =	vst v23;
	(pc) =	sbr.rel @p1 .LBB2_3-.Ltmp4, $4  }
0xf7: {  	v21 =	vld [tilespmem:s7+$0x11650];
	[tilespmem:s17+$0x16650] =	vst v24  }
0xf8: {  	v18 =	vld [tilespmem:s7+$0xC660];
	[tilespmem:s17+$0x16660] =	vst v25  }
0xf9: {  	s21 =	sadd.s32 $0x1, s21;
	v22 =	vld [tilespmem:s7+$0x11660];
	[tilespmem:s17+$0x16670] =	vst v13;
	s17 =	smov.u32 s7  }
0xfa: {  	s22 =	sadd.s32 $0x200, s22;
	v13 =	vld.msk [tilespmem:s21+$0x0 ss:$0x0], $0xffff  }
0xfb: {  	_ =	sdelay $0x3  }
0xfc: {  	v8 =	vadd.f32 v9, v8;
	v23 =	vld [tilespmem:s17+$0xC670];
	v50 =	vmul.f32 v13, v0  }
0xfd: {  	v10 =	vadd.f32 v11, v10;
	v24 =	vld [tilespmem:s17+$0x11670];
	v51 =	vmul.f32 v13, v1  }
0xfe: {  	v12 =	vadd.f32 v14, v12;
	v52 =	vmul.f32 v13, v2;
	v8 =	vadd.f32 v8, v50  }
0xff: {  	v53 =	vadd.f32 v17, v15;
	v54 =	vmul.f32 v13, v3;
	v10 =	vadd.f32 v10, v51  }
0x100: {  	v55 =	vadd.f32 v20, v16;
	v56 =	vmul.f32 v13, v4;
	v12 =	vadd.f32 v12, v52;
	[tilespmem:s17+$0x16600] =	vst v8  }
0x101: {  	v58 =	vadd.f32 v22, v18;
	v59 =	vmul.f32 v13, v6;
	v9 =	vadd.f32 v53, v54;
	[tilespmem:s17+$0x16610] =	vst v10  }
0x102: {  	v61 =	vmul.f32 v13, v7;
	v60 =	vadd.f32 v24, v23;
	v11 =	vadd.f32 v55, v56;
	[tilespmem:s17+$0x16620] =	vst v12  }
0x103: {  	v57 =	vmul.f32 v13, v5;
	v62 =	vadd.f32 v58, v59;
	v8 =	vadd.f32 v21, v19;
	[tilespmem:s17+$0x16630] =	vst v9  }
0x104: {  	v63 =	vadd.f32 v60, v61;
	[tilespmem:s17+$0x16640] =	vst v11  }
0x105: {  	s7 =	sadd.s32 s4, s3;
	[tilespmem:s17+$0x16660] =	vst v62;
	v8 =	vadd.f32 v8, v57  }
0x106: {  	s7 =	sshll.u32 s7, $0x4;
	[tilespmem:s17+$0x16670] =	vst v63  }
0x107: {  	s7 =	sadd.s32 s10, s7;
	[tilespmem:s17+$0x16650] =	vst v8  }
0x108: {  	[hbm4b:s7+s5] =	stream.linear.scatter [tilespmem:s25], [sflag:$0x6], $0x2800, $0x38;
	[tilespmem:$0x1B680] =	vst v63  }
0x109: {  	p1 =	seq.s32 s2, $0x3E;
	_ =	swait.ge [sflag:s26], $0x2800  }
.Ltmp5:
0x10a: {  	s21 =	simm.s32 @!p1 $0xC600;
	[sflag:s26] =	ssyncset.done $0x0;
	(pc) =	sbr.rel @p0 .LBB2_8-.Ltmp5, $4  }
0x10b: {  	s17 =	simm.s32 @!p1 $0x50;
	s7 =	sadd.s32 @!p1 $0x77A0, s3;
	[sflag:s26] =	ssyncadd.s32 $0xFFFFD800  }
0x10c: {  	[tilespmem:s21], [sflag:$0x1] =	stream.indirect.gather @!p1 [hbm4b:s1+s17], $0x80, s7, s17, $0xb8;
	[tilespmem:$0x1B680] =	vst v63  }
0x10d: {  	s3 =	sadd.s32 @!p1 $0x9F20, s3;
	s7 =	simm.s32 @!p1 $0x11600  }
0x10e: {  	[tilespmem:s7], [sflag:$0x3] =	stream.indirect.gather @!p1 [hbm4b:s6+s17], $0x80, s3, s17, $0xb8;
	[tilespmem:$0x1B680] =	vst v63  }
0x10f: {  	_ =	swait.ge [sflag:s28], $0x2800  }
0x110: {  	[sflag:s28] =	ssyncset.done $0x0  }
0x111: {  	[sflag:s28] =	ssyncadd.s32 $0xFFFFD800  }
0x112: {  	_ =	swait.ge [sflag:s29], $0x2800  }
0x113: {  	s0 =	smul.u32 $0x50, s0;
	[sflag:s29] =	ssyncset.done $0x0  }
0x114: {  	[sflag:s29] =	ssyncadd.s32 $0xFFFFD800  }
0x115: {  	v8 =	vld [tilespmem:s0+$0x9E80]  }
0x116: {  	v9 =	vld [tilespmem:s0+$0x7700];
	_ =	sdelay $0x5  }
0x117: {  	s3 =	simm.s32 $0x0  }
0x118: {  	v10 =	vld.idx.msk [tilespmem:v8+s3+$0x0], $0xffff  }
0x119: {  	v11 =	vld.idx.msk [tilespmem:v9+s3+$0x0], $0xffff  }
0x11a: {  	v12 =	vld.idx.msk [tilespmem:v8+s15+$0x0], $0xffff  }
0x11b: {  	v13 =	vld.idx.msk [tilespmem:v9+s15+$0x0], $0xffff  }
0x11c: {  	v8 =	vld.idx.msk [tilespmem:v8+s16+$0x0], $0xffff  }
0x11d: {  	v9 =	vld.idx.msk [tilespmem:v9+s16+$0x0], $0xffff;
	_ =	sdelay $0x2  }
0x11e: {  	v10 =	vsub.f32 v10, v11;
	v11 =	vsub.f32 v12, v13;
	_ =	sdelay $0x1  }
0x11f: {  	v8 =	vsub.f32 v8, v9;
	v9 =	vmul.f32 v10, v10;
	v10 =	vmul.f32 v11, v11;
	_ =	sdelay $0x1  }
0x120: {  	v8 =	vmul.f32 v8, v8;
	v9 =	vadd.f32 v10, v9;
	_ =	sdelay $0x1  }
0x121: {  	v8 =	vadd.f32 v8, v9;
	_ =	sdelay $0x1  }
0x122: {  	v8 =	vadd.f32 $9.999999960e-13, v8;
	_ =	sdelay $0x1  }
0x123: {  	v9 =	vshrl.u32 v8, $0x1;
	v10 =	vmul.f32 $5.000000000e-01, v8  }
0x124: {  	v9 =	vsub.s32 $0x5F3759DF, v9  }
0x125: {  	v11 =	vmul.f32 v9, v10;
	_ =	sdelay $0x1  }
0x126: {  	v11 =	vmul.f32 v9, v11;
	_ =	sdelay $0x1  }
0x127: {  	v11 =	vsub.f32 $1.500000000e+00, v11;
	_ =	sdelay $0x1  }
0x128: {  	v9 =	vmul.f32 v9, v11;
	_ =	sdelay $0x1  }
0x129: {  	v11 =	vmul.f32 v9, v10;
	_ =	sdelay $0x1  }
0x12a: {  	v11 =	vmul.f32 v11, v9;
	_ =	sdelay $0x1  }
0x12b: {  	v11 =	vsub.f32 $1.500000000e+00, v11;
	_ =	sdelay $0x1  }
0x12c: {  	v9 =	vmul.f32 v11, v9;
	_ =	sdelay $0x1  }
0x12d: {  	v10 =	vmul.f32 v9, v10;
	_ =	sdelay $0x1  }
0x12e: {  	v10 =	vmul.f32 v10, v9;
	_ =	sdelay $0x1  }
0x12f: {  	v10 =	vsub.f32 $1.500000000e+00, v10;
	_ =	sdelay $0x1  }
0x130: {  	v9 =	vmul.f32 v10, v9;
	_ =	sdelay $0x1  }
0x131: {  	v8 =	vmul.f32 v9, v8;
	_ =	sdelay $0x1  }
0x132: {  	[tilespmem:$0x1B600] =	vst v8  }
0x133: {  	v8 =	vld [tilespmem:s0+$0x9E90]  }
0x134: {  	v9 =	vld [tilespmem:s0+$0x7710];
	_ =	sdelay $0x6  }
0x135: {  	v10 =	vld.idx.msk [tilespmem:v8+s3+$0x0], $0xffff  }
0x136: {  	v11 =	vld.idx.msk [tilespmem:v9+s3+$0x0], $0xffff  }
0x137: {  	v12 =	vld.idx.msk [tilespmem:v8+s15+$0x0], $0xffff  }
0x138: {  	v13 =	vld.idx.msk [tilespmem:v9+s15+$0x0], $0xffff  }
0x139: {  	v8 =	vld.idx.msk [tilespmem:v8+s16+$0x0], $0xffff  }
0x13a: {  	v9 =	vld.idx.msk [tilespmem:v9+s16+$0x0], $0xffff;
	_ =	sdelay $0x2  }
0x13b: {  	v10 =	vsub.f32 v10, v11;
	v11 =	vsub.f32 v12, v13;
	_ =	sdelay $0x1  }
0x13c: {  	v8 =	vsub.f32 v8, v9;
	v9 =	vmul.f32 v10, v10;
	v10 =	vmul.f32 v11, v11;
	_ =	sdelay $0x1  }
0x13d: {  	v8 =	vmul.f32 v8, v8;
	v9 =	vadd.f32 v10, v9;
	_ =	sdelay $0x1  }
0x13e: {  	v8 =	vadd.f32 v8, v9;
	_ =	sdelay $0x1  }
0x13f: {  	v8 =	vadd.f32 $9.999999960e-13, v8;
	_ =	sdelay $0x1  }
0x140: {  	v9 =	vshrl.u32 v8, $0x1;
	v10 =	vmul.f32 $5.000000000e-01, v8  }
0x141: {  	v9 =	vsub.s32 $0x5F3759DF, v9  }
0x142: {  	v11 =	vmul.f32 v9, v10;
	_ =	sdelay $0x1  }
0x143: {  	v11 =	vmul.f32 v9, v11;
	_ =	sdelay $0x1  }
0x144: {  	v11 =	vsub.f32 $1.500000000e+00, v11;
	_ =	sdelay $0x1  }
0x145: {  	v9 =	vmul.f32 v9, v11;
	_ =	sdelay $0x1  }
0x146: {  	v11 =	vmul.f32 v9, v10;
	_ =	sdelay $0x1  }
0x147: {  	v11 =	vmul.f32 v11, v9;
	_ =	sdelay $0x1  }
0x148: {  	v11 =	vsub.f32 $1.500000000e+00, v11;
	_ =	sdelay $0x1  }
0x149: {  	v9 =	vmul.f32 v11, v9;
	_ =	sdelay $0x1  }
0x14a: {  	v10 =	vmul.f32 v9, v10;
	_ =	sdelay $0x1  }
0x14b: {  	v10 =	vmul.f32 v10, v9;
	_ =	sdelay $0x1  }
0x14c: {  	v10 =	vsub.f32 $1.500000000e+00, v10;
	_ =	sdelay $0x1  }
0x14d: {  	v9 =	vmul.f32 v10, v9;
	_ =	sdelay $0x1  }
0x14e: {  	v8 =	vmul.f32 v9, v8;
	_ =	sdelay $0x1  }
0x14f: {  	[tilespmem:$0x1B610] =	vst v8  }
0x150: {  	v8 =	vld [tilespmem:s0+$0x9EA0]  }
0x151: {  	v9 =	vld [tilespmem:s0+$0x7720];
	_ =	sdelay $0x6  }
0x152: {  	v10 =	vld.idx.msk [tilespmem:v8+s3+$0x0], $0xffff  }
0x153: {  	v11 =	vld.idx.msk [tilespmem:v9+s3+$0x0], $0xffff  }
0x154: {  	v12 =	vld.idx.msk [tilespmem:v8+s15+$0x0], $0xffff  }
0x155: {  	v13 =	vld.idx.msk [tilespmem:v9+s15+$0x0], $0xffff  }
0x156: {  	v8 =	vld.idx.msk [tilespmem:v8+s16+$0x0], $0xffff  }
0x157: {  	v9 =	vld.idx.msk [tilespmem:v9+s16+$0x0], $0xffff;
	_ =	sdelay $0x2  }
0x158: {  	v10 =	vsub.f32 v10, v11;
	v11 =	vsub.f32 v12, v13;
	_ =	sdelay $0x1  }
0x159: {  	v8 =	vsub.f32 v8, v9;
	v9 =	vmul.f32 v10, v10;
	v10 =	vmul.f32 v11, v11;
	_ =	sdelay $0x1  }
0x15a: {  	v8 =	vmul.f32 v8, v8;
	v9 =	vadd.f32 v10, v9;
	_ =	sdelay $0x1  }
0x15b: {  	v8 =	vadd.f32 v8, v9;
	_ =	sdelay $0x1  }
0x15c: {  	v8 =	vadd.f32 $9.999999960e-13, v8;
	_ =	sdelay $0x1  }
0x15d: {  	v9 =	vshrl.u32 v8, $0x1;
	v10 =	vmul.f32 $5.000000000e-01, v8  }
0x15e: {  	v9 =	vsub.s32 $0x5F3759DF, v9  }
0x15f: {  	v11 =	vmul.f32 v9, v10;
	_ =	sdelay $0x1  }
0x160: {  	v11 =	vmul.f32 v9, v11;
	_ =	sdelay $0x1  }
0x161: {  	v11 =	vsub.f32 $1.500000000e+00, v11;
	_ =	sdelay $0x1  }
0x162: {  	v9 =	vmul.f32 v9, v11;
	_ =	sdelay $0x1  }
0x163: {  	v11 =	vmul.f32 v9, v10;
	_ =	sdelay $0x1  }
0x164: {  	v11 =	vmul.f32 v11, v9;
	_ =	sdelay $0x1  }
0x165: {  	v11 =	vsub.f32 $1.500000000e+00, v11;
	_ =	sdelay $0x1  }
0x166: {  	v9 =	vmul.f32 v11, v9;
	_ =	sdelay $0x1  }
0x167: {  	v10 =	vmul.f32 v9, v10;
	_ =	sdelay $0x1  }
0x168: {  	v10 =	vmul.f32 v10, v9;
	_ =	sdelay $0x1  }
0x169: {  	v10 =	vsub.f32 $1.500000000e+00, v10;
	_ =	sdelay $0x1  }
0x16a: {  	v9 =	vmul.f32 v10, v9;
	_ =	sdelay $0x1  }
0x16b: {  	v8 =	vmul.f32 v9, v8;
	_ =	sdelay $0x1  }
0x16c: {  	[tilespmem:$0x1B620] =	vst v8  }
0x16d: {  	v8 =	vld [tilespmem:s0+$0x9EB0]  }
0x16e: {  	v9 =	vld [tilespmem:s0+$0x7730];
	_ =	sdelay $0x6  }
0x16f: {  	v10 =	vld.idx.msk [tilespmem:v8+s3+$0x0], $0xffff  }
0x170: {  	v11 =	vld.idx.msk [tilespmem:v9+s3+$0x0], $0xffff  }
0x171: {  	v12 =	vld.idx.msk [tilespmem:v8+s15+$0x0], $0xffff  }
0x172: {  	v13 =	vld.idx.msk [tilespmem:v9+s15+$0x0], $0xffff  }
0x173: {  	v8 =	vld.idx.msk [tilespmem:v8+s16+$0x0], $0xffff  }
0x174: {  	v9 =	vld.idx.msk [tilespmem:v9+s16+$0x0], $0xffff;
	_ =	sdelay $0x2  }
0x175: {  	v10 =	vsub.f32 v10, v11;
	v11 =	vsub.f32 v12, v13;
	_ =	sdelay $0x1  }
0x176: {  	v8 =	vsub.f32 v8, v9;
	v9 =	vmul.f32 v10, v10;
	v10 =	vmul.f32 v11, v11;
	_ =	sdelay $0x1  }
0x177: {  	v8 =	vmul.f32 v8, v8;
	v9 =	vadd.f32 v10, v9;
	_ =	sdelay $0x1  }
0x178: {  	v8 =	vadd.f32 v8, v9;
	_ =	sdelay $0x1  }
0x179: {  	v8 =	vadd.f32 $9.999999960e-13, v8;
	_ =	sdelay $0x1  }
0x17a: {  	v9 =	vshrl.u32 v8, $0x1;
	v10 =	vmul.f32 $5.000000000e-01, v8  }
0x17b: {  	v9 =	vsub.s32 $0x5F3759DF, v9  }
0x17c: {  	v11 =	vmul.f32 v9, v10;
	_ =	sdelay $0x1  }
0x17d: {  	v11 =	vmul.f32 v9, v11;
	_ =	sdelay $0x1  }
0x17e: {  	v11 =	vsub.f32 $1.500000000e+00, v11;
	_ =	sdelay $0x1  }
0x17f: {  	v9 =	vmul.f32 v9, v11;
	_ =	sdelay $0x1  }
0x180: {  	v11 =	vmul.f32 v9, v10;
	_ =	sdelay $0x1  }
0x181: {  	v11 =	vmul.f32 v11, v9;
	_ =	sdelay $0x1  }
0x182: {  	v11 =	vsub.f32 $1.500000000e+00, v11;
	_ =	sdelay $0x1  }
0x183: {  	v9 =	vmul.f32 v11, v9;
	_ =	sdelay $0x1  }
0x184: {  	v10 =	vmul.f32 v9, v10;
	_ =	sdelay $0x1  }
0x185: {  	v10 =	vmul.f32 v10, v9;
	_ =	sdelay $0x1  }
0x186: {  	v10 =	vsub.f32 $1.500000000e+00, v10;
	_ =	sdelay $0x1  }
0x187: {  	v9 =	vmul.f32 v10, v9;
	_ =	sdelay $0x1  }
0x188: {  	v8 =	vmul.f32 v9, v8;
	_ =	sdelay $0x1  }
0x189: {  	[tilespmem:$0x1B630] =	vst v8  }
0x18a: {  	v8 =	vld [tilespmem:s0+$0x9EC0]  }
0x18b: {  	v9 =	vld [tilespmem:s0+$0x7740];
	_ =	sdelay $0x6  }
0x18c: {  	v10 =	vld.idx.msk [tilespmem:v8+s3+$0x0], $0xffff  }
0x18d: {  	v11 =	vld.idx.msk [tilespmem:v9+s3+$0x0], $0xffff  }
0x18e: {  	v12 =	vld.idx.msk [tilespmem:v8+s15+$0x0], $0xffff  }
0x18f: {  	v13 =	vld.idx.msk [tilespmem:v9+s15+$0x0], $0xffff  }
0x190: {  	v8 =	vld.idx.msk [tilespmem:v8+s16+$0x0], $0xffff  }
0x191: {  	v9 =	vld.idx.msk [tilespmem:v9+s16+$0x0], $0xffff;
	_ =	sdelay $0x2  }
0x192: {  	v10 =	vsub.f32 v10, v11;
	v11 =	vsub.f32 v12, v13;
	_ =	sdelay $0x1  }
0x193: {  	v8 =	vsub.f32 v8, v9;
	v9 =	vmul.f32 v10, v10;
	v10 =	vmul.f32 v11, v11;
	_ =	sdelay $0x1  }
0x194: {  	v8 =	vmul.f32 v8, v8;
	v9 =	vadd.f32 v10, v9;
	_ =	sdelay $0x1  }
0x195: {  	v8 =	vadd.f32 v8, v9;
	_ =	sdelay $0x1  }
0x196: {  	v8 =	vadd.f32 $9.999999960e-13, v8;
	_ =	sdelay $0x1  }
0x197: {  	v9 =	vshrl.u32 v8, $0x1;
	v10 =	vmul.f32 $5.000000000e-01, v8  }
0x198: {  	v9 =	vsub.s32 $0x5F3759DF, v9  }
0x199: {  	v11 =	vmul.f32 v9, v10;
	_ =	sdelay $0x1  }
0x19a: {  	v11 =	vmul.f32 v9, v11;
	_ =	sdelay $0x1  }
0x19b: {  	v11 =	vsub.f32 $1.500000000e+00, v11;
	_ =	sdelay $0x1  }
0x19c: {  	v9 =	vmul.f32 v9, v11;
	_ =	sdelay $0x1  }
0x19d: {  	v11 =	vmul.f32 v9, v10;
	_ =	sdelay $0x1  }
0x19e: {  	v11 =	vmul.f32 v11, v9;
	_ =	sdelay $0x1  }
0x19f: {  	v11 =	vsub.f32 $1.500000000e+00, v11;
	_ =	sdelay $0x1  }
0x1a0: {  	v9 =	vmul.f32 v11, v9;
	_ =	sdelay $0x1  }
0x1a1: {  	v10 =	vmul.f32 v9, v10;
	_ =	sdelay $0x1  }
0x1a2: {  	v10 =	vmul.f32 v10, v9;
	_ =	sdelay $0x1  }
0x1a3: {  	v10 =	vsub.f32 $1.500000000e+00, v10;
	_ =	sdelay $0x1  }
0x1a4: {  	v9 =	vmul.f32 v10, v9;
	_ =	sdelay $0x1  }
0x1a5: {  	v8 =	vmul.f32 v9, v8;
	_ =	sdelay $0x1  }
0x1a6: {  	s3 =	simm.s32 $0x0;
	[tilespmem:$0x1B640] =	vst v8  }
0x1a7: {  	v8 =	vld [tilespmem:s3+$0xEE00]  }
0x1a8: {  	v9 =	vld [tilespmem:s3+$0x13E00]  }
0x1a9: {  	v10 =	vld [tilespmem:s3+$0xEE10]  }
0x1aa: {  	v11 =	vld [tilespmem:s3+$0x13E10]  }
0x1ab: {  	v12 =	vld [tilespmem:s3+$0xEE20]  }
0x1ac: {  	v14 =	vld [tilespmem:s3+$0x13E20]  }
0x1ad: {  	v15 =	vld [tilespmem:s3+$0xEE30]  }
0x1ae: {  	v17 =	vld [tilespmem:s3+$0x13E30]  }
0x1af: {  	v16 =	vld [tilespmem:s3+$0xEE40]  }
0x1b0: {  	v20 =	vld [tilespmem:s3+$0x13E40]  }
0x1b1: {  	v19 =	vld [tilespmem:s3+$0xEE50]  }
0x1b2: {  	v21 =	vld [tilespmem:s3+$0x13E50]  }
0x1b3: {  	v18 =	vld [tilespmem:s3+$0xEE60]  }
0x1b4: {  	s17 =	simm.s32 $0x1B600;
	v22 =	vld [tilespmem:s3+$0x13E60]  }
0x1b5: {  	s21 =	simm.s32 $0x200;
	v13 =	vld.msk [tilespmem:s17+$0x0 ss:$0x0], $0xffff  }
.LBB2_6:
0x1b6: {  	p0 =	sne.s32 s21, $0x9E00;
	v23 =	vld [tilespmem:s3+$0xEE70]  }
0x1b7: {  	v24 =	vld [tilespmem:s3+$0x13E70]  }
0x1b8: {  	s7 =	sshra.s32 s21, $0x2;
	v25 =	vadd.f32 v9, v8;
	v26 =	vadd.f32 v11, v10  }
0x1b9: {  	v27 =	vadd.f32 v14, v12;
	v15 =	vadd.f32 v17, v15;
	v8 =	vld [tilespmem:s7+$0xEE00]  }
0x1ba: {  	v16 =	vadd.f32 v20, v16;
	v19 =	vadd.f32 v21, v19;
	v9 =	vld [tilespmem:s7+$0x13E00]  }
0x1bb: {  	v18 =	vadd.f32 v22, v18;
	v14 =	vmul.f32 v13, v0;
	v17 =	vmul.f32 v13, v1;
	v10 =	vld [tilespmem:s7+$0xEE10]  }
0x1bc: {  	v20 =	vmul.f32 v13, v2;
	v21 =	vmul.f32 v13, v3;
	v11 =	vld [tilespmem:s7+$0x13E10];
	v22 =	vadd.f32 v24, v23  }
0x1bd: {  	v23 =	vadd.f32 v25, v14;
	v24 =	vadd.f32 v26, v17;
	v17 =	vmul.f32 v13, v4;
	v12 =	vld [tilespmem:s7+$0xEE20]  }
0x1be: {  	v20 =	vadd.f32 v27, v20;
	v21 =	vadd.f32 v15, v21;
	v25 =	vmul.f32 v13, v5;
	v14 =	vld [tilespmem:s7+$0x13E20]  }
0x1bf: {  	v26 =	vmul.f32 v13, v6;
	v13 =	vmul.f32 v13, v7;
	v15 =	vld [tilespmem:s7+$0xEE30];
	[tilespmem:s3+$0x18E00] =	vst v23;
	v23 =	vadd.f32 v16, v17  }
0x1c0: {  	v17 =	vld [tilespmem:s7+$0x13E30];
	[tilespmem:s3+$0x18E10] =	vst v24;
	v24 =	vadd.f32 v19, v25  }
0x1c1: {  	v13 =	vadd.f32 v22, v13;
	v25 =	vadd.f32 v18, v26;
	v16 =	vld [tilespmem:s7+$0xEE40];
	[tilespmem:s3+$0x18E20] =	vst v20  }
0x1c2: {  	v20 =	vld [tilespmem:s7+$0x13E40];
	[tilespmem:s3+$0x18E30] =	vst v21  }
.Ltmp6:
0x1c3: {  	v19 =	vld [tilespmem:s7+$0xEE50];
	[tilespmem:s3+$0x18E40] =	vst v23;
	(pc) =	sbr.rel @p0 .LBB2_6-.Ltmp6, $4  }
0x1c4: {  	v21 =	vld [tilespmem:s7+$0x13E50];
	[tilespmem:s3+$0x18E50] =	vst v24  }
0x1c5: {  	v18 =	vld [tilespmem:s7+$0xEE60];
	[tilespmem:s3+$0x18E60] =	vst v25  }
0x1c6: {  	s17 =	sadd.s32 $0x1, s17;
	v22 =	vld [tilespmem:s7+$0x13E60];
	[tilespmem:s3+$0x18E70] =	vst v13;
	s3 =	smov.u32 s7  }
0x1c7: {  	s21 =	sadd.s32 $0x200, s21;
	v13 =	vld.msk [tilespmem:s17+$0x0 ss:$0x0], $0xffff  }
0x1c8: {  	_ =	sdelay $0x3  }
0x1c9: {  	v8 =	vadd.f32 v9, v8;
	v23 =	vld [tilespmem:s3+$0xEE70];
	v50 =	vmul.f32 v13, v0  }
0x1ca: {  	v10 =	vadd.f32 v11, v10;
	v24 =	vld [tilespmem:s3+$0x13E70];
	v51 =	vmul.f32 v13, v1  }
0x1cb: {  	v12 =	vadd.f32 v14, v12;
	v52 =	vmul.f32 v13, v2;
	v8 =	vadd.f32 v8, v50  }
0x1cc: {  	v53 =	vadd.f32 v17, v15;
	v54 =	vmul.f32 v13, v3;
	v10 =	vadd.f32 v10, v51  }
0x1cd: {  	v55 =	vadd.f32 v20, v16;
	v56 =	vmul.f32 v13, v4;
	v12 =	vadd.f32 v12, v52;
	[tilespmem:s3+$0x18E00] =	vst v8  }
0x1ce: {  	v58 =	vadd.f32 v22, v18;
	v59 =	vmul.f32 v13, v6;
	v9 =	vadd.f32 v53, v54;
	[tilespmem:s3+$0x18E10] =	vst v10  }
0x1cf: {  	v61 =	vmul.f32 v13, v7;
	v60 =	vadd.f32 v24, v23;
	v11 =	vadd.f32 v55, v56;
	[tilespmem:s3+$0x18E20] =	vst v12  }
0x1d0: {  	v57 =	vmul.f32 v13, v5;
	v62 =	vadd.f32 v58, v59;
	v8 =	vadd.f32 v21, v19;
	[tilespmem:s3+$0x18E30] =	vst v9  }
0x1d1: {  	v63 =	vadd.f32 v60, v61;
	[tilespmem:s3+$0x18E40] =	vst v11  }
0x1d2: {  	s0 =	sadd.s32 s4, s0;
	[tilespmem:s3+$0x18E60] =	vst v62;
	v8 =	vadd.f32 v8, v57  }
0x1d3: {  	s0 =	sshll.u32 s0, $0x4;
	[tilespmem:s3+$0x18E70] =	vst v63  }
.Ltmp7:
0x1d4: {  	s0 =	sadd.s32 s10, s0;
	[tilespmem:s3+$0x18E50] =	vst v8;
	(pc) =	sbr.rel .LBB2_8-.Ltmp7, $4  }
0x1d5: {  	[hbm4b:s0+s5] =	stream.linear.scatter [tilespmem:s30], [sflag:$0x5], $0x2800, $0x38;
	[tilespmem:$0x1B680] =	vst v63  }
0x1d6: {  	_ =	swait.ge [sflag:s14], $0x2800  }
0x1d7: {  	[sflag:s14] =	ssyncset.done $0x0  }
0x1d8: {  	[sflag:s14] =	ssyncadd.s32 $0xFFFFD800  }
.LBB2_10:
0x1d9: {  	_ =	sfence.sel $0x180000  }
0x1da: {  	[bflag:$0x0] =	sbarrier.arrive $0xFFFF  }
0x1db: {  	_ =	strace $0x90000047  }
0x1dc: {  	s0 =	stileid.u32;
	[bflag:$0x2] =	sbarrier.arrive $0xFFFF  }
0x1dd: {  	p0 =	sne.s32 s0, $0x0;
	s0 =	rddreg [dreg:$0x3]  }
0x1de: {  	s0 =	sadd.s32 @!p0 $0x100000, s0  }
0x1df: {  	[sflag:s0] =	ssyncadd.tile.s32 @!p0 $0x1;
	_ =	shalt  }
.Lfunc_end2:
_tile_overlayer_lowered:
.L_overlay_start_2:
0x1e0: {  	(tag) =	ssettag $0x2  }
0x1e1: {  	s0 =	rddreg [dreg:$0x0];
	s2 =	stileid.u32  }
0x1e2: {  	s1 =	rddreg [dreg:$0x1];
	p0 =	sne.s32 s2, $0x0  }
0x1e3: {  	s3 =	rddreg [dreg:$0x2];
	[bflag:$0x3] =	sbarrier.arrive $0xFFFF;
	s2 =	simm.s32 @!p0 $0x1C05  }
0x1e4: {  	[timem:s3], [sflag:s2] =	dma.local @!p0 [hbm:s0], s1  }
0x1e5: {  	s0 =	simm.s32 @!p0 $0x5  }
0x1e6: {  	_ =	swait.ge @!p0 [sflag:s0], s1  }
0x1e7: {  	s1 =	ssub.s32 @!p0 $0x0, s1;
	[sflag:s0] =	ssyncset.done @!p0 $0x0  }
0x1e8: {  	[sflag:s0] =	ssyncadd.s32 @!p0 s1  }
0x1e9: {  	[bflag:$0x3] =	sbarrier.arrive $0xFFFF  }
0x1ea: {  	_ =	shalt  }

// kernel: kernel.16.cloned.1.call-start
scs
__scs_entry_jumppad:
0x0: {  	(pc) =	sbr.rel $0x88, $3  }
0x1: {  	(tag) =	ssettag $0x0;
	lr =	simm.s32 $0x1  }
0x2: {  	[smem:$0x3F8A] =	sst lr;
	_ =	strace $0xD0000000  }
0x3: {  	_ = 	snop  }
0x4: {  	_ = 	snop  }
0x5: {  	_ = 	snop  }
0x6: {  	_ = 	snop  }
0x7: {  	_ = 	snop  }
__scs_overlays_trampoline_lowered:
0x8: {  	[smem:$0x3F99] =	sst s0  }
0x9: {  	[smem:$0x3F9A] =	sst s1  }
0xa: {  	[smem:$0x3F9B] =	sst s2  }
0xb: {  	[smem:$0x3F9C] =	sst s3  }
0xc: {  	[smem:$0x3F9D] =	sst s4  }
0xd: {  	[smem:$0x3F9E] =	sst s5  }
0xe: {  	[smem:$0x3F9F] =	sst s6  }
0xf: {  	[smem:$0x3FA0] =	sst s7  }
0x10: {  	[smem:$0x3FA1] =	sst s8  }
0x11: {  	[smem:$0x3FA2] =	sst s9;
	s0 =	simm.s32 @!p0 $0x0  }
0x12: {  	s1 =	sld [smem:$0x3F88];
	s0 =	simm.s32 @p0 $0x1  }
0x13: {  	[smem:$0x3FA3] =	sst s0;
	s0 =	simm.s32 @!p1 $0x0  }
0x14: {  	s2 =	sld [smem:$0x3F87];
	s0 =	simm.s32 @p1 $0x1  }
0x15: {  	[smem:$0x3FA4] =	sst s0;
	s0 =	simm.s32 @!p2 $0x0  }
0x16: {  	s3 =	sld [smem:$0x3FDB];
	s0 =	simm.s32 @p2 $0x1  }
0x17: {  	s4 =	simm.s32 $0x1BF5;
	[smem:$0x3FA6] =	sst s0  }
0x18: {  	s0 =	sld [smem:$0x3F89];
	_ =	swait.ge [sflag:s4], $0x0  }
0x19: {  	s7 =	sld [smem:$0x3F8A]  }
0x1a: {  	s8 =	sadd.s32 $0xFFFFE003, lr  }
0x1b: {  	s9 =	sadd.s32 $0xFFFFFEF7, lr;
	s5 =	simm.s32 $0xFFFFFFFF;
	p2 =	slt.u32 s8, $0xFFFFF086  }
0x1c: {  	p1 =	slt.u32 s9, $0xF7A;
	s5 =	simm.s32 @!p2 $0x0  }
0x1d: {  	s5 =	simm.s32 @p1 $0x1;
	p0 =	seq.s32 s7, s2  }
0x1e: {  	s7 =	smul.u32 @!p0 $0xF7A, s2;
	p2 =	seq.s32 @!p0 s5, $0x0  }
0x1f: {  	s9 =	smul.u32 $0xF7A, s1;
	s8 =	simm.s32 @!p0 $0x1BF5;
	p2 =	por !p2, p0  }
0x20: {  	[sflag:s8] =	ssyncset.s32 @!p0 $0xFFFFF086;
	s6 =	sadd.s32 @!p0 s3, s7;
	s7 =	simm.s32 @!p0 $0x108  }
0x21: {  	s3 =	sadd.s32 s3, s9;
	s6 =	sadd.s32 @!p0 $0x88, s6;
	s7 =	simm.s32 @p2 $0x1082  }
0x22: {  	[simem:s7], [sflag:s8] =	dma.local @!p0 [hbm:s6], $0xF7A  }
0x23: {  	s9 =	sor.u32 $0xD0000000, s2;
	s6 =	simm.s32 $0x108;
	_ =	swait.ge @!p0 [sflag:s8], $0x0  }
0x24: {  	s3 =	sadd.s32 $0x88, s3;
	s6 =	simm.s32 @!p1 $0x1082;
	[sflag:s4] =	ssyncset.s32 $0xFFFFF086  }
0x25: {  	[simem:s6], [sflag:s4] =	dma.local [hbm:s3], $0xF7A  }
0x26: {  	[smem:$0x3F8A] =	sst s1;
	(tag) =	ssettag s2;
	_ =	strace s9  }
0x27: {  	s1 =	sld [smem:$0x3F9A]  }
0x28: {  	s2 =	sld [smem:$0x3F9B]  }
0x29: {  	s4 =	sld [smem:$0x3F9D]  }
0x2a: {  	p0 =	seq.s32 s5, $0x0;
	s5 =	sld [smem:$0x3F9E]  }
0x2b: {  	s6 =	sld [smem:$0x3F9F]  }
0x2c: {  	s7 =	sld [smem:$0x3FA0]  }
0x2d: {  	s3 =	simm.s32 $0x108;
	s8 =	sld [smem:$0x3FA1]  }
0x2e: {  	s3 =	simm.s32 @!p0 $0x1082;
	s9 =	sld [smem:$0x3FA2]  }
0x2f: {  	lr =	sadd.s32 s0, s3;
	s0 =	sld [smem:$0x3F99]  }
0x30: {  	s3 =	sld [smem:$0x3F9C]  }
0x31: {  	[smem:$0x3FA5] =	sst s10  }
0x32: {  	s10 =	sld [smem:$0x3FA3];
	_ =	sdelay $0x3  }
0x33: {  	p0 =	seq.s32 s10, $0x1;
	s10 =	sld [smem:$0x3FA5];
	_ =	sdelay $0x3  }
0x34: {  	[smem:$0x3FA5] =	sst s10  }
0x35: {  	s10 =	sld [smem:$0x3FA4];
	_ =	sdelay $0x3  }
0x36: {  	p1 =	seq.s32 s10, $0x1;
	s10 =	sld [smem:$0x3FA5];
	_ =	sdelay $0x3  }
0x37: {  	[smem:$0x3FA5] =	sst s10  }
0x38: {  	s10 =	sld [smem:$0x3FA6]  }
0x39: {  	_ = 	snop;
	(pc) =	sbr.ind lr, $3  }
0x3a: {  	_ = 	snop  }
0x3b: {  	_ = 	snop  }
0x3c: {  	p2 =	seq.s32 s10, $0x1;
	s10 =	sld [smem:$0x3FA5]  }
0x3d: {  	_ =	shalt  }
0x3e: {  	_ =	shalt  }
0x3f: {  	_ =	shalt  }
0x40: {  	_ =	shalt  }
0x41: {  	_ =	shalt  }
0x42: {  	_ =	shalt  }
0x43: {  	_ =	shalt  }
0x44: {  	_ =	shalt  }
0x45: {  	_ =	shalt  }
0x46: {  	_ =	shalt  }
0x47: {  	_ =	shalt  }
0x48: {  	_ =	shalt  }
0x49: {  	_ =	shalt  }
0x4a: {  	_ =	shalt  }
0x4b: {  	_ =	shalt  }
0x4c: {  	_ =	shalt  }
0x4d: {  	_ =	shalt  }
0x4e: {  	_ =	shalt  }
0x4f: {  	_ =	shalt  }
0x50: {  	_ =	shalt  }
0x51: {  	_ =	shalt  }
0x52: {  	_ =	shalt  }
0x53: {  	_ =	shalt  }
0x54: {  	_ =	shalt  }
0x55: {  	_ =	shalt  }
0x56: {  	_ =	shalt  }
0x57: {  	_ =	shalt  }
0x58: {  	_ =	shalt  }
0x59: {  	_ =	shalt  }
0x5a: {  	_ =	shalt  }
0x5b: {  	_ =	shalt  }
0x5c: {  	_ =	shalt  }
0x5d: {  	_ =	shalt  }
0x5e: {  	_ =	shalt  }
0x5f: {  	_ =	shalt  }
0x60: {  	_ =	shalt  }
0x61: {  	_ =	shalt  }
0x62: {  	_ =	shalt  }
0x63: {  	_ =	shalt  }
0x64: {  	_ =	shalt  }
0x65: {  	_ =	shalt  }
0x66: {  	_ =	shalt  }
0x67: {  	_ =	shalt  }
0x68: {  	_ =	shalt  }
0x69: {  	_ =	shalt  }
0x6a: {  	_ =	shalt  }
0x6b: {  	_ =	shalt  }
0x6c: {  	_ =	shalt  }
0x6d: {  	_ =	shalt  }
0x6e: {  	_ =	shalt  }
0x6f: {  	_ =	shalt  }
0x70: {  	_ =	shalt  }
0x71: {  	_ =	shalt  }
0x72: {  	_ =	shalt  }
0x73: {  	_ =	shalt  }
0x74: {  	_ =	shalt  }
0x75: {  	_ =	shalt  }
0x76: {  	_ =	shalt  }
0x77: {  	_ =	shalt  }
0x78: {  	_ =	shalt  }
0x79: {  	_ =	shalt  }
0x7a: {  	_ =	shalt  }
0x7b: {  	_ =	shalt  }
0x7c: {  	_ =	shalt  }
0x7d: {  	_ =	shalt  }
0x7e: {  	_ =	shalt  }
0x7f: {  	_ =	shalt  }
0x80: {  	_ =	shalt  }
0x81: {  	_ =	shalt  }
0x82: {  	_ =	shalt  }
0x83: {  	_ =	shalt  }
0x84: {  	_ =	shalt  }
0x85: {  	_ =	shalt  }
0x86: {  	_ =	shalt  }
0x87: {  	_ =	shalt  }
.Lfunc_end0:
.L_simem_size_0:
called_computation.1_lowered:
.L_overlay_start_0:
0x88: {  	s2 =	sld [smem:$0x3FD9]  }
0x89: {  	s3 =	sld [smem:$0x3FFE];
	_ =	sdelay $0x1  }
0x8a: {  	s1 =	srdreg.scid  }
0x8b: {  	s0 =	sand.u32 $0x1, s1  }
0x8c: {  	s15 =	sshll.u32 s0, $0xA;
	s2 =	sadd.s32 s3, s2  }
0x8d: {  	s2 =	sadd.s32 s2, s15  }
0x8e: {  	[smem:$0x3FB1] =	sst s2  }
0x8f: {  	_ = 	snop  }
0x90: {  	s2 =	sld [smem:$0x3FD0];
	_ =	sdelay $0x2  }
0x91: {  	s16 =	simm.s32 $0xB;
	s4 =	simm.s32 $0x10  }
0x92: {  	[smem:s4], [sflag:s16] =	dma.local [hbm:s2], $0x1  }
0x93: {  	_ =	swait.eq [sflag:s16], $0x1  }
0x94: {  	[sflag:s16] =	ssyncset.done $0x0  }
0x95: {  	[sflag:s16] =	ssyncadd.s32 $0xFFFFFFFF  }
0x96: {  	s17 =	sld [smem:$0x10];
	(tm) =	ssettm $0x1  }
0x97: {  	s18 =	sld [smem:$0x3FFB];
	_ =	sdelay $0x3  }
0x98: {  	_ =	strace s18  }
0x99: {  	s2 =	sld [smem:$0x3FFC];
	_ =	sdelay $0x3  }
0x9a: {  	_ =	strace s2  }
0x9b: {  	s2 =	sld [smem:$0x3FFD];
	_ =	sdelay $0x3  }
0x9c: {  	_ =	strace s2  }
0x9d: {  	_ =	strace $0x8FFFFFFF  }
0x9e: {  	s19 =	sld [smem:$0x3FDB];
	_ =	sdelay $0x1  }
0x9f: {  	s20 =	simm.s32 $_scs_section_size  }
0xa0: {  	s5 =	simm.s32 $_size__tile_overlayer_lowered;
	s6 =	simm.s32 $_tile_overlayer_lowered  }
0xa1: {  	s7 =	simm.s32 $0x1BFF;
	s21 =	sshll.u32 s6, $0x1;
	s4 =	sadd.s32 s20, s19  }
0xa2: {  	s22 =	simm.s32 $0x0;
	s5 =	sshll.u32 s5, $0x1;
	s6 =	sadd.s32 s21, s4  }
0xa3: {  	[timem:s22], [sflag:s7] =	dma.local [hbm:s6], s5  }
0xa4: {  	_ =	swait.ge [sflag:s7], s5  }
0xa5: {  	s5 =	ssub.s32 $0x0, s5;
	[sflag:s7] =	ssyncset.done $0x0  }
0xa6: {  	[sflag:s7] =	ssyncadd.s32 s5;
	_ =	sdelay $0x1  }
0xa7: {  	s23 =	simm.s32 $0x1B8B  }
0xa8: {  	_ =	swait.ge [sflag:s23], $0x1  }
0xa9: {  	[sflag:s23] =	ssyncset.done $0x0  }
0xaa: {  	[sflag:s23] =	ssyncadd.s32 $0xFFFFFFFF  }
0xab: {  	s5 =	sld [smem:$0x0]  }
0xac: {  	s6 =	sand.u32 $0xFFFFFFFE, s1  }
0xad: {  	p0 =	sne.s32 s1, s6  }
0xae: {  	s6 =	sshll.u32 @p0 s6, $0xE  }
0xaf: {  	s6 =	sadd.s32 @p0 $0x11B8D, s6;
	s7 =	sshll.u32 @p0 s5, $0x11  }
0xb0: {  	s6 =	sor.u32 @p0 s7, s6  }
0xb1: {  	[sflag:s6] =	ssyncadd.remote.s32 @p0 $0x1;
	_ =	sdelay $0x1  }
0xb2: {  	s6 =	simm.s32 @p0 $0x1B8D  }
0xb3: {  	_ =	swait.eq @p0 [sflag:s6], $0x1  }
0xb4: {  	[sflag:s6] =	ssyncadd.s32 @p0 $0xFFFFFFFF  }
0xb5: {  	s7 =	sshll.u32 @!p0 s1, $0xE  }
0xb6: {  	s7 =	sor.u32 @!p0 $0x4000, s7;
	s6 =	simm.s32 @!p0 $0x1B8D  }
0xb7: {  	s5 =	sshll.u32 @!p0 s5, $0x11;
	s7 =	sadd.s32 @!p0 $0x11B8D, s7;
	_ =	swait.eq @!p0 [sflag:s6], $0x1  }
0xb8: {  	s5 =	sor.u32 @!p0 s5, s7;
	[sflag:s6] =	ssyncadd.s32 @!p0 $0xFFFFFFFF  }
0xb9: {  	s25 =	simm.s32 $0x1B8E;
	s24 =	sld [smem:$0x3FFE];
	[sflag:s5] =	ssyncadd.remote.s32 @!p0 $0x1  }
0xba: {  	s26 =	simm.s32 $execute0_lowered;
	[smem:$0x3FD2] =	sst s25  }
0xbb: {  	s6 =	sshll.u32 s26, $0x1;
	_ =	strace $0x8000004C;
	[dreg:$0x1] =	wrdreg $0xFFFFFFFF  }
0xbc: {  	s28 =	simm.s32 $_size_execute0_lowered;
	s4 =	sadd.s32 s4, s6;
	[dreg:$0x0] =	wrdreg $0x0  }
0xbd: {  	s6 =	sshll.u32 s28, $0x1;
	[dreg:$0x2] =	wrdreg s4  }
0xbe: {  	[dreg:$0x3] =	wrdreg s6  }
0xbf: {  	[dreg:$0x4] =	wrdreg $0xC0  }
0xc0: {  	_ =	task [dreg:s22], $0x5FFFF  }
0xc1: {  	[dreg:$0x1] =	wrdreg $0xFFFFFFFF  }
0xc2: {  	[dreg:$0x0] =	wrdreg $0x60  }
0xc3: {  	[dreg:$0x2] =	wrdreg s24  }
0xc4: {  	[dreg:$0x3] =	wrdreg s17  }
0xc5: {  	[dreg:$0x4] =	wrdreg $0x29000  }
0xc6: {  	[dreg:$0x5] =	wrdreg $0x9  }
0xc7: {  	_ =	task.clear_ibuf [dreg:s22], $0x6FFFF;
	_ =	strace $0x9000004C  }
0xc8: {  	s29 =	simm.s32 $0x9;
	_ =	strace $0x8000004E  }
0xc9: {  	_ =	swait.ge [sflag:s29], $0x1  }
0xca: {  	[sflag:s29] =	ssyncadd.s32 $0xFFFFFFFF  }
0xcb: {  	_ =	strace $0x9000004E  }
0xcc: {  	_ =	sfence  }
0xcd: {  	s30 =	sld [smem:$0x0];
	_ =	sdelay $0x2  }
0xce: {  	s31 =	sshll.u32 s1, $0xD;
	s1 =	sshrl.u32 s1, $0x2  }
0xcf: {  	s4 =	sand.u32 $0x4000, s31;
	s1 =	sadd.s32 s1, s30  }
0xd0: {  	s0 =	sor.u32 s4, s0;
	s1 =	sshll.u32 s1, $0x11  }
0xd1: {  	s0 =	sor.u32 s1, s0  }
0xd2: {  	s0 =	sadd.s32 $0x8F2B, s0  }
0xd3: {  	[sflag:s0] =	ssyncadd.remote.s32 $0x1  }
0xd4: {  	_ =	sfence.sel $0xFFFF  }
0xd5: {  	[dreg:$0x0] =	wrdreg $0xFFFFFFFF;
	(pc) =	sbr.abs _section_cstart, $3  }
0xd6: {  	[dreg:$0x1] =	wrdreg $0xFFFFFFFF  }
0xd7: {  	_ =	task.clear_ibuf [dreg:s22], $0x2FFFF;
	_ =	strace $0x9FFFFFFF  }
0xd8: {  	(tm) =	ssettm $0x7FFFFFFF  }
0xd9: {  	_ =	shalt  }
tec
execute0_lowered:
.L_overlay_start_1:
0x0: {  	(tag) =	ssettag $0x1  }
0x1: {  	s0 =	rddreg [dreg:$0x0]  }
0x2: {  	s2 =	rddreg [dreg:$0x2]  }
0x3: {  	s1 =	srdreg.scid;
	s18 =	stileid.u32  }
0x4: {  	s4 =	simm.s32 $0x0;
	s19 =	simm.s32 $0x1500;
	s20 =	simm.s32 $0x3  }
0x5: {  	s21 =	simm.s32 $0x1;
	s28 =	simm.s32 $0x2;
	s29 =	simm.s32 $0x5  }
0x6: {  	s30 =	simm.s32 $0x0;
	s1 =	sand.u32 $0x1, s1;
	s7 =	smul.u32 $0x4E000, s18  }
0x7: {  	s3 =	sshll.u32 s18, $0x1;
	[smem:$0x7FF] =	sst s4;
	s11 =	smul.u32 $0x2700, s18  }
0x8: {  	s12 =	sadd.s32 $0x17400, s0;
	s5 =	sadd.s32 $0xCA00, s0;
	s15 =	smul.u32 $0x4E200, s18  }
0x9: {  	s0 =	sadd.s32 $0x551400, s0;
	s17 =	smul.u32 $0x4E20, s18;
	p0 =	sne.s32 s18, $0x0  }
0xa: {  	s18 =	simm.s32 $0x80;
	s3 =	sor.u32 s1, s3;
	s13 =	smul.u32 $0x27100, s1  }
0xb: {  	_ =	strace $0x8000004D;
	s6 =	ssub.s32 $0x2, s1;
	s9 =	smul.u32 $0x2710, s3  }
0xc: {  	s8 =	sshrl.u32 s6, $0x1;
	s3 =	smul.u32 $0x27100, s3;
	s26 =	sshrl.u32 s7, $0x2  }
0xd: {  	s24 =	sadd.s32 s15, s12;
	s14 =	ssub.s32 s6, s8;
	s6 =	smul.u32 $0x138800, s1  }
0xe: {  	s31 =	sadd.s32 s11, s13;
	s7 =	sadd.s32 s26, s2;
	s1 =	smul.u32 $0x2710, s1  }
0xf: {  	s10 =	sshrl.u32 s9, $0x3;
	s3 =	sadd.s32 s12, s3;
	s8 =	sadd.s32 s0, s31  }
0x10: {  	s16 =	sadd.s32 $0x26E8, s9;
	s25 =	sadd.s32 s5, s10;
	[dreg:$0x5] =	wrdreg s3  }
0x11: {  	s22 =	sshrl.u32 s6, $0x3;
	s23 =	sshrl.u32 s16, $0x3;
	s10 =	smax.u32 s14, $0x1  }
0x12: {  	s26 =	sshll.u32 s16, $0x4;
	s1 =	sadd.s32 s1, s17;
	s16 =	sshrl.u32 @!p0 s2, $0x3  }
0x13: {  	s17 =	simm.s32 $0x100;
	[dreg:$0x4] =	wrdreg s25;
	s25 =	sadd.s32 $0x138000, s2  }
0x14: {  	s0 =	sadd.s32 s0, s22;
	s11 =	sadd.s32 s5, s23;
	s12 =	sadd.s32 s12, s26  }
0x15: {  	s31 =	sadd.s32 $0x28, s1;
	s14 =	sadd.s32 $0x50, s1;
	s22 =	simm.s32 $0x28  }
0x16: {  	s23 =	simm.s32 $0x6;
	s9 =	sadd.s32 $0x27000, s0;
	s0 =	sadd.s32 s13, s24  }
0x17: {  	s26 =	simm.s32 $0x4;
	s13 =	sadd.s32 $0x500, s0;
	s0 =	sshrl.u32 s31, $0x3  }
0x18: {  	s24 =	sshrl.u32 s7, $0x3;
	s25 =	sshrl.u32 @!p0 s25, $0x3;
	s15 =	sadd.s32 s0, s5  }
.LBB2_1:
0x19: {  	s0 =	simm.s32 @!p0 $0x1C05;
	s1 =	rddreg [dreg:$0x1]  }
0x1a: {  	[spmem:s16], [sflag:s0] =	dma.local @!p0 [hbm:s1], $0x27100  }
0x1b: {  	s0 =	simm.s32 @!p0 $0x5  }
0x1c: {  	_ =	swait.ge @!p0 [sflag:s0], $0x27100  }
0x1d: {  	[sflag:s0] =	ssyncset.done @!p0 $0x0  }
0x1e: {  	[sflag:s0] =	ssyncadd.s32 @!p0 $0xFFFD8F00  }
0x1f: {  	[bflag:$0x0] =	sbarrier.arrive $0xFFFF  }
0x20: {  	s7 =	rddreg [dreg:$0x4]  }
0x21: {  	[tilespmem:s4], [sflag:$0x3] =	stream.linear.gather [hbm4b:s7+s4], $0x28, $0x38;
	[tilespmem:$0x16180] =	vst v63  }
0x22: {  	s1 =	rddreg [dreg:$0x5]  }
0x23: {  	[tilespmem:s17], [sflag:$0x1] =	stream.linear.gather [hbm4b:s1+s4], $0x1400, $0x38;
	[tilespmem:$0x16180] =	vst v63  }
0x24: {  	s3 =	sadd.s32 $0x0, s15  }
0x25: {  	[tilespmem:s18], [sflag:$0x4] =	stream.linear.gather [hbm4b:s3+s4], $0x28, $0x38;
	[tilespmem:$0x16180] =	vst v63  }
0x26: {  	s6 =	sadd.s32 $0xFFFFFD80, s13  }
0x27: {  	[tilespmem:s19], [sflag:$0x2] =	stream.linear.gather [hbm4b:s6+s4], $0x1400, $0x38;
	[tilespmem:$0x16180] =	vst v63  }
0x28: {  	_ =	swait.ge [sflag:s20], $0x28  }
0x29: {  	[sflag:s20] =	ssyncset.done $0x0  }
0x2a: {  	[sflag:s20] =	ssyncadd.s32 $0xFFFFFFD8  }
0x2b: {  	_ =	swait.ge [sflag:s21], $0x1400  }
0x2c: {  	[sflag:s21] =	ssyncset.done $0x0  }
0x2d: {  	[sflag:s21] =	ssyncadd.s32 $0xFFFFEC00  }
0x2e: {  	[spmem:s2] =	stream.indirect.scatter.add.f32 [tilespmem:s17], [sflag:$0x6], $0x80, s4, s22, $0xb8;
	[tilespmem:$0x16180] =	vst v63  }
0x2f: {  	_ =	swait.ge [sflag:s23], $0x1400  }
0x30: {  	s7 =	sshrl.u32 s14, $0x3;
	[sflag:s23] =	ssyncset.done $0x0  }
0x31: {  	s0 =	sadd.s32 s5, s7;
	[sflag:s23] =	ssyncadd.s32 $0xFFFFEC00  }
0x32: {  	[tilespmem:s4], [sflag:$0x3] =	stream.linear.gather [hbm4b:s0+s4], $0x28, $0x38;
	[tilespmem:$0x16180] =	vst v63  }
0x33: {  	_ = 	snop  }
0x34: {  	[tilespmem:s17], [sflag:$0x1] =	stream.linear.gather [hbm4b:s13+s4], $0x1400, $0x38;
	[tilespmem:$0x16180] =	vst v63  }
0x35: {  	_ =	swait.ge [sflag:s26], $0x28  }
0x36: {  	[sflag:s26] =	ssyncset.done $0x0  }
0x37: {  	[sflag:s26] =	ssyncadd.s32 $0xFFFFFFD8  }
0x38: {  	_ =	swait.ge [sflag:s28], $0x1400  }
0x39: {  	[sflag:s28] =	ssyncset.done $0x0  }
0x3a: {  	[sflag:s28] =	ssyncadd.s32 $0xFFFFEC00  }
0x3b: {  	[spmem:s2] =	stream.indirect.scatter.add.f32 [tilespmem:s19], [sflag:$0x5], $0x80, s18, s22, $0xb8;
	[tilespmem:$0x16180] =	vst v63  }
0x3c: {  	s31 =	sadd.s32 $0x500, s13;
	s1 =	simm.s32 $0xA;
	_ =	swait.ge [sflag:s29], $0x1400  }
0x3d: {  	s3 =	simm.s32 $0x14;
	s0 =	sadd.s32 $0x50, s14;
	[sflag:s29] =	ssyncset.done $0x0  }
.LBB2_2:
0x3e: {  	s6 =	sadd.s32 s1, s15  }
0x3f: {  	[sflag:s29] =	ssyncadd.s32 $0xFFFFEC00;
	s1 =	smov.u32 s3;
	s7 =	sadd.s32 $0xA, s3  }
0x40: {  	[tilespmem:s18], [sflag:$0x4] =	stream.linear.gather [hbm4b:s6+s4], $0x28, $0x38;
	[tilespmem:$0x16180] =	vst v63  }
0x41: {  	p1 =	sne.s32 s3, $0x4CE;
	s3 =	sadd.s32 $0xFFFFFD80, s31  }
0x42: {  	[tilespmem:s19], [sflag:$0x2] =	stream.linear.gather [hbm4b:s3+s4], $0x1400, $0x38;
	[tilespmem:$0x16180] =	vst v63  }
0x43: {  	_ =	swait.ge [sflag:s20], $0x28  }
0x44: {  	[sflag:s20] =	ssyncset.done $0x0  }
0x45: {  	[sflag:s20] =	ssyncadd.s32 $0xFFFFFFD8  }
0x46: {  	_ =	swait.ge [sflag:s21], $0x1400  }
0x47: {  	[sflag:s21] =	ssyncset.done $0x0  }
0x48: {  	[sflag:s21] =	ssyncadd.s32 $0xFFFFEC00  }
0x49: {  	[spmem:s2] =	stream.indirect.scatter.add.f32 [tilespmem:s17], [sflag:$0x6], $0x80, s4, s22, $0xb8;
	[tilespmem:$0x16180] =	vst v63  }
0x4a: {  	_ =	swait.ge [sflag:s23], $0x1400  }
0x4b: {  	s3 =	sshrl.u32 s0, $0x3;
	[sflag:s23] =	ssyncset.done $0x0  }
0x4c: {  	s3 =	sadd.s32 s5, s3;
	[sflag:s23] =	ssyncadd.s32 $0xFFFFEC00  }
0x4d: {  	[tilespmem:s4], [sflag:$0x3] =	stream.linear.gather [hbm4b:s3+s4], $0x28, $0x38;
	[tilespmem:$0x16180] =	vst v63  }
0x4e: {  	_ = 	snop  }
0x4f: {  	[tilespmem:s17], [sflag:$0x1] =	stream.linear.gather [hbm4b:s31+s4], $0x1400, $0x38;
	[tilespmem:$0x16180] =	vst v63  }
0x50: {  	_ =	swait.ge [sflag:s26], $0x28  }
0x51: {  	[sflag:s26] =	ssyncset.done $0x0  }
0x52: {  	[sflag:s26] =	ssyncadd.s32 $0xFFFFFFD8  }
0x53: {  	_ =	swait.ge [sflag:s28], $0x1400  }
.Ltmp0:
0x54: {  	[sflag:s28] =	ssyncset.done $0x0;
	(pc) =	sbr.rel @p1 .LBB2_2-.Ltmp0, $4  }
0x55: {  	[sflag:s28] =	ssyncadd.s32 $0xFFFFEC00  }
0x56: {  	[spmem:s2] =	stream.indirect.scatter.add.f32 [tilespmem:s19], [sflag:$0x5], $0x80, s18, s22, $0xb8;
	[tilespmem:$0x16180] =	vst v63  }
0x57: {  	s0 =	sadd.s32 $0x50, s0;
	_ =	swait.ge [sflag:s29], $0x1400  }
0x58: {  	s3 =	smov.u32 s7;
	s31 =	sadd.s32 $0x500, s31;
	[sflag:s29] =	ssyncset.done $0x0  }
0x59: {  	s1 =	sadd.s32 s1, s15;
	[sflag:s29] =	ssyncadd.s32 $0xFFFFEC00  }
0x5a: {  	[tilespmem:s18], [sflag:$0x4] =	stream.linear.gather [hbm4b:s1+s4], $0x28, $0x38;
	[tilespmem:$0x16180] =	vst v63  }
0x5b: {  	s7 =	sadd.s32 $0xFFFFFD80, s31  }
0x5c: {  	[tilespmem:s19], [sflag:$0x2] =	stream.linear.gather [hbm4b:s7+s4], $0x1400, $0x38;
	[tilespmem:$0x16180] =	vst v63  }
0x5d: {  	_ =	swait.ge [sflag:s20], $0x28  }
0x5e: {  	[sflag:s20] =	ssyncset.done $0x0  }
0x5f: {  	[sflag:s20] =	ssyncadd.s32 $0xFFFFFFD8  }
0x60: {  	_ =	swait.ge [sflag:s21], $0x1400  }
0x61: {  	[sflag:s21] =	ssyncset.done $0x0  }
0x62: {  	[sflag:s21] =	ssyncadd.s32 $0xFFFFEC00  }
0x63: {  	[spmem:s2] =	stream.indirect.scatter.add.f32 [tilespmem:s17], [sflag:$0x6], $0x80, s4, s22, $0xb8;
	[tilespmem:$0x16180] =	vst v63  }
0x64: {  	_ =	swait.ge [sflag:s23], $0x1400  }
0x65: {  	s0 =	sshrl.u32 s0, $0x3;
	[sflag:s23] =	ssyncset.done $0x0  }
0x66: {  	s0 =	sadd.s32 s5, s0;
	[sflag:s23] =	ssyncadd.s32 $0xFFFFEC00  }
0x67: {  	[tilespmem:s4], [sflag:$0x3] =	stream.linear.gather [hbm4b:s0+s4], $0x28, $0x38;
	[tilespmem:$0x16180] =	vst v63  }
0x68: {  	_ = 	snop  }
0x69: {  	[tilespmem:s17], [sflag:$0x1] =	stream.linear.gather [hbm4b:s31+s4], $0x1400, $0x38;
	[tilespmem:$0x16180] =	vst v63  }
0x6a: {  	_ =	swait.ge [sflag:s26], $0x28  }
0x6b: {  	[sflag:s26] =	ssyncset.done $0x0  }
0x6c: {  	[sflag:s26] =	ssyncadd.s32 $0xFFFFFFD8  }
0x6d: {  	_ =	swait.ge [sflag:s28], $0x1400  }
0x6e: {  	[sflag:s28] =	ssyncset.done $0x0  }
0x6f: {  	[sflag:s28] =	ssyncadd.s32 $0xFFFFEC00  }
0x70: {  	[spmem:s2] =	stream.indirect.scatter.add.f32 [tilespmem:s19], [sflag:$0x5], $0x80, s18, s22, $0xb8;
	[tilespmem:$0x16180] =	vst v63  }
0x71: {  	_ =	swait.ge [sflag:s29], $0x1400  }
0x72: {  	[sflag:s29] =	ssyncset.done $0x0  }
0x73: {  	[sflag:s29] =	ssyncadd.s32 $0xFFFFEC00  }
0x74: {  	[tilespmem:s18], [sflag:$0x4] =	stream.linear.gather [hbm4b:s11+s4], $0x28, $0x38;
	[tilespmem:$0x16180] =	vst v63  }
0x75: {  	_ = 	snop  }
0x76: {  	[tilespmem:s19], [sflag:$0x2] =	stream.linear.gather [hbm4b:s12+s4], $0x1400, $0x38;
	[tilespmem:$0x16180] =	vst v63  }
0x77: {  	_ =	swait.ge [sflag:s20], $0x28  }
0x78: {  	[sflag:s20] =	ssyncset.done $0x0  }
0x79: {  	[sflag:s20] =	ssyncadd.s32 $0xFFFFFFD8  }
0x7a: {  	_ =	swait.ge [sflag:s21], $0x1400  }
0x7b: {  	[sflag:s21] =	ssyncset.done $0x0  }
0x7c: {  	[sflag:s21] =	ssyncadd.s32 $0xFFFFEC00  }
0x7d: {  	[spmem:s2] =	stream.indirect.scatter.add.f32 [tilespmem:s17], [sflag:$0x6], $0x80, s4, s22, $0xb8;
	[tilespmem:$0x16180] =	vst v63  }
0x7e: {  	_ =	swait.ge [sflag:s23], $0x1400  }
0x7f: {  	[sflag:s23] =	ssyncset.done $0x0  }
0x80: {  	[sflag:s23] =	ssyncadd.s32 $0xFFFFEC00  }
0x81: {  	_ =	swait.ge [sflag:s26], $0x28  }
0x82: {  	[sflag:s26] =	ssyncset.done $0x0  }
0x83: {  	[sflag:s26] =	ssyncadd.s32 $0xFFFFFFD8  }
0x84: {  	_ =	swait.ge [sflag:s28], $0x1400  }
0x85: {  	[sflag:s28] =	ssyncset.done $0x0  }
0x86: {  	[sflag:s28] =	ssyncadd.s32 $0xFFFFEC00  }
0x87: {  	[spmem:s2] =	stream.indirect.scatter.add.f32 [tilespmem:s19], [sflag:$0x5], $0x80, s18, s22, $0xb8;
	[tilespmem:$0x16180] =	vst v63  }
0x88: {  	_ =	swait.ge [sflag:s29], $0x1400  }
0x89: {  	s31 =	stileid.u32;
	[sflag:s29] =	ssyncset.done $0x0  }
0x8a: {  	s0 =	sshll.u32 s31, $0x6;
	[sflag:s29] =	ssyncadd.s32 $0xFFFFEC00  }
0x8b: {  	s0 =	sor.u32 $0x1C05, s0;
	[bflag:$0x0] =	sbarrier.arrive $0xFFFF  }
0x8c: {  	[hbm:s8], [sflag:s0] =	dma.local [spmem:s24], $0x2700  }
0x8d: {  	_ =	swait.ge [sflag:s29], $0x2700  }
0x8e: {  	s30 =	sadd.s32 $0x1, s30;
	[sflag:s29] =	ssyncset.done $0x0  }
0x8f: {  	p1 =	sne.s32 s30, s10;
	[sflag:s29] =	ssyncadd.s32 $0xFFFFD900  }
0x90: {  	[hbm:s9], [sflag:s0] =	dma.local @!p0 [spmem:s25], $0x100  }
.Ltmp1:
0x91: {  	_ = 	snop;
	(pc) =	sbr.rel @p1 .LBB2_1-.Ltmp1, $4  }
0x92: {  	s0 =	simm.s32 @!p0 $0x5  }
0x93: {  	_ =	swait.ge @!p0 [sflag:s0], $0x100  }
0x94: {  	[sflag:s0] =	ssyncset.done @!p0 $0x0  }
0x95: {  	[sflag:s0] =	ssyncadd.s32 @!p0 $0xFFFFFF00  }
0x96: {  	_ =	sfence.sel $0x180000  }
0x97: {  	[bflag:$0x0] =	sbarrier.arrive $0xFFFF  }
0x98: {  	_ =	strace $0x9000004D  }
0x99: {  	[bflag:$0x2] =	sbarrier.arrive $0xFFFF  }
0x9a: {  	s0 =	rddreg [dreg:$0x3]  }
0x9b: {  	s0 =	sadd.s32 @!p0 $0x100000, s0  }
0x9c: {  	[sflag:s0] =	ssyncadd.tile.s32 @!p0 $0x1;
	_ =	shalt  }
.Lfunc_end2:
_tile_overlayer_lowered:
.L_overlay_start_2:
0x9d: {  	(tag) =	ssettag $0x2  }
0x9e: {  	s0 =	rddreg [dreg:$0x0];
	s2 =	stileid.u32  }
0x9f: {  	s1 =	rddreg [dreg:$0x1];
	p0 =	sne.s32 s2, $0x0  }
0xa0: {  	s3 =	rddreg [dreg:$0x2];
	[bflag:$0x3] =	sbarrier.arrive $0xFFFF;
	s2 =	simm.s32 @!p0 $0x1C05  }
0xa1: {  	[timem:s3], [sflag:s2] =	dma.local @!p0 [hbm:s0], s1  }
0xa2: {  	s0 =	simm.s32 @!p0 $0x5  }
0xa3: {  	_ =	swait.ge @!p0 [sflag:s0], s1  }
0xa4: {  	s1 =	ssub.s32 @!p0 $0x0, s1;
	[sflag:s0] =	ssyncset.done @!p0 $0x0  }
0xa5: {  	[sflag:s0] =	ssyncadd.s32 @!p0 s1  }
0xa6: {  	[bflag:$0x3] =	sbarrier.arrive $0xFFFF  }
0xa7: {  	_ =	shalt  }

// kernel: kernel.19.cloned.1.call-start
scs
__scs_entry_jumppad:
0x0: {  	(pc) =	sbr.rel $0x88, $3  }
0x1: {  	(tag) =	ssettag $0x0;
	lr =	simm.s32 $0x1  }
0x2: {  	[smem:$0x3F8A] =	sst lr;
	_ =	strace $0xD0000000  }
0x3: {  	_ = 	snop  }
0x4: {  	_ = 	snop  }
0x5: {  	_ = 	snop  }
0x6: {  	_ = 	snop  }
0x7: {  	_ = 	snop  }
__scs_overlays_trampoline_lowered:
0x8: {  	[smem:$0x3F99] =	sst s0  }
0x9: {  	[smem:$0x3F9A] =	sst s1  }
0xa: {  	[smem:$0x3F9B] =	sst s2  }
0xb: {  	[smem:$0x3F9C] =	sst s3  }
0xc: {  	[smem:$0x3F9D] =	sst s4  }
0xd: {  	[smem:$0x3F9E] =	sst s5  }
0xe: {  	[smem:$0x3F9F] =	sst s6  }
0xf: {  	[smem:$0x3FA0] =	sst s7  }
0x10: {  	[smem:$0x3FA1] =	sst s8  }
0x11: {  	[smem:$0x3FA2] =	sst s9;
	s0 =	simm.s32 @!p0 $0x0  }
0x12: {  	s1 =	sld [smem:$0x3F88];
	s0 =	simm.s32 @p0 $0x1  }
0x13: {  	[smem:$0x3FA3] =	sst s0;
	s0 =	simm.s32 @!p1 $0x0  }
0x14: {  	s2 =	sld [smem:$0x3F87];
	s0 =	simm.s32 @p1 $0x1  }
0x15: {  	[smem:$0x3FA4] =	sst s0;
	s0 =	simm.s32 @!p2 $0x0  }
0x16: {  	s3 =	sld [smem:$0x3FDB];
	s0 =	simm.s32 @p2 $0x1  }
0x17: {  	s4 =	simm.s32 $0x1BF5;
	[smem:$0x3FA6] =	sst s0  }
0x18: {  	s0 =	sld [smem:$0x3F89];
	_ =	swait.ge [sflag:s4], $0x0  }
0x19: {  	s7 =	sld [smem:$0x3F8A]  }
0x1a: {  	s8 =	sadd.s32 $0xFFFFE003, lr  }
0x1b: {  	s9 =	sadd.s32 $0xFFFFFEF7, lr;
	s5 =	simm.s32 $0xFFFFFFFF;
	p2 =	slt.u32 s8, $0xFFFFF086  }
0x1c: {  	p1 =	slt.u32 s9, $0xF7A;
	s5 =	simm.s32 @!p2 $0x0  }
0x1d: {  	s5 =	simm.s32 @p1 $0x1;
	p0 =	seq.s32 s7, s2  }
0x1e: {  	s7 =	smul.u32 @!p0 $0xF7A, s2;
	p2 =	seq.s32 @!p0 s5, $0x0  }
0x1f: {  	s9 =	smul.u32 $0xF7A, s1;
	s8 =	simm.s32 @!p0 $0x1BF5;
	p2 =	por !p2, p0  }
0x20: {  	[sflag:s8] =	ssyncset.s32 @!p0 $0xFFFFF086;
	s6 =	sadd.s32 @!p0 s3, s7;
	s7 =	simm.s32 @!p0 $0x108  }
0x21: {  	s3 =	sadd.s32 s3, s9;
	s6 =	sadd.s32 @!p0 $0x88, s6;
	s7 =	simm.s32 @p2 $0x1082  }
0x22: {  	[simem:s7], [sflag:s8] =	dma.local @!p0 [hbm:s6], $0xF7A  }
0x23: {  	s9 =	sor.u32 $0xD0000000, s2;
	s6 =	simm.s32 $0x108;
	_ =	swait.ge @!p0 [sflag:s8], $0x0  }
0x24: {  	s3 =	sadd.s32 $0x88, s3;
	s6 =	simm.s32 @!p1 $0x1082;
	[sflag:s4] =	ssyncset.s32 $0xFFFFF086  }
0x25: {  	[simem:s6], [sflag:s4] =	dma.local [hbm:s3], $0xF7A  }
0x26: {  	[smem:$0x3F8A] =	sst s1;
	(tag) =	ssettag s2;
	_ =	strace s9  }
0x27: {  	s1 =	sld [smem:$0x3F9A]  }
0x28: {  	s2 =	sld [smem:$0x3F9B]  }
0x29: {  	s4 =	sld [smem:$0x3F9D]  }
0x2a: {  	p0 =	seq.s32 s5, $0x0;
	s5 =	sld [smem:$0x3F9E]  }
0x2b: {  	s6 =	sld [smem:$0x3F9F]  }
0x2c: {  	s7 =	sld [smem:$0x3FA0]  }
0x2d: {  	s3 =	simm.s32 $0x108;
	s8 =	sld [smem:$0x3FA1]  }
0x2e: {  	s3 =	simm.s32 @!p0 $0x1082;
	s9 =	sld [smem:$0x3FA2]  }
0x2f: {  	lr =	sadd.s32 s0, s3;
	s0 =	sld [smem:$0x3F99]  }
0x30: {  	s3 =	sld [smem:$0x3F9C]  }
0x31: {  	[smem:$0x3FA5] =	sst s10  }
0x32: {  	s10 =	sld [smem:$0x3FA3];
	_ =	sdelay $0x3  }
0x33: {  	p0 =	seq.s32 s10, $0x1;
	s10 =	sld [smem:$0x3FA5];
	_ =	sdelay $0x3  }
0x34: {  	[smem:$0x3FA5] =	sst s10  }
0x35: {  	s10 =	sld [smem:$0x3FA4];
	_ =	sdelay $0x3  }
0x36: {  	p1 =	seq.s32 s10, $0x1;
	s10 =	sld [smem:$0x3FA5];
	_ =	sdelay $0x3  }
0x37: {  	[smem:$0x3FA5] =	sst s10  }
0x38: {  	s10 =	sld [smem:$0x3FA6]  }
0x39: {  	_ = 	snop;
	(pc) =	sbr.ind lr, $3  }
0x3a: {  	_ = 	snop  }
0x3b: {  	_ = 	snop  }
0x3c: {  	p2 =	seq.s32 s10, $0x1;
	s10 =	sld [smem:$0x3FA5]  }
0x3d: {  	_ =	shalt  }
0x3e: {  	_ =	shalt  }
0x3f: {  	_ =	shalt  }
0x40: {  	_ =	shalt  }
0x41: {  	_ =	shalt  }
0x42: {  	_ =	shalt  }
0x43: {  	_ =	shalt  }
0x44: {  	_ =	shalt  }
0x45: {  	_ =	shalt  }
0x46: {  	_ =	shalt  }
0x47: {  	_ =	shalt  }
0x48: {  	_ =	shalt  }
0x49: {  	_ =	shalt  }
0x4a: {  	_ =	shalt  }
0x4b: {  	_ =	shalt  }
0x4c: {  	_ =	shalt  }
0x4d: {  	_ =	shalt  }
0x4e: {  	_ =	shalt  }
0x4f: {  	_ =	shalt  }
0x50: {  	_ =	shalt  }
0x51: {  	_ =	shalt  }
0x52: {  	_ =	shalt  }
0x53: {  	_ =	shalt  }
0x54: {  	_ =	shalt  }
0x55: {  	_ =	shalt  }
0x56: {  	_ =	shalt  }
0x57: {  	_ =	shalt  }
0x58: {  	_ =	shalt  }
0x59: {  	_ =	shalt  }
0x5a: {  	_ =	shalt  }
0x5b: {  	_ =	shalt  }
0x5c: {  	_ =	shalt  }
0x5d: {  	_ =	shalt  }
0x5e: {  	_ =	shalt  }
0x5f: {  	_ =	shalt  }
0x60: {  	_ =	shalt  }
0x61: {  	_ =	shalt  }
0x62: {  	_ =	shalt  }
0x63: {  	_ =	shalt  }
0x64: {  	_ =	shalt  }
0x65: {  	_ =	shalt  }
0x66: {  	_ =	shalt  }
0x67: {  	_ =	shalt  }
0x68: {  	_ =	shalt  }
0x69: {  	_ =	shalt  }
0x6a: {  	_ =	shalt  }
0x6b: {  	_ =	shalt  }
0x6c: {  	_ =	shalt  }
0x6d: {  	_ =	shalt  }
0x6e: {  	_ =	shalt  }
0x6f: {  	_ =	shalt  }
0x70: {  	_ =	shalt  }
0x71: {  	_ =	shalt  }
0x72: {  	_ =	shalt  }
0x73: {  	_ =	shalt  }
0x74: {  	_ =	shalt  }
0x75: {  	_ =	shalt  }
0x76: {  	_ =	shalt  }
0x77: {  	_ =	shalt  }
0x78: {  	_ =	shalt  }
0x79: {  	_ =	shalt  }
0x7a: {  	_ =	shalt  }
0x7b: {  	_ =	shalt  }
0x7c: {  	_ =	shalt  }
0x7d: {  	_ =	shalt  }
0x7e: {  	_ =	shalt  }
0x7f: {  	_ =	shalt  }
0x80: {  	_ =	shalt  }
0x81: {  	_ =	shalt  }
0x82: {  	_ =	shalt  }
0x83: {  	_ =	shalt  }
0x84: {  	_ =	shalt  }
0x85: {  	_ =	shalt  }
0x86: {  	_ =	shalt  }
0x87: {  	_ =	shalt  }
.Lfunc_end0:
.L_simem_size_0:
called_computation.2_lowered:
.L_overlay_start_0:
0x88: {  	s2 =	sld [smem:$0x3FD9]  }
0x89: {  	s3 =	sld [smem:$0x3FFE];
	_ =	sdelay $0x1  }
0x8a: {  	s1 =	srdreg.scid  }
0x8b: {  	s0 =	sand.u32 $0x1, s1  }
0x8c: {  	s14 =	sshll.u32 s0, $0xA;
	s2 =	sadd.s32 s3, s2  }
0x8d: {  	s2 =	sadd.s32 s2, s14  }
0x8e: {  	[smem:$0x3FB1] =	sst s2  }
0x8f: {  	_ = 	snop  }
0x90: {  	s2 =	sld [smem:$0x3FD0];
	_ =	sdelay $0x2  }
0x91: {  	s15 =	simm.s32 $0xB;
	s4 =	simm.s32 $0x10  }
0x92: {  	[smem:s4], [sflag:s15] =	dma.local [hbm:s2], $0x1  }
0x93: {  	_ =	swait.eq [sflag:s15], $0x1  }
0x94: {  	[sflag:s15] =	ssyncset.done $0x0  }
0x95: {  	s16 =	sld [smem:$0x10];
	[sflag:s15] =	ssyncadd.s32 $0xFFFFFFFF  }
0x96: {  	s17 =	sld [smem:$0x11];
	(tm) =	ssettm $0x1  }
0x97: {  	s18 =	sld [smem:$0x3FFB];
	_ =	sdelay $0x3  }
0x98: {  	_ =	strace s18  }
0x99: {  	s4 =	sld [smem:$0x3FFC];
	_ =	sdelay $0x3  }
0x9a: {  	_ =	strace s4  }
0x9b: {  	s4 =	sld [smem:$0x3FFD];
	_ =	sdelay $0x3  }
0x9c: {  	_ =	strace s4  }
0x9d: {  	_ =	strace $0x8FFFFFFF  }
0x9e: {  	s19 =	sld [smem:$0x3FDB];
	_ =	sdelay $0x1  }
0x9f: {  	s5 =	simm.s32 $_scs_section_size  }
0xa0: {  	s6 =	simm.s32 $_size__tile_overlayer_lowered;
	s7 =	simm.s32 $_tile_overlayer_lowered  }
0xa1: {  	s22 =	simm.s32 $0x1BFF;
	s21 =	sshll.u32 s7, $0x1;
	s4 =	sadd.s32 s5, s19  }
0xa2: {  	s8 =	simm.s32 $0x0;
	s20 =	sshll.u32 s6, $0x1;
	s6 =	sadd.s32 s21, s4  }
0xa3: {  	[timem:s8], [sflag:s22] =	dma.local [hbm:s6], s20  }
0xa4: {  	_ =	swait.ge [sflag:s22], s20  }
0xa5: {  	s5 =	ssub.s32 $0x0, s20;
	[sflag:s22] =	ssyncset.done $0x0  }
0xa6: {  	[sflag:s22] =	ssyncadd.s32 s5;
	_ =	sdelay $0x1  }
0xa7: {  	s23 =	simm.s32 $0x1B8B  }
0xa8: {  	_ =	swait.ge [sflag:s23], $0x1  }
0xa9: {  	[sflag:s23] =	ssyncset.done $0x0  }
0xaa: {  	s25 =	simm.s32 $0x1B8E;
	s24 =	sld [smem:$0x3FFE];
	[sflag:s23] =	ssyncadd.s32 $0xFFFFFFFF  }
0xab: {  	s26 =	simm.s32 $execute0_lowered;
	[smem:$0x3FD2] =	sst s25  }
0xac: {  	s6 =	sshll.u32 s26, $0x1;
	_ =	strace $0x80000049;
	[dreg:$0x1] =	wrdreg $0xFFFFFFFF  }
0xad: {  	s28 =	simm.s32 $_size_execute0_lowered;
	s4 =	sadd.s32 s4, s6;
	[dreg:$0x0] =	wrdreg $0x0  }
0xae: {  	s6 =	sshll.u32 s28, $0x1;
	[dreg:$0x2] =	wrdreg s4  }
0xaf: {  	[dreg:$0x3] =	wrdreg s6  }
0xb0: {  	[dreg:$0x4] =	wrdreg $0xC0  }
0xb1: {  	_ =	task [dreg:s8], $0x5FFFF  }
0xb2: {  	[dreg:$0x1] =	wrdreg $0xFFFFFFFF  }
0xb3: {  	[dreg:$0x0] =	wrdreg $0x60  }
0xb4: {  	[dreg:$0x2] =	wrdreg s24  }
0xb5: {  	[dreg:$0x3] =	wrdreg s17  }
0xb6: {  	[dreg:$0x4] =	wrdreg s16  }
0xb7: {  	[dreg:$0x5] =	wrdreg $0xA1800  }
0xb8: {  	[dreg:$0x6] =	wrdreg $0xA  }
0xb9: {  	_ =	task.clear_ibuf [dreg:s8], $0x7FFFF;
	_ =	strace $0x90000049  }
0xba: {  	s29 =	simm.s32 $0xA;
	_ =	strace $0x8000004B  }
0xbb: {  	_ =	swait.ge [sflag:s29], $0x1  }
0xbc: {  	[sflag:s29] =	ssyncadd.s32 $0xFFFFFFFF  }
0xbd: {  	_ =	strace $0x9000004B  }
0xbe: {  	_ =	sfence  }
0xbf: {  	s30 =	sld [smem:$0x0];
	_ =	sdelay $0x2  }
0xc0: {  	s31 =	sshll.u32 s1, $0xD;
	s1 =	sshrl.u32 s1, $0x2  }
0xc1: {  	s3 =	sand.u32 $0x4000, s31;
	s1 =	sadd.s32 s1, s30  }
0xc2: {  	s0 =	sor.u32 s3, s0;
	s1 =	sshll.u32 s1, $0x11  }
0xc3: {  	s0 =	sor.u32 s1, s0  }
0xc4: {  	s0 =	sadd.s32 $0x8F2B, s0  }
0xc5: {  	[sflag:s0] =	ssyncadd.remote.s32 $0x1  }
0xc6: {  	_ =	sfence.sel $0xFFFF  }
0xc7: {  	[dreg:$0x0] =	wrdreg $0xFFFFFFFF;
	(pc) =	sbr.abs _section_cstart, $3  }
0xc8: {  	[dreg:$0x1] =	wrdreg $0xFFFFFFFF  }
0xc9: {  	_ =	task.clear_ibuf [dreg:s8], $0x2FFFF;
	_ =	strace $0x9FFFFFFF  }
0xca: {  	(tm) =	ssettm $0x7FFFFFFF  }
0xcb: {  	_ =	shalt  }
tec
execute0_lowered:
.L_overlay_start_1:
0x0: {  	(tag) =	ssettag $0x1  }
0x1: {  	s0 =	rddreg [dreg:$0x0]  }
0x2: {  	s3 =	rddreg [dreg:$0x3];
	s4 =	simm.s32 $0x0  }
0x3: {  	s1 =	srdreg.scid;
	s14 =	stileid.u32;
	s30 =	simm.s32 $0x1  }
0x4: {  	s31 =	simm.s32 $0x3;
	s28 =	simm.s32 $0x2;
	s29 =	simm.s32 $0x4  }
0x5: {  	[smem:$0x7FF] =	sst s4;
	s1 =	sand.u32 $0x1, s1;
	s2 =	sshll.u32 s14, $0x1  }
0x6: {  	s6 =	sadd.s32 $0x4F9400, s0;
	s7 =	sadd.s32 $0xCA00, s0;
	s5 =	smul.u32 $0x4E000, s14  }
0x7: {  	s8 =	sadd.s32 $0x2C00, s0;
	s9 =	sadd.s32 $0x16E00, s0;
	s11 =	smul.u32 $0x2700, s14  }
0x8: {  	s25 =	sadd.s32 $0x16800, s0;
	s0 =	sadd.s32 $0x503200, s0;
	s16 =	smul.u32 $0x4E20, s14  }
0x9: {  	p0 =	sne.s32 s14, $0x0;
	_ =	strace $0x8000004A;
	s26 =	smul.u32 $0x27100, s1  }
0xa: {  	s2 =	sor.u32 s1, s2;
	[dreg:$0x5] =	wrdreg s9;
	s13 =	smul.u32 $0x138800, s1  }
0xb: {  	[dreg:$0x6] =	wrdreg s25;
	s10 =	ssub.s32 $0x2, s1;
	s1 =	smul.u32 $0x2710, s1  }
0xc: {  	s9 =	sadd.s32 $0x138000, s3;
	s12 =	sshrl.u32 s10, $0x1;
	s5 =	sshrl.u32 s5, $0x2  }
0xd: {  	s2 =	smul.u32 $0x2710, s2;
	s10 =	ssub.s32 s10, s12;
	s17 =	sadd.s32 s5, s3  }
0xe: {  	s21 =	sadd.s32 s11, s26;
	s22 =	sshrl.u32 s13, $0x3;
	s1 =	sadd.s32 s1, s16  }
0xf: {  	s11 =	simm.s32 $0x0;
	s2 =	sshrl.u32 s2, $0x3;
	s5 =	sadd.s32 s0, s21  }
0x10: {  	s0 =	sadd.s32 s0, s22;
	s23 =	sadd.s32 $0x50, s1;
	s24 =	smax.u32 s10, $0x1  }
0x11: {  	s1 =	sadd.s32 $0xA0, s1;
	s21 =	simm.s32 $0x7;
	s22 =	simm.s32 $0x2780  }
0x12: {  	s26 =	sshrl.u32 s17, $0x3;
	s10 =	simm.s32 $0x7700;
	[dreg:$0xa] =	wrdreg s5  }
0x13: {  	v0 =	vlaneseq.u32;
	s15 =	sadd.s32 s7, s2;
	s0 =	sadd.s32 $0x27000, s0;
	[dreg:$0xc] =	wrdreg s24  }
0x14: {  	v0 =	vmul.u32 $0x80, v0;
	s25 =	sshrl.u32 s23, $0x3;
	[dreg:$0xd] =	wrdreg s1;
	s23 =	simm.s32 $0x4F00  }
0x15: {  	vm0 =	vcmask $0xF0C;
	v1 =	vimm.f32 $0.0e+00;
	[dreg:$0xe] =	wrdreg s26;
	s26 =	simm.s32 $0x7680;
	s1 =	simm.s32 $0x7980  }
.Ltmp0:
0x16: {  	v2 =	vsel vm0, $0x3F800000, v1;
	v3 =	vor.u32 $0x1, v0;
	v4 =	vor.u32 $0x2, v0;
	s5 =	simm.s32 $0x8;
	[dreg:$0x7] =	wrdreg s15;
	(pc) =	sbr.rel .LBB2_1-.Ltmp0, $4  }
0x17: {  	v5 =	vor.u32 $0x800, v0;
	v6 =	vor.u32 $0x801, v0;
	v7 =	vor.u32 $0x802, v0;
	s15 =	sadd.s32 s8, s2;
	s2 =	sadd.s32 s6, s2;
	[dreg:$0xb] =	wrdreg s0  }
0x18: {  	v8 =	vor.u32 $0x1000, v0;
	v9 =	vor.u32 $0x1001, v0;
	v10 =	vor.u32 $0x1002, v0;
	s18 =	sadd.s32 s25, s6;
	s19 =	sadd.s32 s25, s8;
	s20 =	sadd.s32 s25, s7  }
0x19: {  	v11 =	vor.u32 $0x1800, v0;
	v12 =	vor.u32 $0x1801, v0;
	v13 =	vor.u32 $0x1802, v0;
	s25 =	sshrl.u32 @!p0 s9, $0x3;
	s0 =	simm.s32 $0x5;
	[dreg:$0x8] =	wrdreg s15  }
0x1a: {  	v14 =	vor.u32 $0x2000, v0;
	v15 =	vor.u32 $0x2001, v0;
	v16 =	vor.u32 $0x2002, v0;
	s9 =	simm.s32 $0x6;
	[dreg:$0x9] =	wrdreg s2;
	s2 =	simm.s32 $0x50  }
.LBB2_7:
0x1b: {  	s12 =	stileid.u32;
	[bflag:$0x0] =	sbarrier.arrive $0xFFFF  }
0x1c: {  	s12 =	sshll.u32 s12, $0x6;
	s13 =	rddreg [dreg:$0xa]  }
0x1d: {  	s14 =	rddreg [dreg:$0xe];
	s12 =	sor.u32 $0x1C07, s12  }
0x1e: {  	[hbm:s13], [sflag:s12] =	dma.local [spmem:s14], $0x2700  }
0x1f: {  	_ =	swait.ge [sflag:s21], $0x2700  }
0x20: {  	[sflag:s21] =	ssyncset.done $0x0  }
0x21: {  	s13 =	rddreg [dreg:$0xb];
	[sflag:s21] =	ssyncadd.s32 $0xFFFFD900  }
0x22: {  	[hbm:s13], [sflag:s12] =	dma.local @!p0 [spmem:s25], $0x100  }
0x23: {  	s12 =	simm.s32 @!p0 $0x7  }
0x24: {  	_ =	swait.ge @!p0 [sflag:s12], $0x100  }
0x25: {  	s11 =	sadd.s32 $0x1, s11;
	s24 =	rddreg [dreg:$0xc]  }
0x26: {  	p1 =	sne.s32 s11, s24  }
.Ltmp1:
0x27: {  	_ = 	snop;
	(pc) =	sbr.rel @!p1 .LBB2_8-.Ltmp1, $3  }
0x28: {  	_ =	sdelay $0x1  }
0x29: {  	[sflag:s12] =	ssyncset.done @!p0 $0x0  }
0x2a: {  	[sflag:s12] =	ssyncadd.s32 @!p0 $0xFFFFFF00  }
.LBB2_1:
0x2b: {  	s12 =	rddreg [dreg:$0x5]  }
0x2c: {  	[tilespmem:s4], [sflag:$0x7] =	stream.linear.gather [hbm4b:s12+s4], $0x2780, $0x38;
	[tilespmem:$0x1DA00] =	vst v63  }
0x2d: {  	_ =	swait.ge [sflag:s21], $0x2780  }
0x2e: {  	[sflag:s21] =	ssyncset.done $0x0  }
0x2f: {  	s17 =	rddreg [dreg:$0x6];
	[sflag:s21] =	ssyncadd.s32 $0xFFFFD880  }
0x30: {  	[tilespmem:s22], [sflag:$0x7] =	stream.linear.gather [hbm4b:s17+s4], $0x2780, $0x38;
	[tilespmem:$0x1DA00] =	vst v63  }
0x31: {  	_ =	swait.ge [sflag:s21], $0x2780  }
0x32: {  	[sflag:s21] =	ssyncset.done $0x0  }
0x33: {  	[sflag:s21] =	ssyncadd.s32 $0xFFFFD880  }
0x34: {  	s24 =	rddreg [dreg:$0x1]  }
0x35: {  	[tilespmem:s23], [sflag:$0x7] =	stream.linear.gather [hbm4b:s24+s4], $0x2780, $0x38;
	[tilespmem:$0x1DA00] =	vst v63  }
0x36: {  	_ =	swait.ge [sflag:s21], $0x2780  }
0x37: {  	[sflag:s21] =	ssyncset.done $0x0  }
0x38: {  	s13 =	simm.s32 $0x200;
	s12 =	simm.s32 $0x0;
	[sflag:s21] =	ssyncadd.s32 $0xFFFFD880  }
.LBB2_2:
0x39: {  	p1 =	sne.s32 s13, $0x9E00;
	[tilespmem:s12+$0x79F0] =	vst v1  }
0x3a: {  	[tilespmem:s12+$0x7980] =	vst v2  }
0x3b: {  	[tilespmem:s12+$0x7990] =	vst v1  }
.Ltmp2:
0x3c: {  	[tilespmem:s12+$0x79A0] =	vst v1;
	(pc) =	sbr.rel @p1 .LBB2_2-.Ltmp2, $4  }
0x3d: {  	[tilespmem:s12+$0x79B0] =	vst v1  }
0x3e: {  	[tilespmem:s12+$0x79C0] =	vst v1  }
0x3f: {  	[tilespmem:s12+$0x79D0] =	vst v1  }
0x40: {  	[tilespmem:s12+$0x79E0] =	vst v1;
	s12 =	sshra.s32 s13, $0x2;
	s13 =	sadd.s32 $0x200, s13  }
0x41: {  	[tilespmem:s12+$0x79F0] =	vst v1  }
0x42: {  	[tilespmem:s12+$0x7980] =	vst v2  }
0x43: {  	[tilespmem:s12+$0x7990] =	vst v1  }
0x44: {  	[tilespmem:s12+$0x79A0] =	vst v1  }
0x45: {  	[tilespmem:s12+$0x79B0] =	vst v1  }
0x46: {  	[tilespmem:s12+$0x79C0] =	vst v1  }
0x47: {  	[tilespmem:s12+$0x79D0] =	vst v1  }
0x48: {  	[tilespmem:s12+$0x79E0] =	vst v1;
	s12 =	sshrl.u32 @!p0 s3, $0x3;
	s13 =	simm.s32 @!p0 $0x1C07;
	s14 =	rddreg [dreg:$0x2]  }
0x49: {  	[spmem:s12], [sflag:s13] =	dma.local @!p0 [hbm:s14], $0x27100  }
0x4a: {  	s12 =	simm.s32 @!p0 $0x7  }
0x4b: {  	_ =	swait.ge @!p0 [sflag:s12], $0x27100  }
0x4c: {  	[sflag:s12] =	ssyncset.done @!p0 $0x0  }
0x4d: {  	[sflag:s12] =	ssyncadd.s32 @!p0 $0xFFFD8F00  }
0x4e: {  	[bflag:$0x0] =	sbarrier.arrive $0xFFFF  }
0x4f: {  	s12 =	simm.s32 $0x0;
	s14 =	rddreg [dreg:$0x7]  }
0x50: {  	[tilespmem:s26], [sflag:$0x1] =	stream.linear.gather [hbm4b:s14+s12], $0x50, $0x38;
	[tilespmem:$0x1DA00] =	vst v63  }
.Ltmp3:
0x51: {  	s16 =	simm.s32 $0x7780;
	s15 =	rddreg [dreg:$0x8];
	(pc) =	sbr.rel .LBB2_4-.Ltmp3, $4  }
0x52: {  	[tilespmem:s16], [sflag:$0x3] =	stream.linear.gather [hbm4b:s15+s12], $0x50, $0x38;
	[tilespmem:$0x1DA00] =	vst v63  }
0x53: {  	s24 =	simm.s32 $0x7880;
	s17 =	rddreg [dreg:$0x9]  }
0x54: {  	[tilespmem:s24], [sflag:$0x5] =	stream.linear.gather [hbm4b:s17+s12], $0x50, $0x38;
	[tilespmem:$0x1DA00] =	vst v63  }
0x55: {  	s13 =	simm.s32 $0x1;
	s17 =	rddreg [dreg:$0xd]  }
.LBB2_6:
0x56: {  	s12 =	sadd.s32 $0x14, s12  }
0x57: {  	p1 =	sne.s32 s12, $0x4EC  }
.Ltmp4:
0x58: {  	_ = 	snop;
	(pc) =	sbr.rel @!p1 .LBB2_7-.Ltmp4, $2  }
0x59: {  	_ =	sdelay $0x2  }
0x5a: {  	s17 =	sadd.s32 $0xA0, s17;
	s13 =	sadd.s32 $0x2, s13  }
.LBB2_4:
0x5b: {  	p1 =	sgt.u32 s13, $0x7C  }
0x5c: {  	s15 =	sadd.s32 @!p1 s12, s20;
	s16 =	simm.s32 @!p1 $0x0;
	s14 =	simm.s32 @!p1 $0x7700  }
0x5d: {  	[tilespmem:s14], [sflag:$0x2] =	stream.linear.gather @!p1 [hbm4b:s15+s16], $0x50, $0x38;
	[tilespmem:$0x1DA00] =	vst v63  }
0x5e: {  	s14 =	sadd.s32 @!p1 s12, s19;
	s15 =	simm.s32 @!p1 $0x7800  }
0x5f: {  	[tilespmem:s15], [sflag:$0x4] =	stream.linear.gather @!p1 [hbm4b:s14+s16], $0x50, $0x38;
	[tilespmem:$0x1DA00] =	vst v63  }
0x60: {  	s14 =	sadd.s32 @!p1 s12, s18;
	s15 =	simm.s32 @!p1 $0x7900  }
0x61: {  	[tilespmem:s15], [sflag:$0x6] =	stream.linear.gather @!p1 [hbm4b:s14+s16], $0x50, $0x38;
	[tilespmem:$0x1DA00] =	vst v63  }
0x62: {  	_ =	swait.ge [sflag:s30], $0x50  }
0x63: {  	[sflag:s30] =	ssyncset.done $0x0  }
0x64: {  	[sflag:s30] =	ssyncadd.s32 $0xFFFFFFB0  }
0x65: {  	_ =	swait.ge [sflag:s31], $0x50  }
0x66: {  	[sflag:s31] =	ssyncset.done $0x0  }
0x67: {  	[sflag:s31] =	ssyncadd.s32 $0xFFFFFFB0  }
0x68: {  	_ =	swait.ge [sflag:s0], $0x50  }
0x69: {  	[sflag:s0] =	ssyncset.done $0x0  }
0x6a: {  	[sflag:s0] =	ssyncadd.s32 $0xFFFFFFB0  }
0x6b: {  	v17 =	vld [tilespmem:$0x7780]  }
0x6c: {  	v18 =	vld [tilespmem:$0x7680];
	_ =	sdelay $0x5  }
0x6d: {  	v19 =	vld [tilespmem:$0x7880]  }
0x6e: {  	v20 =	vld.idx.msk [tilespmem:v17+s4+$0x0], $0xffff  }
0x6f: {  	v21 =	vld.idx.msk [tilespmem:v18+s4+$0x0], $0xffff  }
0x70: {  	v22 =	vld.idx.msk [tilespmem:v17+s22+$0x0], $0xffff  }
0x71: {  	v23 =	vld.idx.msk [tilespmem:v18+s22+$0x0], $0xffff  }
0x72: {  	v17 =	vld.idx.msk [tilespmem:v17+s23+$0x0], $0xffff  }
0x73: {  	v18 =	vld.idx.msk [tilespmem:v18+s23+$0x0], $0xffff;
	_ =	sdelay $0x2  }
0x74: {  	v20 =	vsub.f32 v20, v21  }
0x75: {  	v47 =	vsub.f32 v22, v23  }
0x76: {  	v17 =	vsub.f32 v17, v18;
	v20 =	vmul.f32 v20, v19  }
0x77: {  	v18 =	vmul.f32 v47, v19  }
0x78: {  	v17 =	vmul.f32 v17, v19;
	[tilespmem:v0+s1+$0x0] =	vst.idx.msk $0xffff, v20  }
0x79: {  	[tilespmem:v3+s1+$0x0] =	vst.idx.msk $0xffff, v18  }
0x7a: {  	[tilespmem:v4+s1+$0x0] =	vst.idx.msk $0xffff, v17  }
0x7b: {  	v17 =	vld [tilespmem:$0x7790]  }
0x7c: {  	v18 =	vld [tilespmem:$0x7690];
	_ =	sdelay $0x5  }
0x7d: {  	v19 =	vld [tilespmem:$0x7890]  }
0x7e: {  	v20 =	vld.idx.msk [tilespmem:v17+s4+$0x0], $0xffff  }
0x7f: {  	v48 =	vld.idx.msk [tilespmem:v18+s4+$0x0], $0xffff  }
0x80: {  	v49 =	vld.idx.msk [tilespmem:v17+s22+$0x0], $0xffff  }
0x81: {  	v50 =	vld.idx.msk [tilespmem:v18+s22+$0x0], $0xffff  }
0x82: {  	v17 =	vld.idx.msk [tilespmem:v17+s23+$0x0], $0xffff  }
0x83: {  	v18 =	vld.idx.msk [tilespmem:v18+s23+$0x0], $0xffff;
	_ =	sdelay $0x2  }
0x84: {  	v20 =	vsub.f32 v20, v48  }
0x85: {  	v51 =	vsub.f32 v49, v50  }
0x86: {  	v17 =	vsub.f32 v17, v18;
	v20 =	vmul.f32 v20, v19  }
0x87: {  	v18 =	vmul.f32 v51, v19  }
0x88: {  	v17 =	vmul.f32 v17, v19;
	[tilespmem:v5+s1+$0x0] =	vst.idx.msk $0xffff, v20  }
0x89: {  	[tilespmem:v6+s1+$0x0] =	vst.idx.msk $0xffff, v18  }
0x8a: {  	[tilespmem:v7+s1+$0x0] =	vst.idx.msk $0xffff, v17  }
0x8b: {  	v17 =	vld [tilespmem:$0x77A0]  }
0x8c: {  	v18 =	vld [tilespmem:$0x76A0];
	_ =	sdelay $0x5  }
0x8d: {  	v19 =	vld [tilespmem:$0x78A0]  }
0x8e: {  	v20 =	vld.idx.msk [tilespmem:v17+s4+$0x0], $0xffff  }
0x8f: {  	v52 =	vld.idx.msk [tilespmem:v18+s4+$0x0], $0xffff  }
0x90: {  	v53 =	vld.idx.msk [tilespmem:v17+s22+$0x0], $0xffff  }
0x91: {  	v54 =	vld.idx.msk [tilespmem:v18+s22+$0x0], $0xffff  }
0x92: {  	v17 =	vld.idx.msk [tilespmem:v17+s23+$0x0], $0xffff  }
0x93: {  	v18 =	vld.idx.msk [tilespmem:v18+s23+$0x0], $0xffff;
	_ =	sdelay $0x2  }
0x94: {  	v20 =	vsub.f32 v20, v52  }
0x95: {  	v55 =	vsub.f32 v53, v54  }
0x96: {  	v17 =	vsub.f32 v17, v18;
	v20 =	vmul.f32 v20, v19  }
0x97: {  	v18 =	vmul.f32 v55, v19  }
0x98: {  	v17 =	vmul.f32 v17, v19;
	[tilespmem:v8+s1+$0x0] =	vst.idx.msk $0xffff, v20  }
0x99: {  	[tilespmem:v9+s1+$0x0] =	vst.idx.msk $0xffff, v18  }
0x9a: {  	[tilespmem:v10+s1+$0x0] =	vst.idx.msk $0xffff, v17  }
0x9b: {  	v17 =	vld [tilespmem:$0x77B0]  }
0x9c: {  	v18 =	vld [tilespmem:$0x76B0];
	_ =	sdelay $0x5  }
0x9d: {  	v19 =	vld [tilespmem:$0x78B0]  }
0x9e: {  	v20 =	vld.idx.msk [tilespmem:v17+s4+$0x0], $0xffff  }
0x9f: {  	v56 =	vld.idx.msk [tilespmem:v18+s4+$0x0], $0xffff  }
0xa0: {  	v57 =	vld.idx.msk [tilespmem:v17+s22+$0x0], $0xffff  }
0xa1: {  	v58 =	vld.idx.msk [tilespmem:v18+s22+$0x0], $0xffff  }
0xa2: {  	v17 =	vld.idx.msk [tilespmem:v17+s23+$0x0], $0xffff  }
0xa3: {  	v18 =	vld.idx.msk [tilespmem:v18+s23+$0x0], $0xffff;
	_ =	sdelay $0x2  }
0xa4: {  	v20 =	vsub.f32 v20, v56  }
0xa5: {  	v59 =	vsub.f32 v57, v58  }
0xa6: {  	v17 =	vsub.f32 v17, v18;
	v20 =	vmul.f32 v20, v19  }
0xa7: {  	v18 =	vmul.f32 v59, v19  }
0xa8: {  	v17 =	vmul.f32 v17, v19;
	[tilespmem:v11+s1+$0x0] =	vst.idx.msk $0xffff, v20  }
0xa9: {  	[tilespmem:v12+s1+$0x0] =	vst.idx.msk $0xffff, v18  }
0xaa: {  	[tilespmem:v13+s1+$0x0] =	vst.idx.msk $0xffff, v17  }
0xab: {  	v17 =	vld [tilespmem:$0x77C0]  }
0xac: {  	v18 =	vld [tilespmem:$0x76C0];
	_ =	sdelay $0x5  }
0xad: {  	v19 =	vld [tilespmem:$0x78C0]  }
0xae: {  	v20 =	vld.idx.msk [tilespmem:v17+s4+$0x0], $0xffff  }
0xaf: {  	v60 =	vld.idx.msk [tilespmem:v18+s4+$0x0], $0xffff  }
0xb0: {  	v61 =	vld.idx.msk [tilespmem:v17+s22+$0x0], $0xffff  }
0xb1: {  	v62 =	vld.idx.msk [tilespmem:v18+s22+$0x0], $0xffff  }
0xb2: {  	v17 =	vld.idx.msk [tilespmem:v17+s23+$0x0], $0xffff  }
0xb3: {  	v18 =	vld.idx.msk [tilespmem:v18+s23+$0x0], $0xffff;
	_ =	sdelay $0x2  }
0xb4: {  	v20 =	vsub.f32 v20, v60  }
0xb5: {  	v63 =	vsub.f32 v61, v62  }
0xb6: {  	v17 =	vsub.f32 v17, v18;
	v20 =	vmul.f32 v20, v19  }
0xb7: {  	v18 =	vmul.f32 v63, v19  }
0xb8: {  	v17 =	vmul.f32 v17, v19;
	[tilespmem:v14+s1+$0x0] =	vst.idx.msk $0xffff, v20  }
0xb9: {  	[tilespmem:v15+s1+$0x0] =	vst.idx.msk $0xffff, v18  }
0xba: {  	[tilespmem:v16+s1+$0x0] =	vst.idx.msk $0xffff, v17  }
0xbb: {  	[spmem:s3] =	stream.indirect.scatter.add.f32 [tilespmem:s1], [sflag:$0x8], $0x80, s26, s2, $0xb8;
	[tilespmem:$0x1DA00] =	vst v63  }
0xbc: {  	p2 =	seq.s32 s12, $0x4D8;
	_ =	swait.ge [sflag:s5], $0x2800  }
0xbd: {  	s24 =	simm.s32 @!p2 $0x7680;
	s14 =	sshrl.u32 @!p2 s17, $0x3;
	[sflag:s5] =	ssyncset.done $0x0  }
0xbe: {  	s16 =	simm.s32 @!p2 $0x0;
	s15 =	sadd.s32 @!p2 s7, s14;
	[sflag:s5] =	ssyncadd.s32 $0xFFFFD800  }
0xbf: {  	[tilespmem:s24], [sflag:$0x1] =	stream.linear.gather @!p2 [hbm4b:s15+s16], $0x50, $0x38;
	[tilespmem:$0x1DA00] =	vst v63  }
.Ltmp5:
0xc0: {  	_ = 	snop;
	(pc) =	sbr.rel @p1 .LBB2_6-.Ltmp5, $4  }
0xc1: {  	s15 =	sadd.s32 @!p2 s8, s14;
	s24 =	simm.s32 @!p2 $0x7780  }
0xc2: {  	[tilespmem:s24], [sflag:$0x3] =	stream.linear.gather @!p2 [hbm4b:s15+s16], $0x50, $0x38;
	[tilespmem:$0x1DA00] =	vst v63  }
0xc3: {  	s14 =	sadd.s32 @!p2 s6, s14;
	s15 =	simm.s32 @!p2 $0x7880  }
0xc4: {  	[tilespmem:s15], [sflag:$0x5] =	stream.linear.gather @!p2 [hbm4b:s14+s16], $0x50, $0x38;
	[tilespmem:$0x1DA00] =	vst v63  }
0xc5: {  	_ =	swait.ge [sflag:s28], $0x50  }
0xc6: {  	[sflag:s28] =	ssyncset.done $0x0  }
0xc7: {  	[sflag:s28] =	ssyncadd.s32 $0xFFFFFFB0  }
0xc8: {  	_ =	swait.ge [sflag:s29], $0x50  }
0xc9: {  	[sflag:s29] =	ssyncset.done $0x0  }
0xca: {  	[sflag:s29] =	ssyncadd.s32 $0xFFFFFFB0  }
0xcb: {  	_ =	swait.ge [sflag:s9], $0x50  }
0xcc: {  	[sflag:s9] =	ssyncset.done $0x0  }
0xcd: {  	[sflag:s9] =	ssyncadd.s32 $0xFFFFFFB0  }
0xce: {  	v17 =	vld [tilespmem:$0x7800]  }
0xcf: {  	v18 =	vld [tilespmem:$0x7700];
	_ =	sdelay $0x5  }
0xd0: {  	v19 =	vld [tilespmem:$0x7900]  }
0xd1: {  	v20 =	vld.idx.msk [tilespmem:v17+s4+$0x0], $0xffff  }
0xd2: {  	v21 =	vld.idx.msk [tilespmem:v18+s4+$0x0], $0xffff  }
0xd3: {  	v22 =	vld.idx.msk [tilespmem:v17+s22+$0x0], $0xffff  }
0xd4: {  	v23 =	vld.idx.msk [tilespmem:v18+s22+$0x0], $0xffff  }
0xd5: {  	v17 =	vld.idx.msk [tilespmem:v17+s23+$0x0], $0xffff  }
0xd6: {  	v18 =	vld.idx.msk [tilespmem:v18+s23+$0x0], $0xffff;
	_ =	sdelay $0x2  }
0xd7: {  	v20 =	vsub.f32 v20, v21  }
0xd8: {  	v47 =	vsub.f32 v22, v23  }
0xd9: {  	v17 =	vsub.f32 v17, v18;
	v20 =	vmul.f32 v20, v19  }
0xda: {  	v18 =	vmul.f32 v47, v19  }
0xdb: {  	v17 =	vmul.f32 v17, v19;
	[tilespmem:v0+s1+$0x0] =	vst.idx.msk $0xffff, v20  }
0xdc: {  	[tilespmem:v3+s1+$0x0] =	vst.idx.msk $0xffff, v18  }
0xdd: {  	[tilespmem:v4+s1+$0x0] =	vst.idx.msk $0xffff, v17  }
0xde: {  	v17 =	vld [tilespmem:$0x7810]  }
0xdf: {  	v18 =	vld [tilespmem:$0x7710];
	_ =	sdelay $0x5  }
0xe0: {  	v19 =	vld [tilespmem:$0x7910]  }
0xe1: {  	v20 =	vld.idx.msk [tilespmem:v17+s4+$0x0], $0xffff  }
0xe2: {  	v48 =	vld.idx.msk [tilespmem:v18+s4+$0x0], $0xffff  }
0xe3: {  	v49 =	vld.idx.msk [tilespmem:v17+s22+$0x0], $0xffff  }
0xe4: {  	v50 =	vld.idx.msk [tilespmem:v18+s22+$0x0], $0xffff  }
0xe5: {  	v17 =	vld.idx.msk [tilespmem:v17+s23+$0x0], $0xffff  }
0xe6: {  	v18 =	vld.idx.msk [tilespmem:v18+s23+$0x0], $0xffff;
	_ =	sdelay $0x2  }
0xe7: {  	v20 =	vsub.f32 v20, v48  }
0xe8: {  	v51 =	vsub.f32 v49, v50  }
0xe9: {  	v17 =	vsub.f32 v17, v18;
	v20 =	vmul.f32 v20, v19  }
0xea: {  	v18 =	vmul.f32 v51, v19  }
0xeb: {  	v17 =	vmul.f32 v17, v19;
	[tilespmem:v5+s1+$0x0] =	vst.idx.msk $0xffff, v20  }
0xec: {  	[tilespmem:v6+s1+$0x0] =	vst.idx.msk $0xffff, v18  }
0xed: {  	[tilespmem:v7+s1+$0x0] =	vst.idx.msk $0xffff, v17  }
0xee: {  	v17 =	vld [tilespmem:$0x7820]  }
0xef: {  	v18 =	vld [tilespmem:$0x7720];
	_ =	sdelay $0x5  }
0xf0: {  	v19 =	vld [tilespmem:$0x7920]  }
0xf1: {  	v20 =	vld.idx.msk [tilespmem:v17+s4+$0x0], $0xffff  }
0xf2: {  	v52 =	vld.idx.msk [tilespmem:v18+s4+$0x0], $0xffff  }
0xf3: {  	v53 =	vld.idx.msk [tilespmem:v17+s22+$0x0], $0xffff  }
0xf4: {  	v54 =	vld.idx.msk [tilespmem:v18+s22+$0x0], $0xffff  }
0xf5: {  	v17 =	vld.idx.msk [tilespmem:v17+s23+$0x0], $0xffff  }
0xf6: {  	v18 =	vld.idx.msk [tilespmem:v18+s23+$0x0], $0xffff;
	_ =	sdelay $0x2  }
0xf7: {  	v20 =	vsub.f32 v20, v52  }
0xf8: {  	v55 =	vsub.f32 v53, v54  }
0xf9: {  	v17 =	vsub.f32 v17, v18;
	v20 =	vmul.f32 v20, v19  }
0xfa: {  	v18 =	vmul.f32 v55, v19  }
0xfb: {  	v17 =	vmul.f32 v17, v19;
	[tilespmem:v8+s1+$0x0] =	vst.idx.msk $0xffff, v20  }
0xfc: {  	[tilespmem:v9+s1+$0x0] =	vst.idx.msk $0xffff, v18  }
0xfd: {  	[tilespmem:v10+s1+$0x0] =	vst.idx.msk $0xffff, v17  }
0xfe: {  	v17 =	vld [tilespmem:$0x7830]  }
0xff: {  	v18 =	vld [tilespmem:$0x7730];
	_ =	sdelay $0x5  }
0x100: {  	v19 =	vld [tilespmem:$0x7930]  }
0x101: {  	v20 =	vld.idx.msk [tilespmem:v17+s4+$0x0], $0xffff  }
0x102: {  	v56 =	vld.idx.msk [tilespmem:v18+s4+$0x0], $0xffff  }
0x103: {  	v57 =	vld.idx.msk [tilespmem:v17+s22+$0x0], $0xffff  }
0x104: {  	v58 =	vld.idx.msk [tilespmem:v18+s22+$0x0], $0xffff  }
0x105: {  	v17 =	vld.idx.msk [tilespmem:v17+s23+$0x0], $0xffff  }
0x106: {  	v18 =	vld.idx.msk [tilespmem:v18+s23+$0x0], $0xffff;
	_ =	sdelay $0x2  }
0x107: {  	v20 =	vsub.f32 v20, v56  }
0x108: {  	v59 =	vsub.f32 v57, v58  }
0x109: {  	v17 =	vsub.f32 v17, v18;
	v20 =	vmul.f32 v20, v19  }
0x10a: {  	v18 =	vmul.f32 v59, v19  }
0x10b: {  	v17 =	vmul.f32 v17, v19;
	[tilespmem:v11+s1+$0x0] =	vst.idx.msk $0xffff, v20  }
0x10c: {  	[tilespmem:v12+s1+$0x0] =	vst.idx.msk $0xffff, v18  }
0x10d: {  	[tilespmem:v13+s1+$0x0] =	vst.idx.msk $0xffff, v17  }
0x10e: {  	v17 =	vld [tilespmem:$0x7840]  }
0x10f: {  	v18 =	vld [tilespmem:$0x7740];
	_ =	sdelay $0x5  }
0x110: {  	v19 =	vld [tilespmem:$0x7940]  }
0x111: {  	v20 =	vld.idx.msk [tilespmem:v17+s4+$0x0], $0xffff  }
0x112: {  	v60 =	vld.idx.msk [tilespmem:v18+s4+$0x0], $0xffff  }
0x113: {  	v61 =	vld.idx.msk [tilespmem:v17+s22+$0x0], $0xffff  }
0x114: {  	v62 =	vld.idx.msk [tilespmem:v18+s22+$0x0], $0xffff  }
0x115: {  	v17 =	vld.idx.msk [tilespmem:v17+s23+$0x0], $0xffff  }
0x116: {  	v18 =	vld.idx.msk [tilespmem:v18+s23+$0x0], $0xffff;
	_ =	sdelay $0x2  }
0x117: {  	v20 =	vsub.f32 v20, v60  }
0x118: {  	v63 =	vsub.f32 v61, v62  }
0x119: {  	v17 =	vsub.f32 v17, v18;
	v20 =	vmul.f32 v20, v19  }
0x11a: {  	v18 =	vmul.f32 v63, v19  }
0x11b: {  	v17 =	vmul.f32 v17, v19;
	[tilespmem:v14+s1+$0x0] =	vst.idx.msk $0xffff, v20  }
0x11c: {  	[tilespmem:v15+s1+$0x0] =	vst.idx.msk $0xffff, v18  }
.Ltmp6:
0x11d: {  	[tilespmem:v16+s1+$0x0] =	vst.idx.msk $0xffff, v17;
	(pc) =	sbr.rel .LBB2_6-.Ltmp6, $4  }
0x11e: {  	[spmem:s3] =	stream.indirect.scatter.add.f32 [tilespmem:s1], [sflag:$0x7], $0x80, s10, s2, $0xb8;
	[tilespmem:$0x1DA00] =	vst v63  }
0x11f: {  	_ =	swait.ge [sflag:s21], $0x2800  }
0x120: {  	[sflag:s21] =	ssyncset.done $0x0  }
0x121: {  	[sflag:s21] =	ssyncadd.s32 $0xFFFFD800  }
.LBB2_8:
0x122: {  	_ =	sfence.sel $0x180000  }
0x123: {  	[bflag:$0x0] =	sbarrier.arrive $0xFFFF  }
0x124: {  	_ =	strace $0x9000004A  }
0x125: {  	[bflag:$0x2] =	sbarrier.arrive $0xFFFF  }
0x126: {  	s0 =	rddreg [dreg:$0x4]  }
0x127: {  	s0 =	sadd.s32 @!p0 $0x100000, s0  }
0x128: {  	[sflag:s0] =	ssyncadd.tile.s32 @!p0 $0x1;
	_ =	shalt  }
.Lfunc_end2:
_tile_overlayer_lowered:
.L_overlay_start_2:
0x129: {  	(tag) =	ssettag $0x2  }
0x12a: {  	s0 =	rddreg [dreg:$0x0];
	s2 =	stileid.u32  }
0x12b: {  	s1 =	rddreg [dreg:$0x1];
	p0 =	sne.s32 s2, $0x0  }
0x12c: {  	s3 =	rddreg [dreg:$0x2];
	[bflag:$0x3] =	sbarrier.arrive $0xFFFF;
	s2 =	simm.s32 @!p0 $0x1C07  }
0x12d: {  	[timem:s3], [sflag:s2] =	dma.local @!p0 [hbm:s0], s1  }
0x12e: {  	s0 =	simm.s32 @!p0 $0x7  }
0x12f: {  	_ =	swait.ge @!p0 [sflag:s0], s1  }
0x130: {  	s1 =	ssub.s32 @!p0 $0x0, s1;
	[sflag:s0] =	ssyncset.done @!p0 $0x0  }
0x131: {  	[sflag:s0] =	ssyncadd.s32 @!p0 s1  }
0x132: {  	[bflag:$0x3] =	sbarrier.arrive $0xFFFF  }
0x133: {  	_ =	shalt  }

</sc_bundles>
